<compile_context>
chip_gen: v7x
topology: tpu7x:2x2x1
jax: 0.10.2.dev20260603
libtpu: 0.0.44.dev20260713+nightly
codegen_flags: <defaults>
</compile_context>

<pallas_src>
import functools

import jax
import jax.numpy as jnp
from jax import lax
from jax.experimental import pallas as pl
from jax.experimental.pallas import tpu as pltpu
from jax.experimental.pallas import tpu_sc as plsc

N = 10000
E = 320000
S = 4
F = 4
H = 32
Z = 16
SH = S * H

NW = 32
KC0 = 104
KC1 = 54
NCHUNK = 16 * (KC0 + KC1)
EPAD = NCHUNK * 128
NPAD = 10112
RPT = NPAD // 16

BN = 1000
NB = N // BN

_f32 = jnp.float32


def _ln(t):
    m = jnp.mean(t, axis=-1, keepdims=True)
    v = jnp.var(t, axis=-1, keepdims=True)
    return (t - m) * lax.rsqrt(v + 1e-5)


def _mask_h(m_int):
    mf = m_int.astype(_f32)
    ri = lax.broadcasted_iota(jnp.int32, (F, H), 0)
    ci = lax.broadcasted_iota(jnp.int32, (F, H), 1)
    proj = (ri == ci).astype(_f32)
    lane = lax.broadcasted_iota(jnp.int32, (m_int.shape[0], H), 1)
    return (lane >= F) | ((mf @ proj) > 0.5)


def _k0_body(x_r, u_r, m_r, V_r, Wv_r, Zp_r, Wu1_r, bu1_r, Wu2_r, bu2_r,
             Wh1_r, bh1_r, Wh2_r, bh2_r, V1_r, M1_r, Wm0_r,
             h1_o, msg_o, z_o):
    Vb = V_r[...]
    for s in range(S):
        q = (jnp.tanh(u_r[s] @ Wu1_r[...] + bu1_r[...]) @ Wu2_r[...]
             + bu2_r[...] + Vb)
        h = (jnp.tanh(x_r[s] @ Wh1_r[...] + bh1_r[...]) @ Wh2_r[...]
             + bh2_r[...] + q)
        hn = _ln(h)
        maskH = _mask_h(m_r[s])
        h1 = jnp.where(maskH, hn + V1_r[...], q + M1_r[...])
        h1_o[s] = h1
        msg_o[:, s, :] = jax.nn.relu(h1 @ Wm0_r[...])
    z_o[...] = _ln(Zp_r[...] + Vb @ Wv_r[...])


def _k_mid_body(inject, h_r, agg_r, x_r, m_r, Wsk_r, bsk_r, Wrt_r, brt_r,
                V2_r, M2_r, Wmn_r, h_o, msg_o):
    for s in range(S):
        agg = agg_r[0, :, s, :] + agg_r[1, :, s, :]
        skip = x_r[s] @ Wsk_r[...] + bsk_r[...]
        hf = jax.nn.relu(h_r[s] @ Wrt_r[...] + brt_r[...] + agg + skip)
        hn = _ln(hf)
        if inject:
            hn = hn + jnp.where(_mask_h(m_r[s]), V2_r[...], M2_r[...])
        h_o[s] = hn
        msg_o[:, s, :] = jax.nn.relu(hn @ Wmn_r[...])


def _k3_body(h_r, agg_r, x_r, Wsk_r, bsk_r, Wrt_r, brt_r, z_r,
             Wr1_r, br1_r, Wr2_r, br2_r, out_o):
    zb = z_r[...]
    for s in range(S):
        agg = agg_r[0, :, s, :] + agg_r[1, :, s, :]
        skip = x_r[s] @ Wsk_r[...] + bsk_r[...]
        hf = jax.nn.relu(h_r[s] @ Wrt_r[...] + brt_r[...] + agg + skip)
        hn = _ln(hf)
        out_o[s] = (jax.nn.relu(hn @ Wr1_r[...] + br1_r[...] + zb)
                    @ Wr2_r[...] + br2_r[...])


def _row_spec(shape):
    return pl.BlockSpec(shape, lambda i: (i,) + (0,) * (len(shape) - 1))


def _seq_spec(shape):
    return pl.BlockSpec(shape, lambda i: (0, i) + (0,) * (len(shape) - 2))


def _full_spec(shape):
    return pl.BlockSpec(shape, lambda i: (0,) * len(shape))


def _agg_spec():
    return pl.BlockSpec((2, BN, S, H), lambda i: (0, i, 0, 0))


_GRID = dict(
    grid=(NB,),
    compiler_params=pltpu.CompilerParams(
        dimension_semantics=("arbitrary",)),
)


def _k0(x3, u3, m3, V, Wv, Zp2, Wu1, bu1, Wu2, bu2, Wh1, bh1, Wh2, bh2,
        V1, M1, Wm0):
    return pl.pallas_call(
        _k0_body,
        in_specs=[
            _seq_spec((S, BN, F)), _seq_spec((S, BN, F)), _seq_spec((S, BN, F)),
            _row_spec((BN, H)), _full_spec((H, Z)), _row_spec((BN, Z)),
            _full_spec((F, H)), _full_spec((1, H)), _full_spec((H, H)),
            _full_spec((1, H)), _full_spec((F, H)), _full_spec((1, H)),
            _full_spec((H, H)), _full_spec((1, H)),
            _row_spec((BN, H)), _row_spec((BN, H)), _full_spec((H, H)),
        ],
        out_specs=[
            _seq_spec((S, BN, H)),
            pl.BlockSpec((BN, S, H), lambda i: (i, 0, 0)),
            _row_spec((BN, Z)),
        ],
        out_shape=[
            jax.ShapeDtypeStruct((S, N, H), _f32),
            jax.ShapeDtypeStruct((NPAD, S, H), _f32),
            jax.ShapeDtypeStruct((N, Z), _f32),
        ],
        **_GRID,
    )(x3, u3, m3, V, Wv, Zp2, Wu1, bu1, Wu2, bu2, Wh1, bh1, Wh2, bh2,
      V1, M1, Wm0)


def _k_mid(inject, h, aggp, x3, m3, Wsk, bsk, Wrt, brt, V2, M2, Wmn):
    return pl.pallas_call(
        functools.partial(_k_mid_body, inject),
        in_specs=[
            _seq_spec((S, BN, H)), _agg_spec(), _seq_spec((S, BN, F)),
            _seq_spec((S, BN, F)),
            _full_spec((F, H)), _full_spec((1, H)), _full_spec((H, H)),
            _full_spec((1, H)),
            _row_spec((BN, H)), _row_spec((BN, H)), _full_spec((H, H)),
        ],
        out_specs=[
            _seq_spec((S, BN, H)),
            pl.BlockSpec((BN, S, H), lambda i: (i, 0, 0)),
        ],
        out_shape=[
            jax.ShapeDtypeStruct((S, N, H), _f32),
            jax.ShapeDtypeStruct((NPAD, S, H), _f32),
        ],
        **_GRID,
    )(h, aggp, x3, m3, Wsk, bsk, Wrt, brt, V2, M2, Wmn)


def _k3(h, aggp, x3, Wsk, bsk, Wrt, brt, z, Wr1l, br1l, Wr2l, br2l):
    return pl.pallas_call(
        _k3_body,
        in_specs=[
            _seq_spec((S, BN, H)), _agg_spec(), _seq_spec((S, BN, F)),
            _full_spec((F, H)), _full_spec((1, H)), _full_spec((H, H)),
            _full_spec((1, H)), _row_spec((BN, Z)),
            _full_spec((H, Z)), _full_spec((1, Z)), _full_spec((Z, F)),
            _full_spec((1, F)),
        ],
        out_specs=[_seq_spec((S, BN, F))],
        out_shape=[jax.ShapeDtypeStruct((S, N, F), _f32)],
        **_GRID,
    )(h, aggp, x3, Wsk, bsk, Wrt, brt, z, Wr1l, br1l, Wr2l, br2l)


def _sc_scatter(msg_t, src_p, dst_p):
    mesh = plsc.VectorSubcoreMesh(core_axis_name="c", subcore_axis_name="s")

    @functools.partial(
        pl.kernel,
        out_type=jax.ShapeDtypeStruct((2, NPAD, SH), _f32),
        mesh=mesh,
        scratch_types=[
            pltpu.VMEM((KC0, 128), jnp.int32),
            pltpu.VMEM((KC0, 128), jnp.int32),
            pltpu.VMEM((128, SH), _f32),
            pltpu.VMEM_SHARED((NPAD, SH), _f32),
            pltpu.SemaphoreType.DMA,
        ],
    )
    def k(msg_hbm, src_hbm, dst_hbm, out_hbm, src_v, dst_v, rows_a,
          agg_sh, sem_a):
        c = lax.axis_index("c")
        t = lax.axis_index("s")
        w = c * 16 + t

        @pl.loop(0, 128)
        def _(r):
            @pl.loop(0, SH, step=16)
            def _(j):
                rows_a[r, pl.ds(j, 16)] = jnp.zeros((16,), _f32)

        base = t * RPT
        for q_i in range(RPT // 128):
            pltpu.sync_copy(rows_a, agg_sh.at[pl.ds(base + q_i * 128, 128)])
        rem = RPT % 128
        if rem:
            pltpu.sync_copy(rows_a.at[pl.ds(0, rem)],
                            agg_sh.at[pl.ds(base + RPT - rem, rem)])

        pltpu.sync_copy(src_hbm.at[w], src_v)
        pltpu.sync_copy(dst_hbm.at[w], dst_v)
        plsc.subcore_barrier()

        kc_w = lax.select(c == 0, jnp.int32(KC0), jnp.int32(KC1))

        @pl.loop(0, kc_w)
        def _(k_i):
            pltpu.async_copy(msg_hbm.at[src_v.at[k_i]], rows_a, sem_a).wait()
            pltpu.sync_copy(rows_a, agg_sh.at[dst_v.at[k_i]], add=True)

        plsc.subcore_barrier()
        pltpu.sync_copy(agg_sh.at[pl.ds(base, RPT)],
                        out_hbm.at[c, pl.ds(base, RPT)])

    return k(msg_t, src_p, dst_p)


def kernel(x, u, mask, edge_index, V, Wv, Zp, Wu1, bu1, Wu2, bu2, Wh1, bh1,
           Wh2, bh2, V1, M1, V2, M2, Wskip, bskip, Wmsg, Wroot, broot, Wr1,
           br1, Wr2, br2):
    x3 = x[0]
    u3 = u[0]
    m3 = mask[0]
    Zp2 = Zp[0, 0]
    b2 = lambda b: b.reshape(1, -1)

    src = edge_index[0].astype(jnp.int32)
    dst = edge_index[1].astype(jnp.int32)

    def _split(a, fill):
        ac = jnp.concatenate(
            [a, jnp.full((EPAD - E,), fill, jnp.int32)]).reshape(NCHUNK, 128)
        a0 = ac[:16 * KC0].reshape(16, KC0, 128)
        a1 = ac[16 * KC0:].reshape(16, KC1, 128)
        pad = jnp.full((16, KC0 - KC1, 128), fill, jnp.int32)
        return jnp.concatenate([a0, jnp.concatenate([a1, pad], axis=1)],
                               axis=0)

    src_p = _split(src, 0)
    dst_p = _split(dst, N)

    h1, msg0, z = _k0(x3, u3, m3, V, Wv, Zp2, Wu1, b2(bu1), Wu2, b2(bu2),
                      Wh1, b2(bh1), Wh2, b2(bh2), V1, M1, Wmsg[0])
    agg0 = _sc_scatter(msg0.reshape(NPAD, SH), src_p, dst_p)
    h2, msg1 = _k_mid(False, h1, agg0.reshape(2, NPAD, S, H), x3, m3,
                      Wskip[0], b2(bskip[0]), Wroot[0], b2(broot[0]),
                      V2, M2, Wmsg[1])
    agg1 = _sc_scatter(msg1.reshape(NPAD, SH), src_p, dst_p)
    h3, msg2 = _k_mid(True, h2, agg1.reshape(2, NPAD, S, H), x3, m3,
                      Wskip[1], b2(bskip[1]), Wroot[1], b2(broot[1]),
                      V2, M2, Wmsg[2])
    agg2 = _sc_scatter(msg2.reshape(NPAD, SH), src_p, dst_p)
    out, = _k3(h3, agg2.reshape(2, NPAD, S, H), x3, Wskip[2], b2(bskip[2]),
               Wroot[2], b2(broot[2]), z, Wr1[2], b2(br1[2]), Wr2[2],
               b2(br2[2]))
    return out[None]

# --- scband reference (transcript-rebuilt; emitter-appended) ---
"""Pipeline reference for scband-spinhierarchical-model-3934190043261 (READ-ONLY COPY).

The authoritative reference and input builder live on the scoring server;
editing this copy changes nothing except your own understanding.
"""

import jax, jax.numpy as jnp
import numpy as np

N = 10000; E = 320000; B = 1; S = 4; F = 4; H = 32; Z = 16; NL = 3; ETA = 2

def _ln(t):
    m = jnp.mean(t, axis=-1, keepdims=True)
    v = jnp.var(t, axis=-1, keepdims=True)
    return (t - m) / jnp.sqrt(v + 1e-5)

def setup_inputs(seed: int = 0):
    key = jax.random.key(seed)
    ks = [jax.random.fold_in(key, i) for i in range(24)]
    p = 0.1
    inp = {}
    inp["x"] = jax.random.normal(ks[0], (B, S, N, F), jnp.float32)
    inp["u"] = jax.random.normal(ks[1], (B, S, N, F), jnp.float32)
    inp["mask"] = jax.random.randint(ks[2], (B, S, N, F), 0, 2).astype(jnp.int32)
    inp["edge_index"] = jax.random.randint(ks[3], (2, E), 0, N)
    inp["V"] = jax.random.normal(ks[4], (N, H)) * p
    inp["Wv"] = jax.random.normal(ks[5], (H, Z)) * p
    inp["Zp"] = jax.random.normal(ks[6], (1, 1, N, Z)) * p
    inp["Wu1"] = jax.random.normal(ks[7], (F, H)) * p
    inp["bu1"] = jnp.zeros((H,))
    inp["Wu2"] = jax.random.normal(ks[8], (H, H)) * p
    inp["bu2"] = jnp.zeros((H,))
    inp["Wh1"] = jax.random.normal(ks[9], (F, H)) * p
    inp["bh1"] = jnp.zeros((H,))
    inp["Wh2"] = jax.random.normal(ks[10], (H, H)) * p
    inp["bh2"] = jnp.zeros((H,))
    inp["V1"] = jax.random.normal(ks[11], (N, H)) * p
    inp["M1"] = jax.random.normal(ks[12], (N, H)) * p
    inp["V2"] = jax.random.normal(ks[13], (N, H)) * p
    inp["M2"] = jax.random.normal(ks[14], (N, H)) * p
    inp["Wskip"] = jax.random.normal(ks[15], (NL, F, H)) * p
    inp["bskip"] = jnp.zeros((NL, H))
    inp["Wmsg"] = jax.random.normal(ks[16], (NL, H, H)) * p
    inp["Wroot"] = jax.random.normal(ks[17], (NL, H, H)) * p
    inp["broot"] = jnp.zeros((NL, H))
    inp["Wr1"] = jax.random.normal(ks[18], (NL, H, Z)) * p
    inp["br1"] = jnp.zeros((NL, Z))
    inp["Wr2"] = jax.random.normal(ks[19], (NL, Z, F)) * p
    inp["br2"] = jnp.zeros((NL, F))
    return inp

def _forward(x, u, mask_b, src, dst, V, Wv, Zp, Wu1, bu1, Wu2, bu2, Wh1, bh1, Wh2, bh2, V1, M1, V2, M2, Wskip, bskip, Wmsg, Wroot, broot, Wr1, br1, Wr2, br2):
    b, s, n, f = x.shape
    # node embedding v and hierarchical z = z_param + lin_v(v)
    z = Zp + (V @ Wv)[None, None]
    # positional/covariate encoder q = MLP(u) + node_emb
    q = jnp.tanh(u @ Wu1 + bu1) @ Wu2 + bu2 + V[None, None]
    # input encoder h = MLP(x) + q
    h = jnp.tanh(x @ Wh1 + bh1) @ Wh2 + bh2 + q
    # mask channel expansion (c_src=F < c_dst=H): extra channels are True
    maskH = jnp.concatenate([mask_b, jnp.ones((b, s, n, H - f), dtype=bool)], axis=-1)
    h = _ln(h)
    z = _ln(z)
    # first valid/missing token injection
    h = jnp.where(maskH, h + V1[None, None], q + M1[None, None])
    for L in range(NL):
        if L == ETA:
            h = jnp.where(maskH, h + V2[None, None], h + M2[None, None])
        skip = (x @ Wskip[L] + bskip[L]).reshape(b * s, n, H)
        hf = h.reshape(b * s, n, H)
        # spatial message passing over the graph: gather at src, scatter-add at dst
        msg = jax.nn.relu(hf @ Wmsg[L])
        agg = jnp.zeros_like(hf).at[:, dst, :].add(msg[:, src, :])
        hf = jax.nn.relu(hf @ Wroot[L] + broot[L] + agg + skip)
        h = _ln(hf.reshape(b, s, n, H))
    # final readout MLP(h_size -> z_size -> output_size), conditioned on z
    out = jax.nn.relu(h @ Wr1[NL - 1] + br1[NL - 1] + z) @ Wr2[NL - 1] + br2[NL - 1]
    return out

def reference(x, u, mask, edge_index, V, Wv, Zp, Wu1, bu1, Wu2, bu2, Wh1, bh1, Wh2, bh2, V1, M1, V2, M2, Wskip, bskip, Wmsg, Wroot, broot, Wr1, br1, Wr2, br2):
    mask_b = mask.astype(bool)
    src = edge_index[0]
    dst = edge_index[1]
    return _forward(x, u, mask_b, src, dst, V, Wv, Zp, Wu1, bu1, Wu2, bu2, Wh1, bh1, Wh2, bh2, V1, M1, V2, M2, Wskip, bskip, Wmsg, Wroot, broot, Wr1, br1, Wr2, br2)

if __name__ == "__main__":
    import jax
    _d = setup_inputs()
    print(jax.jit(kernel)(*tuple(_d.values())))

</pallas_src>

<mosaic_0001>
#map = affine_map<(d0, d1) -> (0, 0)>
#map1 = affine_map<(d0, d1) -> (0, 0, 0)>
module attributes {stable_mosaic.version = 14 : i64} {
  func.func @k(%arg0: i32, %arg1: i32, %arg2: memref<10112x128xf32, #tpu.memory_space<hbm>>, %arg3: memref<32x104x128xi32, #tpu.memory_space<hbm>>, %arg4: memref<32x104x128xi32, #tpu.memory_space<hbm>>, %arg5: memref<2x10112x128xf32, #tpu.memory_space<hbm>>, %arg6: memref<104x128xi32, #tpu.memory_space<vmem>>, %arg7: memref<104x128xi32, #tpu.memory_space<vmem>>, %arg8: memref<128x128xf32, #tpu.memory_space<vmem>>, %arg9: memref<10112x128xf32, #tpu.memory_space<vmem_shared>>, %arg10: memref<!tpu.dma_semaphore, #tpu.memory_space<semaphore_mem>>) attributes {dimension_semantics = [#tpu.dimension_semantics<core_parallel>, #tpu.dimension_semantics<subcore_parallel>], iteration_bounds = array<i64: 2, 16>, scalar_prefetch = 0 : i64, scratch_operands = 5 : i64, tpu.core_type = #tpu.core_type<sc_vector_subcore>, window_params = [{transform_indices = #map}, {transform_indices = #map1}, {transform_indices = #map1}, {transform_indices = #map1}]} {
    %mul3A = arith.constant 16 : i32
    %mul3A_0 = arith.muli %arg0, %mul3A : i32
    %add3A = arith.addi %mul3A_0, %arg1 : i32
    %scan3A = arith.constant 0 : i32
    %scan3A_1 = arith.constant 128 : i32
    %scan3A_2 = arith.addi %scan3A, %scan3A_1 : i32
    %scan3A_3 = arith.constant 1 : i32
    scf.for %scan3A_39 = %scan3A to %scan3A_2 step %scan3A_3  : i32 {
      %mul3A_40 = arith.constant 1 : i32
      %mul3A_41 = arith.muli %scan3A_39, %mul3A_40 : i32
      %add3A_42 = arith.constant 0 : i32
      %add3A_43 = arith.addi %add3A_42, %mul3A_41 : i32
      %scan3A_44 = arith.constant 0 : i32
      %scan3A_45 = arith.constant 8 : i32
      %scan3A_46 = arith.addi %scan3A_44, %scan3A_45 : i32
      %scan3A_47 = arith.constant 1 : i32
      scf.for %scan3A_49 = %scan3A_44 to %scan3A_46 step %scan3A_47  : i32 {
        %mul3A_50 = arith.constant 16 : i32
        %mul3A_51 = arith.muli %scan3A_49, %mul3A_50 : i32
        %add3A_52 = arith.constant 0 : i32
        %add3A_53 = arith.addi %add3A_52, %mul3A_51 : i32
        %broadcast_in_dim3A = arith.constant 0.000000e+00 : f32
        %broadcast_in_dim3A_54 = vector.broadcast %broadcast_in_dim3A : f32 to vector<16xf32>
        %swap3A = arith.index_cast %add3A_43 : i32 to index
        %swap3A_55 = arith.index_cast %add3A_53 : i32 to index
        %swap3A_56 = tpu.vector_load %arg8[%swap3A, %swap3A_55] {strides = array<i32>} : memref<128x128xf32, #tpu.memory_space<vmem>>, vector<1x16xf32>,
        %swap3A_57 = vector.shape_cast %swap3A_56 : vector<1x16xf32> to vector<16xf32>
        %swap3A_58 = vector.shape_cast %broadcast_in_dim3A_54 : vector<16xf32> to vector<1x16xf32>
        tpu.vector_store %arg8[%swap3A, %swap3A_55], %swap3A_58 {strides = array<i32>} : memref<128x128xf32, #tpu.memory_space<vmem>>, vector<1x16xf32>,
      }
      %scan3A_48 = arith.constant 8 : i32
    }
    %scan3A_4 = arith.constant 128 : i32
    %mul3A_5 = arith.constant 632 : i32
    %mul3A_6 = arith.muli %arg1, %mul3A_5 : i32
    %add3A_7 = arith.constant 0 : i32
    %add3A_8 = arith.addi %mul3A_6, %add3A_7 : i32
    "tpu.region"() ({
      %run_scoped3A = tpu.sem_alloc : memref<!tpu.dma_semaphore, #tpu.memory_space<semaphore_mem>>
      %dma_start3A = arith.constant 0 : i32
      %dma_start3A_39 = tpu.memref_slice %arg9[%add3A_8, %dma_start3A] : memref<10112x128xf32, #tpu.memory_space<vmem_shared>> -> memref<128x128xf32, #tpu.memory_space<vmem_shared>>
      %dma_start3A_40 = arith.constant 0 : i32
      %dma_start3A_41 = tpu.memref_slice %arg9[%add3A_8, %dma_start3A_40] : memref<10112x128xf32, #tpu.memory_space<vmem_shared>> -> memref<128x128xf32, #tpu.memory_space<vmem_shared>>
      tpu.enqueue_dma source(%arg8 : memref<128x128xf32, #tpu.memory_space<vmem>>) target(%dma_start3A_41 : memref<128x128xf32, #tpu.memory_space<vmem_shared>>) target_semaphore(%run_scoped3A : memref<!tpu.dma_semaphore, #tpu.memory_space<semaphore_mem>>)
      %dma_wait3A = arith.constant 0 : i32
      %dma_wait3A_42 = tpu.memref_slice %arg9[%add3A_8, %dma_wait3A] : memref<10112x128xf32, #tpu.memory_space<vmem_shared>> -> memref<128x128xf32, #tpu.memory_space<vmem_shared>>
      %dma_wait3A_43 = arith.constant 0 : i32
      %dma_wait3A_44 = tpu.memref_slice %arg9[%add3A_8, %dma_wait3A_43] : memref<10112x128xf32, #tpu.memory_space<vmem_shared>> -> memref<128x128xf32, #tpu.memory_space<vmem_shared>>
      tpu.wait_dma2 semaphore(%run_scoped3A : memref<!tpu.dma_semaphore, #tpu.memory_space<semaphore_mem>>) src(%arg8 : memref<128x128xf32, #tpu.memory_space<vmem>>) dst(%dma_wait3A_44 : memref<128x128xf32, #tpu.memory_space<vmem_shared>>)
      tpu.yield
    }) : () -> ()
    %add3A_9 = arith.constant 128 : i32
    %add3A_10 = arith.addi %mul3A_6, %add3A_9 : i32
    "tpu.region"() ({
      %run_scoped3A = tpu.sem_alloc : memref<!tpu.dma_semaphore, #tpu.memory_space<semaphore_mem>>
      %dma_start3A = arith.constant 0 : i32
      %dma_start3A_39 = tpu.memref_slice %arg9[%add3A_10, %dma_start3A] : memref<10112x128xf32, #tpu.memory_space<vmem_shared>> -> memref<128x128xf32, #tpu.memory_space<vmem_shared>>
      %dma_start3A_40 = arith.constant 0 : i32
      %dma_start3A_41 = tpu.memref_slice %arg9[%add3A_10, %dma_start3A_40] : memref<10112x128xf32, #tpu.memory_space<vmem_shared>> -> memref<128x128xf32, #tpu.memory_space<vmem_shared>>
      tpu.enqueue_dma source(%arg8 : memref<128x128xf32, #tpu.memory_space<vmem>>) target(%dma_start3A_41 : memref<128x128xf32, #tpu.memory_space<vmem_shared>>) target_semaphore(%run_scoped3A : memref<!tpu.dma_semaphore, #tpu.memory_space<semaphore_mem>>)
      %dma_wait3A = arith.constant 0 : i32
      %dma_wait3A_42 = tpu.memref_slice %arg9[%add3A_10, %dma_wait3A] : memref<10112x128xf32, #tpu.memory_space<vmem_shared>> -> memref<128x128xf32, #tpu.memory_space<vmem_shared>>
      %dma_wait3A_43 = arith.constant 0 : i32
      %dma_wait3A_44 = tpu.memref_slice %arg9[%add3A_10, %dma_wait3A_43] : memref<10112x128xf32, #tpu.memory_space<vmem_shared>> -> memref<128x128xf32, #tpu.memory_space<vmem_shared>>
      tpu.wait_dma2 semaphore(%run_scoped3A : memref<!tpu.dma_semaphore, #tpu.memory_space<semaphore_mem>>) src(%arg8 : memref<128x128xf32, #tpu.memory_space<vmem>>) dst(%dma_wait3A_44 : memref<128x128xf32, #tpu.memory_space<vmem_shared>>)
      tpu.yield
    }) : () -> ()
    %add3A_11 = arith.constant 256 : i32
    %add3A_12 = arith.addi %mul3A_6, %add3A_11 : i32
    "tpu.region"() ({
      %run_scoped3A = tpu.sem_alloc : memref<!tpu.dma_semaphore, #tpu.memory_space<semaphore_mem>>
      %dma_start3A = arith.constant 0 : i32
      %dma_start3A_39 = tpu.memref_slice %arg9[%add3A_12, %dma_start3A] : memref<10112x128xf32, #tpu.memory_space<vmem_shared>> -> memref<128x128xf32, #tpu.memory_space<vmem_shared>>
      %dma_start3A_40 = arith.constant 0 : i32
      %dma_start3A_41 = tpu.memref_slice %arg9[%add3A_12, %dma_start3A_40] : memref<10112x128xf32, #tpu.memory_space<vmem_shared>> -> memref<128x128xf32, #tpu.memory_space<vmem_shared>>
      tpu.enqueue_dma source(%arg8 : memref<128x128xf32, #tpu.memory_space<vmem>>) target(%dma_start3A_41 : memref<128x128xf32, #tpu.memory_space<vmem_shared>>) target_semaphore(%run_scoped3A : memref<!tpu.dma_semaphore, #tpu.memory_space<semaphore_mem>>)
      %dma_wait3A = arith.constant 0 : i32
      %dma_wait3A_42 = tpu.memref_slice %arg9[%add3A_12, %dma_wait3A] : memref<10112x128xf32, #tpu.memory_space<vmem_shared>> -> memref<128x128xf32, #tpu.memory_space<vmem_shared>>
      %dma_wait3A_43 = arith.constant 0 : i32
      %dma_wait3A_44 = tpu.memref_slice %arg9[%add3A_12, %dma_wait3A_43] : memref<10112x128xf32, #tpu.memory_space<vmem_shared>> -> memref<128x128xf32, #tpu.memory_space<vmem_shared>>
      tpu.wait_dma2 semaphore(%run_scoped3A : memref<!tpu.dma_semaphore, #tpu.memory_space<semaphore_mem>>) src(%arg8 : memref<128x128xf32, #tpu.memory_space<vmem>>) dst(%dma_wait3A_44 : memref<128x128xf32, #tpu.memory_space<vmem_shared>>)
      tpu.yield
    }) : () -> ()
    %add3A_13 = arith.constant 384 : i32
    %add3A_14 = arith.addi %mul3A_6, %add3A_13 : i32
    "tpu.region"() ({
      %run_scoped3A = tpu.sem_alloc : memref<!tpu.dma_semaphore, #tpu.memory_space<semaphore_mem>>
      %dma_start3A = arith.constant 0 : i32
      %dma_start3A_39 = tpu.memref_slice %arg9[%add3A_14, %dma_start3A] : memref<10112x128xf32, #tpu.memory_space<vmem_shared>> -> memref<128x128xf32, #tpu.memory_space<vmem_shared>>
      %dma_start3A_40 = arith.constant 0 : i32
      %dma_start3A_41 = tpu.memref_slice %arg9[%add3A_14, %dma_start3A_40] : memref<10112x128xf32, #tpu.memory_space<vmem_shared>> -> memref<128x128xf32, #tpu.memory_space<vmem_shared>>
      tpu.enqueue_dma source(%arg8 : memref<128x128xf32, #tpu.memory_space<vmem>>) target(%dma_start3A_41 : memref<128x128xf32, #tpu.memory_space<vmem_shared>>) target_semaphore(%run_scoped3A : memref<!tpu.dma_semaphore, #tpu.memory_space<semaphore_mem>>)
      %dma_wait3A = arith.constant 0 : i32
      %dma_wait3A_42 = tpu.memref_slice %arg9[%add3A_14, %dma_wait3A] : memref<10112x128xf32, #tpu.memory_space<vmem_shared>> -> memref<128x128xf32, #tpu.memory_space<vmem_shared>>
      %dma_wait3A_43 = arith.constant 0 : i32
      %dma_wait3A_44 = tpu.memref_slice %arg9[%add3A_14, %dma_wait3A_43] : memref<10112x128xf32, #tpu.memory_space<vmem_shared>> -> memref<128x128xf32, #tpu.memory_space<vmem_shared>>
      tpu.wait_dma2 semaphore(%run_scoped3A : memref<!tpu.dma_semaphore, #tpu.memory_space<semaphore_mem>>) src(%arg8 : memref<128x128xf32, #tpu.memory_space<vmem>>) dst(%dma_wait3A_44 : memref<128x128xf32, #tpu.memory_space<vmem_shared>>)
      tpu.yield
    }) : () -> ()
    %add3A_15 = arith.constant 632 : i32
    %add3A_16 = arith.addi %mul3A_6, %add3A_15 : i32
    %sub3A = arith.constant 120 : i32
    %sub3A_17 = arith.subi %add3A_16, %sub3A : i32
    "tpu.region"() ({
      %run_scoped3A = tpu.sem_alloc : memref<!tpu.dma_semaphore, #tpu.memory_space<semaphore_mem>>
      %dma_start3A = arith.constant 0 : i32
      %dma_start3A_39 = arith.constant 0 : i32
      %dma_start3A_40 = tpu.memref_slice %arg8[%dma_start3A, %dma_start3A_39] : memref<128x128xf32, #tpu.memory_space<vmem>> -> memref<120x128xf32, #tpu.memory_space<vmem>>
      %dma_start3A_41 = arith.constant 0 : i32
      %dma_start3A_42 = tpu.memref_slice %arg9[%sub3A_17, %dma_start3A_41] : memref<10112x128xf32, #tpu.memory_space<vmem_shared>> -> memref<120x128xf32, #tpu.memory_space<vmem_shared>>
      %dma_start3A_43 = arith.constant 0 : i32
      %dma_start3A_44 = tpu.memref_slice %arg9[%sub3A_17, %dma_start3A_43] : memref<10112x128xf32, #tpu.memory_space<vmem_shared>> -> memref<120x128xf32, #tpu.memory_space<vmem_shared>>
      %dma_start3A_45 = arith.constant 0 : i32
      %dma_start3A_46 = arith.constant 0 : i32
      %dma_start3A_47 = tpu.memref_slice %arg8[%dma_start3A_45, %dma_start3A_46] : memref<128x128xf32, #tpu.memory_space<vmem>> -> memref<120x128xf32, #tpu.memory_space<vmem>>
      tpu.enqueue_dma source(%dma_start3A_47 : memref<120x128xf32, #tpu.memory_space<vmem>>) target(%dma_start3A_44 : memref<120x128xf32, #tpu.memory_space<vmem_shared>>) target_semaphore(%run_scoped3A : memref<!tpu.dma_semaphore, #tpu.memory_space<semaphore_mem>>)
      %dma_wait3A = arith.constant 0 : i32
      %dma_wait3A_48 = arith.constant 0 : i32
      %dma_wait3A_49 = tpu.memref_slice %arg8[%dma_wait3A, %dma_wait3A_48] : memref<128x128xf32, #tpu.memory_space<vmem>> -> memref<120x128xf32, #tpu.memory_space<vmem>>
      %dma_wait3A_50 = arith.constant 0 : i32
      %dma_wait3A_51 = tpu.memref_slice %arg9[%sub3A_17, %dma_wait3A_50] : memref<10112x128xf32, #tpu.memory_space<vmem_shared>> -> memref<120x128xf32, #tpu.memory_space<vmem_shared>>
      %dma_wait3A_52 = arith.constant 0 : i32
      %dma_wait3A_53 = tpu.memref_slice %arg9[%sub3A_17, %dma_wait3A_52] : memref<10112x128xf32, #tpu.memory_space<vmem_shared>> -> memref<120x128xf32, #tpu.memory_space<vmem_shared>>
      %dma_wait3A_54 = arith.constant 0 : i32
      %dma_wait3A_55 = arith.constant 0 : i32
      %dma_wait3A_56 = tpu.memref_slice %arg8[%dma_wait3A_54, %dma_wait3A_55] : memref<128x128xf32, #tpu.memory_space<vmem>> -> memref<120x128xf32, #tpu.memory_space<vmem>>
      tpu.wait_dma2 semaphore(%run_scoped3A : memref<!tpu.dma_semaphore, #tpu.memory_space<semaphore_mem>>) src(%dma_wait3A_56 : memref<120x128xf32, #tpu.memory_space<vmem>>) dst(%dma_wait3A_53 : memref<120x128xf32, #tpu.memory_space<vmem_shared>>)
      tpu.yield
    }) : () -> ()
    "tpu.region"() ({
      %run_scoped3A = tpu.sem_alloc : memref<!tpu.dma_semaphore, #tpu.memory_space<semaphore_mem>>
      %dma_start3A = arith.constant 0 : i32
      %dma_start3A_39 = arith.constant 0 : i32
      %dma_start3A_40 = tpu.memref_slice %arg3[%add3A, %dma_start3A, %dma_start3A_39] : memref<32x104x128xi32, #tpu.memory_space<hbm>> -> memref<1x104x128xi32, #tpu.memory_space<hbm>>
      %dma_start3A_41 = tpu.memref_squeeze %dma_start3A_40 : memref<1x104x128xi32, #tpu.memory_space<hbm>> -> memref<104x128xi32, #tpu.memory_space<hbm>>
      %dma_start3A_42 = arith.constant 0 : i32
      %dma_start3A_43 = arith.constant 0 : i32
      %dma_start3A_44 = tpu.memref_slice %arg3[%add3A, %dma_start3A_42, %dma_start3A_43] : memref<32x104x128xi32, #tpu.memory_space<hbm>> -> memref<1x104x128xi32, #tpu.memory_space<hbm>>
      %dma_start3A_45 = tpu.memref_squeeze %dma_start3A_44 : memref<1x104x128xi32, #tpu.memory_space<hbm>> -> memref<104x128xi32, #tpu.memory_space<hbm>>
      tpu.enqueue_dma source(%dma_start3A_45 : memref<104x128xi32, #tpu.memory_space<hbm>>) target(%arg6 : memref<104x128xi32, #tpu.memory_space<vmem>>) target_semaphore(%run_scoped3A : memref<!tpu.dma_semaphore, #tpu.memory_space<semaphore_mem>>)
      %dma_wait3A = arith.constant 0 : i32
      %dma_wait3A_46 = arith.constant 0 : i32
      %dma_wait3A_47 = tpu.memref_slice %arg3[%add3A, %dma_wait3A, %dma_wait3A_46] : memref<32x104x128xi32, #tpu.memory_space<hbm>> -> memref<1x104x128xi32, #tpu.memory_space<hbm>>
      %dma_wait3A_48 = tpu.memref_squeeze %dma_wait3A_47 : memref<1x104x128xi32, #tpu.memory_space<hbm>> -> memref<104x128xi32, #tpu.memory_space<hbm>>
      %dma_wait3A_49 = arith.constant 0 : i32
      %dma_wait3A_50 = arith.constant 0 : i32
      %dma_wait3A_51 = tpu.memref_slice %arg3[%add3A, %dma_wait3A_49, %dma_wait3A_50] : memref<32x104x128xi32, #tpu.memory_space<hbm>> -> memref<1x104x128xi32, #tpu.memory_space<hbm>>
      %dma_wait3A_52 = tpu.memref_squeeze %dma_wait3A_51 : memref<1x104x128xi32, #tpu.memory_space<hbm>> -> memref<104x128xi32, #tpu.memory_space<hbm>>
      tpu.wait_dma2 semaphore(%run_scoped3A : memref<!tpu.dma_semaphore, #tpu.memory_space<semaphore_mem>>) src(%dma_wait3A_52 : memref<104x128xi32, #tpu.memory_space<hbm>>) dst(%arg6 : memref<104x128xi32, #tpu.memory_space<vmem>>)
      tpu.yield
    }) : () -> ()
    "tpu.region"() ({
      %run_scoped3A = tpu.sem_alloc : memref<!tpu.dma_semaphore, #tpu.memory_space<semaphore_mem>>
      %dma_start3A = arith.constant 0 : i32
      %dma_start3A_39 = arith.constant 0 : i32
      %dma_start3A_40 = tpu.memref_slice %arg4[%add3A, %dma_start3A, %dma_start3A_39] : memref<32x104x128xi32, #tpu.memory_space<hbm>> -> memref<1x104x128xi32, #tpu.memory_space<hbm>>
      %dma_start3A_41 = tpu.memref_squeeze %dma_start3A_40 : memref<1x104x128xi32, #tpu.memory_space<hbm>> -> memref<104x128xi32, #tpu.memory_space<hbm>>
      %dma_start3A_42 = arith.constant 0 : i32
      %dma_start3A_43 = arith.constant 0 : i32
      %dma_start3A_44 = tpu.memref_slice %arg4[%add3A, %dma_start3A_42, %dma_start3A_43] : memref<32x104x128xi32, #tpu.memory_space<hbm>> -> memref<1x104x128xi32, #tpu.memory_space<hbm>>
      %dma_start3A_45 = tpu.memref_squeeze %dma_start3A_44 : memref<1x104x128xi32, #tpu.memory_space<hbm>> -> memref<104x128xi32, #tpu.memory_space<hbm>>
      tpu.enqueue_dma source(%dma_start3A_45 : memref<104x128xi32, #tpu.memory_space<hbm>>) target(%arg7 : memref<104x128xi32, #tpu.memory_space<vmem>>) target_semaphore(%run_scoped3A : memref<!tpu.dma_semaphore, #tpu.memory_space<semaphore_mem>>)
      %dma_wait3A = arith.constant 0 : i32
      %dma_wait3A_46 = arith.constant 0 : i32
      %dma_wait3A_47 = tpu.memref_slice %arg4[%add3A, %dma_wait3A, %dma_wait3A_46] : memref<32x104x128xi32, #tpu.memory_space<hbm>> -> memref<1x104x128xi32, #tpu.memory_space<hbm>>
      %dma_wait3A_48 = tpu.memref_squeeze %dma_wait3A_47 : memref<1x104x128xi32, #tpu.memory_space<hbm>> -> memref<104x128xi32, #tpu.memory_space<hbm>>
      %dma_wait3A_49 = arith.constant 0 : i32
      %dma_wait3A_50 = arith.constant 0 : i32
      %dma_wait3A_51 = tpu.memref_slice %arg4[%add3A, %dma_wait3A_49, %dma_wait3A_50] : memref<32x104x128xi32, #tpu.memory_space<hbm>> -> memref<1x104x128xi32, #tpu.memory_space<hbm>>
      %dma_wait3A_52 = tpu.memref_squeeze %dma_wait3A_51 : memref<1x104x128xi32, #tpu.memory_space<hbm>> -> memref<104x128xi32, #tpu.memory_space<hbm>>
      tpu.wait_dma2 semaphore(%run_scoped3A : memref<!tpu.dma_semaphore, #tpu.memory_space<semaphore_mem>>) src(%dma_wait3A_52 : memref<104x128xi32, #tpu.memory_space<hbm>>) dst(%arg7 : memref<104x128xi32, #tpu.memory_space<vmem>>)
      tpu.yield
    }) : () -> ()
    %barrier3A = arith.constant 0 : index
    tpu.barrier barrier_id(%barrier3A)
    %eq3A = arith.constant 0 : i32
    %eq3A_18 = arith.cmpi eq, %arg0, %eq3A : i32
    %select_n3A = arith.constant 54 : i32
    %select_n3A_19 = arith.constant 104 : i32
    %select_n3A_20 = arith.select %eq3A_18, %select_n3A_19, %select_n3A : i32
    %sub3A_21 = arith.constant 0 : i32
    %sub3A_22 = arith.subi %select_n3A_20, %sub3A_21 : i32
    %sub3A_23 = arith.constant 1 : i32
    %sub3A_24 = arith.constant 1 : i32
    %sub3A_25 = arith.subi %sub3A_23, %sub3A_24 : i32
    %add3A_26 = arith.addi %sub3A_22, %sub3A_25 : i32
    %div3A = arith.constant 1 : i32
    %div3A_27 = arith.divsi %add3A_26, %div3A : i32
    %while3A = arith.constant 1 : i32
    %while3A_28 = arith.constant 0 : i32
    %while3A_29 = arith.constant 0 : i32
    %while3A_30 = arith.subi %div3A_27, %while3A_29 : i32
    %while3A_31 = arith.addi %while3A_29, %while3A_30 : i32
    %while3A_32 = arith.constant 1 : i32
    %while3A_33 = arith.divsi %while3A_30, %while3A_32 : i32
    %while3A_34 = arith.muli %while3A_33, %while3A_32 : i32
    %while3A_35 = arith.addi %while3A_29, %while3A_34 : i32
    %while3A_36 = arith.constant 1 : i32
    scf.for %while3A_39 = %while3A_29 to %while3A_35 step %while3A_36  : i32 {
      %mul3A_40 = arith.muli %while3A_39, %while3A : i32
      %add3A_41 = arith.addi %while3A_28, %mul3A_40 : i32
      %dma_start3A = arith.constant 0 : i32
      %dma_start3A_42 = tpu.memref_slice %arg6[%add3A_41, %dma_start3A] : memref<104x128xi32, #tpu.memory_space<vmem>> -> memref<1x128xi32, #tpu.memory_space<vmem>>
      %dma_start3A_43 = tpu.memref_squeeze %dma_start3A_42 : memref<1x128xi32, #tpu.memory_space<vmem>> -> memref<128xi32, #tpu.memory_space<vmem>>
      %dma_start3A_44 = arith.constant 0 : i32
      %dma_start3A_45 = arith.constant 0 : i32
      %dma_start3A_46 = tpu.memref_slice %arg2[%dma_start3A_44, %dma_start3A_45] : memref<10112x128xf32, #tpu.memory_space<hbm>> -> memref<10112x128xf32, #tpu.memory_space<hbm>>
      tpu.enqueue_indirect_dma source(%dma_start3A_46 : memref<10112x128xf32, #tpu.memory_space<hbm>>) target(%arg8 : memref<128x128xf32, #tpu.memory_space<vmem>>) offsets(%dma_start3A_43 : memref<128xi32, #tpu.memory_space<vmem>>) semaphore(%arg10 : memref<!tpu.dma_semaphore, #tpu.memory_space<semaphore_mem>>)
      %dma_wait3A = arith.constant 0 : i32
      %dma_wait3A_47 = tpu.memref_slice %arg6[%add3A_41, %dma_wait3A] : memref<104x128xi32, #tpu.memory_space<vmem>> -> memref<1x128xi32, #tpu.memory_space<vmem>>
      %dma_wait3A_48 = tpu.memref_squeeze %dma_wait3A_47 : memref<1x128xi32, #tpu.memory_space<vmem>> -> memref<128xi32, #tpu.memory_space<vmem>>
      %dma_wait3A_49 = arith.constant 0 : i32
      %dma_wait3A_50 = arith.constant 0 : i32
      %dma_wait3A_51 = tpu.memref_slice %arg2[%dma_wait3A_49, %dma_wait3A_50] : memref<10112x128xf32, #tpu.memory_space<hbm>> -> memref<10112x128xf32, #tpu.memory_space<hbm>>
      tpu.wait_indirect_dma semaphore(%arg10 : memref<!tpu.dma_semaphore, #tpu.memory_space<semaphore_mem>>) src(%dma_wait3A_51 : memref<10112x128xf32, #tpu.memory_space<hbm>>) dst(%arg8 : memref<128x128xf32, #tpu.memory_space<vmem>>)
      "tpu.region"() ({
        %run_scoped3A = tpu.sem_alloc : memref<!tpu.dma_semaphore, #tpu.memory_space<semaphore_mem>>
        %dma_start3A_52 = arith.constant 0 : i32
        %dma_start3A_53 = tpu.memref_slice %arg7[%add3A_41, %dma_start3A_52] : memref<104x128xi32, #tpu.memory_space<vmem>> -> memref<1x128xi32, #tpu.memory_space<vmem>>
        %dma_start3A_54 = tpu.memref_squeeze %dma_start3A_53 : memref<1x128xi32, #tpu.memory_space<vmem>> -> memref<128xi32, #tpu.memory_space<vmem>>
        %dma_start3A_55 = arith.constant 0 : i32
        %dma_start3A_56 = arith.constant 0 : i32
        %dma_start3A_57 = tpu.memref_slice %arg9[%dma_start3A_55, %dma_start3A_56] : memref<10112x128xf32, #tpu.memory_space<vmem_shared>> -> memref<10112x128xf32, #tpu.memory_space<vmem_shared>>
        tpu.enqueue_indirect_dma source(%arg8 : memref<128x128xf32, #tpu.memory_space<vmem>>) target(%dma_start3A_57 : memref<10112x128xf32, #tpu.memory_space<vmem_shared>>) offsets(%dma_start3A_54 : memref<128xi32, #tpu.memory_space<vmem>>) semaphore(%run_scoped3A : memref<!tpu.dma_semaphore, #tpu.memory_space<semaphore_mem>>) {add = true}
        %dma_wait3A_58 = arith.constant 0 : i32
        %dma_wait3A_59 = tpu.memref_slice %arg7[%add3A_41, %dma_wait3A_58] : memref<104x128xi32, #tpu.memory_space<vmem>> -> memref<1x128xi32, #tpu.memory_space<vmem>>
        %dma_wait3A_60 = tpu.memref_squeeze %dma_wait3A_59 : memref<1x128xi32, #tpu.memory_space<vmem>> -> memref<128xi32, #tpu.memory_space<vmem>>
        %dma_wait3A_61 = arith.constant 0 : i32
        %dma_wait3A_62 = arith.constant 0 : i32
        %dma_wait3A_63 = tpu.memref_slice %arg9[%dma_wait3A_61, %dma_wait3A_62] : memref<10112x128xf32, #tpu.memory_space<vmem_shared>> -> memref<10112x128xf32, #tpu.memory_space<vmem_shared>>
        tpu.wait_indirect_dma semaphore(%run_scoped3A : memref<!tpu.dma_semaphore, #tpu.memory_space<semaphore_mem>>) src(%arg8 : memref<128x128xf32, #tpu.memory_space<vmem>>) dst(%dma_wait3A_63 : memref<10112x128xf32, #tpu.memory_space<vmem_shared>>)
        tpu.yield
      }) : () -> ()
    }
    %while3A_37 = arith.constant 1 : i32
    scf.for %while3A_39 = %while3A_35 to %while3A_31 step %while3A_37  : i32 {
      %mul3A_40 = arith.muli %while3A_39, %while3A : i32
      %add3A_41 = arith.addi %while3A_28, %mul3A_40 : i32
      %dma_start3A = arith.constant 0 : i32
      %dma_start3A_42 = tpu.memref_slice %arg6[%add3A_41, %dma_start3A] : memref<104x128xi32, #tpu.memory_space<vmem>> -> memref<1x128xi32, #tpu.memory_space<vmem>>
      %dma_start3A_43 = tpu.memref_squeeze %dma_start3A_42 : memref<1x128xi32, #tpu.memory_space<vmem>> -> memref<128xi32, #tpu.memory_space<vmem>>
      %dma_start3A_44 = arith.constant 0 : i32
      %dma_start3A_45 = arith.constant 0 : i32
      %dma_start3A_46 = tpu.memref_slice %arg2[%dma_start3A_44, %dma_start3A_45] : memref<10112x128xf32, #tpu.memory_space<hbm>> -> memref<10112x128xf32, #tpu.memory_space<hbm>>
      tpu.enqueue_indirect_dma source(%dma_start3A_46 : memref<10112x128xf32, #tpu.memory_space<hbm>>) target(%arg8 : memref<128x128xf32, #tpu.memory_space<vmem>>) offsets(%dma_start3A_43 : memref<128xi32, #tpu.memory_space<vmem>>) semaphore(%arg10 : memref<!tpu.dma_semaphore, #tpu.memory_space<semaphore_mem>>)
      %dma_wait3A = arith.constant 0 : i32
      %dma_wait3A_47 = tpu.memref_slice %arg6[%add3A_41, %dma_wait3A] : memref<104x128xi32, #tpu.memory_space<vmem>> -> memref<1x128xi32, #tpu.memory_space<vmem>>
      %dma_wait3A_48 = tpu.memref_squeeze %dma_wait3A_47 : memref<1x128xi32, #tpu.memory_space<vmem>> -> memref<128xi32, #tpu.memory_space<vmem>>
      %dma_wait3A_49 = arith.constant 0 : i32
      %dma_wait3A_50 = arith.constant 0 : i32
      %dma_wait3A_51 = tpu.memref_slice %arg2[%dma_wait3A_49, %dma_wait3A_50] : memref<10112x128xf32, #tpu.memory_space<hbm>> -> memref<10112x128xf32, #tpu.memory_space<hbm>>
      tpu.wait_indirect_dma semaphore(%arg10 : memref<!tpu.dma_semaphore, #tpu.memory_space<semaphore_mem>>) src(%dma_wait3A_51 : memref<10112x128xf32, #tpu.memory_space<hbm>>) dst(%arg8 : memref<128x128xf32, #tpu.memory_space<vmem>>)
      "tpu.region"() ({
        %run_scoped3A = tpu.sem_alloc : memref<!tpu.dma_semaphore, #tpu.memory_space<semaphore_mem>>
        %dma_start3A_52 = arith.constant 0 : i32
        %dma_start3A_53 = tpu.memref_slice %arg7[%add3A_41, %dma_start3A_52] : memref<104x128xi32, #tpu.memory_space<vmem>> -> memref<1x128xi32, #tpu.memory_space<vmem>>
        %dma_start3A_54 = tpu.memref_squeeze %dma_start3A_53 : memref<1x128xi32, #tpu.memory_space<vmem>> -> memref<128xi32, #tpu.memory_space<vmem>>
        %dma_start3A_55 = arith.constant 0 : i32
        %dma_start3A_56 = arith.constant 0 : i32
        %dma_start3A_57 = tpu.memref_slice %arg9[%dma_start3A_55, %dma_start3A_56] : memref<10112x128xf32, #tpu.memory_space<vmem_shared>> -> memref<10112x128xf32, #tpu.memory_space<vmem_shared>>
        tpu.enqueue_indirect_dma source(%arg8 : memref<128x128xf32, #tpu.memory_space<vmem>>) target(%dma_start3A_57 : memref<10112x128xf32, #tpu.memory_space<vmem_shared>>) offsets(%dma_start3A_54 : memref<128xi32, #tpu.memory_space<vmem>>) semaphore(%run_scoped3A : memref<!tpu.dma_semaphore, #tpu.memory_space<semaphore_mem>>) {add = true}
        %dma_wait3A_58 = arith.constant 0 : i32
        %dma_wait3A_59 = tpu.memref_slice %arg7[%add3A_41, %dma_wait3A_58] : memref<104x128xi32, #tpu.memory_space<vmem>> -> memref<1x128xi32, #tpu.memory_space<vmem>>
        %dma_wait3A_60 = tpu.memref_squeeze %dma_wait3A_59 : memref<1x128xi32, #tpu.memory_space<vmem>> -> memref<128xi32, #tpu.memory_space<vmem>>
        %dma_wait3A_61 = arith.constant 0 : i32
        %dma_wait3A_62 = arith.constant 0 : i32
        %dma_wait3A_63 = tpu.memref_slice %arg9[%dma_wait3A_61, %dma_wait3A_62] : memref<10112x128xf32, #tpu.memory_space<vmem_shared>> -> memref<10112x128xf32, #tpu.memory_space<vmem_shared>>
        tpu.wait_indirect_dma semaphore(%run_scoped3A : memref<!tpu.dma_semaphore, #tpu.memory_space<semaphore_mem>>) src(%arg8 : memref<128x128xf32, #tpu.memory_space<vmem>>) dst(%dma_wait3A_63 : memref<10112x128xf32, #tpu.memory_space<vmem_shared>>)
        tpu.yield
      }) : () -> ()
    }
    %barrier3A_38 = arith.constant 0 : index
    tpu.barrier barrier_id(%barrier3A_38)
    "tpu.region"() ({
      %run_scoped3A = tpu.sem_alloc : memref<!tpu.dma_semaphore, #tpu.memory_space<semaphore_mem>>
      %dma_start3A = arith.constant 0 : i32
      %dma_start3A_39 = tpu.memref_slice %arg5[%arg0, %mul3A_6, %dma_start3A] : memref<2x10112x128xf32, #tpu.memory_space<hbm>> -> memref<1x632x128xf32, #tpu.memory_space<hbm>>
      %dma_start3A_40 = tpu.memref_squeeze %dma_start3A_39 : memref<1x632x128xf32, #tpu.memory_space<hbm>> -> memref<632x128xf32, #tpu.memory_space<hbm>>
      %dma_start3A_41 = arith.constant 0 : i32
      %dma_start3A_42 = tpu.memref_slice %arg9[%mul3A_6, %dma_start3A_41] : memref<10112x128xf32, #tpu.memory_space<vmem_shared>> -> memref<632x128xf32, #tpu.memory_space<vmem_shared>>
      tpu.enqueue_dma source(%dma_start3A_42 : memref<632x128xf32, #tpu.memory_space<vmem_shared>>) target(%dma_start3A_40 : memref<632x128xf32, #tpu.memory_space<hbm>>) target_semaphore(%run_scoped3A : memref<!tpu.dma_semaphore, #tpu.memory_space<semaphore_mem>>)
      %dma_wait3A = arith.constant 0 : i32
      %dma_wait3A_43 = tpu.memref_slice %arg5[%arg0, %mul3A_6, %dma_wait3A] : memref<2x10112x128xf32, #tpu.memory_space<hbm>> -> memref<1x632x128xf32, #tpu.memory_space<hbm>>
      %dma_wait3A_44 = tpu.memref_squeeze %dma_wait3A_43 : memref<1x632x128xf32, #tpu.memory_space<hbm>> -> memref<632x128xf32, #tpu.memory_space<hbm>>
      %dma_wait3A_45 = arith.constant 0 : i32
      %dma_wait3A_46 = tpu.memref_slice %arg9[%mul3A_6, %dma_wait3A_45] : memref<10112x128xf32, #tpu.memory_space<vmem_shared>> -> memref<632x128xf32, #tpu.memory_space<vmem_shared>>
      tpu.wait_dma2 semaphore(%run_scoped3A : memref<!tpu.dma_semaphore, #tpu.memory_space<semaphore_mem>>) src(%dma_wait3A_46 : memref<632x128xf32, #tpu.memory_space<vmem_shared>>) dst(%dma_wait3A_44 : memref<632x128xf32, #tpu.memory_space<hbm>>)
      tpu.yield
    }) : () -> ()
    return
  }
}

#map = affine_map<(d0, d1) -> (0, 0)>
#map1 = affine_map<(d0, d1) -> (0, 0, 0)>
module attributes {stable_mosaic.version = 14 : i64} {
  func.func @k(%arg0: i32, %arg1: i32, %arg2: memref<10112x128xf32, #tpu.memory_space<hbm>>, %arg3: memref<32x104x128xi32, #tpu.memory_space<hbm>>, %arg4: memref<32x104x128xi32, #tpu.memory_space<hbm>>, %arg5: memref<2x10112x128xf32, #tpu.memory_space<hbm>>, %arg6: memref<104x128xi32, #tpu.memory_space<vmem>>, %arg7: memref<104x128xi32, #tpu.memory_space<vmem>>, %arg8: memref<128x128xf32, #tpu.memory_space<vmem>>, %arg9: memref<10112x128xf32, #tpu.memory_space<vmem_shared>>, %arg10: memref<!tpu.dma_semaphore, #tpu.memory_space<semaphore_mem>>) attributes {dimension_semantics = [#tpu.dimension_semantics<core_parallel>, #tpu.dimension_semantics<subcore_parallel>], iteration_bounds = array<i64: 2, 16>, scalar_prefetch = 0 : i64, scratch_operands = 5 : i64, tpu.core_type = #tpu.core_type<sc_vector_subcore>, window_params = [{transform_indices = #map}, {transform_indices = #map1}, {transform_indices = #map1}, {transform_indices = #map1}]} {
    %mul3A = arith.constant 16 : i32
    %mul3A_0 = arith.muli %arg0, %mul3A : i32
    %add3A = arith.addi %mul3A_0, %arg1 : i32
    %scan3A = arith.constant 0 : i32
    %scan3A_1 = arith.constant 128 : i32
    %scan3A_2 = arith.addi %scan3A, %scan3A_1 : i32
    %scan3A_3 = arith.constant 1 : i32
    scf.for %scan3A_39 = %scan3A to %scan3A_2 step %scan3A_3  : i32 {
      %mul3A_40 = arith.constant 1 : i32
      %mul3A_41 = arith.muli %scan3A_39, %mul3A_40 : i32
      %add3A_42 = arith.constant 0 : i32
      %add3A_43 = arith.addi %add3A_42, %mul3A_41 : i32
      %scan3A_44 = arith.constant 0 : i32
      %scan3A_45 = arith.constant 8 : i32
      %scan3A_46 = arith.addi %scan3A_44, %scan3A_45 : i32
      %scan3A_47 = arith.constant 1 : i32
      scf.for %scan3A_49 = %scan3A_44 to %scan3A_46 step %scan3A_47  : i32 {
        %mul3A_50 = arith.constant 16 : i32
        %mul3A_51 = arith.muli %scan3A_49, %mul3A_50 : i32
        %add3A_52 = arith.constant 0 : i32
        %add3A_53 = arith.addi %add3A_52, %mul3A_51 : i32
        %broadcast_in_dim3A = arith.constant 0.000000e+00 : f32
        %broadcast_in_dim3A_54 = vector.broadcast %broadcast_in_dim3A : f32 to vector<16xf32>
        %swap3A = arith.index_cast %add3A_43 : i32 to index
        %swap3A_55 = arith.index_cast %add3A_53 : i32 to index
        %swap3A_56 = tpu.vector_load %arg8[%swap3A, %swap3A_55] {strides = array<i32>} : memref<128x128xf32, #tpu.memory_space<vmem>>, vector<1x16xf32>,
        %swap3A_57 = vector.shape_cast %swap3A_56 : vector<1x16xf32> to vector<16xf32>
        %swap3A_58 = vector.shape_cast %broadcast_in_dim3A_54 : vector<16xf32> to vector<1x16xf32>
        tpu.vector_store %arg8[%swap3A, %swap3A_55], %swap3A_58 {strides = array<i32>} : memref<128x128xf32, #tpu.memory_space<vmem>>, vector<1x16xf32>,
      }
      %scan3A_48 = arith.constant 8 : i32
    }
    %scan3A_4 = arith.constant 128 : i32
    %mul3A_5 = arith.constant 632 : i32
    %mul3A_6 = arith.muli %arg1, %mul3A_5 : i32
    %add3A_7 = arith.constant 0 : i32
    %add3A_8 = arith.addi %mul3A_6, %add3A_7 : i32
    "tpu.region"() ({
      %run_scoped3A = tpu.sem_alloc : memref<!tpu.dma_semaphore, #tpu.memory_space<semaphore_mem>>
      %dma_start3A = arith.constant 0 : i32
      %dma_start3A_39 = tpu.memref_slice %arg9[%add3A_8, %dma_start3A] : memref<10112x128xf32, #tpu.memory_space<vmem_shared>> -> memref<128x128xf32, #tpu.memory_space<vmem_shared>>
      %dma_start3A_40 = arith.constant 0 : i32
      %dma_start3A_41 = tpu.memref_slice %arg9[%add3A_8, %dma_start3A_40] : memref<10112x128xf32, #tpu.memory_space<vmem_shared>> -> memref<128x128xf32, #tpu.memory_space<vmem_shared>>
      tpu.enqueue_dma source(%arg8 : memref<128x128xf32, #tpu.memory_space<vmem>>) target(%dma_start3A_41 : memref<128x128xf32, #tpu.memory_space<vmem_shared>>) target_semaphore(%run_scoped3A : memref<!tpu.dma_semaphore, #tpu.memory_space<semaphore_mem>>)
      %dma_wait3A = arith.constant 0 : i32
      %dma_wait3A_42 = tpu.memref_slice %arg9[%add3A_8, %dma_wait3A] : memref<10112x128xf32, #tpu.memory_space<vmem_shared>> -> memref<128x128xf32, #tpu.memory_space<vmem_shared>>
      %dma_wait3A_43 = arith.constant 0 : i32
      %dma_wait3A_44 = tpu.memref_slice %arg9[%add3A_8, %dma_wait3A_43] : memref<10112x128xf32, #tpu.memory_space<vmem_shared>> -> memref<128x128xf32, #tpu.memory_space<vmem_shared>>
      tpu.wait_dma2 semaphore(%run_scoped3A : memref<!tpu.dma_semaphore, #tpu.memory_space<semaphore_mem>>) src(%arg8 : memref<128x128xf32, #tpu.memory_space<vmem>>) dst(%dma_wait3A_44 : memref<128x128xf32, #tpu.memory_space<vmem_shared>>)
      tpu.yield
    }) : () -> ()
    %add3A_9 = arith.constant 128 : i32
    %add3A_10 = arith.addi %mul3A_6, %add3A_9 : i32
    "tpu.region"() ({
      %run_scoped3A = tpu.sem_alloc : memref<!tpu.dma_semaphore, #tpu.memory_space<semaphore_mem>>
      %dma_start3A = arith.constant 0 : i32
      %dma_start3A_39 = tpu.memref_slice %arg9[%add3A_10, %dma_start3A] : memref<10112x128xf32, #tpu.memory_space<vmem_shared>> -> memref<128x128xf32, #tpu.memory_space<vmem_shared>>
      %dma_start3A_40 = arith.constant 0 : i32
      %dma_start3A_41 = tpu.memref_slice %arg9[%add3A_10, %dma_start3A_40] : memref<10112x128xf32, #tpu.memory_space<vmem_shared>> -> memref<128x128xf32, #tpu.memory_space<vmem_shared>>
      tpu.enqueue_dma source(%arg8 : memref<128x128xf32, #tpu.memory_space<vmem>>) target(%dma_start3A_41 : memref<128x128xf32, #tpu.memory_space<vmem_shared>>) target_semaphore(%run_scoped3A : memref<!tpu.dma_semaphore, #tpu.memory_space<semaphore_mem>>)
      %dma_wait3A = arith.constant 0 : i32
      %dma_wait3A_42 = tpu.memref_slice %arg9[%add3A_10, %dma_wait3A] : memref<10112x128xf32, #tpu.memory_space<vmem_shared>> -> memref<128x128xf32, #tpu.memory_space<vmem_shared>>
      %dma_wait3A_43 = arith.constant 0 : i32
      %dma_wait3A_44 = tpu.memref_slice %arg9[%add3A_10, %dma_wait3A_43] : memref<10112x128xf32, #tpu.memory_space<vmem_shared>> -> memref<128x128xf32, #tpu.memory_space<vmem_shared>>
      tpu.wait_dma2 semaphore(%run_scoped3A : memref<!tpu.dma_semaphore, #tpu.memory_space<semaphore_mem>>) src(%arg8 : memref<128x128xf32, #tpu.memory_space<vmem>>) dst(%dma_wait3A_44 : memref<128x128xf32, #tpu.memory_space<vmem_shared>>)
      tpu.yield
    }) : () -> ()
    %add3A_11 = arith.constant 256 : i32
    %add3A_12 = arith.addi %mul3A_6, %add3A_11 : i32
    "tpu.region"() ({
      %run_scoped3A = tpu.sem_alloc : memref<!tpu.dma_semaphore, #tpu.memory_space<semaphore_mem>>
      %dma_start3A = arith.constant 0 : i32
      %dma_start3A_39 = tpu.memref_slice %arg9[%add3A_12, %dma_start3A] : memref<10112x128xf32, #tpu.memory_space<vmem_shared>> -> memref<128x128xf32, #tpu.memory_space<vmem_shared>>
      %dma_start3A_40 = arith.constant 0 : i32
      %dma_start3A_41 = tpu.memref_slice %arg9[%add3A_12, %dma_start3A_40] : memref<10112x128xf32, #tpu.memory_space<vmem_shared>> -> memref<128x128xf32, #tpu.memory_space<vmem_shared>>
      tpu.enqueue_dma source(%arg8 : memref<128x128xf32, #tpu.memory_space<vmem>>) target(%dma_start3A_41 : memref<128x128xf32, #tpu.memory_space<vmem_shared>>) target_semaphore(%run_scoped3A : memref<!tpu.dma_semaphore, #tpu.memory_space<semaphore_mem>>)
      %dma_wait3A = arith.constant 0 : i32
      %dma_wait3A_42 = tpu.memref_slice %arg9[%add3A_12, %dma_wait3A] : memref<10112x128xf32, #tpu.memory_space<vmem_shared>> -> memref<128x128xf32, #tpu.memory_space<vmem_shared>>
      %dma_wait3A_43 = arith.constant 0 : i32
      %dma_wait3A_44 = tpu.memref_slice %arg9[%add3A_12, %dma_wait3A_43] : memref<10112x128xf32, #tpu.memory_space<vmem_shared>> -> memref<128x128xf32, #tpu.memory_space<vmem_shared>>
      tpu.wait_dma2 semaphore(%run_scoped3A : memref<!tpu.dma_semaphore, #tpu.memory_space<semaphore_mem>>) src(%arg8 : memref<128x128xf32, #tpu.memory_space<vmem>>) dst(%dma_wait3A_44 : memref<128x128xf32, #tpu.memory_space<vmem_shared>>)
      tpu.yield
    }) : () -> ()
    %add3A_13 = arith.constant 384 : i32
    %add3A_14 = arith.addi %mul3A_6, %add3A_13 : i32
    "tpu.region"() ({
      %run_scoped3A = tpu.sem_alloc : memref<!tpu.dma_semaphore, #tpu.memory_space<semaphore_mem>>
      %dma_start3A = arith.constant 0 : i32
      %dma_start3A_39 = tpu.memref_slice %arg9[%add3A_14, %dma_start3A] : memref<10112x128xf32, #tpu.memory_space<vmem_shared>> -> memref<128x128xf32, #tpu.memory_space<vmem_shared>>
      %dma_start3A_40 = arith.constant 0 : i32
      %dma_start3A_41 = tpu.memref_slice %arg9[%add3A_14, %dma_start3A_40] : memref<10112x128xf32, #tpu.memory_space<vmem_shared>> -> memref<128x128xf32, #tpu.memory_space<vmem_shared>>
      tpu.enqueue_dma source(%arg8 : memref<128x128xf32, #tpu.memory_space<vmem>>) target(%dma_start3A_41 : memref<128x128xf32, #tpu.memory_space<vmem_shared>>) target_semaphore(%run_scoped3A : memref<!tpu.dma_semaphore, #tpu.memory_space<semaphore_mem>>)
      %dma_wait3A = arith.constant 0 : i32
      %dma_wait3A_42 = tpu.memref_slice %arg9[%add3A_14, %dma_wait3A] : memref<10112x128xf32, #tpu.memory_space<vmem_shared>> -> memref<128x128xf32, #tpu.memory_space<vmem_shared>>
      %dma_wait3A_43 = arith.constant 0 : i32
      %dma_wait3A_44 = tpu.memref_slice %arg9[%add3A_14, %dma_wait3A_43] : memref<10112x128xf32, #tpu.memory_space<vmem_shared>> -> memref<128x128xf32, #tpu.memory_space<vmem_shared>>
      tpu.wait_dma2 semaphore(%run_scoped3A : memref<!tpu.dma_semaphore, #tpu.memory_space<semaphore_mem>>) src(%arg8 : memref<128x128xf32, #tpu.memory_space<vmem>>) dst(%dma_wait3A_44 : memref<128x128xf32, #tpu.memory_space<vmem_shared>>)
      tpu.yield
    }) : () -> ()
    %add3A_15 = arith.constant 632 : i32
    %add3A_16 = arith.addi %mul3A_6, %add3A_15 : i32
    %sub3A = arith.constant 120 : i32
    %sub3A_17 = arith.subi %add3A_16, %sub3A : i32
    "tpu.region"() ({
      %run_scoped3A = tpu.sem_alloc : memref<!tpu.dma_semaphore, #tpu.memory_space<semaphore_mem>>
      %dma_start3A = arith.constant 0 : i32
      %dma_start3A_39 = arith.constant 0 : i32
      %dma_start3A_40 = tpu.memref_slice %arg8[%dma_start3A, %dma_start3A_39] : memref<128x128xf32, #tpu.memory_space<vmem>> -> memref<120x128xf32, #tpu.memory_space<vmem>>
      %dma_start3A_41 = arith.constant 0 : i32
      %dma_start3A_42 = tpu.memref_slice %arg9[%sub3A_17, %dma_start3A_41] : memref<10112x128xf32, #tpu.memory_space<vmem_shared>> -> memref<120x128xf32, #tpu.memory_space<vmem_shared>>
      %dma_start3A_43 = arith.constant 0 : i32
      %dma_start3A_44 = tpu.memref_slice %arg9[%sub3A_17, %dma_start3A_43] : memref<10112x128xf32, #tpu.memory_space<vmem_shared>> -> memref<120x128xf32, #tpu.memory_space<vmem_shared>>
      %dma_start3A_45 = arith.constant 0 : i32
      %dma_start3A_46 = arith.constant 0 : i32
      %dma_start3A_47 = tpu.memref_slice %arg8[%dma_start3A_45, %dma_start3A_46] : memref<128x128xf32, #tpu.memory_space<vmem>> -> memref<120x128xf32, #tpu.memory_space<vmem>>
      tpu.enqueue_dma source(%dma_start3A_47 : memref<120x128xf32, #tpu.memory_space<vmem>>) target(%dma_start3A_44 : memref<120x128xf32, #tpu.memory_space<vmem_shared>>) target_semaphore(%run_scoped3A : memref<!tpu.dma_semaphore, #tpu.memory_space<semaphore_mem>>)
      %dma_wait3A = arith.constant 0 : i32
      %dma_wait3A_48 = arith.constant 0 : i32
      %dma_wait3A_49 = tpu.memref_slice %arg8[%dma_wait3A, %dma_wait3A_48] : memref<128x128xf32, #tpu.memory_space<vmem>> -> memref<120x128xf32, #tpu.memory_space<vmem>>
      %dma_wait3A_50 = arith.constant 0 : i32
      %dma_wait3A_51 = tpu.memref_slice %arg9[%sub3A_17, %dma_wait3A_50] : memref<10112x128xf32, #tpu.memory_space<vmem_shared>> -> memref<120x128xf32, #tpu.memory_space<vmem_shared>>
      %dma_wait3A_52 = arith.constant 0 : i32
      %dma_wait3A_53 = tpu.memref_slice %arg9[%sub3A_17, %dma_wait3A_52] : memref<10112x128xf32, #tpu.memory_space<vmem_shared>> -> memref<120x128xf32, #tpu.memory_space<vmem_shared>>
      %dma_wait3A_54 = arith.constant 0 : i32
      %dma_wait3A_55 = arith.constant 0 : i32
      %dma_wait3A_56 = tpu.memref_slice %arg8[%dma_wait3A_54, %dma_wait3A_55] : memref<128x128xf32, #tpu.memory_space<vmem>> -> memref<120x128xf32, #tpu.memory_space<vmem>>
      tpu.wait_dma2 semaphore(%run_scoped3A : memref<!tpu.dma_semaphore, #tpu.memory_space<semaphore_mem>>) src(%dma_wait3A_56 : memref<120x128xf32, #tpu.memory_space<vmem>>) dst(%dma_wait3A_53 : memref<120x128xf32, #tpu.memory_space<vmem_shared>>)
      tpu.yield
    }) : () -> ()
    "tpu.region"() ({
      %run_scoped3A = tpu.sem_alloc : memref<!tpu.dma_semaphore, #tpu.memory_space<semaphore_mem>>
      %dma_start3A = arith.constant 0 : i32
      %dma_start3A_39 = arith.constant 0 : i32
      %dma_start3A_40 = tpu.memref_slice %arg3[%add3A, %dma_start3A, %dma_start3A_39] : memref<32x104x128xi32, #tpu.memory_space<hbm>> -> memref<1x104x128xi32, #tpu.memory_space<hbm>>
      %dma_start3A_41 = tpu.memref_squeeze %dma_start3A_40 : memref<1x104x128xi32, #tpu.memory_space<hbm>> -> memref<104x128xi32, #tpu.memory_space<hbm>>
      %dma_start3A_42 = arith.constant 0 : i32
      %dma_start3A_43 = arith.constant 0 : i32
      %dma_start3A_44 = tpu.memref_slice %arg3[%add3A, %dma_start3A_42, %dma_start3A_43] : memref<32x104x128xi32, #tpu.memory_space<hbm>> -> memref<1x104x128xi32, #tpu.memory_space<hbm>>
      %dma_start3A_45 = tpu.memref_squeeze %dma_start3A_44 : memref<1x104x128xi32, #tpu.memory_space<hbm>> -> memref<104x128xi32, #tpu.memory_space<hbm>>
      tpu.enqueue_dma source(%dma_start3A_45 : memref<104x128xi32, #tpu.memory_space<hbm>>) target(%arg6 : memref<104x128xi32, #tpu.memory_space<vmem>>) target_semaphore(%run_scoped3A : memref<!tpu.dma_semaphore, #tpu.memory_space<semaphore_mem>>)
      %dma_wait3A = arith.constant 0 : i32
      %dma_wait3A_46 = arith.constant 0 : i32
      %dma_wait3A_47 = tpu.memref_slice %arg3[%add3A, %dma_wait3A, %dma_wait3A_46] : memref<32x104x128xi32, #tpu.memory_space<hbm>> -> memref<1x104x128xi32, #tpu.memory_space<hbm>>
      %dma_wait3A_48 = tpu.memref_squeeze %dma_wait3A_47 : memref<1x104x128xi32, #tpu.memory_space<hbm>> -> memref<104x128xi32, #tpu.memory_space<hbm>>
      %dma_wait3A_49 = arith.constant 0 : i32
      %dma_wait3A_50 = arith.constant 0 : i32
      %dma_wait3A_51 = tpu.memref_slice %arg3[%add3A, %dma_wait3A_49, %dma_wait3A_50] : memref<32x104x128xi32, #tpu.memory_space<hbm>> -> memref<1x104x128xi32, #tpu.memory_space<hbm>>
      %dma_wait3A_52 = tpu.memref_squeeze %dma_wait3A_51 : memref<1x104x128xi32, #tpu.memory_space<hbm>> -> memref<104x128xi32, #tpu.memory_space<hbm>>
      tpu.wait_dma2 semaphore(%run_scoped3A : memref<!tpu.dma_semaphore, #tpu.memory_space<semaphore_mem>>) src(%dma_wait3A_52 : memref<104x128xi32, #tpu.memory_space<hbm>>) dst(%arg6 : memref<104x128xi32, #tpu.memory_space<vmem>>)
      tpu.yield
    }) : () -> ()
    "tpu.region"() ({
      %run_scoped3A = tpu.sem_alloc : memref<!tpu.dma_semaphore, #tpu.memory_space<semaphore_mem>>
      %dma_start3A = arith.constant 0 : i32
      %dma_start3A_39 = arith.constant 0 : i32
      %dma_start3A_40 = tpu.memref_slice %arg4[%add3A, %dma_start3A, %dma_start3A_39] : memref<32x104x128xi32, #tpu.memory_space<hbm>> -> memref<1x104x128xi32, #tpu.memory_space<hbm>>
      %dma_start3A_41 = tpu.memref_squeeze %dma_start3A_40 : memref<1x104x128xi32, #tpu.memory_space<hbm>> -> memref<104x128xi32, #tpu.memory_space<hbm>>
      %dma_start3A_42 = arith.constant 0 : i32
      %dma_start3A_43 = arith.constant 0 : i32
      %dma_start3A_44 = tpu.memref_slice %arg4[%add3A, %dma_start3A_42, %dma_start3A_43] : memref<32x104x128xi32, #tpu.memory_space<hbm>> -> memref<1x104x128xi32, #tpu.memory_space<hbm>>
      %dma_start3A_45 = tpu.memref_squeeze %dma_start3A_44 : memref<1x104x128xi32, #tpu.memory_space<hbm>> -> memref<104x128xi32, #tpu.memory_space<hbm>>
      tpu.enqueue_dma source(%dma_start3A_45 : memref<104x128xi32, #tpu.memory_space<hbm>>) target(%arg7 : memref<104x128xi32, #tpu.memory_space<vmem>>) target_semaphore(%run_scoped3A : memref<!tpu.dma_semaphore, #tpu.memory_space<semaphore_mem>>)
      %dma_wait3A = arith.constant 0 : i32
      %dma_wait3A_46 = arith.constant 0 : i32
      %dma_wait3A_47 = tpu.memref_slice %arg4[%add3A, %dma_wait3A, %dma_wait3A_46] : memref<32x104x128xi32, #tpu.memory_space<hbm>> -> memref<1x104x128xi32, #tpu.memory_space<hbm>>
      %dma_wait3A_48 = tpu.memref_squeeze %dma_wait3A_47 : memref<1x104x128xi32, #tpu.memory_space<hbm>> -> memref<104x128xi32, #tpu.memory_space<hbm>>
      %dma_wait3A_49 = arith.constant 0 : i32
      %dma_wait3A_50 = arith.constant 0 : i32
      %dma_wait3A_51 = tpu.memref_slice %arg4[%add3A, %dma_wait3A_49, %dma_wait3A_50] : memref<32x104x128xi32, #tpu.memory_space<hbm>> -> memref<1x104x128xi32, #tpu.memory_space<hbm>>
      %dma_wait3A_52 = tpu.memref_squeeze %dma_wait3A_51 : memref<1x104x128xi32, #tpu.memory_space<hbm>> -> memref<104x128xi32, #tpu.memory_space<hbm>>
      tpu.wait_dma2 semaphore(%run_scoped3A : memref<!tpu.dma_semaphore, #tpu.memory_space<semaphore_mem>>) src(%dma_wait3A_52 : memref<104x128xi32, #tpu.memory_space<hbm>>) dst(%arg7 : memref<104x128xi32, #tpu.memory_space<vmem>>)
      tpu.yield
    }) : () -> ()
    %barrier3A = arith.constant 0 : index
    tpu.barrier barrier_id(%barrier3A)
    %eq3A = arith.constant 0 : i32
    %eq3A_18 = arith.cmpi eq, %arg0, %eq3A : i32
    %select_n3A = arith.constant 54 : i32
    %select_n3A_19 = arith.constant 104 : i32
    %select_n3A_20 = arith.select %eq3A_18, %select_n3A_19, %select_n3A : i32
    %sub3A_21 = arith.constant 0 : i32
    %sub3A_22 = arith.subi %select_n3A_20, %sub3A_21 : i32
    %sub3A_23 = arith.constant 1 : i32
    %sub3A_24 = arith.constant 1 : i32
    %sub3A_25 = arith.subi %sub3A_23, %sub3A_24 : i32
    %add3A_26 = arith.addi %sub3A_22, %sub3A_25 : i32
    %div3A = arith.constant 1 : i32
    %div3A_27 = arith.divsi %add3A_26, %div3A : i32
    %while3A = arith.constant 1 : i32
    %while3A_28 = arith.constant 0 : i32
    %while3A_29 = arith.constant 0 : i32
    %while3A_30 = arith.subi %div3A_27, %while3A_29 : i32
    %while3A_31 = arith.addi %while3A_29, %while3A_30 : i32
    %while3A_32 = arith.constant 1 : i32
    %while3A_33 = arith.divsi %while3A_30, %while3A_32 : i32
    %while3A_34 = arith.muli %while3A_33, %while3A_32 : i32
    %while3A_35 = arith.addi %while3A_29, %while3A_34 : i32
    %while3A_36 = arith.constant 1 : i32
    scf.for %while3A_39 = %while3A_29 to %while3A_35 step %while3A_36  : i32 {
      %mul3A_40 = arith.muli %while3A_39, %while3A : i32
      %add3A_41 = arith.addi %while3A_28, %mul3A_40 : i32
      %dma_start3A = arith.constant 0 : i32
      %dma_start3A_42 = tpu.memref_slice %arg6[%add3A_41, %dma_start3A] : memref<104x128xi32, #tpu.memory_space<vmem>> -> memref<1x128xi32, #tpu.memory_space<vmem>>
      %dma_start3A_43 = tpu.memref_squeeze %dma_start3A_42 : memref<1x128xi32, #tpu.memory_space<vmem>> -> memref<128xi32, #tpu.memory_space<vmem>>
      %dma_start3A_44 = arith.constant 0 : i32
      %dma_start3A_45 = arith.constant 0 : i32
      %dma_start3A_46 = tpu.memref_slice %arg2[%dma_start3A_44, %dma_start3A_45] : memref<10112x128xf32, #tpu.memory_space<hbm>> -> memref<10112x128xf32, #tpu.memory_space<hbm>>
      tpu.enqueue_indirect_dma source(%dma_start3A_46 : memref<10112x128xf32, #tpu.memory_space<hbm>>) target(%arg8 : memref<128x128xf32, #tpu.memory_space<vmem>>) offsets(%dma_start3A_43 : memref<128xi32, #tpu.memory_space<vmem>>) semaphore(%arg10 : memref<!tpu.dma_semaphore, #tpu.memory_space<semaphore_mem>>)
      %dma_wait3A = arith.constant 0 : i32
      %dma_wait3A_47 = tpu.memref_slice %arg6[%add3A_41, %dma_wait3A] : memref<104x128xi32, #tpu.memory_space<vmem>> -> memref<1x128xi32, #tpu.memory_space<vmem>>
      %dma_wait3A_48 = tpu.memref_squeeze %dma_wait3A_47 : memref<1x128xi32, #tpu.memory_space<vmem>> -> memref<128xi32, #tpu.memory_space<vmem>>
      %dma_wait3A_49 = arith.constant 0 : i32
      %dma_wait3A_50 = arith.constant 0 : i32
      %dma_wait3A_51 = tpu.memref_slice %arg2[%dma_wait3A_49, %dma_wait3A_50] : memref<10112x128xf32, #tpu.memory_space<hbm>> -> memref<10112x128xf32, #tpu.memory_space<hbm>>
      tpu.wait_indirect_dma semaphore(%arg10 : memref<!tpu.dma_semaphore, #tpu.memory_space<semaphore_mem>>) src(%dma_wait3A_51 : memref<10112x128xf32, #tpu.memory_space<hbm>>) dst(%arg8 : memref<128x128xf32, #tpu.memory_space<vmem>>)
      "tpu.region"() ({
        %run_scoped3A = tpu.sem_alloc : memref<!tpu.dma_semaphore, #tpu.memory_space<semaphore_mem>>
        %dma_start3A_52 = arith.constant 0 : i32
        %dma_start3A_53 = tpu.memref_slice %arg7[%add3A_41, %dma_start3A_52] : memref<104x128xi32, #tpu.memory_space<vmem>> -> memref<1x128xi32, #tpu.memory_space<vmem>>
        %dma_start3A_54 = tpu.memref_squeeze %dma_start3A_53 : memref<1x128xi32, #tpu.memory_space<vmem>> -> memref<128xi32, #tpu.memory_space<vmem>>
        %dma_start3A_55 = arith.constant 0 : i32
        %dma_start3A_56 = arith.constant 0 : i32
        %dma_start3A_57 = tpu.memref_slice %arg9[%dma_start3A_55, %dma_start3A_56] : memref<10112x128xf32, #tpu.memory_space<vmem_shared>> -> memref<10112x128xf32, #tpu.memory_space<vmem_shared>>
        tpu.enqueue_indirect_dma source(%arg8 : memref<128x128xf32, #tpu.memory_space<vmem>>) target(%dma_start3A_57 : memref<10112x128xf32, #tpu.memory_space<vmem_shared>>) offsets(%dma_start3A_54 : memref<128xi32, #tpu.memory_space<vmem>>) semaphore(%run_scoped3A : memref<!tpu.dma_semaphore, #tpu.memory_space<semaphore_mem>>) {add = true}
        %dma_wait3A_58 = arith.constant 0 : i32
        %dma_wait3A_59 = tpu.memref_slice %arg7[%add3A_41, %dma_wait3A_58] : memref<104x128xi32, #tpu.memory_space<vmem>> -> memref<1x128xi32, #tpu.memory_space<vmem>>
        %dma_wait3A_60 = tpu.memref_squeeze %dma_wait3A_59 : memref<1x128xi32, #tpu.memory_space<vmem>> -> memref<128xi32, #tpu.memory_space<vmem>>
        %dma_wait3A_61 = arith.constant 0 : i32
        %dma_wait3A_62 = arith.constant 0 : i32
        %dma_wait3A_63 = tpu.memref_slice %arg9[%dma_wait3A_61, %dma_wait3A_62] : memref<10112x128xf32, #tpu.memory_space<vmem_shared>> -> memref<10112x128xf32, #tpu.memory_space<vmem_shared>>
        tpu.wait_indirect_dma semaphore(%run_scoped3A : memref<!tpu.dma_semaphore, #tpu.memory_space<semaphore_mem>>) src(%arg8 : memref<128x128xf32, #tpu.memory_space<vmem>>) dst(%dma_wait3A_63 : memref<10112x128xf32, #tpu.memory_space<vmem_shared>>)
        tpu.yield
      }) : () -> ()
    }
    %while3A_37 = arith.constant 1 : i32
    scf.for %while3A_39 = %while3A_35 to %while3A_31 step %while3A_37  : i32 {
      %mul3A_40 = arith.muli %while3A_39, %while3A : i32
      %add3A_41 = arith.addi %while3A_28, %mul3A_40 : i32
      %dma_start3A = arith.constant 0 : i32
      %dma_start3A_42 = tpu.memref_slice %arg6[%add3A_41, %dma_start3A] : memref<104x128xi32, #tpu.memory_space<vmem>> -> memref<1x128xi32, #tpu.memory_space<vmem>>
      %dma_start3A_43 = tpu.memref_squeeze %dma_start3A_42 : memref<1x128xi32, #tpu.memory_space<vmem>> -> memref<128xi32, #tpu.memory_space<vmem>>
      %dma_start3A_44 = arith.constant 0 : i32
      %dma_start3A_45 = arith.constant 0 : i32
      %dma_start3A_46 = tpu.memref_slice %arg2[%dma_start3A_44, %dma_start3A_45] : memref<10112x128xf32, #tpu.memory_space<hbm>> -> memref<10112x128xf32, #tpu.memory_space<hbm>>
      tpu.enqueue_indirect_dma source(%dma_start3A_46 : memref<10112x128xf32, #tpu.memory_space<hbm>>) target(%arg8 : memref<128x128xf32, #tpu.memory_space<vmem>>) offsets(%dma_start3A_43 : memref<128xi32, #tpu.memory_space<vmem>>) semaphore(%arg10 : memref<!tpu.dma_semaphore, #tpu.memory_space<semaphore_mem>>)
      %dma_wait3A = arith.constant 0 : i32
      %dma_wait3A_47 = tpu.memref_slice %arg6[%add3A_41, %dma_wait3A] : memref<104x128xi32, #tpu.memory_space<vmem>> -> memref<1x128xi32, #tpu.memory_space<vmem>>
      %dma_wait3A_48 = tpu.memref_squeeze %dma_wait3A_47 : memref<1x128xi32, #tpu.memory_space<vmem>> -> memref<128xi32, #tpu.memory_space<vmem>>
      %dma_wait3A_49 = arith.constant 0 : i32
      %dma_wait3A_50 = arith.constant 0 : i32
      %dma_wait3A_51 = tpu.memref_slice %arg2[%dma_wait3A_49, %dma_wait3A_50] : memref<10112x128xf32, #tpu.memory_space<hbm>> -> memref<10112x128xf32, #tpu.memory_space<hbm>>
      tpu.wait_indirect_dma semaphore(%arg10 : memref<!tpu.dma_semaphore, #tpu.memory_space<semaphore_mem>>) src(%dma_wait3A_51 : memref<10112x128xf32, #tpu.memory_space<hbm>>) dst(%arg8 : memref<128x128xf32, #tpu.memory_space<vmem>>)
      "tpu.region"() ({
        %run_scoped3A = tpu.sem_alloc : memref<!tpu.dma_semaphore, #tpu.memory_space<semaphore_mem>>
        %dma_start3A_52 = arith.constant 0 : i32
        %dma_start3A_53 = tpu.memref_slice %arg7[%add3A_41, %dma_start3A_52] : memref<104x128xi32, #tpu.memory_space<vmem>> -> memref<1x128xi32, #tpu.memory_space<vmem>>
        %dma_start3A_54 = tpu.memref_squeeze %dma_start3A_53 : memref<1x128xi32, #tpu.memory_space<vmem>> -> memref<128xi32, #tpu.memory_space<vmem>>
        %dma_start3A_55 = arith.constant 0 : i32
        %dma_start3A_56 = arith.constant 0 : i32
        %dma_start3A_57 = tpu.memref_slice %arg9[%dma_start3A_55, %dma_start3A_56] : memref<10112x128xf32, #tpu.memory_space<vmem_shared>> -> memref<10112x128xf32, #tpu.memory_space<vmem_shared>>
        tpu.enqueue_indirect_dma source(%arg8 : memref<128x128xf32, #tpu.memory_space<vmem>>) target(%dma_start3A_57 : memref<10112x128xf32, #tpu.memory_space<vmem_shared>>) offsets(%dma_start3A_54 : memref<128xi32, #tpu.memory_space<vmem>>) semaphore(%run_scoped3A : memref<!tpu.dma_semaphore, #tpu.memory_space<semaphore_mem>>) {add = true}
        %dma_wait3A_58 = arith.constant 0 : i32
        %dma_wait3A_59 = tpu.memref_slice %arg7[%add3A_41, %dma_wait3A_58] : memref<104x128xi32, #tpu.memory_space<vmem>> -> memref<1x128xi32, #tpu.memory_space<vmem>>
        %dma_wait3A_60 = tpu.memref_squeeze %dma_wait3A_59 : memref<1x128xi32, #tpu.memory_space<vmem>> -> memref<128xi32, #tpu.memory_space<vmem>>
        %dma_wait3A_61 = arith.constant 0 : i32
        %dma_wait3A_62 = arith.constant 0 : i32
        %dma_wait3A_63 = tpu.memref_slice %arg9[%dma_wait3A_61, %dma_wait3A_62] : memref<10112x128xf32, #tpu.memory_space<vmem_shared>> -> memref<10112x128xf32, #tpu.memory_space<vmem_shared>>
        tpu.wait_indirect_dma semaphore(%run_scoped3A : memref<!tpu.dma_semaphore, #tpu.memory_space<semaphore_mem>>) src(%arg8 : memref<128x128xf32, #tpu.memory_space<vmem>>) dst(%dma_wait3A_63 : memref<10112x128xf32, #tpu.memory_space<vmem_shared>>)
        tpu.yield
      }) : () -> ()
    }
    %barrier3A_38 = arith.constant 0 : index
    tpu.barrier barrier_id(%barrier3A_38)
    "tpu.region"() ({
      %run_scoped3A = tpu.sem_alloc : memref<!tpu.dma_semaphore, #tpu.memory_space<semaphore_mem>>
      %dma_start3A = arith.constant 0 : i32
      %dma_start3A_39 = tpu.memref_slice %arg5[%arg0, %mul3A_6, %dma_start3A] : memref<2x10112x128xf32, #tpu.memory_space<hbm>> -> memref<1x632x128xf32, #tpu.memory_space<hbm>>
      %dma_start3A_40 = tpu.memref_squeeze %dma_start3A_39 : memref<1x632x128xf32, #tpu.memory_space<hbm>> -> memref<632x128xf32, #tpu.memory_space<hbm>>
      %dma_start3A_41 = arith.constant 0 : i32
      %dma_start3A_42 = tpu.memref_slice %arg9[%mul3A_6, %dma_start3A_41] : memref<10112x128xf32, #tpu.memory_space<vmem_shared>> -> memref<632x128xf32, #tpu.memory_space<vmem_shared>>
      tpu.enqueue_dma source(%dma_start3A_42 : memref<632x128xf32, #tpu.memory_space<vmem_shared>>) target(%dma_start3A_40 : memref<632x128xf32, #tpu.memory_space<hbm>>) target_semaphore(%run_scoped3A : memref<!tpu.dma_semaphore, #tpu.memory_space<semaphore_mem>>)
      %dma_wait3A = arith.constant 0 : i32
      %dma_wait3A_43 = tpu.memref_slice %arg5[%arg0, %mul3A_6, %dma_wait3A] : memref<2x10112x128xf32, #tpu.memory_space<hbm>> -> memref<1x632x128xf32, #tpu.memory_space<hbm>>
      %dma_wait3A_44 = tpu.memref_squeeze %dma_wait3A_43 : memref<1x632x128xf32, #tpu.memory_space<hbm>> -> memref<632x128xf32, #tpu.memory_space<hbm>>
      %dma_wait3A_45 = arith.constant 0 : i32
      %dma_wait3A_46 = tpu.memref_slice %arg9[%mul3A_6, %dma_wait3A_45] : memref<10112x128xf32, #tpu.memory_space<vmem_shared>> -> memref<632x128xf32, #tpu.memory_space<vmem_shared>>
      tpu.wait_dma2 semaphore(%run_scoped3A : memref<!tpu.dma_semaphore, #tpu.memory_space<semaphore_mem>>) src(%dma_wait3A_46 : memref<632x128xf32, #tpu.memory_space<vmem_shared>>) dst(%dma_wait3A_44 : memref<632x128xf32, #tpu.memory_space<hbm>>)
      tpu.yield
    }) : () -> ()
    return
  }
}

#map = affine_map<(d0, d1) -> (0, 0)>
#map1 = affine_map<(d0, d1) -> (0, 0, 0)>
module attributes {stable_mosaic.version = 14 : i64} {
  func.func @k(%arg0: i32, %arg1: i32, %arg2: memref<10112x128xf32, #tpu.memory_space<hbm>>, %arg3: memref<32x104x128xi32, #tpu.memory_space<hbm>>, %arg4: memref<32x104x128xi32, #tpu.memory_space<hbm>>, %arg5: memref<2x10112x128xf32, #tpu.memory_space<hbm>>, %arg6: memref<104x128xi32, #tpu.memory_space<vmem>>, %arg7: memref<104x128xi32, #tpu.memory_space<vmem>>, %arg8: memref<128x128xf32, #tpu.memory_space<vmem>>, %arg9: memref<10112x128xf32, #tpu.memory_space<vmem_shared>>, %arg10: memref<!tpu.dma_semaphore, #tpu.memory_space<semaphore_mem>>) attributes {dimension_semantics = [#tpu.dimension_semantics<core_parallel>, #tpu.dimension_semantics<subcore_parallel>], iteration_bounds = array<i64: 2, 16>, scalar_prefetch = 0 : i64, scratch_operands = 5 : i64, tpu.core_type = #tpu.core_type<sc_vector_subcore>, window_params = [{transform_indices = #map}, {transform_indices = #map1}, {transform_indices = #map1}, {transform_indices = #map1}]} {
    %mul3A = arith.constant 16 : i32
    %mul3A_0 = arith.muli %arg0, %mul3A : i32
    %add3A = arith.addi %mul3A_0, %arg1 : i32
    %scan3A = arith.constant 0 : i32
    %scan3A_1 = arith.constant 128 : i32
    %scan3A_2 = arith.addi %scan3A, %scan3A_1 : i32
    %scan3A_3 = arith.constant 1 : i32
    scf.for %scan3A_39 = %scan3A to %scan3A_2 step %scan3A_3  : i32 {
      %mul3A_40 = arith.constant 1 : i32
      %mul3A_41 = arith.muli %scan3A_39, %mul3A_40 : i32
      %add3A_42 = arith.constant 0 : i32
      %add3A_43 = arith.addi %add3A_42, %mul3A_41 : i32
      %scan3A_44 = arith.constant 0 : i32
      %scan3A_45 = arith.constant 8 : i32
      %scan3A_46 = arith.addi %scan3A_44, %scan3A_45 : i32
      %scan3A_47 = arith.constant 1 : i32
      scf.for %scan3A_49 = %scan3A_44 to %scan3A_46 step %scan3A_47  : i32 {
        %mul3A_50 = arith.constant 16 : i32
        %mul3A_51 = arith.muli %scan3A_49, %mul3A_50 : i32
        %add3A_52 = arith.constant 0 : i32
        %add3A_53 = arith.addi %add3A_52, %mul3A_51 : i32
        %broadcast_in_dim3A = arith.constant 0.000000e+00 : f32
        %broadcast_in_dim3A_54 = vector.broadcast %broadcast_in_dim3A : f32 to vector<16xf32>
        %swap3A = arith.index_cast %add3A_43 : i32 to index
        %swap3A_55 = arith.index_cast %add3A_53 : i32 to index
        %swap3A_56 = tpu.vector_load %arg8[%swap3A, %swap3A_55] {strides = array<i32>} : memref<128x128xf32, #tpu.memory_space<vmem>>, vector<1x16xf32>,
        %swap3A_57 = vector.shape_cast %swap3A_56 : vector<1x16xf32> to vector<16xf32>
        %swap3A_58 = vector.shape_cast %broadcast_in_dim3A_54 : vector<16xf32> to vector<1x16xf32>
        tpu.vector_store %arg8[%swap3A, %swap3A_55], %swap3A_58 {strides = array<i32>} : memref<128x128xf32, #tpu.memory_space<vmem>>, vector<1x16xf32>,
      }
      %scan3A_48 = arith.constant 8 : i32
    }
    %scan3A_4 = arith.constant 128 : i32
    %mul3A_5 = arith.constant 632 : i32
    %mul3A_6 = arith.muli %arg1, %mul3A_5 : i32
    %add3A_7 = arith.constant 0 : i32
    %add3A_8 = arith.addi %mul3A_6, %add3A_7 : i32
    "tpu.region"() ({
      %run_scoped3A = tpu.sem_alloc : memref<!tpu.dma_semaphore, #tpu.memory_space<semaphore_mem>>
      %dma_start3A = arith.constant 0 : i32
      %dma_start3A_39 = tpu.memref_slice %arg9[%add3A_8, %dma_start3A] : memref<10112x128xf32, #tpu.memory_space<vmem_shared>> -> memref<128x128xf32, #tpu.memory_space<vmem_shared>>
      %dma_start3A_40 = arith.constant 0 : i32
      %dma_start3A_41 = tpu.memref_slice %arg9[%add3A_8, %dma_start3A_40] : memref<10112x128xf32, #tpu.memory_space<vmem_shared>> -> memref<128x128xf32, #tpu.memory_space<vmem_shared>>
      tpu.enqueue_dma source(%arg8 : memref<128x128xf32, #tpu.memory_space<vmem>>) target(%dma_start3A_41 : memref<128x128xf32, #tpu.memory_space<vmem_shared>>) target_semaphore(%run_scoped3A : memref<!tpu.dma_semaphore, #tpu.memory_space<semaphore_mem>>)
      %dma_wait3A = arith.constant 0 : i32
      %dma_wait3A_42 = tpu.memref_slice %arg9[%add3A_8, %dma_wait3A] : memref<10112x128xf32, #tpu.memory_space<vmem_shared>> -> memref<128x128xf32, #tpu.memory_space<vmem_shared>>
      %dma_wait3A_43 = arith.constant 0 : i32
      %dma_wait3A_44 = tpu.memref_slice %arg9[%add3A_8, %dma_wait3A_43] : memref<10112x128xf32, #tpu.memory_space<vmem_shared>> -> memref<128x128xf32, #tpu.memory_space<vmem_shared>>
      tpu.wait_dma2 semaphore(%run_scoped3A : memref<!tpu.dma_semaphore, #tpu.memory_space<semaphore_mem>>) src(%arg8 : memref<128x128xf32, #tpu.memory_space<vmem>>) dst(%dma_wait3A_44 : memref<128x128xf32, #tpu.memory_space<vmem_shared>>)
      tpu.yield
    }) : () -> ()
    %add3A_9 = arith.constant 128 : i32
    %add3A_10 = arith.addi %mul3A_6, %add3A_9 : i32
    "tpu.region"() ({
      %run_scoped3A = tpu.sem_alloc : memref<!tpu.dma_semaphore, #tpu.memory_space<semaphore_mem>>
      %dma_start3A = arith.constant 0 : i32
      %dma_start3A_39 = tpu.memref_slice %arg9[%add3A_10, %dma_start3A] : memref<10112x128xf32, #tpu.memory_space<vmem_shared>> -> memref<128x128xf32, #tpu.memory_space<vmem_shared>>
      %dma_start3A_40 = arith.constant 0 : i32
      %dma_start3A_41 = tpu.memref_slice %arg9[%add3A_10, %dma_start3A_40] : memref<10112x128xf32, #tpu.memory_space<vmem_shared>> -> memref<128x128xf32, #tpu.memory_space<vmem_shared>>
      tpu.enqueue_dma source(%arg8 : memref<128x128xf32, #tpu.memory_space<vmem>>) target(%dma_start3A_41 : memref<128x128xf32, #tpu.memory_space<vmem_shared>>) target_semaphore(%run_scoped3A : memref<!tpu.dma_semaphore, #tpu.memory_space<semaphore_mem>>)
      %dma_wait3A = arith.constant 0 : i32
      %dma_wait3A_42 = tpu.memref_slice %arg9[%add3A_10, %dma_wait3A] : memref<10112x128xf32, #tpu.memory_space<vmem_shared>> -> memref<128x128xf32, #tpu.memory_space<vmem_shared>>
      %dma_wait3A_43 = arith.constant 0 : i32
      %dma_wait3A_44 = tpu.memref_slice %arg9[%add3A_10, %dma_wait3A_43] : memref<10112x128xf32, #tpu.memory_space<vmem_shared>> -> memref<128x128xf32, #tpu.memory_space<vmem_shared>>
      tpu.wait_dma2 semaphore(%run_scoped3A : memref<!tpu.dma_semaphore, #tpu.memory_space<semaphore_mem>>) src(%arg8 : memref<128x128xf32, #tpu.memory_space<vmem>>) dst(%dma_wait3A_44 : memref<128x128xf32, #tpu.memory_space<vmem_shared>>)
      tpu.yield
    }) : () -> ()
    %add3A_11 = arith.constant 256 : i32
    %add3A_12 = arith.addi %mul3A_6, %add3A_11 : i32
    "tpu.region"() ({
      %run_scoped3A = tpu.sem_alloc : memref<!tpu.dma_semaphore, #tpu.memory_space<semaphore_mem>>
      %dma_start3A = arith.constant 0 : i32
      %dma_start3A_39 = tpu.memref_slice %arg9[%add3A_12, %dma_start3A] : memref<10112x128xf32, #tpu.memory_space<vmem_shared>> -> memref<128x128xf32, #tpu.memory_space<vmem_shared>>
      %dma_start3A_40 = arith.constant 0 : i32
      %dma_start3A_41 = tpu.memref_slice %arg9[%add3A_12, %dma_start3A_40] : memref<10112x128xf32, #tpu.memory_space<vmem_shared>> -> memref<128x128xf32, #tpu.memory_space<vmem_shared>>
      tpu.enqueue_dma source(%arg8 : memref<128x128xf32, #tpu.memory_space<vmem>>) target(%dma_start3A_41 : memref<128x128xf32, #tpu.memory_space<vmem_shared>>) target_semaphore(%run_scoped3A : memref<!tpu.dma_semaphore, #tpu.memory_space<semaphore_mem>>)
      %dma_wait3A = arith.constant 0 : i32
      %dma_wait3A_42 = tpu.memref_slice %arg9[%add3A_12, %dma_wait3A] : memref<10112x128xf32, #tpu.memory_space<vmem_shared>> -> memref<128x128xf32, #tpu.memory_space<vmem_shared>>
      %dma_wait3A_43 = arith.constant 0 : i32
      %dma_wait3A_44 = tpu.memref_slice %arg9[%add3A_12, %dma_wait3A_43] : memref<10112x128xf32, #tpu.memory_space<vmem_shared>> -> memref<128x128xf32, #tpu.memory_space<vmem_shared>>
      tpu.wait_dma2 semaphore(%run_scoped3A : memref<!tpu.dma_semaphore, #tpu.memory_space<semaphore_mem>>) src(%arg8 : memref<128x128xf32, #tpu.memory_space<vmem>>) dst(%dma_wait3A_44 : memref<128x128xf32, #tpu.memory_space<vmem_shared>>)
      tpu.yield
    }) : () -> ()
    %add3A_13 = arith.constant 384 : i32
    %add3A_14 = arith.addi %mul3A_6, %add3A_13 : i32
    "tpu.region"() ({
      %run_scoped3A = tpu.sem_alloc : memref<!tpu.dma_semaphore, #tpu.memory_space<semaphore_mem>>
      %dma_start3A = arith.constant 0 : i32
      %dma_start3A_39 = tpu.memref_slice %arg9[%add3A_14, %dma_start3A] : memref<10112x128xf32, #tpu.memory_space<vmem_shared>> -> memref<128x128xf32, #tpu.memory_space<vmem_shared>>
      %dma_start3A_40 = arith.constant 0 : i32
      %dma_start3A_41 = tpu.memref_slice %arg9[%add3A_14, %dma_start3A_40] : memref<10112x128xf32, #tpu.memory_space<vmem_shared>> -> memref<128x128xf32, #tpu.memory_space<vmem_shared>>
      tpu.enqueue_dma source(%arg8 : memref<128x128xf32, #tpu.memory_space<vmem>>) target(%dma_start3A_41 : memref<128x128xf32, #tpu.memory_space<vmem_shared>>) target_semaphore(%run_scoped3A : memref<!tpu.dma_semaphore, #tpu.memory_space<semaphore_mem>>)
      %dma_wait3A = arith.constant 0 : i32
      %dma_wait3A_42 = tpu.memref_slice %arg9[%add3A_14, %dma_wait3A] : memref<10112x128xf32, #tpu.memory_space<vmem_shared>> -> memref<128x128xf32, #tpu.memory_space<vmem_shared>>
      %dma_wait3A_43 = arith.constant 0 : i32
      %dma_wait3A_44 = tpu.memref_slice %arg9[%add3A_14, %dma_wait3A_43] : memref<10112x128xf32, #tpu.memory_space<vmem_shared>> -> memref<128x128xf32, #tpu.memory_space<vmem_shared>>
      tpu.wait_dma2 semaphore(%run_scoped3A : memref<!tpu.dma_semaphore, #tpu.memory_space<semaphore_mem>>) src(%arg8 : memref<128x128xf32, #tpu.memory_space<vmem>>) dst(%dma_wait3A_44 : memref<128x128xf32, #tpu.memory_space<vmem_shared>>)
      tpu.yield
    }) : () -> ()
    %add3A_15 = arith.constant 632 : i32
    %add3A_16 = arith.addi %mul3A_6, %add3A_15 : i32
    %sub3A = arith.constant 120 : i32
    %sub3A_17 = arith.subi %add3A_16, %sub3A : i32
    "tpu.region"() ({
      %run_scoped3A = tpu.sem_alloc : memref<!tpu.dma_semaphore, #tpu.memory_space<semaphore_mem>>
      %dma_start3A = arith.constant 0 : i32
      %dma_start3A_39 = arith.constant 0 : i32
      %dma_start3A_40 = tpu.memref_slice %arg8[%dma_start3A, %dma_start3A_39] : memref<128x128xf32, #tpu.memory_space<vmem>> -> memref<120x128xf32, #tpu.memory_space<vmem>>
      %dma_start3A_41 = arith.constant 0 : i32
      %dma_start3A_42 = tpu.memref_slice %arg9[%sub3A_17, %dma_start3A_41] : memref<10112x128xf32, #tpu.memory_space<vmem_shared>> -> memref<120x128xf32, #tpu.memory_space<vmem_shared>>
      %dma_start3A_43 = arith.constant 0 : i32
      %dma_start3A_44 = tpu.memref_slice %arg9[%sub3A_17, %dma_start3A_43] : memref<10112x128xf32, #tpu.memory_space<vmem_shared>> -> memref<120x128xf32, #tpu.memory_space<vmem_shared>>
      %dma_start3A_45 = arith.constant 0 : i32
      %dma_start3A_46 = arith.constant 0 : i32
      %dma_start3A_47 = tpu.memref_slice %arg8[%dma_start3A_45, %dma_start3A_46] : memref<128x128xf32, #tpu.memory_space<vmem>> -> memref<120x128xf32, #tpu.memory_space<vmem>>
      tpu.enqueue_dma source(%dma_start3A_47 : memref<120x128xf32, #tpu.memory_space<vmem>>) target(%dma_start3A_44 : memref<120x128xf32, #tpu.memory_space<vmem_shared>>) target_semaphore(%run_scoped3A : memref<!tpu.dma_semaphore, #tpu.memory_space<semaphore_mem>>)
      %dma_wait3A = arith.constant 0 : i32
      %dma_wait3A_48 = arith.constant 0 : i32
      %dma_wait3A_49 = tpu.memref_slice %arg8[%dma_wait3A, %dma_wait3A_48] : memref<128x128xf32, #tpu.memory_space<vmem>> -> memref<120x128xf32, #tpu.memory_space<vmem>>
      %dma_wait3A_50 = arith.constant 0 : i32
      %dma_wait3A_51 = tpu.memref_slice %arg9[%sub3A_17, %dma_wait3A_50] : memref<10112x128xf32, #tpu.memory_space<vmem_shared>> -> memref<120x128xf32, #tpu.memory_space<vmem_shared>>
      %dma_wait3A_52 = arith.constant 0 : i32
      %dma_wait3A_53 = tpu.memref_slice %arg9[%sub3A_17, %dma_wait3A_52] : memref<10112x128xf32, #tpu.memory_space<vmem_shared>> -> memref<120x128xf32, #tpu.memory_space<vmem_shared>>
      %dma_wait3A_54 = arith.constant 0 : i32
      %dma_wait3A_55 = arith.constant 0 : i32
      %dma_wait3A_56 = tpu.memref_slice %arg8[%dma_wait3A_54, %dma_wait3A_55] : memref<128x128xf32, #tpu.memory_space<vmem>> -> memref<120x128xf32, #tpu.memory_space<vmem>>
      tpu.wait_dma2 semaphore(%run_scoped3A : memref<!tpu.dma_semaphore, #tpu.memory_space<semaphore_mem>>) src(%dma_wait3A_56 : memref<120x128xf32, #tpu.memory_space<vmem>>) dst(%dma_wait3A_53 : memref<120x128xf32, #tpu.memory_space<vmem_shared>>)
      tpu.yield
    }) : () -> ()
    "tpu.region"() ({
      %run_scoped3A = tpu.sem_alloc : memref<!tpu.dma_semaphore, #tpu.memory_space<semaphore_mem>>
      %dma_start3A = arith.constant 0 : i32
      %dma_start3A_39 = arith.constant 0 : i32
      %dma_start3A_40 = tpu.memref_slice %arg3[%add3A, %dma_start3A, %dma_start3A_39] : memref<32x104x128xi32, #tpu.memory_space<hbm>> -> memref<1x104x128xi32, #tpu.memory_space<hbm>>
      %dma_start3A_41 = tpu.memref_squeeze %dma_start3A_40 : memref<1x104x128xi32, #tpu.memory_space<hbm>> -> memref<104x128xi32, #tpu.memory_space<hbm>>
      %dma_start3A_42 = arith.constant 0 : i32
      %dma_start3A_43 = arith.constant 0 : i32
      %dma_start3A_44 = tpu.memref_slice %arg3[%add3A, %dma_start3A_42, %dma_start3A_43] : memref<32x104x128xi32, #tpu.memory_space<hbm>> -> memref<1x104x128xi32, #tpu.memory_space<hbm>>
      %dma_start3A_45 = tpu.memref_squeeze %dma_start3A_44 : memref<1x104x128xi32, #tpu.memory_space<hbm>> -> memref<104x128xi32, #tpu.memory_space<hbm>>
      tpu.enqueue_dma source(%dma_start3A_45 : memref<104x128xi32, #tpu.memory_space<hbm>>) target(%arg6 : memref<104x128xi32, #tpu.memory_space<vmem>>) target_semaphore(%run_scoped3A : memref<!tpu.dma_semaphore, #tpu.memory_space<semaphore_mem>>)
      %dma_wait3A = arith.constant 0 : i32
      %dma_wait3A_46 = arith.constant 0 : i32
      %dma_wait3A_47 = tpu.memref_slice %arg3[%add3A, %dma_wait3A, %dma_wait3A_46] : memref<32x104x128xi32, #tpu.memory_space<hbm>> -> memref<1x104x128xi32, #tpu.memory_space<hbm>>
      %dma_wait3A_48 = tpu.memref_squeeze %dma_wait3A_47 : memref<1x104x128xi32, #tpu.memory_space<hbm>> -> memref<104x128xi32, #tpu.memory_space<hbm>>
      %dma_wait3A_49 = arith.constant 0 : i32
      %dma_wait3A_50 = arith.constant 0 : i32
      %dma_wait3A_51 = tpu.memref_slice %arg3[%add3A, %dma_wait3A_49, %dma_wait3A_50] : memref<32x104x128xi32, #tpu.memory_space<hbm>> -> memref<1x104x128xi32, #tpu.memory_space<hbm>>
      %dma_wait3A_52 = tpu.memref_squeeze %dma_wait3A_51 : memref<1x104x128xi32, #tpu.memory_space<hbm>> -> memref<104x128xi32, #tpu.memory_space<hbm>>
      tpu.wait_dma2 semaphore(%run_scoped3A : memref<!tpu.dma_semaphore, #tpu.memory_space<semaphore_mem>>) src(%dma_wait3A_52 : memref<104x128xi32, #tpu.memory_space<hbm>>) dst(%arg6 : memref<104x128xi32, #tpu.memory_space<vmem>>)
      tpu.yield
    }) : () -> ()
    "tpu.region"() ({
      %run_scoped3A = tpu.sem_alloc : memref<!tpu.dma_semaphore, #tpu.memory_space<semaphore_mem>>
      %dma_start3A = arith.constant 0 : i32
      %dma_start3A_39 = arith.constant 0 : i32
      %dma_start3A_40 = tpu.memref_slice %arg4[%add3A, %dma_start3A, %dma_start3A_39] : memref<32x104x128xi32, #tpu.memory_space<hbm>> -> memref<1x104x128xi32, #tpu.memory_space<hbm>>
      %dma_start3A_41 = tpu.memref_squeeze %dma_start3A_40 : memref<1x104x128xi32, #tpu.memory_space<hbm>> -> memref<104x128xi32, #tpu.memory_space<hbm>>
      %dma_start3A_42 = arith.constant 0 : i32
      %dma_start3A_43 = arith.constant 0 : i32
      %dma_start3A_44 = tpu.memref_slice %arg4[%add3A, %dma_start3A_42, %dma_start3A_43] : memref<32x104x128xi32, #tpu.memory_space<hbm>> -> memref<1x104x128xi32, #tpu.memory_space<hbm>>
      %dma_start3A_45 = tpu.memref_squeeze %dma_start3A_44 : memref<1x104x128xi32, #tpu.memory_space<hbm>> -> memref<104x128xi32, #tpu.memory_space<hbm>>
      tpu.enqueue_dma source(%dma_start3A_45 : memref<104x128xi32, #tpu.memory_space<hbm>>) target(%arg7 : memref<104x128xi32, #tpu.memory_space<vmem>>) target_semaphore(%run_scoped3A : memref<!tpu.dma_semaphore, #tpu.memory_space<semaphore_mem>>)
      %dma_wait3A = arith.constant 0 : i32
      %dma_wait3A_46 = arith.constant 0 : i32
      %dma_wait3A_47 = tpu.memref_slice %arg4[%add3A, %dma_wait3A, %dma_wait3A_46] : memref<32x104x128xi32, #tpu.memory_space<hbm>> -> memref<1x104x128xi32, #tpu.memory_space<hbm>>
      %dma_wait3A_48 = tpu.memref_squeeze %dma_wait3A_47 : memref<1x104x128xi32, #tpu.memory_space<hbm>> -> memref<104x128xi32, #tpu.memory_space<hbm>>
      %dma_wait3A_49 = arith.constant 0 : i32
      %dma_wait3A_50 = arith.constant 0 : i32
      %dma_wait3A_51 = tpu.memref_slice %arg4[%add3A, %dma_wait3A_49, %dma_wait3A_50] : memref<32x104x128xi32, #tpu.memory_space<hbm>> -> memref<1x104x128xi32, #tpu.memory_space<hbm>>
      %dma_wait3A_52 = tpu.memref_squeeze %dma_wait3A_51 : memref<1x104x128xi32, #tpu.memory_space<hbm>> -> memref<104x128xi32, #tpu.memory_space<hbm>>
      tpu.wait_dma2 semaphore(%run_scoped3A : memref<!tpu.dma_semaphore, #tpu.memory_space<semaphore_mem>>) src(%dma_wait3A_52 : memref<104x128xi32, #tpu.memory_space<hbm>>) dst(%arg7 : memref<104x128xi32, #tpu.memory_space<vmem>>)
      tpu.yield
    }) : () -> ()
    %barrier3A = arith.constant 0 : index
    tpu.barrier barrier_id(%barrier3A)
    %eq3A = arith.constant 0 : i32
    %eq3A_18 = arith.cmpi eq, %arg0, %eq3A : i32
    %select_n3A = arith.constant 54 : i32
    %select_n3A_19 = arith.constant 104 : i32
    %select_n3A_20 = arith.select %eq3A_18, %select_n3A_19, %select_n3A : i32
    %sub3A_21 = arith.constant 0 : i32
    %sub3A_22 = arith.subi %select_n3A_20, %sub3A_21 : i32
    %sub3A_23 = arith.constant 1 : i32
    %sub3A_24 = arith.constant 1 : i32
    %sub3A_25 = arith.subi %sub3A_23, %sub3A_24 : i32
    %add3A_26 = arith.addi %sub3A_22, %sub3A_25 : i32
    %div3A = arith.constant 1 : i32
    %div3A_27 = arith.divsi %add3A_26, %div3A : i32
    %while3A = arith.constant 1 : i32
    %while3A_28 = arith.constant 0 : i32
    %while3A_29 = arith.constant 0 : i32
    %while3A_30 = arith.subi %div3A_27, %while3A_29 : i32
    %while3A_31 = arith.addi %while3A_29, %while3A_30 : i32
    %while3A_32 = arith.constant 1 : i32
    %while3A_33 = arith.divsi %while3A_30, %while3A_32 : i32
    %while3A_34 = arith.muli %while3A_33, %while3A_32 : i32
    %while3A_35 = arith.addi %while3A_29, %while3A_34 : i32
    %while3A_36 = arith.constant 1 : i32
    scf.for %while3A_39 = %while3A_29 to %while3A_35 step %while3A_36  : i32 {
      %mul3A_40 = arith.muli %while3A_39, %while3A : i32
      %add3A_41 = arith.addi %while3A_28, %mul3A_40 : i32
      %dma_start3A = arith.constant 0 : i32
      %dma_start3A_42 = tpu.memref_slice %arg6[%add3A_41, %dma_start3A] : memref<104x128xi32, #tpu.memory_space<vmem>> -> memref<1x128xi32, #tpu.memory_space<vmem>>
      %dma_start3A_43 = tpu.memref_squeeze %dma_start3A_42 : memref<1x128xi32, #tpu.memory_space<vmem>> -> memref<128xi32, #tpu.memory_space<vmem>>
      %dma_start3A_44 = arith.constant 0 : i32
      %dma_start3A_45 = arith.constant 0 : i32
      %dma_start3A_46 = tpu.memref_slice %arg2[%dma_start3A_44, %dma_start3A_45] : memref<10112x128xf32, #tpu.memory_space<hbm>> -> memref<10112x128xf32, #tpu.memory_space<hbm>>
      tpu.enqueue_indirect_dma source(%dma_start3A_46 : memref<10112x128xf32, #tpu.memory_space<hbm>>) target(%arg8 : memref<128x128xf32, #tpu.memory_space<vmem>>) offsets(%dma_start3A_43 : memref<128xi32, #tpu.memory_space<vmem>>) semaphore(%arg10 : memref<!tpu.dma_semaphore, #tpu.memory_space<semaphore_mem>>)
      %dma_wait3A = arith.constant 0 : i32
      %dma_wait3A_47 = tpu.memref_slice %arg6[%add3A_41, %dma_wait3A] : memref<104x128xi32, #tpu.memory_space<vmem>> -> memref<1x128xi32, #tpu.memory_space<vmem>>
      %dma_wait3A_48 = tpu.memref_squeeze %dma_wait3A_47 : memref<1x128xi32, #tpu.memory_space<vmem>> -> memref<128xi32, #tpu.memory_space<vmem>>
      %dma_wait3A_49 = arith.constant 0 : i32
      %dma_wait3A_50 = arith.constant 0 : i32
      %dma_wait3A_51 = tpu.memref_slice %arg2[%dma_wait3A_49, %dma_wait3A_50] : memref<10112x128xf32, #tpu.memory_space<hbm>> -> memref<10112x128xf32, #tpu.memory_space<hbm>>
      tpu.wait_indirect_dma semaphore(%arg10 : memref<!tpu.dma_semaphore, #tpu.memory_space<semaphore_mem>>) src(%dma_wait3A_51 : memref<10112x128xf32, #tpu.memory_space<hbm>>) dst(%arg8 : memref<128x128xf32, #tpu.memory_space<vmem>>)
      "tpu.region"() ({
        %run_scoped3A = tpu.sem_alloc : memref<!tpu.dma_semaphore, #tpu.memory_space<semaphore_mem>>
        %dma_start3A_52 = arith.constant 0 : i32
        %dma_start3A_53 = tpu.memref_slice %arg7[%add3A_41, %dma_start3A_52] : memref<104x128xi32, #tpu.memory_space<vmem>> -> memref<1x128xi32, #tpu.memory_space<vmem>>
        %dma_start3A_54 = tpu.memref_squeeze %dma_start3A_53 : memref<1x128xi32, #tpu.memory_space<vmem>> -> memref<128xi32, #tpu.memory_space<vmem>>
        %dma_start3A_55 = arith.constant 0 : i32
        %dma_start3A_56 = arith.constant 0 : i32
        %dma_start3A_57 = tpu.memref_slice %arg9[%dma_start3A_55, %dma_start3A_56] : memref<10112x128xf32, #tpu.memory_space<vmem_shared>> -> memref<10112x128xf32, #tpu.memory_space<vmem_shared>>
        tpu.enqueue_indirect_dma source(%arg8 : memref<128x128xf32, #tpu.memory_space<vmem>>) target(%dma_start3A_57 : memref<10112x128xf32, #tpu.memory_space<vmem_shared>>) offsets(%dma_start3A_54 : memref<128xi32, #tpu.memory_space<vmem>>) semaphore(%run_scoped3A : memref<!tpu.dma_semaphore, #tpu.memory_space<semaphore_mem>>) {add = true}
        %dma_wait3A_58 = arith.constant 0 : i32
        %dma_wait3A_59 = tpu.memref_slice %arg7[%add3A_41, %dma_wait3A_58] : memref<104x128xi32, #tpu.memory_space<vmem>> -> memref<1x128xi32, #tpu.memory_space<vmem>>
        %dma_wait3A_60 = tpu.memref_squeeze %dma_wait3A_59 : memref<1x128xi32, #tpu.memory_space<vmem>> -> memref<128xi32, #tpu.memory_space<vmem>>
        %dma_wait3A_61 = arith.constant 0 : i32
        %dma_wait3A_62 = arith.constant 0 : i32
        %dma_wait3A_63 = tpu.memref_slice %arg9[%dma_wait3A_61, %dma_wait3A_62] : memref<10112x128xf32, #tpu.memory_space<vmem_shared>> -> memref<10112x128xf32, #tpu.memory_space<vmem_shared>>
        tpu.wait_indirect_dma semaphore(%run_scoped3A : memref<!tpu.dma_semaphore, #tpu.memory_space<semaphore_mem>>) src(%arg8 : memref<128x128xf32, #tpu.memory_space<vmem>>) dst(%dma_wait3A_63 : memref<10112x128xf32, #tpu.memory_space<vmem_shared>>)
        tpu.yield
      }) : () -> ()
    }
    %while3A_37 = arith.constant 1 : i32
    scf.for %while3A_39 = %while3A_35 to %while3A_31 step %while3A_37  : i32 {
      %mul3A_40 = arith.muli %while3A_39, %while3A : i32
      %add3A_41 = arith.addi %while3A_28, %mul3A_40 : i32
      %dma_start3A = arith.constant 0 : i32
      %dma_start3A_42 = tpu.memref_slice %arg6[%add3A_41, %dma_start3A] : memref<104x128xi32, #tpu.memory_space<vmem>> -> memref<1x128xi32, #tpu.memory_space<vmem>>
      %dma_start3A_43 = tpu.memref_squeeze %dma_start3A_42 : memref<1x128xi32, #tpu.memory_space<vmem>> -> memref<128xi32, #tpu.memory_space<vmem>>
      %dma_start3A_44 = arith.constant 0 : i32
      %dma_start3A_45 = arith.constant 0 : i32
      %dma_start3A_46 = tpu.memref_slice %arg2[%dma_start3A_44, %dma_start3A_45] : memref<10112x128xf32, #tpu.memory_space<hbm>> -> memref<10112x128xf32, #tpu.memory_space<hbm>>
      tpu.enqueue_indirect_dma source(%dma_start3A_46 : memref<10112x128xf32, #tpu.memory_space<hbm>>) target(%arg8 : memref<128x128xf32, #tpu.memory_space<vmem>>) offsets(%dma_start3A_43 : memref<128xi32, #tpu.memory_space<vmem>>) semaphore(%arg10 : memref<!tpu.dma_semaphore, #tpu.memory_space<semaphore_mem>>)
      %dma_wait3A = arith.constant 0 : i32
      %dma_wait3A_47 = tpu.memref_slice %arg6[%add3A_41, %dma_wait3A] : memref<104x128xi32, #tpu.memory_space<vmem>> -> memref<1x128xi32, #tpu.memory_space<vmem>>
      %dma_wait3A_48 = tpu.memref_squeeze %dma_wait3A_47 : memref<1x128xi32, #tpu.memory_space<vmem>> -> memref<128xi32, #tpu.memory_space<vmem>>
      %dma_wait3A_49 = arith.constant 0 : i32
      %dma_wait3A_50 = arith.constant 0 : i32
      %dma_wait3A_51 = tpu.memref_slice %arg2[%dma_wait3A_49, %dma_wait3A_50] : memref<10112x128xf32, #tpu.memory_space<hbm>> -> memref<10112x128xf32, #tpu.memory_space<hbm>>
      tpu.wait_indirect_dma semaphore(%arg10 : memref<!tpu.dma_semaphore, #tpu.memory_space<semaphore_mem>>) src(%dma_wait3A_51 : memref<10112x128xf32, #tpu.memory_space<hbm>>) dst(%arg8 : memref<128x128xf32, #tpu.memory_space<vmem>>)
      "tpu.region"() ({
        %run_scoped3A = tpu.sem_alloc : memref<!tpu.dma_semaphore, #tpu.memory_space<semaphore_mem>>
        %dma_start3A_52 = arith.constant 0 : i32
        %dma_start3A_53 = tpu.memref_slice %arg7[%add3A_41, %dma_start3A_52] : memref<104x128xi32, #tpu.memory_space<vmem>> -> memref<1x128xi32, #tpu.memory_space<vmem>>
        %dma_start3A_54 = tpu.memref_squeeze %dma_start3A_53 : memref<1x128xi32, #tpu.memory_space<vmem>> -> memref<128xi32, #tpu.memory_space<vmem>>
        %dma_start3A_55 = arith.constant 0 : i32
        %dma_start3A_56 = arith.constant 0 : i32
        %dma_start3A_57 = tpu.memref_slice %arg9[%dma_start3A_55, %dma_start3A_56] : memref<10112x128xf32, #tpu.memory_space<vmem_shared>> -> memref<10112x128xf32, #tpu.memory_space<vmem_shared>>
        tpu.enqueue_indirect_dma source(%arg8 : memref<128x128xf32, #tpu.memory_space<vmem>>) target(%dma_start3A_57 : memref<10112x128xf32, #tpu.memory_space<vmem_shared>>) offsets(%dma_start3A_54 : memref<128xi32, #tpu.memory_space<vmem>>) semaphore(%run_scoped3A : memref<!tpu.dma_semaphore, #tpu.memory_space<semaphore_mem>>) {add = true}
        %dma_wait3A_58 = arith.constant 0 : i32
        %dma_wait3A_59 = tpu.memref_slice %arg7[%add3A_41, %dma_wait3A_58] : memref<104x128xi32, #tpu.memory_space<vmem>> -> memref<1x128xi32, #tpu.memory_space<vmem>>
        %dma_wait3A_60 = tpu.memref_squeeze %dma_wait3A_59 : memref<1x128xi32, #tpu.memory_space<vmem>> -> memref<128xi32, #tpu.memory_space<vmem>>
        %dma_wait3A_61 = arith.constant 0 : i32
        %dma_wait3A_62 = arith.constant 0 : i32
        %dma_wait3A_63 = tpu.memref_slice %arg9[%dma_wait3A_61, %dma_wait3A_62] : memref<10112x128xf32, #tpu.memory_space<vmem_shared>> -> memref<10112x128xf32, #tpu.memory_space<vmem_shared>>
        tpu.wait_indirect_dma semaphore(%run_scoped3A : memref<!tpu.dma_semaphore, #tpu.memory_space<semaphore_mem>>) src(%arg8 : memref<128x128xf32, #tpu.memory_space<vmem>>) dst(%dma_wait3A_63 : memref<10112x128xf32, #tpu.memory_space<vmem_shared>>)
        tpu.yield
      }) : () -> ()
    }
    %barrier3A_38 = arith.constant 0 : index
    tpu.barrier barrier_id(%barrier3A_38)
    "tpu.region"() ({
      %run_scoped3A = tpu.sem_alloc : memref<!tpu.dma_semaphore, #tpu.memory_space<semaphore_mem>>
      %dma_start3A = arith.constant 0 : i32
      %dma_start3A_39 = tpu.memref_slice %arg5[%arg0, %mul3A_6, %dma_start3A] : memref<2x10112x128xf32, #tpu.memory_space<hbm>> -> memref<1x632x128xf32, #tpu.memory_space<hbm>>
      %dma_start3A_40 = tpu.memref_squeeze %dma_start3A_39 : memref<1x632x128xf32, #tpu.memory_space<hbm>> -> memref<632x128xf32, #tpu.memory_space<hbm>>
      %dma_start3A_41 = arith.constant 0 : i32
      %dma_start3A_42 = tpu.memref_slice %arg9[%mul3A_6, %dma_start3A_41] : memref<10112x128xf32, #tpu.memory_space<vmem_shared>> -> memref<632x128xf32, #tpu.memory_space<vmem_shared>>
      tpu.enqueue_dma source(%dma_start3A_42 : memref<632x128xf32, #tpu.memory_space<vmem_shared>>) target(%dma_start3A_40 : memref<632x128xf32, #tpu.memory_space<hbm>>) target_semaphore(%run_scoped3A : memref<!tpu.dma_semaphore, #tpu.memory_space<semaphore_mem>>)
      %dma_wait3A = arith.constant 0 : i32
      %dma_wait3A_43 = tpu.memref_slice %arg5[%arg0, %mul3A_6, %dma_wait3A] : memref<2x10112x128xf32, #tpu.memory_space<hbm>> -> memref<1x632x128xf32, #tpu.memory_space<hbm>>
      %dma_wait3A_44 = tpu.memref_squeeze %dma_wait3A_43 : memref<1x632x128xf32, #tpu.memory_space<hbm>> -> memref<632x128xf32, #tpu.memory_space<hbm>>
      %dma_wait3A_45 = arith.constant 0 : i32
      %dma_wait3A_46 = tpu.memref_slice %arg9[%mul3A_6, %dma_wait3A_45] : memref<10112x128xf32, #tpu.memory_space<vmem_shared>> -> memref<632x128xf32, #tpu.memory_space<vmem_shared>>
      tpu.wait_dma2 semaphore(%run_scoped3A : memref<!tpu.dma_semaphore, #tpu.memory_space<semaphore_mem>>) src(%dma_wait3A_46 : memref<632x128xf32, #tpu.memory_space<vmem_shared>>) dst(%dma_wait3A_44 : memref<632x128xf32, #tpu.memory_space<hbm>>)
      tpu.yield
    }) : () -> ()
    return
  }
}

module attributes {stable_mosaic.version = 14 : i64} {
  func.func @_k0_body(%arg0: i32, %arg1: memref<4x1000x4xf32, #tpu.memory_space<vmem>>, %arg2: memref<4x1000x4xf32, #tpu.memory_space<vmem>>, %arg3: memref<4x1000x4xi32, #tpu.memory_space<vmem>>, %arg4: memref<1000x32xf32, #tpu.memory_space<vmem>>, %arg5: memref<32x16xf32, #tpu.memory_space<vmem>>, %arg6: memref<1000x16xf32, #tpu.memory_space<vmem>>, %arg7: memref<4x32xf32, #tpu.memory_space<vmem>>, %arg8: memref<1x32xf32, #tpu.memory_space<vmem>>, %arg9: memref<32x32xf32, #tpu.memory_space<vmem>>, %arg10: memref<1x32xf32, #tpu.memory_space<vmem>>, %arg11: memref<4x32xf32, #tpu.memory_space<vmem>>, %arg12: memref<1x32xf32, #tpu.memory_space<vmem>>, %arg13: memref<32x32xf32, #tpu.memory_space<vmem>>, %arg14: memref<1x32xf32, #tpu.memory_space<vmem>>, %arg15: memref<1000x32xf32, #tpu.memory_space<vmem>>, %arg16: memref<1000x32xf32, #tpu.memory_space<vmem>>, %arg17: memref<32x32xf32, #tpu.memory_space<vmem>>, %arg18: memref<4x1000x32xf32, #tpu.memory_space<vmem>>, %arg19: memref<1000x4x32xf32, #tpu.memory_space<vmem>>, %arg20: memref<1000x16xf32, #tpu.memory_space<vmem>>) attributes {dimension_semantics = [#tpu.dimension_semantics<arbitrary>], iteration_bounds = array<i64: 10>, scalar_prefetch = 0 : i64, scratch_operands = 0 : i64, tpu.core_type = #tpu.core_type<tc>, window_params = [{transform_indices = @transform_0, window_bounds = array<i64: 4, 1000, 4>}, {transform_indices = @transform_1, window_bounds = array<i64: 4, 1000, 4>}, {transform_indices = @transform_2, window_bounds = array<i64: 4, 1000, 4>}, {transform_indices = @transform_3, window_bounds = array<i64: 1000, 32>}, {pipeline_mode = #tpu.pipeline_mode<synchronous>, transform_indices = @transform_4, window_bounds = array<i64: 32, 16>}, {transform_indices = @transform_5, window_bounds = array<i64: 1000, 16>}, {pipeline_mode = #tpu.pipeline_mode<synchronous>, transform_indices = @transform_6, window_bounds = array<i64: 4, 32>}, {pipeline_mode = #tpu.pipeline_mode<synchronous>, transform_indices = @transform_7, window_bounds = array<i64: 1, 32>}, {pipeline_mode = #tpu.pipeline_mode<synchronous>, transform_indices = @transform_8, window_bounds = array<i64: 32, 32>}, {pipeline_mode = #tpu.pipeline_mode<synchronous>, transform_indices = @transform_9, window_bounds = array<i64: 1, 32>}, {pipeline_mode = #tpu.pipeline_mode<synchronous>, transform_indices = @transform_10, window_bounds = array<i64: 4, 32>}, {pipeline_mode = #tpu.pipeline_mode<synchronous>, transform_indices = @transform_11, window_bounds = array<i64: 1, 32>}, {pipeline_mode = #tpu.pipeline_mode<synchronous>, transform_indices = @transform_12, window_bounds = array<i64: 32, 32>}, {pipeline_mode = #tpu.pipeline_mode<synchronous>, transform_indices = @transform_13, window_bounds = array<i64: 1, 32>}, {transform_indices = @transform_14, window_bounds = array<i64: 1000, 32>}, {transform_indices = @transform_15, window_bounds = array<i64: 1000, 32>}, {pipeline_mode = #tpu.pipeline_mode<synchronous>, transform_indices = @transform_16, window_bounds = array<i64: 32, 32>}, {transform_indices = @transform_17, window_bounds = array<i64: 4, 1000, 32>}, {transform_indices = @transform_18, window_bounds = array<i64: 1000, 4, 32>}, {transform_indices = @transform_19, window_bounds = array<i64: 1000, 16>}]} {
    %get3A = arith.constant 0 : index
    %get3A_0 = arith.constant 0 : index
    %get3A_1 = vector.load %arg4[%get3A, %get3A_0] : memref<1000x32xf32, #tpu.memory_space<vmem>>, vector<1000x32xf32>
    %get3A_2 = arith.constant 0 : index
    %get3A_3 = arith.constant 0 : index
    %get3A_4 = arith.constant 0 : index
    %get3A_5 = vector.load %arg2[%get3A_2, %get3A_3, %get3A_4] : memref<4x1000x4xf32, #tpu.memory_space<vmem>>, vector<1x1000x4xf32>
    %get3A_6 = vector.shape_cast %get3A_5 : vector<1x1000x4xf32> to vector<1000x4xf32>
    %get3A_7 = arith.constant 0 : index
    %get3A_8 = arith.constant 0 : index
    %get3A_9 = vector.load %arg7[%get3A_7, %get3A_8] : memref<4x32xf32, #tpu.memory_space<vmem>>, vector<4x32xf32>
    %dot_general3A = arith.constant dense<0.000000e+00> : vector<1000x32xf32>
    %dot_general3A_10 = tpu.matmul %get3A_6, %get3A_9, %dot_general3A {dimension_numbers = #tpu.dot_dimension_numbers<[1], [0], [0], [1], [0, 0, 1, 1], [], []>, transpose_lhs_hint = false} : vector<1000x4xf32>, vector<4x32xf32>, vector<1000x32xf32> -> vector<1000x32xf32>
    %get3A_11 = arith.constant 0 : index
    %get3A_12 = arith.constant 0 : index
    %get3A_13 = vector.load %arg8[%get3A_11, %get3A_12] : memref<1x32xf32, #tpu.memory_space<vmem>>, vector<1x32xf32>
    %add3A = vector.broadcast %get3A_13 : vector<1x32xf32> to vector<1000x32xf32>
    %add3A_14 = arith.addf %dot_general3A_10, %add3A : vector<1000x32xf32>
    %tanh3A = math.tanh %add3A_14 : vector<1000x32xf32>
    %get3A_15 = arith.constant 0 : index
    %get3A_16 = arith.constant 0 : index
    %get3A_17 = vector.load %arg9[%get3A_15, %get3A_16] : memref<32x32xf32, #tpu.memory_space<vmem>>, vector<32x32xf32>
    %dot_general3A_18 = arith.constant dense<0.000000e+00> : vector<1000x32xf32>
    %dot_general3A_19 = tpu.matmul %tanh3A, %get3A_17, %dot_general3A_18 {dimension_numbers = #tpu.dot_dimension_numbers<[1], [0], [0], [1], [0, 0, 1, 1], [], []>, transpose_lhs_hint = false} : vector<1000x32xf32>, vector<32x32xf32>, vector<1000x32xf32> -> vector<1000x32xf32>
    %get3A_20 = arith.constant 0 : index
    %get3A_21 = arith.constant 0 : index
    %get3A_22 = vector.load %arg10[%get3A_20, %get3A_21] : memref<1x32xf32, #tpu.memory_space<vmem>>, vector<1x32xf32>
    %add3A_23 = vector.broadcast %get3A_22 : vector<1x32xf32> to vector<1000x32xf32>
    %add3A_24 = arith.addf %dot_general3A_19, %add3A_23 : vector<1000x32xf32>
    %add3A_25 = arith.addf %add3A_24, %get3A_1 : vector<1000x32xf32>
    %get3A_26 = arith.constant 0 : index
    %get3A_27 = arith.constant 0 : index
    %get3A_28 = arith.constant 0 : index
    %get3A_29 = vector.load %arg1[%get3A_26, %get3A_27, %get3A_28] : memref<4x1000x4xf32, #tpu.memory_space<vmem>>, vector<1x1000x4xf32>
    %get3A_30 = vector.shape_cast %get3A_29 : vector<1x1000x4xf32> to vector<1000x4xf32>
    %get3A_31 = arith.constant 0 : index
    %get3A_32 = arith.constant 0 : index
    %get3A_33 = vector.load %arg11[%get3A_31, %get3A_32] : memref<4x32xf32, #tpu.memory_space<vmem>>, vector<4x32xf32>
    %dot_general3A_34 = arith.constant dense<0.000000e+00> : vector<1000x32xf32>
    %dot_general3A_35 = tpu.matmul %get3A_30, %get3A_33, %dot_general3A_34 {dimension_numbers = #tpu.dot_dimension_numbers<[1], [0], [0], [1], [0, 0, 1, 1], [], []>, transpose_lhs_hint = false} : vector<1000x4xf32>, vector<4x32xf32>, vector<1000x32xf32> -> vector<1000x32xf32>
    %get3A_36 = arith.constant 0 : index
    %get3A_37 = arith.constant 0 : index
    %get3A_38 = vector.load %arg12[%get3A_36, %get3A_37] : memref<1x32xf32, #tpu.memory_space<vmem>>, vector<1x32xf32>
    %add3A_39 = vector.broadcast %get3A_38 : vector<1x32xf32> to vector<1000x32xf32>
    %add3A_40 = arith.addf %dot_general3A_35, %add3A_39 : vector<1000x32xf32>
    %tanh3A_41 = math.tanh %add3A_40 : vector<1000x32xf32>
    %get3A_42 = arith.constant 0 : index
    %get3A_43 = arith.constant 0 : index
    %get3A_44 = vector.load %arg13[%get3A_42, %get3A_43] : memref<32x32xf32, #tpu.memory_space<vmem>>, vector<32x32xf32>
    %dot_general3A_45 = arith.constant dense<0.000000e+00> : vector<1000x32xf32>
    %dot_general3A_46 = tpu.matmul %tanh3A_41, %get3A_44, %dot_general3A_45 {dimension_numbers = #tpu.dot_dimension_numbers<[1], [0], [0], [1], [0, 0, 1, 1], [], []>, transpose_lhs_hint = false} : vector<1000x32xf32>, vector<32x32xf32>, vector<1000x32xf32> -> vector<1000x32xf32>
    %get3A_47 = arith.constant 0 : index
    %get3A_48 = arith.constant 0 : index
    %get3A_49 = vector.load %arg14[%get3A_47, %get3A_48] : memref<1x32xf32, #tpu.memory_space<vmem>>, vector<1x32xf32>
    %add3A_50 = vector.broadcast %get3A_49 : vector<1x32xf32> to vector<1000x32xf32>
    %add3A_51 = arith.addf %dot_general3A_46, %add3A_50 : vector<1000x32xf32>
    %add3A_52 = arith.addf %add3A_51, %add3A_25 : vector<1000x32xf32>
    %reduce_sum3A = arith.constant dense<0.000000e+00> : vector<1000xf32>
    %reduce_sum3A_53 = vector.multi_reduction <add>, %add3A_52, %reduce_sum3A [1] : vector<1000x32xf32> to vector<1000xf32>
    %broadcast_in_dim3A = vector.shape_cast %reduce_sum3A_53 : vector<1000xf32> to vector<1000x1xf32>
    %div3A = arith.constant 3.200000e+01 : f32
    %div3A_54 = vector.broadcast %div3A : f32 to vector<1000x1xf32>
    %div3A_55 = arith.divf %broadcast_in_dim3A, %div3A_54 : vector<1000x1xf32>
    %jit3A = arith.constant 0 : i32
    %reduce_sum3A_56 = arith.constant dense<0.000000e+00> : vector<1000xf32>
    %reduce_sum3A_57 = vector.multi_reduction <add>, %add3A_52, %reduce_sum3A_56 [1] : vector<1000x32xf32> to vector<1000xf32>
    %broadcast_in_dim3A_58 = vector.shape_cast %reduce_sum3A_57 : vector<1000xf32> to vector<1000x1xf32>
    %div3A_59 = arith.constant 3.200000e+01 : f32
    %div3A_60 = vector.broadcast %div3A_59 : f32 to vector<1000x1xf32>
    %div3A_61 = arith.divf %broadcast_in_dim3A_58, %div3A_60 : vector<1000x1xf32>
    %sub3A = vector.broadcast %div3A_61 : vector<1000x1xf32> to vector<1000x32xf32>
    %sub3A_62 = arith.subf %add3A_52, %sub3A : vector<1000x32xf32>
    %square3A = arith.mulf %sub3A_62, %sub3A_62 : vector<1000x32xf32>
    %convert_element_type3A = arith.sitofp %jit3A : i32 to f32
    %sub3A_63 = arith.constant 3.200000e+01 : f32
    %sub3A_64 = arith.subf %sub3A_63, %convert_element_type3A : f32
    %reduce_sum3A_65 = arith.constant dense<0.000000e+00> : vector<1000xf32>
    %reduce_sum3A_66 = vector.multi_reduction <add>, %square3A, %reduce_sum3A_65 [1] : vector<1000x32xf32> to vector<1000xf32>
    %broadcast_in_dim3A_67 = vector.shape_cast %reduce_sum3A_66 : vector<1000xf32> to vector<1000x1xf32>
    %div3A_68 = vector.broadcast %sub3A_64 : f32 to vector<1000x1xf32>
    %div3A_69 = arith.divf %broadcast_in_dim3A_67, %div3A_68 : vector<1000x1xf32>
    %gt3A = arith.constant 0.000000e+00 : f32
    %gt3A_70 = arith.cmpf ogt, %sub3A_64, %gt3A : f32
    %jit3A_71 = arith.constant 0x7FC00000 : f32
    %broadcast_in_dim3A_72 = vector.broadcast %jit3A_71 : f32 to vector<1000x1xf32>
    %select_n3A = arith.select %gt3A_70, %div3A_69, %broadcast_in_dim3A_72 : vector<1000x1xf32>
    %sub3A_73 = vector.broadcast %div3A_55 : vector<1000x1xf32> to vector<1000x32xf32>
    %sub3A_74 = arith.subf %add3A_52, %sub3A_73 : vector<1000x32xf32>
    %add3A_75 = arith.constant 9.99999974E-6 : f32
    %add3A_76 = vector.broadcast %add3A_75 : f32 to vector<1000x1xf32>
    %add3A_77 = arith.addf %select_n3A, %add3A_76 : vector<1000x1xf32>
    %sqrt3A = math.sqrt %add3A_77 : vector<1000x1xf32>
    %div3A_78 = vector.broadcast %sqrt3A : vector<1000x1xf32> to vector<1000x32xf32>
    %div3A_79 = arith.divf %sub3A_74, %div3A_78 : vector<1000x32xf32>
    %get3A_80 = arith.constant 0 : index
    %get3A_81 = arith.constant 0 : index
    %get3A_82 = arith.constant 0 : index
    %get3A_83 = vector.load %arg3[%get3A_80, %get3A_81, %get3A_82] : memref<4x1000x4xi32, #tpu.memory_space<vmem>>, vector<1x1000x4xi32>
    %get3A_84 = vector.shape_cast %get3A_83 : vector<1x1000x4xi32> to vector<1000x4xi32>
    %convert_element_type3A_85 = arith.sitofp %get3A_84 : vector<1000x4xi32> to vector<1000x4xf32>
    %iota3A = tpu.iota {dimensions = array<i32: 0>} : vector<4x32xi32>
    %iota3A_86 = tpu.iota {dimensions = array<i32: 1>} : vector<4x32xi32>
    %eq3A = arith.cmpi eq, %iota3A, %iota3A_86 : vector<4x32xi32>
    %convert_element_type3A_87 = arith.extui %eq3A : vector<4x32xi1> to vector<4x32xi32>
    %convert_element_type3A_88 = arith.sitofp %convert_element_type3A_87 : vector<4x32xi32> to vector<4x32xf32>
    %iota3A_89 = tpu.iota {dimensions = array<i32: 1>} : vector<1000x32xi32>
    %ge3A = arith.constant 4 : i32
    %ge3A_90 = vector.broadcast %ge3A : i32 to vector<1000x32xi32>
    %ge3A_91 = arith.cmpi sge, %iota3A_89, %ge3A_90 : vector<1000x32xi32>
    %dot_general3A_92 = arith.constant dense<0.000000e+00> : vector<1000x32xf32>
    %dot_general3A_93 = tpu.matmul %convert_element_type3A_85, %convert_element_type3A_88, %dot_general3A_92 {dimension_numbers = #tpu.dot_dimension_numbers<[1], [0], [0], [1], [0, 0, 1, 1], [], []>, transpose_lhs_hint = false} : vector<1000x4xf32>, vector<4x32xf32>, vector<1000x32xf32> -> vector<1000x32xf32>
    %gt3A_94 = arith.constant 5.000000e-01 : f32
    %gt3A_95 = vector.broadcast %gt3A_94 : f32 to vector<1000x32xf32>
    %gt3A_96 = arith.cmpf ogt, %dot_general3A_93, %gt3A_95 : vector<1000x32xf32>
    %or3A = arith.ori %ge3A_91, %gt3A_96 : vector<1000x32xi1>
    %get3A_97 = arith.constant 0 : index
    %get3A_98 = arith.constant 0 : index
    %get3A_99 = vector.load %arg15[%get3A_97, %get3A_98] : memref<1000x32xf32, #tpu.memory_space<vmem>>, vector<1000x32xf32>
    %add3A_100 = arith.addf %div3A_79, %get3A_99 : vector<1000x32xf32>
    %get3A_101 = arith.constant 0 : index
    %get3A_102 = arith.constant 0 : index
    %get3A_103 = vector.load %arg16[%get3A_101, %get3A_102] : memref<1000x32xf32, #tpu.memory_space<vmem>>, vector<1000x32xf32>
    %add3A_104 = arith.addf %add3A_25, %get3A_103 : vector<1000x32xf32>
    %select_n3A_105 = arith.select %or3A, %add3A_100, %add3A_104 : vector<1000x32xi1>, vector<1000x32xf32>
    %swap3A = arith.constant 0 : index
    %swap3A_106 = arith.constant 0 : index
    %swap3A_107 = arith.constant 0 : index
    %swap3A_108 = vector.load %arg18[%swap3A, %swap3A_106, %swap3A_107] : memref<4x1000x32xf32, #tpu.memory_space<vmem>>, vector<1x1000x32xf32>
    %swap3A_109 = vector.shape_cast %swap3A_108 : vector<1x1000x32xf32> to vector<1000x32xf32>
    %swap3A_110 = vector.shape_cast %select_n3A_105 : vector<1000x32xf32> to vector<1x1000x32xf32>
    tpu.vector_store %arg18[%swap3A, %swap3A_106, %swap3A_107], %swap3A_110 {strides = array<i32>} : memref<4x1000x32xf32, #tpu.memory_space<vmem>>, vector<1x1000x32xf32>,
    %get3A_111 = arith.constant 0 : index
    %get3A_112 = arith.constant 0 : index
    %get3A_113 = vector.load %arg17[%get3A_111, %get3A_112] : memref<32x32xf32, #tpu.memory_space<vmem>>, vector<32x32xf32>
    %dot_general3A_114 = arith.constant dense<0.000000e+00> : vector<1000x32xf32>
    %dot_general3A_115 = tpu.matmul %select_n3A_105, %get3A_113, %dot_general3A_114 {dimension_numbers = #tpu.dot_dimension_numbers<[1], [0], [0], [1], [0, 0, 1, 1], [], []>, transpose_lhs_hint = false} : vector<1000x32xf32>, vector<32x32xf32>, vector<1000x32xf32> -> vector<1000x32xf32>
    %max3A = arith.constant 0.000000e+00 : f32
    %max3A_116 = vector.broadcast %max3A : f32 to vector<1000x32xf32>
    %max3A_117 = arith.maximumf %dot_general3A_115, %max3A_116 : vector<1000x32xf32>
    %swap3A_118 = arith.constant 0 : index
    %swap3A_119 = arith.constant 0 : index
    %swap3A_120 = arith.constant 0 : index
    %swap3A_121 = vector.load %arg19[%swap3A_118, %swap3A_119, %swap3A_120] : memref<1000x4x32xf32, #tpu.memory_space<vmem>>, vector<1000x1x32xf32>
    %swap3A_122 = vector.shape_cast %swap3A_121 : vector<1000x1x32xf32> to vector<1000x32xf32>
    %swap3A_123 = vector.shape_cast %max3A_117 : vector<1000x32xf32> to vector<1000x1x32xf32>
    tpu.vector_store %arg19[%swap3A_118, %swap3A_119, %swap3A_120], %swap3A_123 {strides = array<i32>} : memref<1000x4x32xf32, #tpu.memory_space<vmem>>, vector<1000x1x32xf32>,
    %get3A_124 = arith.constant 1 : index
    %get3A_125 = arith.constant 0 : index
    %get3A_126 = arith.constant 0 : index
    %get3A_127 = vector.load %arg2[%get3A_124, %get3A_125, %get3A_126] : memref<4x1000x4xf32, #tpu.memory_space<vmem>>, vector<1x1000x4xf32>
    %get3A_128 = vector.shape_cast %get3A_127 : vector<1x1000x4xf32> to vector<1000x4xf32>
    %get3A_129 = arith.constant 0 : index
    %get3A_130 = arith.constant 0 : index
    %get3A_131 = vector.load %arg7[%get3A_129, %get3A_130] : memref<4x32xf32, #tpu.memory_space<vmem>>, vector<4x32xf32>
    %dot_general3A_132 = arith.constant dense<0.000000e+00> : vector<1000x32xf32>
    %dot_general3A_133 = tpu.matmul %get3A_128, %get3A_131, %dot_general3A_132 {dimension_numbers = #tpu.dot_dimension_numbers<[1], [0], [0], [1], [0, 0, 1, 1], [], []>, transpose_lhs_hint = false} : vector<1000x4xf32>, vector<4x32xf32>, vector<1000x32xf32> -> vector<1000x32xf32>
    %get3A_134 = arith.constant 0 : index
    %get3A_135 = arith.constant 0 : index
    %get3A_136 = vector.load %arg8[%get3A_134, %get3A_135] : memref<1x32xf32, #tpu.memory_space<vmem>>, vector<1x32xf32>
    %add3A_137 = vector.broadcast %get3A_136 : vector<1x32xf32> to vector<1000x32xf32>
    %add3A_138 = arith.addf %dot_general3A_133, %add3A_137 : vector<1000x32xf32>
    %tanh3A_139 = math.tanh %add3A_138 : vector<1000x32xf32>
    %get3A_140 = arith.constant 0 : index
    %get3A_141 = arith.constant 0 : index
    %get3A_142 = vector.load %arg9[%get3A_140, %get3A_141] : memref<32x32xf32, #tpu.memory_space<vmem>>, vector<32x32xf32>
    %dot_general3A_143 = arith.constant dense<0.000000e+00> : vector<1000x32xf32>
    %dot_general3A_144 = tpu.matmul %tanh3A_139, %get3A_142, %dot_general3A_143 {dimension_numbers = #tpu.dot_dimension_numbers<[1], [0], [0], [1], [0, 0, 1, 1], [], []>, transpose_lhs_hint = false} : vector<1000x32xf32>, vector<32x32xf32>, vector<1000x32xf32> -> vector<1000x32xf32>
    %get3A_145 = arith.constant 0 : index
    %get3A_146 = arith.constant 0 : index
    %get3A_147 = vector.load %arg10[%get3A_145, %get3A_146] : memref<1x32xf32, #tpu.memory_space<vmem>>, vector<1x32xf32>
    %add3A_148 = vector.broadcast %get3A_147 : vector<1x32xf32> to vector<1000x32xf32>
    %add3A_149 = arith.addf %dot_general3A_144, %add3A_148 : vector<1000x32xf32>
    %add3A_150 = arith.addf %add3A_149, %get3A_1 : vector<1000x32xf32>
    %get3A_151 = arith.constant 1 : index
    %get3A_152 = arith.constant 0 : index
    %get3A_153 = arith.constant 0 : index
    %get3A_154 = vector.load %arg1[%get3A_151, %get3A_152, %get3A_153] : memref<4x1000x4xf32, #tpu.memory_space<vmem>>, vector<1x1000x4xf32>
    %get3A_155 = vector.shape_cast %get3A_154 : vector<1x1000x4xf32> to vector<1000x4xf32>
    %get3A_156 = arith.constant 0 : index
    %get3A_157 = arith.constant 0 : index
    %get3A_158 = vector.load %arg11[%get3A_156, %get3A_157] : memref<4x32xf32, #tpu.memory_space<vmem>>, vector<4x32xf32>
    %dot_general3A_159 = arith.constant dense<0.000000e+00> : vector<1000x32xf32>
    %dot_general3A_160 = tpu.matmul %get3A_155, %get3A_158, %dot_general3A_159 {dimension_numbers = #tpu.dot_dimension_numbers<[1], [0], [0], [1], [0, 0, 1, 1], [], []>, transpose_lhs_hint = false} : vector<1000x4xf32>, vector<4x32xf32>, vector<1000x32xf32> -> vector<1000x32xf32>
    %get3A_161 = arith.constant 0 : index
    %get3A_162 = arith.constant 0 : index
    %get3A_163 = vector.load %arg12[%get3A_161, %get3A_162] : memref<1x32xf32, #tpu.memory_space<vmem>>, vector<1x32xf32>
    %add3A_164 = vector.broadcast %get3A_163 : vector<1x32xf32> to vector<1000x32xf32>
    %add3A_165 = arith.addf %dot_general3A_160, %add3A_164 : vector<1000x32xf32>
    %tanh3A_166 = math.tanh %add3A_165 : vector<1000x32xf32>
    %get3A_167 = arith.constant 0 : index
    %get3A_168 = arith.constant 0 : index
    %get3A_169 = vector.load %arg13[%get3A_167, %get3A_168] : memref<32x32xf32, #tpu.memory_space<vmem>>, vector<32x32xf32>
    %dot_general3A_170 = arith.constant dense<0.000000e+00> : vector<1000x32xf32>
    %dot_general3A_171 = tpu.matmul %tanh3A_166, %get3A_169, %dot_general3A_170 {dimension_numbers = #tpu.dot_dimension_numbers<[1], [0], [0], [1], [0, 0, 1, 1], [], []>, transpose_lhs_hint = false} : vector<1000x32xf32>, vector<32x32xf32>, vector<1000x32xf32> -> vector<1000x32xf32>
    %get3A_172 = arith.constant 0 : index
    %get3A_173 = arith.constant 0 : index
    %get3A_174 = vector.load %arg14[%get3A_172, %get3A_173] : memref<1x32xf32, #tpu.memory_space<vmem>>, vector<1x32xf32>
    %add3A_175 = vector.broadcast %get3A_174 : vector<1x32xf32> to vector<1000x32xf32>
    %add3A_176 = arith.addf %dot_general3A_171, %add3A_175 : vector<1000x32xf32>
    %add3A_177 = arith.addf %add3A_176, %add3A_150 : vector<1000x32xf32>
    %reduce_sum3A_178 = arith.constant dense<0.000000e+00> : vector<1000xf32>
    %reduce_sum3A_179 = vector.multi_reduction <add>, %add3A_177, %reduce_sum3A_178 [1] : vector<1000x32xf32> to vector<1000xf32>
    %broadcast_in_dim3A_180 = vector.shape_cast %reduce_sum3A_179 : vector<1000xf32> to vector<1000x1xf32>
    %div3A_181 = arith.constant 3.200000e+01 : f32
    %div3A_182 = vector.broadcast %div3A_181 : f32 to vector<1000x1xf32>
    %div3A_183 = arith.divf %broadcast_in_dim3A_180, %div3A_182 : vector<1000x1xf32>
    %jit3A_184 = arith.constant 0 : i32
    %reduce_sum3A_185 = arith.constant dense<0.000000e+00> : vector<1000xf32>
    %reduce_sum3A_186 = vector.multi_reduction <add>, %add3A_177, %reduce_sum3A_185 [1] : vector<1000x32xf32> to vector<1000xf32>
    %broadcast_in_dim3A_187 = vector.shape_cast %reduce_sum3A_186 : vector<1000xf32> to vector<1000x1xf32>
    %div3A_188 = arith.constant 3.200000e+01 : f32
    %div3A_189 = vector.broadcast %div3A_188 : f32 to vector<1000x1xf32>
    %div3A_190 = arith.divf %broadcast_in_dim3A_187, %div3A_189 : vector<1000x1xf32>
    %sub3A_191 = vector.broadcast %div3A_190 : vector<1000x1xf32> to vector<1000x32xf32>
    %sub3A_192 = arith.subf %add3A_177, %sub3A_191 : vector<1000x32xf32>
    %square3A_193 = arith.mulf %sub3A_192, %sub3A_192 : vector<1000x32xf32>
    %convert_element_type3A_194 = arith.sitofp %jit3A_184 : i32 to f32
    %sub3A_195 = arith.constant 3.200000e+01 : f32
    %sub3A_196 = arith.subf %sub3A_195, %convert_element_type3A_194 : f32
    %reduce_sum3A_197 = arith.constant dense<0.000000e+00> : vector<1000xf32>
    %reduce_sum3A_198 = vector.multi_reduction <add>, %square3A_193, %reduce_sum3A_197 [1] : vector<1000x32xf32> to vector<1000xf32>
    %broadcast_in_dim3A_199 = vector.shape_cast %reduce_sum3A_198 : vector<1000xf32> to vector<1000x1xf32>
    %div3A_200 = vector.broadcast %sub3A_196 : f32 to vector<1000x1xf32>
    %div3A_201 = arith.divf %broadcast_in_dim3A_199, %div3A_200 : vector<1000x1xf32>
    %gt3A_202 = arith.constant 0.000000e+00 : f32
    %gt3A_203 = arith.cmpf ogt, %sub3A_196, %gt3A_202 : f32
    %jit3A_204 = arith.constant 0x7FC00000 : f32
    %broadcast_in_dim3A_205 = vector.broadcast %jit3A_204 : f32 to vector<1000x1xf32>
    %select_n3A_206 = arith.select %gt3A_203, %div3A_201, %broadcast_in_dim3A_205 : vector<1000x1xf32>
    %sub3A_207 = vector.broadcast %div3A_183 : vector<1000x1xf32> to vector<1000x32xf32>
    %sub3A_208 = arith.subf %add3A_177, %sub3A_207 : vector<1000x32xf32>
    %add3A_209 = arith.constant 9.99999974E-6 : f32
    %add3A_210 = vector.broadcast %add3A_209 : f32 to vector<1000x1xf32>
    %add3A_211 = arith.addf %select_n3A_206, %add3A_210 : vector<1000x1xf32>
    %sqrt3A_212 = math.sqrt %add3A_211 : vector<1000x1xf32>
    %div3A_213 = vector.broadcast %sqrt3A_212 : vector<1000x1xf32> to vector<1000x32xf32>
    %div3A_214 = arith.divf %sub3A_208, %div3A_213 : vector<1000x32xf32>
    %get3A_215 = arith.constant 1 : index
    %get3A_216 = arith.constant 0 : index
    %get3A_217 = arith.constant 0 : index
    %get3A_218 = vector.load %arg3[%get3A_215, %get3A_216, %get3A_217] : memref<4x1000x4xi32, #tpu.memory_space<vmem>>, vector<1x1000x4xi32>
    %get3A_219 = vector.shape_cast %get3A_218 : vector<1x1000x4xi32> to vector<1000x4xi32>
    %convert_element_type3A_220 = arith.sitofp %get3A_219 : vector<1000x4xi32> to vector<1000x4xf32>
    %iota3A_221 = tpu.iota {dimensions = array<i32: 0>} : vector<4x32xi32>
    %iota3A_222 = tpu.iota {dimensions = array<i32: 1>} : vector<4x32xi32>
    %eq3A_223 = arith.cmpi eq, %iota3A_221, %iota3A_222 : vector<4x32xi32>
    %convert_element_type3A_224 = arith.extui %eq3A_223 : vector<4x32xi1> to vector<4x32xi32>
    %convert_element_type3A_225 = arith.sitofp %convert_element_type3A_224 : vector<4x32xi32> to vector<4x32xf32>
    %iota3A_226 = tpu.iota {dimensions = array<i32: 1>} : vector<1000x32xi32>
    %ge3A_227 = arith.constant 4 : i32
    %ge3A_228 = vector.broadcast %ge3A_227 : i32 to vector<1000x32xi32>
    %ge3A_229 = arith.cmpi sge, %iota3A_226, %ge3A_228 : vector<1000x32xi32>
    %dot_general3A_230 = arith.constant dense<0.000000e+00> : vector<1000x32xf32>
    %dot_general3A_231 = tpu.matmul %convert_element_type3A_220, %convert_element_type3A_225, %dot_general3A_230 {dimension_numbers = #tpu.dot_dimension_numbers<[1], [0], [0], [1], [0, 0, 1, 1], [], []>, transpose_lhs_hint = false} : vector<1000x4xf32>, vector<4x32xf32>, vector<1000x32xf32> -> vector<1000x32xf32>
    %gt3A_232 = arith.constant 5.000000e-01 : f32
    %gt3A_233 = vector.broadcast %gt3A_232 : f32 to vector<1000x32xf32>
    %gt3A_234 = arith.cmpf ogt, %dot_general3A_231, %gt3A_233 : vector<1000x32xf32>
    %or3A_235 = arith.ori %ge3A_229, %gt3A_234 : vector<1000x32xi1>
    %get3A_236 = arith.constant 0 : index
    %get3A_237 = arith.constant 0 : index
    %get3A_238 = vector.load %arg15[%get3A_236, %get3A_237] : memref<1000x32xf32, #tpu.memory_space<vmem>>, vector<1000x32xf32>
    %add3A_239 = arith.addf %div3A_214, %get3A_238 : vector<1000x32xf32>
    %get3A_240 = arith.constant 0 : index
    %get3A_241 = arith.constant 0 : index
    %get3A_242 = vector.load %arg16[%get3A_240, %get3A_241] : memref<1000x32xf32, #tpu.memory_space<vmem>>, vector<1000x32xf32>
    %add3A_243 = arith.addf %add3A_150, %get3A_242 : vector<1000x32xf32>
    %select_n3A_244 = arith.select %or3A_235, %add3A_239, %add3A_243 : vector<1000x32xi1>, vector<1000x32xf32>
    %swap3A_245 = arith.constant 1 : index
    %swap3A_246 = arith.constant 0 : index
    %swap3A_247 = arith.constant 0 : index
    %swap3A_248 = vector.load %arg18[%swap3A_245, %swap3A_246, %swap3A_247] : memref<4x1000x32xf32, #tpu.memory_space<vmem>>, vector<1x1000x32xf32>
    %swap3A_249 = vector.shape_cast %swap3A_248 : vector<1x1000x32xf32> to vector<1000x32xf32>
    %swap3A_250 = vector.shape_cast %select_n3A_244 : vector<1000x32xf32> to vector<1x1000x32xf32>
    tpu.vector_store %arg18[%swap3A_245, %swap3A_246, %swap3A_247], %swap3A_250 {strides = array<i32>} : memref<4x1000x32xf32, #tpu.memory_space<vmem>>, vector<1x1000x32xf32>,
    %get3A_251 = arith.constant 0 : index
    %get3A_252 = arith.constant 0 : index
    %get3A_253 = vector.load %arg17[%get3A_251, %get3A_252] : memref<32x32xf32, #tpu.memory_space<vmem>>, vector<32x32xf32>
    %dot_general3A_254 = arith.constant dense<0.000000e+00> : vector<1000x32xf32>
    %dot_general3A_255 = tpu.matmul %select_n3A_244, %get3A_253, %dot_general3A_254 {dimension_numbers = #tpu.dot_dimension_numbers<[1], [0], [0], [1], [0, 0, 1, 1], [], []>, transpose_lhs_hint = false} : vector<1000x32xf32>, vector<32x32xf32>, vector<1000x32xf32> -> vector<1000x32xf32>
    %max3A_256 = arith.constant 0.000000e+00 : f32
    %max3A_257 = vector.broadcast %max3A_256 : f32 to vector<1000x32xf32>
    %max3A_258 = arith.maximumf %dot_general3A_255, %max3A_257 : vector<1000x32xf32>
    %swap3A_259 = arith.constant 0 : index
    %swap3A_260 = arith.constant 1 : index
    %swap3A_261 = arith.constant 0 : index
    %swap3A_262 = vector.load %arg19[%swap3A_259, %swap3A_260, %swap3A_261] : memref<1000x4x32xf32, #tpu.memory_space<vmem>>, vector<1000x1x32xf32>
    %swap3A_263 = vector.shape_cast %swap3A_262 : vector<1000x1x32xf32> to vector<1000x32xf32>
    %swap3A_264 = vector.shape_cast %max3A_258 : vector<1000x32xf32> to vector<1000x1x32xf32>
    tpu.vector_store %arg19[%swap3A_259, %swap3A_260, %swap3A_261], %swap3A_264 {strides = array<i32>} : memref<1000x4x32xf32, #tpu.memory_space<vmem>>, vector<1000x1x32xf32>,
    %get3A_265 = arith.constant 2 : index
    %get3A_266 = arith.constant 0 : index
    %get3A_267 = arith.constant 0 : index
    %get3A_268 = vector.load %arg2[%get3A_265, %get3A_266, %get3A_267] : memref<4x1000x4xf32, #tpu.memory_space<vmem>>, vector<1x1000x4xf32>
    %get3A_269 = vector.shape_cast %get3A_268 : vector<1x1000x4xf32> to vector<1000x4xf32>
    %get3A_270 = arith.constant 0 : index
    %get3A_271 = arith.constant 0 : index
    %get3A_272 = vector.load %arg7[%get3A_270, %get3A_271] : memref<4x32xf32, #tpu.memory_space<vmem>>, vector<4x32xf32>
    %dot_general3A_273 = arith.constant dense<0.000000e+00> : vector<1000x32xf32>
    %dot_general3A_274 = tpu.matmul %get3A_269, %get3A_272, %dot_general3A_273 {dimension_numbers = #tpu.dot_dimension_numbers<[1], [0], [0], [1], [0, 0, 1, 1], [], []>, transpose_lhs_hint = false} : vector<1000x4xf32>, vector<4x32xf32>, vector<1000x32xf32> -> vector<1000x32xf32>
    %get3A_275 = arith.constant 0 : index
    %get3A_276 = arith.constant 0 : index
    %get3A_277 = vector.load %arg8[%get3A_275, %get3A_276] : memref<1x32xf32, #tpu.memory_space<vmem>>, vector<1x32xf32>
    %add3A_278 = vector.broadcast %get3A_277 : vector<1x32xf32> to vector<1000x32xf32>
    %add3A_279 = arith.addf %dot_general3A_274, %add3A_278 : vector<1000x32xf32>
    %tanh3A_280 = math.tanh %add3A_279 : vector<1000x32xf32>
    %get3A_281 = arith.constant 0 : index
    %get3A_282 = arith.constant 0 : index
    %get3A_283 = vector.load %arg9[%get3A_281, %get3A_282] : memref<32x32xf32, #tpu.memory_space<vmem>>, vector<32x32xf32>
    %dot_general3A_284 = arith.constant dense<0.000000e+00> : vector<1000x32xf32>
    %dot_general3A_285 = tpu.matmul %tanh3A_280, %get3A_283, %dot_general3A_284 {dimension_numbers = #tpu.dot_dimension_numbers<[1], [0], [0], [1], [0, 0, 1, 1], [], []>, transpose_lhs_hint = false} : vector<1000x32xf32>, vector<32x32xf32>, vector<1000x32xf32> -> vector<1000x32xf32>
    %get3A_286 = arith.constant 0 : index
    %get3A_287 = arith.constant 0 : index
    %get3A_288 = vector.load %arg10[%get3A_286, %get3A_287] : memref<1x32xf32, #tpu.memory_space<vmem>>, vector<1x32xf32>
    %add3A_289 = vector.broadcast %get3A_288 : vector<1x32xf32> to vector<1000x32xf32>
    %add3A_290 = arith.addf %dot_general3A_285, %add3A_289 : vector<1000x32xf32>
    %add3A_291 = arith.addf %add3A_290, %get3A_1 : vector<1000x32xf32>
    %get3A_292 = arith.constant 2 : index
    %get3A_293 = arith.constant 0 : index
    %get3A_294 = arith.constant 0 : index
    %get3A_295 = vector.load %arg1[%get3A_292, %get3A_293, %get3A_294] : memref<4x1000x4xf32, #tpu.memory_space<vmem>>, vector<1x1000x4xf32>
    %get3A_296 = vector.shape_cast %get3A_295 : vector<1x1000x4xf32> to vector<1000x4xf32>
    %get3A_297 = arith.constant 0 : index
    %get3A_298 = arith.constant 0 : index
    %get3A_299 = vector.load %arg11[%get3A_297, %get3A_298] : memref<4x32xf32, #tpu.memory_space<vmem>>, vector<4x32xf32>
    %dot_general3A_300 = arith.constant dense<0.000000e+00> : vector<1000x32xf32>
    %dot_general3A_301 = tpu.matmul %get3A_296, %get3A_299, %dot_general3A_300 {dimension_numbers = #tpu.dot_dimension_numbers<[1], [0], [0], [1], [0, 0, 1, 1], [], []>, transpose_lhs_hint = false} : vector<1000x4xf32>, vector<4x32xf32>, vector<1000x32xf32> -> vector<1000x32xf32>
    %get3A_302 = arith.constant 0 : index
    %get3A_303 = arith.constant 0 : index
    %get3A_304 = vector.load %arg12[%get3A_302, %get3A_303] : memref<1x32xf32, #tpu.memory_space<vmem>>, vector<1x32xf32>
    %add3A_305 = vector.broadcast %get3A_304 : vector<1x32xf32> to vector<1000x32xf32>
    %add3A_306 = arith.addf %dot_general3A_301, %add3A_305 : vector<1000x32xf32>
    %tanh3A_307 = math.tanh %add3A_306 : vector<1000x32xf32>
    %get3A_308 = arith.constant 0 : index
    %get3A_309 = arith.constant 0 : index
    %get3A_310 = vector.load %arg13[%get3A_308, %get3A_309] : memref<32x32xf32, #tpu.memory_space<vmem>>, vector<32x32xf32>
    %dot_general3A_311 = arith.constant dense<0.000000e+00> : vector<1000x32xf32>
    %dot_general3A_312 = tpu.matmul %tanh3A_307, %get3A_310, %dot_general3A_311 {dimension_numbers = #tpu.dot_dimension_numbers<[1], [0], [0], [1], [0, 0, 1, 1], [], []>, transpose_lhs_hint = false} : vector<1000x32xf32>, vector<32x32xf32>, vector<1000x32xf32> -> vector<1000x32xf32>
    %get3A_313 = arith.constant 0 : index
    %get3A_314 = arith.constant 0 : index
    %get3A_315 = vector.load %arg14[%get3A_313, %get3A_314] : memref<1x32xf32, #tpu.memory_space<vmem>>, vector<1x32xf32>
    %add3A_316 = vector.broadcast %get3A_315 : vector<1x32xf32> to vector<1000x32xf32>
    %add3A_317 = arith.addf %dot_general3A_312, %add3A_316 : vector<1000x32xf32>
    %add3A_318 = arith.addf %add3A_317, %add3A_291 : vector<1000x32xf32>
    %reduce_sum3A_319 = arith.constant dense<0.000000e+00> : vector<1000xf32>
    %reduce_sum3A_320 = vector.multi_reduction <add>, %add3A_318, %reduce_sum3A_319 [1] : vector<1000x32xf32> to vector<1000xf32>
    %broadcast_in_dim3A_321 = vector.shape_cast %reduce_sum3A_320 : vector<1000xf32> to vector<1000x1xf32>
    %div3A_322 = arith.constant 3.200000e+01 : f32
    %div3A_323 = vector.broadcast %div3A_322 : f32 to vector<1000x1xf32>
    %div3A_324 = arith.divf %broadcast_in_dim3A_321, %div3A_323 : vector<1000x1xf32>
    %jit3A_325 = arith.constant 0 : i32
    %reduce_sum3A_326 = arith.constant dense<0.000000e+00> : vector<1000xf32>
    %reduce_sum3A_327 = vector.multi_reduction <add>, %add3A_318, %reduce_sum3A_326 [1] : vector<1000x32xf32> to vector<1000xf32>
    %broadcast_in_dim3A_328 = vector.shape_cast %reduce_sum3A_327 : vector<1000xf32> to vector<1000x1xf32>
    %div3A_329 = arith.constant 3.200000e+01 : f32
    %div3A_330 = vector.broadcast %div3A_329 : f32 to vector<1000x1xf32>
    %div3A_331 = arith.divf %broadcast_in_dim3A_328, %div3A_330 : vector<1000x1xf32>
    %sub3A_332 = vector.broadcast %div3A_331 : vector<1000x1xf32> to vector<1000x32xf32>
    %sub3A_333 = arith.subf %add3A_318, %sub3A_332 : vector<1000x32xf32>
    %square3A_334 = arith.mulf %sub3A_333, %sub3A_333 : vector<1000x32xf32>
    %convert_element_type3A_335 = arith.sitofp %jit3A_325 : i32 to f32
    %sub3A_336 = arith.constant 3.200000e+01 : f32
    %sub3A_337 = arith.subf %sub3A_336, %convert_element_type3A_335 : f32
    %reduce_sum3A_338 = arith.constant dense<0.000000e+00> : vector<1000xf32>
    %reduce_sum3A_339 = vector.multi_reduction <add>, %square3A_334, %reduce_sum3A_338 [1] : vector<1000x32xf32> to vector<1000xf32>
    %broadcast_in_dim3A_340 = vector.shape_cast %reduce_sum3A_339 : vector<1000xf32> to vector<1000x1xf32>
    %div3A_341 = vector.broadcast %sub3A_337 : f32 to vector<1000x1xf32>
    %div3A_342 = arith.divf %broadcast_in_dim3A_340, %div3A_341 : vector<1000x1xf32>
    %gt3A_343 = arith.constant 0.000000e+00 : f32
    %gt3A_344 = arith.cmpf ogt, %sub3A_337, %gt3A_343 : f32
    %jit3A_345 = arith.constant 0x7FC00000 : f32
    %broadcast_in_dim3A_346 = vector.broadcast %jit3A_345 : f32 to vector<1000x1xf32>
    %select_n3A_347 = arith.select %gt3A_344, %div3A_342, %broadcast_in_dim3A_346 : vector<1000x1xf32>
    %sub3A_348 = vector.broadcast %div3A_324 : vector<1000x1xf32> to vector<1000x32xf32>
    %sub3A_349 = arith.subf %add3A_318, %sub3A_348 : vector<1000x32xf32>
    %add3A_350 = arith.constant 9.99999974E-6 : f32
    %add3A_351 = vector.broadcast %add3A_350 : f32 to vector<1000x1xf32>
    %add3A_352 = arith.addf %select_n3A_347, %add3A_351 : vector<1000x1xf32>
    %sqrt3A_353 = math.sqrt %add3A_352 : vector<1000x1xf32>
    %div3A_354 = vector.broadcast %sqrt3A_353 : vector<1000x1xf32> to vector<1000x32xf32>
    %div3A_355 = arith.divf %sub3A_349, %div3A_354 : vector<1000x32xf32>
    %get3A_356 = arith.constant 2 : index
    %get3A_357 = arith.constant 0 : index
    %get3A_358 = arith.constant 0 : index
    %get3A_359 = vector.load %arg3[%get3A_356, %get3A_357, %get3A_358] : memref<4x1000x4xi32, #tpu.memory_space<vmem>>, vector<1x1000x4xi32>
    %get3A_360 = vector.shape_cast %get3A_359 : vector<1x1000x4xi32> to vector<1000x4xi32>
    %convert_element_type3A_361 = arith.sitofp %get3A_360 : vector<1000x4xi32> to vector<1000x4xf32>
    %iota3A_362 = tpu.iota {dimensions = array<i32: 0>} : vector<4x32xi32>
    %iota3A_363 = tpu.iota {dimensions = array<i32: 1>} : vector<4x32xi32>
    %eq3A_364 = arith.cmpi eq, %iota3A_362, %iota3A_363 : vector<4x32xi32>
    %convert_element_type3A_365 = arith.extui %eq3A_364 : vector<4x32xi1> to vector<4x32xi32>
    %convert_element_type3A_366 = arith.sitofp %convert_element_type3A_365 : vector<4x32xi32> to vector<4x32xf32>
    %iota3A_367 = tpu.iota {dimensions = array<i32: 1>} : vector<1000x32xi32>
    %ge3A_368 = arith.constant 4 : i32
    %ge3A_369 = vector.broadcast %ge3A_368 : i32 to vector<1000x32xi32>
    %ge3A_370 = arith.cmpi sge, %iota3A_367, %ge3A_369 : vector<1000x32xi32>
    %dot_general3A_371 = arith.constant dense<0.000000e+00> : vector<1000x32xf32>
    %dot_general3A_372 = tpu.matmul %convert_element_type3A_361, %convert_element_type3A_366, %dot_general3A_371 {dimension_numbers = #tpu.dot_dimension_numbers<[1], [0], [0], [1], [0, 0, 1, 1], [], []>, transpose_lhs_hint = false} : vector<1000x4xf32>, vector<4x32xf32>, vector<1000x32xf32> -> vector<1000x32xf32>
    %gt3A_373 = arith.constant 5.000000e-01 : f32
    %gt3A_374 = vector.broadcast %gt3A_373 : f32 to vector<1000x32xf32>
    %gt3A_375 = arith.cmpf ogt, %dot_general3A_372, %gt3A_374 : vector<1000x32xf32>
    %or3A_376 = arith.ori %ge3A_370, %gt3A_375 : vector<1000x32xi1>
    %get3A_377 = arith.constant 0 : index
    %get3A_378 = arith.constant 0 : index
    %get3A_379 = vector.load %arg15[%get3A_377, %get3A_378] : memref<1000x32xf32, #tpu.memory_space<vmem>>, vector<1000x32xf32>
    %add3A_380 = arith.addf %div3A_355, %get3A_379 : vector<1000x32xf32>
    %get3A_381 = arith.constant 0 : index
    %get3A_382 = arith.constant 0 : index
    %get3A_383 = vector.load %arg16[%get3A_381, %get3A_382] : memref<1000x32xf32, #tpu.memory_space<vmem>>, vector<1000x32xf32>
    %add3A_384 = arith.addf %add3A_291, %get3A_383 : vector<1000x32xf32>
    %select_n3A_385 = arith.select %or3A_376, %add3A_380, %add3A_384 : vector<1000x32xi1>, vector<1000x32xf32>
    %swap3A_386 = arith.constant 2 : index
    %swap3A_387 = arith.constant 0 : index
    %swap3A_388 = arith.constant 0 : index
    %swap3A_389 = vector.load %arg18[%swap3A_386, %swap3A_387, %swap3A_388] : memref<4x1000x32xf32, #tpu.memory_space<vmem>>, vector<1x1000x32xf32>
    %swap3A_390 = vector.shape_cast %swap3A_389 : vector<1x1000x32xf32> to vector<1000x32xf32>
    %swap3A_391 = vector.shape_cast %select_n3A_385 : vector<1000x32xf32> to vector<1x1000x32xf32>
    tpu.vector_store %arg18[%swap3A_386, %swap3A_387, %swap3A_388], %swap3A_391 {strides = array<i32>} : memref<4x1000x32xf32, #tpu.memory_space<vmem>>, vector<1x1000x32xf32>,
    %get3A_392 = arith.constant 0 : index
    %get3A_393 = arith.constant 0 : index
    %get3A_394 = vector.load %arg17[%get3A_392, %get3A_393] : memref<32x32xf32, #tpu.memory_space<vmem>>, vector<32x32xf32>
    %dot_general3A_395 = arith.constant dense<0.000000e+00> : vector<1000x32xf32>
    %dot_general3A_396 = tpu.matmul %select_n3A_385, %get3A_394, %dot_general3A_395 {dimension_numbers = #tpu.dot_dimension_numbers<[1], [0], [0], [1], [0, 0, 1, 1], [], []>, transpose_lhs_hint = false} : vector<1000x32xf32>, vector<32x32xf32>, vector<1000x32xf32> -> vector<1000x32xf32>
    %max3A_397 = arith.constant 0.000000e+00 : f32
    %max3A_398 = vector.broadcast %max3A_397 : f32 to vector<1000x32xf32>
    %max3A_399 = arith.maximumf %dot_general3A_396, %max3A_398 : vector<1000x32xf32>
    %swap3A_400 = arith.constant 0 : index
    %swap3A_401 = arith.constant 2 : index
    %swap3A_402 = arith.constant 0 : index
    %swap3A_403 = vector.load %arg19[%swap3A_400, %swap3A_401, %swap3A_402] : memref<1000x4x32xf32, #tpu.memory_space<vmem>>, vector<1000x1x32xf32>
    %swap3A_404 = vector.shape_cast %swap3A_403 : vector<1000x1x32xf32> to vector<1000x32xf32>
    %swap3A_405 = vector.shape_cast %max3A_399 : vector<1000x32xf32> to vector<1000x1x32xf32>
    tpu.vector_store %arg19[%swap3A_400, %swap3A_401, %swap3A_402], %swap3A_405 {strides = array<i32>} : memref<1000x4x32xf32, #tpu.memory_space<vmem>>, vector<1000x1x32xf32>,
    %get3A_406 = arith.constant 3 : index
    %get3A_407 = arith.constant 0 : index
    %get3A_408 = arith.constant 0 : index
    %get3A_409 = vector.load %arg2[%get3A_406, %get3A_407, %get3A_408] : memref<4x1000x4xf32, #tpu.memory_space<vmem>>, vector<1x1000x4xf32>
    %get3A_410 = vector.shape_cast %get3A_409 : vector<1x1000x4xf32> to vector<1000x4xf32>
    %get3A_411 = arith.constant 0 : index
    %get3A_412 = arith.constant 0 : index
    %get3A_413 = vector.load %arg7[%get3A_411, %get3A_412] : memref<4x32xf32, #tpu.memory_space<vmem>>, vector<4x32xf32>
    %dot_general3A_414 = arith.constant dense<0.000000e+00> : vector<1000x32xf32>
    %dot_general3A_415 = tpu.matmul %get3A_410, %get3A_413, %dot_general3A_414 {dimension_numbers = #tpu.dot_dimension_numbers<[1], [0], [0], [1], [0, 0, 1, 1], [], []>, transpose_lhs_hint = false} : vector<1000x4xf32>, vector<4x32xf32>, vector<1000x32xf32> -> vector<1000x32xf32>
    %get3A_416 = arith.constant 0 : index
    %get3A_417 = arith.constant 0 : index
    %get3A_418 = vector.load %arg8[%get3A_416, %get3A_417] : memref<1x32xf32, #tpu.memory_space<vmem>>, vector<1x32xf32>
    %add3A_419 = vector.broadcast %get3A_418 : vector<1x32xf32> to vector<1000x32xf32>
    %add3A_420 = arith.addf %dot_general3A_415, %add3A_419 : vector<1000x32xf32>
    %tanh3A_421 = math.tanh %add3A_420 : vector<1000x32xf32>
    %get3A_422 = arith.constant 0 : index
    %get3A_423 = arith.constant 0 : index
    %get3A_424 = vector.load %arg9[%get3A_422, %get3A_423] : memref<32x32xf32, #tpu.memory_space<vmem>>, vector<32x32xf32>
    %dot_general3A_425 = arith.constant dense<0.000000e+00> : vector<1000x32xf32>
    %dot_general3A_426 = tpu.matmul %tanh3A_421, %get3A_424, %dot_general3A_425 {dimension_numbers = #tpu.dot_dimension_numbers<[1], [0], [0], [1], [0, 0, 1, 1], [], []>, transpose_lhs_hint = false} : vector<1000x32xf32>, vector<32x32xf32>, vector<1000x32xf32> -> vector<1000x32xf32>
    %get3A_427 = arith.constant 0 : index
    %get3A_428 = arith.constant 0 : index
    %get3A_429 = vector.load %arg10[%get3A_427, %get3A_428] : memref<1x32xf32, #tpu.memory_space<vmem>>, vector<1x32xf32>
    %add3A_430 = vector.broadcast %get3A_429 : vector<1x32xf32> to vector<1000x32xf32>
    %add3A_431 = arith.addf %dot_general3A_426, %add3A_430 : vector<1000x32xf32>
    %add3A_432 = arith.addf %add3A_431, %get3A_1 : vector<1000x32xf32>
    %get3A_433 = arith.constant 3 : index
    %get3A_434 = arith.constant 0 : index
    %get3A_435 = arith.constant 0 : index
    %get3A_436 = vector.load %arg1[%get3A_433, %get3A_434, %get3A_435] : memref<4x1000x4xf32, #tpu.memory_space<vmem>>, vector<1x1000x4xf32>
    %get3A_437 = vector.shape_cast %get3A_436 : vector<1x1000x4xf32> to vector<1000x4xf32>
    %get3A_438 = arith.constant 0 : index
    %get3A_439 = arith.constant 0 : index
    %get3A_440 = vector.load %arg11[%get3A_438, %get3A_439] : memref<4x32xf32, #tpu.memory_space<vmem>>, vector<4x32xf32>
    %dot_general3A_441 = arith.constant dense<0.000000e+00> : vector<1000x32xf32>
    %dot_general3A_442 = tpu.matmul %get3A_437, %get3A_440, %dot_general3A_441 {dimension_numbers = #tpu.dot_dimension_numbers<[1], [0], [0], [1], [0, 0, 1, 1], [], []>, transpose_lhs_hint = false} : vector<1000x4xf32>, vector<4x32xf32>, vector<1000x32xf32> -> vector<1000x32xf32>
    %get3A_443 = arith.constant 0 : index
    %get3A_444 = arith.constant 0 : index
    %get3A_445 = vector.load %arg12[%get3A_443, %get3A_444] : memref<1x32xf32, #tpu.memory_space<vmem>>, vector<1x32xf32>
    %add3A_446 = vector.broadcast %get3A_445 : vector<1x32xf32> to vector<1000x32xf32>
    %add3A_447 = arith.addf %dot_general3A_442, %add3A_446 : vector<1000x32xf32>
    %tanh3A_448 = math.tanh %add3A_447 : vector<1000x32xf32>
    %get3A_449 = arith.constant 0 : index
    %get3A_450 = arith.constant 0 : index
    %get3A_451 = vector.load %arg13[%get3A_449, %get3A_450] : memref<32x32xf32, #tpu.memory_space<vmem>>, vector<32x32xf32>
    %dot_general3A_452 = arith.constant dense<0.000000e+00> : vector<1000x32xf32>
    %dot_general3A_453 = tpu.matmul %tanh3A_448, %get3A_451, %dot_general3A_452 {dimension_numbers = #tpu.dot_dimension_numbers<[1], [0], [0], [1], [0, 0, 1, 1], [], []>, transpose_lhs_hint = false} : vector<1000x32xf32>, vector<32x32xf32>, vector<1000x32xf32> -> vector<1000x32xf32>
    %get3A_454 = arith.constant 0 : index
    %get3A_455 = arith.constant 0 : index
    %get3A_456 = vector.load %arg14[%get3A_454, %get3A_455] : memref<1x32xf32, #tpu.memory_space<vmem>>, vector<1x32xf32>
    %add3A_457 = vector.broadcast %get3A_456 : vector<1x32xf32> to vector<1000x32xf32>
    %add3A_458 = arith.addf %dot_general3A_453, %add3A_457 : vector<1000x32xf32>
    %add3A_459 = arith.addf %add3A_458, %add3A_432 : vector<1000x32xf32>
    %reduce_sum3A_460 = arith.constant dense<0.000000e+00> : vector<1000xf32>
    %reduce_sum3A_461 = vector.multi_reduction <add>, %add3A_459, %reduce_sum3A_460 [1] : vector<1000x32xf32> to vector<1000xf32>
    %broadcast_in_dim3A_462 = vector.shape_cast %reduce_sum3A_461 : vector<1000xf32> to vector<1000x1xf32>
    %div3A_463 = arith.constant 3.200000e+01 : f32
    %div3A_464 = vector.broadcast %div3A_463 : f32 to vector<1000x1xf32>
    %div3A_465 = arith.divf %broadcast_in_dim3A_462, %div3A_464 : vector<1000x1xf32>
    %jit3A_466 = arith.constant 0 : i32
    %reduce_sum3A_467 = arith.constant dense<0.000000e+00> : vector<1000xf32>
    %reduce_sum3A_468 = vector.multi_reduction <add>, %add3A_459, %reduce_sum3A_467 [1] : vector<1000x32xf32> to vector<1000xf32>
    %broadcast_in_dim3A_469 = vector.shape_cast %reduce_sum3A_468 : vector<1000xf32> to vector<1000x1xf32>
    %div3A_470 = arith.constant 3.200000e+01 : f32
    %div3A_471 = vector.broadcast %div3A_470 : f32 to vector<1000x1xf32>
    %div3A_472 = arith.divf %broadcast_in_dim3A_469, %div3A_471 : vector<1000x1xf32>
    %sub3A_473 = vector.broadcast %div3A_472 : vector<1000x1xf32> to vector<1000x32xf32>
    %sub3A_474 = arith.subf %add3A_459, %sub3A_473 : vector<1000x32xf32>
    %square3A_475 = arith.mulf %sub3A_474, %sub3A_474 : vector<1000x32xf32>
    %convert_element_type3A_476 = arith.sitofp %jit3A_466 : i32 to f32
    %sub3A_477 = arith.constant 3.200000e+01 : f32
    %sub3A_478 = arith.subf %sub3A_477, %convert_element_type3A_476 : f32
    %reduce_sum3A_479 = arith.constant dense<0.000000e+00> : vector<1000xf32>
    %reduce_sum3A_480 = vector.multi_reduction <add>, %square3A_475, %reduce_sum3A_479 [1] : vector<1000x32xf32> to vector<1000xf32>
    %broadcast_in_dim3A_481 = vector.shape_cast %reduce_sum3A_480 : vector<1000xf32> to vector<1000x1xf32>
    %div3A_482 = vector.broadcast %sub3A_478 : f32 to vector<1000x1xf32>
    %div3A_483 = arith.divf %broadcast_in_dim3A_481, %div3A_482 : vector<1000x1xf32>
    %gt3A_484 = arith.constant 0.000000e+00 : f32
    %gt3A_485 = arith.cmpf ogt, %sub3A_478, %gt3A_484 : f32
    %jit3A_486 = arith.constant 0x7FC00000 : f32
    %broadcast_in_dim3A_487 = vector.broadcast %jit3A_486 : f32 to vector<1000x1xf32>
    %select_n3A_488 = arith.select %gt3A_485, %div3A_483, %broadcast_in_dim3A_487 : vector<1000x1xf32>
    %sub3A_489 = vector.broadcast %div3A_465 : vector<1000x1xf32> to vector<1000x32xf32>
    %sub3A_490 = arith.subf %add3A_459, %sub3A_489 : vector<1000x32xf32>
    %add3A_491 = arith.constant 9.99999974E-6 : f32
    %add3A_492 = vector.broadcast %add3A_491 : f32 to vector<1000x1xf32>
    %add3A_493 = arith.addf %select_n3A_488, %add3A_492 : vector<1000x1xf32>
    %sqrt3A_494 = math.sqrt %add3A_493 : vector<1000x1xf32>
    %div3A_495 = vector.broadcast %sqrt3A_494 : vector<1000x1xf32> to vector<1000x32xf32>
    %div3A_496 = arith.divf %sub3A_490, %div3A_495 : vector<1000x32xf32>
    %get3A_497 = arith.constant 3 : index
    %get3A_498 = arith.constant 0 : index
    %get3A_499 = arith.constant 0 : index
    %get3A_500 = vector.load %arg3[%get3A_497, %get3A_498, %get3A_499] : memref<4x1000x4xi32, #tpu.memory_space<vmem>>, vector<1x1000x4xi32>
    %get3A_501 = vector.shape_cast %get3A_500 : vector<1x1000x4xi32> to vector<1000x4xi32>
    %convert_element_type3A_502 = arith.sitofp %get3A_501 : vector<1000x4xi32> to vector<1000x4xf32>
    %iota3A_503 = tpu.iota {dimensions = array<i32: 0>} : vector<4x32xi32>
    %iota3A_504 = tpu.iota {dimensions = array<i32: 1>} : vector<4x32xi32>
    %eq3A_505 = arith.cmpi eq, %iota3A_503, %iota3A_504 : vector<4x32xi32>
    %convert_element_type3A_506 = arith.extui %eq3A_505 : vector<4x32xi1> to vector<4x32xi32>
    %convert_element_type3A_507 = arith.sitofp %convert_element_type3A_506 : vector<4x32xi32> to vector<4x32xf32>
    %iota3A_508 = tpu.iota {dimensions = array<i32: 1>} : vector<1000x32xi32>
    %ge3A_509 = arith.constant 4 : i32
    %ge3A_510 = vector.broadcast %ge3A_509 : i32 to vector<1000x32xi32>
    %ge3A_511 = arith.cmpi sge, %iota3A_508, %ge3A_510 : vector<1000x32xi32>
    %dot_general3A_512 = arith.constant dense<0.000000e+00> : vector<1000x32xf32>
    %dot_general3A_513 = tpu.matmul %convert_element_type3A_502, %convert_element_type3A_507, %dot_general3A_512 {dimension_numbers = #tpu.dot_dimension_numbers<[1], [0], [0], [1], [0, 0, 1, 1], [], []>, transpose_lhs_hint = false} : vector<1000x4xf32>, vector<4x32xf32>, vector<1000x32xf32> -> vector<1000x32xf32>
    %gt3A_514 = arith.constant 5.000000e-01 : f32
    %gt3A_515 = vector.broadcast %gt3A_514 : f32 to vector<1000x32xf32>
    %gt3A_516 = arith.cmpf ogt, %dot_general3A_513, %gt3A_515 : vector<1000x32xf32>
    %or3A_517 = arith.ori %ge3A_511, %gt3A_516 : vector<1000x32xi1>
    %get3A_518 = arith.constant 0 : index
    %get3A_519 = arith.constant 0 : index
    %get3A_520 = vector.load %arg15[%get3A_518, %get3A_519] : memref<1000x32xf32, #tpu.memory_space<vmem>>, vector<1000x32xf32>
    %add3A_521 = arith.addf %div3A_496, %get3A_520 : vector<1000x32xf32>
    %get3A_522 = arith.constant 0 : index
    %get3A_523 = arith.constant 0 : index
    %get3A_524 = vector.load %arg16[%get3A_522, %get3A_523] : memref<1000x32xf32, #tpu.memory_space<vmem>>, vector<1000x32xf32>
    %add3A_525 = arith.addf %add3A_432, %get3A_524 : vector<1000x32xf32>
    %select_n3A_526 = arith.select %or3A_517, %add3A_521, %add3A_525 : vector<1000x32xi1>, vector<1000x32xf32>
    %swap3A_527 = arith.constant 3 : index
    %swap3A_528 = arith.constant 0 : index
    %swap3A_529 = arith.constant 0 : index
    %swap3A_530 = vector.load %arg18[%swap3A_527, %swap3A_528, %swap3A_529] : memref<4x1000x32xf32, #tpu.memory_space<vmem>>, vector<1x1000x32xf32>
    %swap3A_531 = vector.shape_cast %swap3A_530 : vector<1x1000x32xf32> to vector<1000x32xf32>
    %swap3A_532 = vector.shape_cast %select_n3A_526 : vector<1000x32xf32> to vector<1x1000x32xf32>
    tpu.vector_store %arg18[%swap3A_527, %swap3A_528, %swap3A_529], %swap3A_532 {strides = array<i32>} : memref<4x1000x32xf32, #tpu.memory_space<vmem>>, vector<1x1000x32xf32>,
    %get3A_533 = arith.constant 0 : index
    %get3A_534 = arith.constant 0 : index
    %get3A_535 = vector.load %arg17[%get3A_533, %get3A_534] : memref<32x32xf32, #tpu.memory_space<vmem>>, vector<32x32xf32>
    %dot_general3A_536 = arith.constant dense<0.000000e+00> : vector<1000x32xf32>
    %dot_general3A_537 = tpu.matmul %select_n3A_526, %get3A_535, %dot_general3A_536 {dimension_numbers = #tpu.dot_dimension_numbers<[1], [0], [0], [1], [0, 0, 1, 1], [], []>, transpose_lhs_hint = false} : vector<1000x32xf32>, vector<32x32xf32>, vector<1000x32xf32> -> vector<1000x32xf32>
    %max3A_538 = arith.constant 0.000000e+00 : f32
    %max3A_539 = vector.broadcast %max3A_538 : f32 to vector<1000x32xf32>
    %max3A_540 = arith.maximumf %dot_general3A_537, %max3A_539 : vector<1000x32xf32>
    %swap3A_541 = arith.constant 0 : index
    %swap3A_542 = arith.constant 3 : index
    %swap3A_543 = arith.constant 0 : index
    %swap3A_544 = vector.load %arg19[%swap3A_541, %swap3A_542, %swap3A_543] : memref<1000x4x32xf32, #tpu.memory_space<vmem>>, vector<1000x1x32xf32>
    %swap3A_545 = vector.shape_cast %swap3A_544 : vector<1000x1x32xf32> to vector<1000x32xf32>
    %swap3A_546 = vector.shape_cast %max3A_540 : vector<1000x32xf32> to vector<1000x1x32xf32>
    tpu.vector_store %arg19[%swap3A_541, %swap3A_542, %swap3A_543], %swap3A_546 {strides = array<i32>} : memref<1000x4x32xf32, #tpu.memory_space<vmem>>, vector<1000x1x32xf32>,
    %get3A_547 = arith.constant 0 : index
    %get3A_548 = arith.constant 0 : index
    %get3A_549 = vector.load %arg6[%get3A_547, %get3A_548] : memref<1000x16xf32, #tpu.memory_space<vmem>>, vector<1000x16xf32>
    %get3A_550 = arith.constant 0 : index
    %get3A_551 = arith.constant 0 : index
    %get3A_552 = vector.load %arg5[%get3A_550, %get3A_551] : memref<32x16xf32, #tpu.memory_space<vmem>>, vector<32x16xf32>
    %dot_general3A_553 = arith.constant dense<0.000000e+00> : vector<1000x16xf32>
    %dot_general3A_554 = tpu.matmul %get3A_1, %get3A_552, %dot_general3A_553 {dimension_numbers = #tpu.dot_dimension_numbers<[1], [0], [0], [1], [0, 0, 1, 1], [], []>, transpose_lhs_hint = false} : vector<1000x32xf32>, vector<32x16xf32>, vector<1000x16xf32> -> vector<1000x16xf32>
    %add3A_555 = arith.addf %get3A_549, %dot_general3A_554 : vector<1000x16xf32>
    %reduce_sum3A_556 = arith.constant dense<0.000000e+00> : vector<1000xf32>
    %reduce_sum3A_557 = vector.multi_reduction <add>, %add3A_555, %reduce_sum3A_556 [1] : vector<1000x16xf32> to vector<1000xf32>
    %broadcast_in_dim3A_558 = vector.shape_cast %reduce_sum3A_557 : vector<1000xf32> to vector<1000x1xf32>
    %div3A_559 = arith.constant 1.600000e+01 : f32
    %div3A_560 = vector.broadcast %div3A_559 : f32 to vector<1000x1xf32>
    %div3A_561 = arith.divf %broadcast_in_dim3A_558, %div3A_560 : vector<1000x1xf32>
    %jit3A_562 = arith.constant 0 : i32
    %reduce_sum3A_563 = arith.constant dense<0.000000e+00> : vector<1000xf32>
    %reduce_sum3A_564 = vector.multi_reduction <add>, %add3A_555, %reduce_sum3A_563 [1] : vector<1000x16xf32> to vector<1000xf32>
    %broadcast_in_dim3A_565 = vector.shape_cast %reduce_sum3A_564 : vector<1000xf32> to vector<1000x1xf32>
    %div3A_566 = arith.constant 1.600000e+01 : f32
    %div3A_567 = vector.broadcast %div3A_566 : f32 to vector<1000x1xf32>
    %div3A_568 = arith.divf %broadcast_in_dim3A_565, %div3A_567 : vector<1000x1xf32>
    %sub3A_569 = vector.broadcast %div3A_568 : vector<1000x1xf32> to vector<1000x16xf32>
    %sub3A_570 = arith.subf %add3A_555, %sub3A_569 : vector<1000x16xf32>
    %square3A_571 = arith.mulf %sub3A_570, %sub3A_570 : vector<1000x16xf32>
    %convert_element_type3A_572 = arith.sitofp %jit3A_562 : i32 to f32
    %sub3A_573 = arith.constant 1.600000e+01 : f32
    %sub3A_574 = arith.subf %sub3A_573, %convert_element_type3A_572 : f32
    %reduce_sum3A_575 = arith.constant dense<0.000000e+00> : vector<1000xf32>
    %reduce_sum3A_576 = vector.multi_reduction <add>, %square3A_571, %reduce_sum3A_575 [1] : vector<1000x16xf32> to vector<1000xf32>
    %broadcast_in_dim3A_577 = vector.shape_cast %reduce_sum3A_576 : vector<1000xf32> to vector<1000x1xf32>
    %div3A_578 = vector.broadcast %sub3A_574 : f32 to vector<1000x1xf32>
    %div3A_579 = arith.divf %broadcast_in_dim3A_577, %div3A_578 : vector<1000x1xf32>
    %gt3A_580 = arith.constant 0.000000e+00 : f32
    %gt3A_581 = arith.cmpf ogt, %sub3A_574, %gt3A_580 : f32
    %jit3A_582 = arith.constant 0x7FC00000 : f32
    %broadcast_in_dim3A_583 = vector.broadcast %jit3A_582 : f32 to vector<1000x1xf32>
    %select_n3A_584 = arith.select %gt3A_581, %div3A_579, %broadcast_in_dim3A_583 : vector<1000x1xf32>
    %sub3A_585 = vector.broadcast %div3A_561 : vector<1000x1xf32> to vector<1000x16xf32>
    %sub3A_586 = arith.subf %add3A_555, %sub3A_585 : vector<1000x16xf32>
    %add3A_587 = arith.constant 9.99999974E-6 : f32
    %add3A_588 = vector.broadcast %add3A_587 : f32 to vector<1000x1xf32>
    %add3A_589 = arith.addf %select_n3A_584, %add3A_588 : vector<1000x1xf32>
    %sqrt3A_590 = math.sqrt %add3A_589 : vector<1000x1xf32>
    %div3A_591 = vector.broadcast %sqrt3A_590 : vector<1000x1xf32> to vector<1000x16xf32>
    %div3A_592 = arith.divf %sub3A_586, %div3A_591 : vector<1000x16xf32>
    %swap3A_593 = arith.constant 0 : index
    %swap3A_594 = arith.constant 0 : index
    %swap3A_595 = vector.load %arg20[%swap3A_593, %swap3A_594] : memref<1000x16xf32, #tpu.memory_space<vmem>>, vector<1000x16xf32>
    tpu.vector_store %arg20[%swap3A_593, %swap3A_594], %div3A_592 {strides = array<i32>} : memref<1000x16xf32, #tpu.memory_space<vmem>>, vector<1000x16xf32>,
    return
  }
  func.func @transform_0(%arg0: i32) -> (i32, i32, i32) {
    %c0_i32 = arith.constant 0 : i32
    %c0_i32_0 = arith.constant 0 : i32
    %c0_i32_1 = arith.constant 0 : i32
    return %c0_i32, %arg0, %c0_i32_0 : i32, i32, i32
  }
  func.func @transform_1(%arg0: i32) -> (i32, i32, i32) {
    %c0_i32 = arith.constant 0 : i32
    %c0_i32_0 = arith.constant 0 : i32
    %c0_i32_1 = arith.constant 0 : i32
    return %c0_i32, %arg0, %c0_i32_0 : i32, i32, i32
  }
  func.func @transform_2(%arg0: i32) -> (i32, i32, i32) {
    %c0_i32 = arith.constant 0 : i32
    %c0_i32_0 = arith.constant 0 : i32
    %c0_i32_1 = arith.constant 0 : i32
    return %c0_i32, %arg0, %c0_i32_0 : i32, i32, i32
  }
  func.func @transform_3(%arg0: i32) -> (i32, i32) {
    %c0_i32 = arith.constant 0 : i32
    %c0_i32_0 = arith.constant 0 : i32
    return %arg0, %c0_i32 : i32, i32
  }
  func.func @transform_4(%arg0: i32) -> (i32, i32) {
    %c0_i32 = arith.constant 0 : i32
    %c0_i32_0 = arith.constant 0 : i32
    %c0_i32_1 = arith.constant 0 : i32
    return %c0_i32, %c0_i32_0 : i32, i32
  }
  func.func @transform_5(%arg0: i32) -> (i32, i32) {
    %c0_i32 = arith.constant 0 : i32
    %c0_i32_0 = arith.constant 0 : i32
    return %arg0, %c0_i32 : i32, i32
  }
  func.func @transform_6(%arg0: i32) -> (i32, i32) {
    %c0_i32 = arith.constant 0 : i32
    %c0_i32_0 = arith.constant 0 : i32
    %c0_i32_1 = arith.constant 0 : i32
    return %c0_i32, %c0_i32_0 : i32, i32
  }
  func.func @transform_7(%arg0: i32) -> (i32, i32) {
    %c0_i32 = arith.constant 0 : i32
    %c0_i32_0 = arith.constant 0 : i32
    %c0_i32_1 = arith.constant 0 : i32
    return %c0_i32, %c0_i32_0 : i32, i32
  }
  func.func @transform_8(%arg0: i32) -> (i32, i32) {
    %c0_i32 = arith.constant 0 : i32
    %c0_i32_0 = arith.constant 0 : i32
    %c0_i32_1 = arith.constant 0 : i32
    return %c0_i32, %c0_i32_0 : i32, i32
  }
  func.func @transform_9(%arg0: i32) -> (i32, i32) {
    %c0_i32 = arith.constant 0 : i32
    %c0_i32_0 = arith.constant 0 : i32
    %c0_i32_1 = arith.constant 0 : i32
    return %c0_i32, %c0_i32_0 : i32, i32
  }
  func.func @transform_10(%arg0: i32) -> (i32, i32) {
    %c0_i32 = arith.constant 0 : i32
    %c0_i32_0 = arith.constant 0 : i32
    %c0_i32_1 = arith.constant 0 : i32
    return %c0_i32, %c0_i32_0 : i32, i32
  }
  func.func @transform_11(%arg0: i32) -> (i32, i32) {
    %c0_i32 = arith.constant 0 : i32
    %c0_i32_0 = arith.constant 0 : i32
    %c0_i32_1 = arith.constant 0 : i32
    return %c0_i32, %c0_i32_0 : i32, i32
  }
  func.func @transform_12(%arg0: i32) -> (i32, i32) {
    %c0_i32 = arith.constant 0 : i32
    %c0_i32_0 = arith.constant 0 : i32
    %c0_i32_1 = arith.constant 0 : i32
    return %c0_i32, %c0_i32_0 : i32, i32
  }
  func.func @transform_13(%arg0: i32) -> (i32, i32) {
    %c0_i32 = arith.constant 0 : i32
    %c0_i32_0 = arith.constant 0 : i32
    %c0_i32_1 = arith.constant 0 : i32
    return %c0_i32, %c0_i32_0 : i32, i32
  }
  func.func @transform_14(%arg0: i32) -> (i32, i32) {
    %c0_i32 = arith.constant 0 : i32
    %c0_i32_0 = arith.constant 0 : i32
    return %arg0, %c0_i32 : i32, i32
  }
  func.func @transform_15(%arg0: i32) -> (i32, i32) {
    %c0_i32 = arith.constant 0 : i32
    %c0_i32_0 = arith.constant 0 : i32
    return %arg0, %c0_i32 : i32, i32
  }
  func.func @transform_16(%arg0: i32) -> (i32, i32) {
    %c0_i32 = arith.constant 0 : i32
    %c0_i32_0 = arith.constant 0 : i32
    %c0_i32_1 = arith.constant 0 : i32
    return %c0_i32, %c0_i32_0 : i32, i32
  }
  func.func @transform_17(%arg0: i32) -> (i32, i32, i32) {
    %c0_i32 = arith.constant 0 : i32
    %c0_i32_0 = arith.constant 0 : i32
    %c0_i32_1 = arith.constant 0 : i32
    return %c0_i32, %arg0, %c0_i32_0 : i32, i32, i32
  }
  func.func @transform_18(%arg0: i32) -> (i32, i32, i32) {
    %c0_i32 = arith.constant 0 : i32
    %c0_i32_0 = arith.constant 0 : i32
    %c0_i32_1 = arith.constant 0 : i32
    return %arg0, %c0_i32, %c0_i32_0 : i32, i32, i32
  }
  func.func @transform_19(%arg0: i32) -> (i32, i32) {
    %c0_i32 = arith.constant 0 : i32
    %c0_i32_0 = arith.constant 0 : i32
    return %arg0, %c0_i32 : i32, i32
  }
}

module attributes {stable_mosaic.version = 14 : i64} {
  func.func @_k_mid_body(%arg0: i32, %arg1: memref<4x1000x32xf32, #tpu.memory_space<vmem>>, %arg2: memref<2x1000x4x32xf32, #tpu.memory_space<vmem>>, %arg3: memref<4x1000x4xf32, #tpu.memory_space<vmem>>, %arg4: memref<4x1000x4xi32, #tpu.memory_space<vmem>>, %arg5: memref<4x32xf32, #tpu.memory_space<vmem>>, %arg6: memref<1x32xf32, #tpu.memory_space<vmem>>, %arg7: memref<32x32xf32, #tpu.memory_space<vmem>>, %arg8: memref<1x32xf32, #tpu.memory_space<vmem>>, %arg9: memref<1000x32xf32, #tpu.memory_space<vmem>>, %arg10: memref<1000x32xf32, #tpu.memory_space<vmem>>, %arg11: memref<32x32xf32, #tpu.memory_space<vmem>>, %arg12: memref<4x1000x32xf32, #tpu.memory_space<vmem>>, %arg13: memref<1000x4x32xf32, #tpu.memory_space<vmem>>) attributes {dimension_semantics = [#tpu.dimension_semantics<arbitrary>], iteration_bounds = array<i64: 10>, scalar_prefetch = 0 : i64, scratch_operands = 0 : i64, tpu.core_type = #tpu.core_type<tc>, window_params = [{transform_indices = @transform_0, window_bounds = array<i64: 4, 1000, 32>}, {transform_indices = @transform_1, window_bounds = array<i64: 2, 1000, 4, 32>}, {transform_indices = @transform_2, window_bounds = array<i64: 4, 1000, 4>}, {transform_indices = @transform_3, window_bounds = array<i64: 4, 1000, 4>}, {pipeline_mode = #tpu.pipeline_mode<synchronous>, transform_indices = @transform_4, window_bounds = array<i64: 4, 32>}, {pipeline_mode = #tpu.pipeline_mode<synchronous>, transform_indices = @transform_5, window_bounds = array<i64: 1, 32>}, {pipeline_mode = #tpu.pipeline_mode<synchronous>, transform_indices = @transform_6, window_bounds = array<i64: 32, 32>}, {pipeline_mode = #tpu.pipeline_mode<synchronous>, transform_indices = @transform_7, window_bounds = array<i64: 1, 32>}, {transform_indices = @transform_8, window_bounds = array<i64: 1000, 32>}, {transform_indices = @transform_9, window_bounds = array<i64: 1000, 32>}, {pipeline_mode = #tpu.pipeline_mode<synchronous>, transform_indices = @transform_10, window_bounds = array<i64: 32, 32>}, {transform_indices = @transform_11, window_bounds = array<i64: 4, 1000, 32>}, {transform_indices = @transform_12, window_bounds = array<i64: 1000, 4, 32>}]} {
    %get3A = arith.constant 0 : index
    %get3A_0 = arith.constant 0 : index
    %get3A_1 = arith.constant 0 : index
    %get3A_2 = arith.constant 0 : index
    %get3A_3 = vector.load %arg2[%get3A, %get3A_0, %get3A_1, %get3A_2] : memref<2x1000x4x32xf32, #tpu.memory_space<vmem>>, vector<1x1000x1x32xf32>
    %get3A_4 = vector.shape_cast %get3A_3 : vector<1x1000x1x32xf32> to vector<1000x32xf32>
    %get3A_5 = arith.constant 1 : index
    %get3A_6 = arith.constant 0 : index
    %get3A_7 = arith.constant 0 : index
    %get3A_8 = arith.constant 0 : index
    %get3A_9 = vector.load %arg2[%get3A_5, %get3A_6, %get3A_7, %get3A_8] : memref<2x1000x4x32xf32, #tpu.memory_space<vmem>>, vector<1x1000x1x32xf32>
    %get3A_10 = vector.shape_cast %get3A_9 : vector<1x1000x1x32xf32> to vector<1000x32xf32>
    %add3A = arith.addf %get3A_4, %get3A_10 : vector<1000x32xf32>
    %get3A_11 = arith.constant 0 : index
    %get3A_12 = arith.constant 0 : index
    %get3A_13 = arith.constant 0 : index
    %get3A_14 = vector.load %arg3[%get3A_11, %get3A_12, %get3A_13] : memref<4x1000x4xf32, #tpu.memory_space<vmem>>, vector<1x1000x4xf32>
    %get3A_15 = vector.shape_cast %get3A_14 : vector<1x1000x4xf32> to vector<1000x4xf32>
    %get3A_16 = arith.constant 0 : index
    %get3A_17 = arith.constant 0 : index
    %get3A_18 = vector.load %arg5[%get3A_16, %get3A_17] : memref<4x32xf32, #tpu.memory_space<vmem>>, vector<4x32xf32>
    %dot_general3A = arith.constant dense<0.000000e+00> : vector<1000x32xf32>
    %dot_general3A_19 = tpu.matmul %get3A_15, %get3A_18, %dot_general3A {dimension_numbers = #tpu.dot_dimension_numbers<[1], [0], [0], [1], [0, 0, 1, 1], [], []>, transpose_lhs_hint = false} : vector<1000x4xf32>, vector<4x32xf32>, vector<1000x32xf32> -> vector<1000x32xf32>
    %get3A_20 = arith.constant 0 : index
    %get3A_21 = arith.constant 0 : index
    %get3A_22 = vector.load %arg6[%get3A_20, %get3A_21] : memref<1x32xf32, #tpu.memory_space<vmem>>, vector<1x32xf32>
    %add3A_23 = vector.broadcast %get3A_22 : vector<1x32xf32> to vector<1000x32xf32>
    %add3A_24 = arith.addf %dot_general3A_19, %add3A_23 : vector<1000x32xf32>
    %get3A_25 = arith.constant 0 : index
    %get3A_26 = arith.constant 0 : index
    %get3A_27 = arith.constant 0 : index
    %get3A_28 = vector.load %arg1[%get3A_25, %get3A_26, %get3A_27] : memref<4x1000x32xf32, #tpu.memory_space<vmem>>, vector<1x1000x32xf32>
    %get3A_29 = vector.shape_cast %get3A_28 : vector<1x1000x32xf32> to vector<1000x32xf32>
    %get3A_30 = arith.constant 0 : index
    %get3A_31 = arith.constant 0 : index
    %get3A_32 = vector.load %arg7[%get3A_30, %get3A_31] : memref<32x32xf32, #tpu.memory_space<vmem>>, vector<32x32xf32>
    %dot_general3A_33 = arith.constant dense<0.000000e+00> : vector<1000x32xf32>
    %dot_general3A_34 = tpu.matmul %get3A_29, %get3A_32, %dot_general3A_33 {dimension_numbers = #tpu.dot_dimension_numbers<[1], [0], [0], [1], [0, 0, 1, 1], [], []>, transpose_lhs_hint = false} : vector<1000x32xf32>, vector<32x32xf32>, vector<1000x32xf32> -> vector<1000x32xf32>
    %get3A_35 = arith.constant 0 : index
    %get3A_36 = arith.constant 0 : index
    %get3A_37 = vector.load %arg8[%get3A_35, %get3A_36] : memref<1x32xf32, #tpu.memory_space<vmem>>, vector<1x32xf32>
    %add3A_38 = vector.broadcast %get3A_37 : vector<1x32xf32> to vector<1000x32xf32>
    %add3A_39 = arith.addf %dot_general3A_34, %add3A_38 : vector<1000x32xf32>
    %add3A_40 = arith.addf %add3A_39, %add3A : vector<1000x32xf32>
    %add3A_41 = arith.addf %add3A_40, %add3A_24 : vector<1000x32xf32>
    %max3A = arith.constant 0.000000e+00 : f32
    %max3A_42 = vector.broadcast %max3A : f32 to vector<1000x32xf32>
    %max3A_43 = arith.maximumf %add3A_41, %max3A_42 : vector<1000x32xf32>
    %reduce_sum3A = arith.constant dense<0.000000e+00> : vector<1000xf32>
    %reduce_sum3A_44 = vector.multi_reduction <add>, %max3A_43, %reduce_sum3A [1] : vector<1000x32xf32> to vector<1000xf32>
    %broadcast_in_dim3A = vector.shape_cast %reduce_sum3A_44 : vector<1000xf32> to vector<1000x1xf32>
    %div3A = arith.constant 3.200000e+01 : f32
    %div3A_45 = vector.broadcast %div3A : f32 to vector<1000x1xf32>
    %div3A_46 = arith.divf %broadcast_in_dim3A, %div3A_45 : vector<1000x1xf32>
    %jit3A = arith.constant 0 : i32
    %reduce_sum3A_47 = arith.constant dense<0.000000e+00> : vector<1000xf32>
    %reduce_sum3A_48 = vector.multi_reduction <add>, %max3A_43, %reduce_sum3A_47 [1] : vector<1000x32xf32> to vector<1000xf32>
    %broadcast_in_dim3A_49 = vector.shape_cast %reduce_sum3A_48 : vector<1000xf32> to vector<1000x1xf32>
    %div3A_50 = arith.constant 3.200000e+01 : f32
    %div3A_51 = vector.broadcast %div3A_50 : f32 to vector<1000x1xf32>
    %div3A_52 = arith.divf %broadcast_in_dim3A_49, %div3A_51 : vector<1000x1xf32>
    %sub3A = vector.broadcast %div3A_52 : vector<1000x1xf32> to vector<1000x32xf32>
    %sub3A_53 = arith.subf %max3A_43, %sub3A : vector<1000x32xf32>
    %square3A = arith.mulf %sub3A_53, %sub3A_53 : vector<1000x32xf32>
    %convert_element_type3A = arith.sitofp %jit3A : i32 to f32
    %sub3A_54 = arith.constant 3.200000e+01 : f32
    %sub3A_55 = arith.subf %sub3A_54, %convert_element_type3A : f32
    %reduce_sum3A_56 = arith.constant dense<0.000000e+00> : vector<1000xf32>
    %reduce_sum3A_57 = vector.multi_reduction <add>, %square3A, %reduce_sum3A_56 [1] : vector<1000x32xf32> to vector<1000xf32>
    %broadcast_in_dim3A_58 = vector.shape_cast %reduce_sum3A_57 : vector<1000xf32> to vector<1000x1xf32>
    %div3A_59 = vector.broadcast %sub3A_55 : f32 to vector<1000x1xf32>
    %div3A_60 = arith.divf %broadcast_in_dim3A_58, %div3A_59 : vector<1000x1xf32>
    %gt3A = arith.constant 0.000000e+00 : f32
    %gt3A_61 = arith.cmpf ogt, %sub3A_55, %gt3A : f32
    %jit3A_62 = arith.constant 0x7FC00000 : f32
    %broadcast_in_dim3A_63 = vector.broadcast %jit3A_62 : f32 to vector<1000x1xf32>
    %select_n3A = arith.select %gt3A_61, %div3A_60, %broadcast_in_dim3A_63 : vector<1000x1xf32>
    %sub3A_64 = vector.broadcast %div3A_46 : vector<1000x1xf32> to vector<1000x32xf32>
    %sub3A_65 = arith.subf %max3A_43, %sub3A_64 : vector<1000x32xf32>
    %add3A_66 = arith.constant 9.99999974E-6 : f32
    %add3A_67 = vector.broadcast %add3A_66 : f32 to vector<1000x1xf32>
    %add3A_68 = arith.addf %select_n3A, %add3A_67 : vector<1000x1xf32>
    %sqrt3A = math.sqrt %add3A_68 : vector<1000x1xf32>
    %div3A_69 = vector.broadcast %sqrt3A : vector<1000x1xf32> to vector<1000x32xf32>
    %div3A_70 = arith.divf %sub3A_65, %div3A_69 : vector<1000x32xf32>
    %swap3A = arith.constant 0 : index
    %swap3A_71 = arith.constant 0 : index
    %swap3A_72 = arith.constant 0 : index
    %swap3A_73 = vector.load %arg12[%swap3A, %swap3A_71, %swap3A_72] : memref<4x1000x32xf32, #tpu.memory_space<vmem>>, vector<1x1000x32xf32>
    %swap3A_74 = vector.shape_cast %swap3A_73 : vector<1x1000x32xf32> to vector<1000x32xf32>
    %swap3A_75 = vector.shape_cast %div3A_70 : vector<1000x32xf32> to vector<1x1000x32xf32>
    tpu.vector_store %arg12[%swap3A, %swap3A_71, %swap3A_72], %swap3A_75 {strides = array<i32>} : memref<4x1000x32xf32, #tpu.memory_space<vmem>>, vector<1x1000x32xf32>,
    %get3A_76 = arith.constant 0 : index
    %get3A_77 = arith.constant 0 : index
    %get3A_78 = vector.load %arg11[%get3A_76, %get3A_77] : memref<32x32xf32, #tpu.memory_space<vmem>>, vector<32x32xf32>
    %dot_general3A_79 = arith.constant dense<0.000000e+00> : vector<1000x32xf32>
    %dot_general3A_80 = tpu.matmul %div3A_70, %get3A_78, %dot_general3A_79 {dimension_numbers = #tpu.dot_dimension_numbers<[1], [0], [0], [1], [0, 0, 1, 1], [], []>, transpose_lhs_hint = false} : vector<1000x32xf32>, vector<32x32xf32>, vector<1000x32xf32> -> vector<1000x32xf32>
    %max3A_81 = arith.constant 0.000000e+00 : f32
    %max3A_82 = vector.broadcast %max3A_81 : f32 to vector<1000x32xf32>
    %max3A_83 = arith.maximumf %dot_general3A_80, %max3A_82 : vector<1000x32xf32>
    %swap3A_84 = arith.constant 0 : index
    %swap3A_85 = arith.constant 0 : index
    %swap3A_86 = arith.constant 0 : index
    %swap3A_87 = vector.load %arg13[%swap3A_84, %swap3A_85, %swap3A_86] : memref<1000x4x32xf32, #tpu.memory_space<vmem>>, vector<1000x1x32xf32>
    %swap3A_88 = vector.shape_cast %swap3A_87 : vector<1000x1x32xf32> to vector<1000x32xf32>
    %swap3A_89 = vector.shape_cast %max3A_83 : vector<1000x32xf32> to vector<1000x1x32xf32>
    tpu.vector_store %arg13[%swap3A_84, %swap3A_85, %swap3A_86], %swap3A_89 {strides = array<i32>} : memref<1000x4x32xf32, #tpu.memory_space<vmem>>, vector<1000x1x32xf32>,
    %get3A_90 = arith.constant 0 : index
    %get3A_91 = arith.constant 0 : index
    %get3A_92 = arith.constant 1 : index
    %get3A_93 = arith.constant 0 : index
    %get3A_94 = vector.load %arg2[%get3A_90, %get3A_91, %get3A_92, %get3A_93] : memref<2x1000x4x32xf32, #tpu.memory_space<vmem>>, vector<1x1000x1x32xf32>
    %get3A_95 = vector.shape_cast %get3A_94 : vector<1x1000x1x32xf32> to vector<1000x32xf32>
    %get3A_96 = arith.constant 1 : index
    %get3A_97 = arith.constant 0 : index
    %get3A_98 = arith.constant 1 : index
    %get3A_99 = arith.constant 0 : index
    %get3A_100 = vector.load %arg2[%get3A_96, %get3A_97, %get3A_98, %get3A_99] : memref<2x1000x4x32xf32, #tpu.memory_space<vmem>>, vector<1x1000x1x32xf32>
    %get3A_101 = vector.shape_cast %get3A_100 : vector<1x1000x1x32xf32> to vector<1000x32xf32>
    %add3A_102 = arith.addf %get3A_95, %get3A_101 : vector<1000x32xf32>
    %get3A_103 = arith.constant 1 : index
    %get3A_104 = arith.constant 0 : index
    %get3A_105 = arith.constant 0 : index
    %get3A_106 = vector.load %arg3[%get3A_103, %get3A_104, %get3A_105] : memref<4x1000x4xf32, #tpu.memory_space<vmem>>, vector<1x1000x4xf32>
    %get3A_107 = vector.shape_cast %get3A_106 : vector<1x1000x4xf32> to vector<1000x4xf32>
    %get3A_108 = arith.constant 0 : index
    %get3A_109 = arith.constant 0 : index
    %get3A_110 = vector.load %arg5[%get3A_108, %get3A_109] : memref<4x32xf32, #tpu.memory_space<vmem>>, vector<4x32xf32>
    %dot_general3A_111 = arith.constant dense<0.000000e+00> : vector<1000x32xf32>
    %dot_general3A_112 = tpu.matmul %get3A_107, %get3A_110, %dot_general3A_111 {dimension_numbers = #tpu.dot_dimension_numbers<[1], [0], [0], [1], [0, 0, 1, 1], [], []>, transpose_lhs_hint = false} : vector<1000x4xf32>, vector<4x32xf32>, vector<1000x32xf32> -> vector<1000x32xf32>
    %get3A_113 = arith.constant 0 : index
    %get3A_114 = arith.constant 0 : index
    %get3A_115 = vector.load %arg6[%get3A_113, %get3A_114] : memref<1x32xf32, #tpu.memory_space<vmem>>, vector<1x32xf32>
    %add3A_116 = vector.broadcast %get3A_115 : vector<1x32xf32> to vector<1000x32xf32>
    %add3A_117 = arith.addf %dot_general3A_112, %add3A_116 : vector<1000x32xf32>
    %get3A_118 = arith.constant 1 : index
    %get3A_119 = arith.constant 0 : index
    %get3A_120 = arith.constant 0 : index
    %get3A_121 = vector.load %arg1[%get3A_118, %get3A_119, %get3A_120] : memref<4x1000x32xf32, #tpu.memory_space<vmem>>, vector<1x1000x32xf32>
    %get3A_122 = vector.shape_cast %get3A_121 : vector<1x1000x32xf32> to vector<1000x32xf32>
    %get3A_123 = arith.constant 0 : index
    %get3A_124 = arith.constant 0 : index
    %get3A_125 = vector.load %arg7[%get3A_123, %get3A_124] : memref<32x32xf32, #tpu.memory_space<vmem>>, vector<32x32xf32>
    %dot_general3A_126 = arith.constant dense<0.000000e+00> : vector<1000x32xf32>
    %dot_general3A_127 = tpu.matmul %get3A_122, %get3A_125, %dot_general3A_126 {dimension_numbers = #tpu.dot_dimension_numbers<[1], [0], [0], [1], [0, 0, 1, 1], [], []>, transpose_lhs_hint = false} : vector<1000x32xf32>, vector<32x32xf32>, vector<1000x32xf32> -> vector<1000x32xf32>
    %get3A_128 = arith.constant 0 : index
    %get3A_129 = arith.constant 0 : index
    %get3A_130 = vector.load %arg8[%get3A_128, %get3A_129] : memref<1x32xf32, #tpu.memory_space<vmem>>, vector<1x32xf32>
    %add3A_131 = vector.broadcast %get3A_130 : vector<1x32xf32> to vector<1000x32xf32>
    %add3A_132 = arith.addf %dot_general3A_127, %add3A_131 : vector<1000x32xf32>
    %add3A_133 = arith.addf %add3A_132, %add3A_102 : vector<1000x32xf32>
    %add3A_134 = arith.addf %add3A_133, %add3A_117 : vector<1000x32xf32>
    %max3A_135 = arith.constant 0.000000e+00 : f32
    %max3A_136 = vector.broadcast %max3A_135 : f32 to vector<1000x32xf32>
    %max3A_137 = arith.maximumf %add3A_134, %max3A_136 : vector<1000x32xf32>
    %reduce_sum3A_138 = arith.constant dense<0.000000e+00> : vector<1000xf32>
    %reduce_sum3A_139 = vector.multi_reduction <add>, %max3A_137, %reduce_sum3A_138 [1] : vector<1000x32xf32> to vector<1000xf32>
    %broadcast_in_dim3A_140 = vector.shape_cast %reduce_sum3A_139 : vector<1000xf32> to vector<1000x1xf32>
    %div3A_141 = arith.constant 3.200000e+01 : f32
    %div3A_142 = vector.broadcast %div3A_141 : f32 to vector<1000x1xf32>
    %div3A_143 = arith.divf %broadcast_in_dim3A_140, %div3A_142 : vector<1000x1xf32>
    %jit3A_144 = arith.constant 0 : i32
    %reduce_sum3A_145 = arith.constant dense<0.000000e+00> : vector<1000xf32>
    %reduce_sum3A_146 = vector.multi_reduction <add>, %max3A_137, %reduce_sum3A_145 [1] : vector<1000x32xf32> to vector<1000xf32>
    %broadcast_in_dim3A_147 = vector.shape_cast %reduce_sum3A_146 : vector<1000xf32> to vector<1000x1xf32>
    %div3A_148 = arith.constant 3.200000e+01 : f32
    %div3A_149 = vector.broadcast %div3A_148 : f32 to vector<1000x1xf32>
    %div3A_150 = arith.divf %broadcast_in_dim3A_147, %div3A_149 : vector<1000x1xf32>
    %sub3A_151 = vector.broadcast %div3A_150 : vector<1000x1xf32> to vector<1000x32xf32>
    %sub3A_152 = arith.subf %max3A_137, %sub3A_151 : vector<1000x32xf32>
    %square3A_153 = arith.mulf %sub3A_152, %sub3A_152 : vector<1000x32xf32>
    %convert_element_type3A_154 = arith.sitofp %jit3A_144 : i32 to f32
    %sub3A_155 = arith.constant 3.200000e+01 : f32
    %sub3A_156 = arith.subf %sub3A_155, %convert_element_type3A_154 : f32
    %reduce_sum3A_157 = arith.constant dense<0.000000e+00> : vector<1000xf32>
    %reduce_sum3A_158 = vector.multi_reduction <add>, %square3A_153, %reduce_sum3A_157 [1] : vector<1000x32xf32> to vector<1000xf32>
    %broadcast_in_dim3A_159 = vector.shape_cast %reduce_sum3A_158 : vector<1000xf32> to vector<1000x1xf32>
    %div3A_160 = vector.broadcast %sub3A_156 : f32 to vector<1000x1xf32>
    %div3A_161 = arith.divf %broadcast_in_dim3A_159, %div3A_160 : vector<1000x1xf32>
    %gt3A_162 = arith.constant 0.000000e+00 : f32
    %gt3A_163 = arith.cmpf ogt, %sub3A_156, %gt3A_162 : f32
    %jit3A_164 = arith.constant 0x7FC00000 : f32
    %broadcast_in_dim3A_165 = vector.broadcast %jit3A_164 : f32 to vector<1000x1xf32>
    %select_n3A_166 = arith.select %gt3A_163, %div3A_161, %broadcast_in_dim3A_165 : vector<1000x1xf32>
    %sub3A_167 = vector.broadcast %div3A_143 : vector<1000x1xf32> to vector<1000x32xf32>
    %sub3A_168 = arith.subf %max3A_137, %sub3A_167 : vector<1000x32xf32>
    %add3A_169 = arith.constant 9.99999974E-6 : f32
    %add3A_170 = vector.broadcast %add3A_169 : f32 to vector<1000x1xf32>
    %add3A_171 = arith.addf %select_n3A_166, %add3A_170 : vector<1000x1xf32>
    %sqrt3A_172 = math.sqrt %add3A_171 : vector<1000x1xf32>
    %div3A_173 = vector.broadcast %sqrt3A_172 : vector<1000x1xf32> to vector<1000x32xf32>
    %div3A_174 = arith.divf %sub3A_168, %div3A_173 : vector<1000x32xf32>
    %swap3A_175 = arith.constant 1 : index
    %swap3A_176 = arith.constant 0 : index
    %swap3A_177 = arith.constant 0 : index
    %swap3A_178 = vector.load %arg12[%swap3A_175, %swap3A_176, %swap3A_177] : memref<4x1000x32xf32, #tpu.memory_space<vmem>>, vector<1x1000x32xf32>
    %swap3A_179 = vector.shape_cast %swap3A_178 : vector<1x1000x32xf32> to vector<1000x32xf32>
    %swap3A_180 = vector.shape_cast %div3A_174 : vector<1000x32xf32> to vector<1x1000x32xf32>
    tpu.vector_store %arg12[%swap3A_175, %swap3A_176, %swap3A_177], %swap3A_180 {strides = array<i32>} : memref<4x1000x32xf32, #tpu.memory_space<vmem>>, vector<1x1000x32xf32>,
    %get3A_181 = arith.constant 0 : index
    %get3A_182 = arith.constant 0 : index
    %get3A_183 = vector.load %arg11[%get3A_181, %get3A_182] : memref<32x32xf32, #tpu.memory_space<vmem>>, vector<32x32xf32>
    %dot_general3A_184 = arith.constant dense<0.000000e+00> : vector<1000x32xf32>
    %dot_general3A_185 = tpu.matmul %div3A_174, %get3A_183, %dot_general3A_184 {dimension_numbers = #tpu.dot_dimension_numbers<[1], [0], [0], [1], [0, 0, 1, 1], [], []>, transpose_lhs_hint = false} : vector<1000x32xf32>, vector<32x32xf32>, vector<1000x32xf32> -> vector<1000x32xf32>
    %max3A_186 = arith.constant 0.000000e+00 : f32
    %max3A_187 = vector.broadcast %max3A_186 : f32 to vector<1000x32xf32>
    %max3A_188 = arith.maximumf %dot_general3A_185, %max3A_187 : vector<1000x32xf32>
    %swap3A_189 = arith.constant 0 : index
    %swap3A_190 = arith.constant 1 : index
    %swap3A_191 = arith.constant 0 : index
    %swap3A_192 = vector.load %arg13[%swap3A_189, %swap3A_190, %swap3A_191] : memref<1000x4x32xf32, #tpu.memory_space<vmem>>, vector<1000x1x32xf32>
    %swap3A_193 = vector.shape_cast %swap3A_192 : vector<1000x1x32xf32> to vector<1000x32xf32>
    %swap3A_194 = vector.shape_cast %max3A_188 : vector<1000x32xf32> to vector<1000x1x32xf32>
    tpu.vector_store %arg13[%swap3A_189, %swap3A_190, %swap3A_191], %swap3A_194 {strides = array<i32>} : memref<1000x4x32xf32, #tpu.memory_space<vmem>>, vector<1000x1x32xf32>,
    %get3A_195 = arith.constant 0 : index
    %get3A_196 = arith.constant 0 : index
    %get3A_197 = arith.constant 2 : index
    %get3A_198 = arith.constant 0 : index
    %get3A_199 = vector.load %arg2[%get3A_195, %get3A_196, %get3A_197, %get3A_198] : memref<2x1000x4x32xf32, #tpu.memory_space<vmem>>, vector<1x1000x1x32xf32>
    %get3A_200 = vector.shape_cast %get3A_199 : vector<1x1000x1x32xf32> to vector<1000x32xf32>
    %get3A_201 = arith.constant 1 : index
    %get3A_202 = arith.constant 0 : index
    %get3A_203 = arith.constant 2 : index
    %get3A_204 = arith.constant 0 : index
    %get3A_205 = vector.load %arg2[%get3A_201, %get3A_202, %get3A_203, %get3A_204] : memref<2x1000x4x32xf32, #tpu.memory_space<vmem>>, vector<1x1000x1x32xf32>
    %get3A_206 = vector.shape_cast %get3A_205 : vector<1x1000x1x32xf32> to vector<1000x32xf32>
    %add3A_207 = arith.addf %get3A_200, %get3A_206 : vector<1000x32xf32>
    %get3A_208 = arith.constant 2 : index
    %get3A_209 = arith.constant 0 : index
    %get3A_210 = arith.constant 0 : index
    %get3A_211 = vector.load %arg3[%get3A_208, %get3A_209, %get3A_210] : memref<4x1000x4xf32, #tpu.memory_space<vmem>>, vector<1x1000x4xf32>
    %get3A_212 = vector.shape_cast %get3A_211 : vector<1x1000x4xf32> to vector<1000x4xf32>
    %get3A_213 = arith.constant 0 : index
    %get3A_214 = arith.constant 0 : index
    %get3A_215 = vector.load %arg5[%get3A_213, %get3A_214] : memref<4x32xf32, #tpu.memory_space<vmem>>, vector<4x32xf32>
    %dot_general3A_216 = arith.constant dense<0.000000e+00> : vector<1000x32xf32>
    %dot_general3A_217 = tpu.matmul %get3A_212, %get3A_215, %dot_general3A_216 {dimension_numbers = #tpu.dot_dimension_numbers<[1], [0], [0], [1], [0, 0, 1, 1], [], []>, transpose_lhs_hint = false} : vector<1000x4xf32>, vector<4x32xf32>, vector<1000x32xf32> -> vector<1000x32xf32>
    %get3A_218 = arith.constant 0 : index
    %get3A_219 = arith.constant 0 : index
    %get3A_220 = vector.load %arg6[%get3A_218, %get3A_219] : memref<1x32xf32, #tpu.memory_space<vmem>>, vector<1x32xf32>
    %add3A_221 = vector.broadcast %get3A_220 : vector<1x32xf32> to vector<1000x32xf32>
    %add3A_222 = arith.addf %dot_general3A_217, %add3A_221 : vector<1000x32xf32>
    %get3A_223 = arith.constant 2 : index
    %get3A_224 = arith.constant 0 : index
    %get3A_225 = arith.constant 0 : index
    %get3A_226 = vector.load %arg1[%get3A_223, %get3A_224, %get3A_225] : memref<4x1000x32xf32, #tpu.memory_space<vmem>>, vector<1x1000x32xf32>
    %get3A_227 = vector.shape_cast %get3A_226 : vector<1x1000x32xf32> to vector<1000x32xf32>
    %get3A_228 = arith.constant 0 : index
    %get3A_229 = arith.constant 0 : index
    %get3A_230 = vector.load %arg7[%get3A_228, %get3A_229] : memref<32x32xf32, #tpu.memory_space<vmem>>, vector<32x32xf32>
    %dot_general3A_231 = arith.constant dense<0.000000e+00> : vector<1000x32xf32>
    %dot_general3A_232 = tpu.matmul %get3A_227, %get3A_230, %dot_general3A_231 {dimension_numbers = #tpu.dot_dimension_numbers<[1], [0], [0], [1], [0, 0, 1, 1], [], []>, transpose_lhs_hint = false} : vector<1000x32xf32>, vector<32x32xf32>, vector<1000x32xf32> -> vector<1000x32xf32>
    %get3A_233 = arith.constant 0 : index
    %get3A_234 = arith.constant 0 : index
    %get3A_235 = vector.load %arg8[%get3A_233, %get3A_234] : memref<1x32xf32, #tpu.memory_space<vmem>>, vector<1x32xf32>
    %add3A_236 = vector.broadcast %get3A_235 : vector<1x32xf32> to vector<1000x32xf32>
    %add3A_237 = arith.addf %dot_general3A_232, %add3A_236 : vector<1000x32xf32>
    %add3A_238 = arith.addf %add3A_237, %add3A_207 : vector<1000x32xf32>
    %add3A_239 = arith.addf %add3A_238, %add3A_222 : vector<1000x32xf32>
    %max3A_240 = arith.constant 0.000000e+00 : f32
    %max3A_241 = vector.broadcast %max3A_240 : f32 to vector<1000x32xf32>
    %max3A_242 = arith.maximumf %add3A_239, %max3A_241 : vector<1000x32xf32>
    %reduce_sum3A_243 = arith.constant dense<0.000000e+00> : vector<1000xf32>
    %reduce_sum3A_244 = vector.multi_reduction <add>, %max3A_242, %reduce_sum3A_243 [1] : vector<1000x32xf32> to vector<1000xf32>
    %broadcast_in_dim3A_245 = vector.shape_cast %reduce_sum3A_244 : vector<1000xf32> to vector<1000x1xf32>
    %div3A_246 = arith.constant 3.200000e+01 : f32
    %div3A_247 = vector.broadcast %div3A_246 : f32 to vector<1000x1xf32>
    %div3A_248 = arith.divf %broadcast_in_dim3A_245, %div3A_247 : vector<1000x1xf32>
    %jit3A_249 = arith.constant 0 : i32
    %reduce_sum3A_250 = arith.constant dense<0.000000e+00> : vector<1000xf32>
    %reduce_sum3A_251 = vector.multi_reduction <add>, %max3A_242, %reduce_sum3A_250 [1] : vector<1000x32xf32> to vector<1000xf32>
    %broadcast_in_dim3A_252 = vector.shape_cast %reduce_sum3A_251 : vector<1000xf32> to vector<1000x1xf32>
    %div3A_253 = arith.constant 3.200000e+01 : f32
    %div3A_254 = vector.broadcast %div3A_253 : f32 to vector<1000x1xf32>
    %div3A_255 = arith.divf %broadcast_in_dim3A_252, %div3A_254 : vector<1000x1xf32>
    %sub3A_256 = vector.broadcast %div3A_255 : vector<1000x1xf32> to vector<1000x32xf32>
    %sub3A_257 = arith.subf %max3A_242, %sub3A_256 : vector<1000x32xf32>
    %square3A_258 = arith.mulf %sub3A_257, %sub3A_257 : vector<1000x32xf32>
    %convert_element_type3A_259 = arith.sitofp %jit3A_249 : i32 to f32
    %sub3A_260 = arith.constant 3.200000e+01 : f32
    %sub3A_261 = arith.subf %sub3A_260, %convert_element_type3A_259 : f32
    %reduce_sum3A_262 = arith.constant dense<0.000000e+00> : vector<1000xf32>
    %reduce_sum3A_263 = vector.multi_reduction <add>, %square3A_258, %reduce_sum3A_262 [1] : vector<1000x32xf32> to vector<1000xf32>
    %broadcast_in_dim3A_264 = vector.shape_cast %reduce_sum3A_263 : vector<1000xf32> to vector<1000x1xf32>
    %div3A_265 = vector.broadcast %sub3A_261 : f32 to vector<1000x1xf32>
    %div3A_266 = arith.divf %broadcast_in_dim3A_264, %div3A_265 : vector<1000x1xf32>
    %gt3A_267 = arith.constant 0.000000e+00 : f32
    %gt3A_268 = arith.cmpf ogt, %sub3A_261, %gt3A_267 : f32
    %jit3A_269 = arith.constant 0x7FC00000 : f32
    %broadcast_in_dim3A_270 = vector.broadcast %jit3A_269 : f32 to vector<1000x1xf32>
    %select_n3A_271 = arith.select %gt3A_268, %div3A_266, %broadcast_in_dim3A_270 : vector<1000x1xf32>
    %sub3A_272 = vector.broadcast %div3A_248 : vector<1000x1xf32> to vector<1000x32xf32>
    %sub3A_273 = arith.subf %max3A_242, %sub3A_272 : vector<1000x32xf32>
    %add3A_274 = arith.constant 9.99999974E-6 : f32
    %add3A_275 = vector.broadcast %add3A_274 : f32 to vector<1000x1xf32>
    %add3A_276 = arith.addf %select_n3A_271, %add3A_275 : vector<1000x1xf32>
    %sqrt3A_277 = math.sqrt %add3A_276 : vector<1000x1xf32>
    %div3A_278 = vector.broadcast %sqrt3A_277 : vector<1000x1xf32> to vector<1000x32xf32>
    %div3A_279 = arith.divf %sub3A_273, %div3A_278 : vector<1000x32xf32>
    %swap3A_280 = arith.constant 2 : index
    %swap3A_281 = arith.constant 0 : index
    %swap3A_282 = arith.constant 0 : index
    %swap3A_283 = vector.load %arg12[%swap3A_280, %swap3A_281, %swap3A_282] : memref<4x1000x32xf32, #tpu.memory_space<vmem>>, vector<1x1000x32xf32>
    %swap3A_284 = vector.shape_cast %swap3A_283 : vector<1x1000x32xf32> to vector<1000x32xf32>
    %swap3A_285 = vector.shape_cast %div3A_279 : vector<1000x32xf32> to vector<1x1000x32xf32>
    tpu.vector_store %arg12[%swap3A_280, %swap3A_281, %swap3A_282], %swap3A_285 {strides = array<i32>} : memref<4x1000x32xf32, #tpu.memory_space<vmem>>, vector<1x1000x32xf32>,
    %get3A_286 = arith.constant 0 : index
    %get3A_287 = arith.constant 0 : index
    %get3A_288 = vector.load %arg11[%get3A_286, %get3A_287] : memref<32x32xf32, #tpu.memory_space<vmem>>, vector<32x32xf32>
    %dot_general3A_289 = arith.constant dense<0.000000e+00> : vector<1000x32xf32>
    %dot_general3A_290 = tpu.matmul %div3A_279, %get3A_288, %dot_general3A_289 {dimension_numbers = #tpu.dot_dimension_numbers<[1], [0], [0], [1], [0, 0, 1, 1], [], []>, transpose_lhs_hint = false} : vector<1000x32xf32>, vector<32x32xf32>, vector<1000x32xf32> -> vector<1000x32xf32>
    %max3A_291 = arith.constant 0.000000e+00 : f32
    %max3A_292 = vector.broadcast %max3A_291 : f32 to vector<1000x32xf32>
    %max3A_293 = arith.maximumf %dot_general3A_290, %max3A_292 : vector<1000x32xf32>
    %swap3A_294 = arith.constant 0 : index
    %swap3A_295 = arith.constant 2 : index
    %swap3A_296 = arith.constant 0 : index
    %swap3A_297 = vector.load %arg13[%swap3A_294, %swap3A_295, %swap3A_296] : memref<1000x4x32xf32, #tpu.memory_space<vmem>>, vector<1000x1x32xf32>
    %swap3A_298 = vector.shape_cast %swap3A_297 : vector<1000x1x32xf32> to vector<1000x32xf32>
    %swap3A_299 = vector.shape_cast %max3A_293 : vector<1000x32xf32> to vector<1000x1x32xf32>
    tpu.vector_store %arg13[%swap3A_294, %swap3A_295, %swap3A_296], %swap3A_299 {strides = array<i32>} : memref<1000x4x32xf32, #tpu.memory_space<vmem>>, vector<1000x1x32xf32>,
    %get3A_300 = arith.constant 0 : index
    %get3A_301 = arith.constant 0 : index
    %get3A_302 = arith.constant 3 : index
    %get3A_303 = arith.constant 0 : index
    %get3A_304 = vector.load %arg2[%get3A_300, %get3A_301, %get3A_302, %get3A_303] : memref<2x1000x4x32xf32, #tpu.memory_space<vmem>>, vector<1x1000x1x32xf32>
    %get3A_305 = vector.shape_cast %get3A_304 : vector<1x1000x1x32xf32> to vector<1000x32xf32>
    %get3A_306 = arith.constant 1 : index
    %get3A_307 = arith.constant 0 : index
    %get3A_308 = arith.constant 3 : index
    %get3A_309 = arith.constant 0 : index
    %get3A_310 = vector.load %arg2[%get3A_306, %get3A_307, %get3A_308, %get3A_309] : memref<2x1000x4x32xf32, #tpu.memory_space<vmem>>, vector<1x1000x1x32xf32>
    %get3A_311 = vector.shape_cast %get3A_310 : vector<1x1000x1x32xf32> to vector<1000x32xf32>
    %add3A_312 = arith.addf %get3A_305, %get3A_311 : vector<1000x32xf32>
    %get3A_313 = arith.constant 3 : index
    %get3A_314 = arith.constant 0 : index
    %get3A_315 = arith.constant 0 : index
    %get3A_316 = vector.load %arg3[%get3A_313, %get3A_314, %get3A_315] : memref<4x1000x4xf32, #tpu.memory_space<vmem>>, vector<1x1000x4xf32>
    %get3A_317 = vector.shape_cast %get3A_316 : vector<1x1000x4xf32> to vector<1000x4xf32>
    %get3A_318 = arith.constant 0 : index
    %get3A_319 = arith.constant 0 : index
    %get3A_320 = vector.load %arg5[%get3A_318, %get3A_319] : memref<4x32xf32, #tpu.memory_space<vmem>>, vector<4x32xf32>
    %dot_general3A_321 = arith.constant dense<0.000000e+00> : vector<1000x32xf32>
    %dot_general3A_322 = tpu.matmul %get3A_317, %get3A_320, %dot_general3A_321 {dimension_numbers = #tpu.dot_dimension_numbers<[1], [0], [0], [1], [0, 0, 1, 1], [], []>, transpose_lhs_hint = false} : vector<1000x4xf32>, vector<4x32xf32>, vector<1000x32xf32> -> vector<1000x32xf32>
    %get3A_323 = arith.constant 0 : index
    %get3A_324 = arith.constant 0 : index
    %get3A_325 = vector.load %arg6[%get3A_323, %get3A_324] : memref<1x32xf32, #tpu.memory_space<vmem>>, vector<1x32xf32>
    %add3A_326 = vector.broadcast %get3A_325 : vector<1x32xf32> to vector<1000x32xf32>
    %add3A_327 = arith.addf %dot_general3A_322, %add3A_326 : vector<1000x32xf32>
    %get3A_328 = arith.constant 3 : index
    %get3A_329 = arith.constant 0 : index
    %get3A_330 = arith.constant 0 : index
    %get3A_331 = vector.load %arg1[%get3A_328, %get3A_329, %get3A_330] : memref<4x1000x32xf32, #tpu.memory_space<vmem>>, vector<1x1000x32xf32>
    %get3A_332 = vector.shape_cast %get3A_331 : vector<1x1000x32xf32> to vector<1000x32xf32>
    %get3A_333 = arith.constant 0 : index
    %get3A_334 = arith.constant 0 : index
    %get3A_335 = vector.load %arg7[%get3A_333, %get3A_334] : memref<32x32xf32, #tpu.memory_space<vmem>>, vector<32x32xf32>
    %dot_general3A_336 = arith.constant dense<0.000000e+00> : vector<1000x32xf32>
    %dot_general3A_337 = tpu.matmul %get3A_332, %get3A_335, %dot_general3A_336 {dimension_numbers = #tpu.dot_dimension_numbers<[1], [0], [0], [1], [0, 0, 1, 1], [], []>, transpose_lhs_hint = false} : vector<1000x32xf32>, vector<32x32xf32>, vector<1000x32xf32> -> vector<1000x32xf32>
    %get3A_338 = arith.constant 0 : index
    %get3A_339 = arith.constant 0 : index
    %get3A_340 = vector.load %arg8[%get3A_338, %get3A_339] : memref<1x32xf32, #tpu.memory_space<vmem>>, vector<1x32xf32>
    %add3A_341 = vector.broadcast %get3A_340 : vector<1x32xf32> to vector<1000x32xf32>
    %add3A_342 = arith.addf %dot_general3A_337, %add3A_341 : vector<1000x32xf32>
    %add3A_343 = arith.addf %add3A_342, %add3A_312 : vector<1000x32xf32>
    %add3A_344 = arith.addf %add3A_343, %add3A_327 : vector<1000x32xf32>
    %max3A_345 = arith.constant 0.000000e+00 : f32
    %max3A_346 = vector.broadcast %max3A_345 : f32 to vector<1000x32xf32>
    %max3A_347 = arith.maximumf %add3A_344, %max3A_346 : vector<1000x32xf32>
    %reduce_sum3A_348 = arith.constant dense<0.000000e+00> : vector<1000xf32>
    %reduce_sum3A_349 = vector.multi_reduction <add>, %max3A_347, %reduce_sum3A_348 [1] : vector<1000x32xf32> to vector<1000xf32>
    %broadcast_in_dim3A_350 = vector.shape_cast %reduce_sum3A_349 : vector<1000xf32> to vector<1000x1xf32>
    %div3A_351 = arith.constant 3.200000e+01 : f32
    %div3A_352 = vector.broadcast %div3A_351 : f32 to vector<1000x1xf32>
    %div3A_353 = arith.divf %broadcast_in_dim3A_350, %div3A_352 : vector<1000x1xf32>
    %jit3A_354 = arith.constant 0 : i32
    %reduce_sum3A_355 = arith.constant dense<0.000000e+00> : vector<1000xf32>
    %reduce_sum3A_356 = vector.multi_reduction <add>, %max3A_347, %reduce_sum3A_355 [1] : vector<1000x32xf32> to vector<1000xf32>
    %broadcast_in_dim3A_357 = vector.shape_cast %reduce_sum3A_356 : vector<1000xf32> to vector<1000x1xf32>
    %div3A_358 = arith.constant 3.200000e+01 : f32
    %div3A_359 = vector.broadcast %div3A_358 : f32 to vector<1000x1xf32>
    %div3A_360 = arith.divf %broadcast_in_dim3A_357, %div3A_359 : vector<1000x1xf32>
    %sub3A_361 = vector.broadcast %div3A_360 : vector<1000x1xf32> to vector<1000x32xf32>
    %sub3A_362 = arith.subf %max3A_347, %sub3A_361 : vector<1000x32xf32>
    %square3A_363 = arith.mulf %sub3A_362, %sub3A_362 : vector<1000x32xf32>
    %convert_element_type3A_364 = arith.sitofp %jit3A_354 : i32 to f32
    %sub3A_365 = arith.constant 3.200000e+01 : f32
    %sub3A_366 = arith.subf %sub3A_365, %convert_element_type3A_364 : f32
    %reduce_sum3A_367 = arith.constant dense<0.000000e+00> : vector<1000xf32>
    %reduce_sum3A_368 = vector.multi_reduction <add>, %square3A_363, %reduce_sum3A_367 [1] : vector<1000x32xf32> to vector<1000xf32>
    %broadcast_in_dim3A_369 = vector.shape_cast %reduce_sum3A_368 : vector<1000xf32> to vector<1000x1xf32>
    %div3A_370 = vector.broadcast %sub3A_366 : f32 to vector<1000x1xf32>
    %div3A_371 = arith.divf %broadcast_in_dim3A_369, %div3A_370 : vector<1000x1xf32>
    %gt3A_372 = arith.constant 0.000000e+00 : f32
    %gt3A_373 = arith.cmpf ogt, %sub3A_366, %gt3A_372 : f32
    %jit3A_374 = arith.constant 0x7FC00000 : f32
    %broadcast_in_dim3A_375 = vector.broadcast %jit3A_374 : f32 to vector<1000x1xf32>
    %select_n3A_376 = arith.select %gt3A_373, %div3A_371, %broadcast_in_dim3A_375 : vector<1000x1xf32>
    %sub3A_377 = vector.broadcast %div3A_353 : vector<1000x1xf32> to vector<1000x32xf32>
    %sub3A_378 = arith.subf %max3A_347, %sub3A_377 : vector<1000x32xf32>
    %add3A_379 = arith.constant 9.99999974E-6 : f32
    %add3A_380 = vector.broadcast %add3A_379 : f32 to vector<1000x1xf32>
    %add3A_381 = arith.addf %select_n3A_376, %add3A_380 : vector<1000x1xf32>
    %sqrt3A_382 = math.sqrt %add3A_381 : vector<1000x1xf32>
    %div3A_383 = vector.broadcast %sqrt3A_382 : vector<1000x1xf32> to vector<1000x32xf32>
    %div3A_384 = arith.divf %sub3A_378, %div3A_383 : vector<1000x32xf32>
    %swap3A_385 = arith.constant 3 : index
    %swap3A_386 = arith.constant 0 : index
    %swap3A_387 = arith.constant 0 : index
    %swap3A_388 = vector.load %arg12[%swap3A_385, %swap3A_386, %swap3A_387] : memref<4x1000x32xf32, #tpu.memory_space<vmem>>, vector<1x1000x32xf32>
    %swap3A_389 = vector.shape_cast %swap3A_388 : vector<1x1000x32xf32> to vector<1000x32xf32>
    %swap3A_390 = vector.shape_cast %div3A_384 : vector<1000x32xf32> to vector<1x1000x32xf32>
    tpu.vector_store %arg12[%swap3A_385, %swap3A_386, %swap3A_387], %swap3A_390 {strides = array<i32>} : memref<4x1000x32xf32, #tpu.memory_space<vmem>>, vector<1x1000x32xf32>,
    %get3A_391 = arith.constant 0 : index
    %get3A_392 = arith.constant 0 : index
    %get3A_393 = vector.load %arg11[%get3A_391, %get3A_392] : memref<32x32xf32, #tpu.memory_space<vmem>>, vector<32x32xf32>
    %dot_general3A_394 = arith.constant dense<0.000000e+00> : vector<1000x32xf32>
    %dot_general3A_395 = tpu.matmul %div3A_384, %get3A_393, %dot_general3A_394 {dimension_numbers = #tpu.dot_dimension_numbers<[1], [0], [0], [1], [0, 0, 1, 1], [], []>, transpose_lhs_hint = false} : vector<1000x32xf32>, vector<32x32xf32>, vector<1000x32xf32> -> vector<1000x32xf32>
    %max3A_396 = arith.constant 0.000000e+00 : f32
    %max3A_397 = vector.broadcast %max3A_396 : f32 to vector<1000x32xf32>
    %max3A_398 = arith.maximumf %dot_general3A_395, %max3A_397 : vector<1000x32xf32>
    %swap3A_399 = arith.constant 0 : index
    %swap3A_400 = arith.constant 3 : index
    %swap3A_401 = arith.constant 0 : index
    %swap3A_402 = vector.load %arg13[%swap3A_399, %swap3A_400, %swap3A_401] : memref<1000x4x32xf32, #tpu.memory_space<vmem>>, vector<1000x1x32xf32>
    %swap3A_403 = vector.shape_cast %swap3A_402 : vector<1000x1x32xf32> to vector<1000x32xf32>
    %swap3A_404 = vector.shape_cast %max3A_398 : vector<1000x32xf32> to vector<1000x1x32xf32>
    tpu.vector_store %arg13[%swap3A_399, %swap3A_400, %swap3A_401], %swap3A_404 {strides = array<i32>} : memref<1000x4x32xf32, #tpu.memory_space<vmem>>, vector<1000x1x32xf32>,
    return
  }
  func.func @transform_0(%arg0: i32) -> (i32, i32, i32) {
    %c0_i32 = arith.constant 0 : i32
    %c0_i32_0 = arith.constant 0 : i32
    %c0_i32_1 = arith.constant 0 : i32
    return %c0_i32, %arg0, %c0_i32_0 : i32, i32, i32
  }
  func.func @transform_1(%arg0: i32) -> (i32, i32, i32, i32) {
    %c0_i32 = arith.constant 0 : i32
    %c0_i32_0 = arith.constant 0 : i32
    %c0_i32_1 = arith.constant 0 : i32
    %c0_i32_2 = arith.constant 0 : i32
    return %c0_i32, %arg0, %c0_i32_0, %c0_i32_1 : i32, i32, i32, i32
  }
  func.func @transform_2(%arg0: i32) -> (i32, i32, i32) {
    %c0_i32 = arith.constant 0 : i32
    %c0_i32_0 = arith.constant 0 : i32
    %c0_i32_1 = arith.constant 0 : i32
    return %c0_i32, %arg0, %c0_i32_0 : i32, i32, i32
  }
  func.func @transform_3(%arg0: i32) -> (i32, i32, i32) {
    %c0_i32 = arith.constant 0 : i32
    %c0_i32_0 = arith.constant 0 : i32
    %c0_i32_1 = arith.constant 0 : i32
    return %c0_i32, %arg0, %c0_i32_0 : i32, i32, i32
  }
  func.func @transform_4(%arg0: i32) -> (i32, i32) {
    %c0_i32 = arith.constant 0 : i32
    %c0_i32_0 = arith.constant 0 : i32
    %c0_i32_1 = arith.constant 0 : i32
    return %c0_i32, %c0_i32_0 : i32, i32
  }
  func.func @transform_5(%arg0: i32) -> (i32, i32) {
    %c0_i32 = arith.constant 0 : i32
    %c0_i32_0 = arith.constant 0 : i32
    %c0_i32_1 = arith.constant 0 : i32
    return %c0_i32, %c0_i32_0 : i32, i32
  }
  func.func @transform_6(%arg0: i32) -> (i32, i32) {
    %c0_i32 = arith.constant 0 : i32
    %c0_i32_0 = arith.constant 0 : i32
    %c0_i32_1 = arith.constant 0 : i32
    return %c0_i32, %c0_i32_0 : i32, i32
  }
  func.func @transform_7(%arg0: i32) -> (i32, i32) {
    %c0_i32 = arith.constant 0 : i32
    %c0_i32_0 = arith.constant 0 : i32
    %c0_i32_1 = arith.constant 0 : i32
    return %c0_i32, %c0_i32_0 : i32, i32
  }
  func.func @transform_8(%arg0: i32) -> (i32, i32) {
    %c0_i32 = arith.constant 0 : i32
    %c0_i32_0 = arith.constant 0 : i32
    return %arg0, %c0_i32 : i32, i32
  }
  func.func @transform_9(%arg0: i32) -> (i32, i32) {
    %c0_i32 = arith.constant 0 : i32
    %c0_i32_0 = arith.constant 0 : i32
    return %arg0, %c0_i32 : i32, i32
  }
  func.func @transform_10(%arg0: i32) -> (i32, i32) {
    %c0_i32 = arith.constant 0 : i32
    %c0_i32_0 = arith.constant 0 : i32
    %c0_i32_1 = arith.constant 0 : i32
    return %c0_i32, %c0_i32_0 : i32, i32
  }
  func.func @transform_11(%arg0: i32) -> (i32, i32, i32) {
    %c0_i32 = arith.constant 0 : i32
    %c0_i32_0 = arith.constant 0 : i32
    %c0_i32_1 = arith.constant 0 : i32
    return %c0_i32, %arg0, %c0_i32_0 : i32, i32, i32
  }
  func.func @transform_12(%arg0: i32) -> (i32, i32, i32) {
    %c0_i32 = arith.constant 0 : i32
    %c0_i32_0 = arith.constant 0 : i32
    %c0_i32_1 = arith.constant 0 : i32
    return %arg0, %c0_i32, %c0_i32_0 : i32, i32, i32
  }
}

module attributes {stable_mosaic.version = 14 : i64} {
  func.func @_k_mid_body(%arg0: i32, %arg1: memref<4x1000x32xf32, #tpu.memory_space<vmem>>, %arg2: memref<2x1000x4x32xf32, #tpu.memory_space<vmem>>, %arg3: memref<4x1000x4xf32, #tpu.memory_space<vmem>>, %arg4: memref<4x1000x4xi32, #tpu.memory_space<vmem>>, %arg5: memref<4x32xf32, #tpu.memory_space<vmem>>, %arg6: memref<1x32xf32, #tpu.memory_space<vmem>>, %arg7: memref<32x32xf32, #tpu.memory_space<vmem>>, %arg8: memref<1x32xf32, #tpu.memory_space<vmem>>, %arg9: memref<1000x32xf32, #tpu.memory_space<vmem>>, %arg10: memref<1000x32xf32, #tpu.memory_space<vmem>>, %arg11: memref<32x32xf32, #tpu.memory_space<vmem>>, %arg12: memref<4x1000x32xf32, #tpu.memory_space<vmem>>, %arg13: memref<1000x4x32xf32, #tpu.memory_space<vmem>>) attributes {dimension_semantics = [#tpu.dimension_semantics<arbitrary>], iteration_bounds = array<i64: 10>, scalar_prefetch = 0 : i64, scratch_operands = 0 : i64, tpu.core_type = #tpu.core_type<tc>, window_params = [{transform_indices = @transform_0, window_bounds = array<i64: 4, 1000, 32>}, {transform_indices = @transform_1, window_bounds = array<i64: 2, 1000, 4, 32>}, {transform_indices = @transform_2, window_bounds = array<i64: 4, 1000, 4>}, {transform_indices = @transform_3, window_bounds = array<i64: 4, 1000, 4>}, {pipeline_mode = #tpu.pipeline_mode<synchronous>, transform_indices = @transform_4, window_bounds = array<i64: 4, 32>}, {pipeline_mode = #tpu.pipeline_mode<synchronous>, transform_indices = @transform_5, window_bounds = array<i64: 1, 32>}, {pipeline_mode = #tpu.pipeline_mode<synchronous>, transform_indices = @transform_6, window_bounds = array<i64: 32, 32>}, {pipeline_mode = #tpu.pipeline_mode<synchronous>, transform_indices = @transform_7, window_bounds = array<i64: 1, 32>}, {transform_indices = @transform_8, window_bounds = array<i64: 1000, 32>}, {transform_indices = @transform_9, window_bounds = array<i64: 1000, 32>}, {pipeline_mode = #tpu.pipeline_mode<synchronous>, transform_indices = @transform_10, window_bounds = array<i64: 32, 32>}, {transform_indices = @transform_11, window_bounds = array<i64: 4, 1000, 32>}, {transform_indices = @transform_12, window_bounds = array<i64: 1000, 4, 32>}]} {
    %get3A = arith.constant 0 : index
    %get3A_0 = arith.constant 0 : index
    %get3A_1 = arith.constant 0 : index
    %get3A_2 = arith.constant 0 : index
    %get3A_3 = vector.load %arg2[%get3A, %get3A_0, %get3A_1, %get3A_2] : memref<2x1000x4x32xf32, #tpu.memory_space<vmem>>, vector<1x1000x1x32xf32>
    %get3A_4 = vector.shape_cast %get3A_3 : vector<1x1000x1x32xf32> to vector<1000x32xf32>
    %get3A_5 = arith.constant 1 : index
    %get3A_6 = arith.constant 0 : index
    %get3A_7 = arith.constant 0 : index
    %get3A_8 = arith.constant 0 : index
    %get3A_9 = vector.load %arg2[%get3A_5, %get3A_6, %get3A_7, %get3A_8] : memref<2x1000x4x32xf32, #tpu.memory_space<vmem>>, vector<1x1000x1x32xf32>
    %get3A_10 = vector.shape_cast %get3A_9 : vector<1x1000x1x32xf32> to vector<1000x32xf32>
    %add3A = arith.addf %get3A_4, %get3A_10 : vector<1000x32xf32>
    %get3A_11 = arith.constant 0 : index
    %get3A_12 = arith.constant 0 : index
    %get3A_13 = arith.constant 0 : index
    %get3A_14 = vector.load %arg3[%get3A_11, %get3A_12, %get3A_13] : memref<4x1000x4xf32, #tpu.memory_space<vmem>>, vector<1x1000x4xf32>
    %get3A_15 = vector.shape_cast %get3A_14 : vector<1x1000x4xf32> to vector<1000x4xf32>
    %get3A_16 = arith.constant 0 : index
    %get3A_17 = arith.constant 0 : index
    %get3A_18 = vector.load %arg5[%get3A_16, %get3A_17] : memref<4x32xf32, #tpu.memory_space<vmem>>, vector<4x32xf32>
    %dot_general3A = arith.constant dense<0.000000e+00> : vector<1000x32xf32>
    %dot_general3A_19 = tpu.matmul %get3A_15, %get3A_18, %dot_general3A {dimension_numbers = #tpu.dot_dimension_numbers<[1], [0], [0], [1], [0, 0, 1, 1], [], []>, transpose_lhs_hint = false} : vector<1000x4xf32>, vector<4x32xf32>, vector<1000x32xf32> -> vector<1000x32xf32>
    %get3A_20 = arith.constant 0 : index
    %get3A_21 = arith.constant 0 : index
    %get3A_22 = vector.load %arg6[%get3A_20, %get3A_21] : memref<1x32xf32, #tpu.memory_space<vmem>>, vector<1x32xf32>
    %add3A_23 = vector.broadcast %get3A_22 : vector<1x32xf32> to vector<1000x32xf32>
    %add3A_24 = arith.addf %dot_general3A_19, %add3A_23 : vector<1000x32xf32>
    %get3A_25 = arith.constant 0 : index
    %get3A_26 = arith.constant 0 : index
    %get3A_27 = arith.constant 0 : index
    %get3A_28 = vector.load %arg1[%get3A_25, %get3A_26, %get3A_27] : memref<4x1000x32xf32, #tpu.memory_space<vmem>>, vector<1x1000x32xf32>
    %get3A_29 = vector.shape_cast %get3A_28 : vector<1x1000x32xf32> to vector<1000x32xf32>
    %get3A_30 = arith.constant 0 : index
    %get3A_31 = arith.constant 0 : index
    %get3A_32 = vector.load %arg7[%get3A_30, %get3A_31] : memref<32x32xf32, #tpu.memory_space<vmem>>, vector<32x32xf32>
    %dot_general3A_33 = arith.constant dense<0.000000e+00> : vector<1000x32xf32>
    %dot_general3A_34 = tpu.matmul %get3A_29, %get3A_32, %dot_general3A_33 {dimension_numbers = #tpu.dot_dimension_numbers<[1], [0], [0], [1], [0, 0, 1, 1], [], []>, transpose_lhs_hint = false} : vector<1000x32xf32>, vector<32x32xf32>, vector<1000x32xf32> -> vector<1000x32xf32>
    %get3A_35 = arith.constant 0 : index
    %get3A_36 = arith.constant 0 : index
    %get3A_37 = vector.load %arg8[%get3A_35, %get3A_36] : memref<1x32xf32, #tpu.memory_space<vmem>>, vector<1x32xf32>
    %add3A_38 = vector.broadcast %get3A_37 : vector<1x32xf32> to vector<1000x32xf32>
    %add3A_39 = arith.addf %dot_general3A_34, %add3A_38 : vector<1000x32xf32>
    %add3A_40 = arith.addf %add3A_39, %add3A : vector<1000x32xf32>
    %add3A_41 = arith.addf %add3A_40, %add3A_24 : vector<1000x32xf32>
    %max3A = arith.constant 0.000000e+00 : f32
    %max3A_42 = vector.broadcast %max3A : f32 to vector<1000x32xf32>
    %max3A_43 = arith.maximumf %add3A_41, %max3A_42 : vector<1000x32xf32>
    %reduce_sum3A = arith.constant dense<0.000000e+00> : vector<1000xf32>
    %reduce_sum3A_44 = vector.multi_reduction <add>, %max3A_43, %reduce_sum3A [1] : vector<1000x32xf32> to vector<1000xf32>
    %broadcast_in_dim3A = vector.shape_cast %reduce_sum3A_44 : vector<1000xf32> to vector<1000x1xf32>
    %div3A = arith.constant 3.200000e+01 : f32
    %div3A_45 = vector.broadcast %div3A : f32 to vector<1000x1xf32>
    %div3A_46 = arith.divf %broadcast_in_dim3A, %div3A_45 : vector<1000x1xf32>
    %jit3A = arith.constant 0 : i32
    %reduce_sum3A_47 = arith.constant dense<0.000000e+00> : vector<1000xf32>
    %reduce_sum3A_48 = vector.multi_reduction <add>, %max3A_43, %reduce_sum3A_47 [1] : vector<1000x32xf32> to vector<1000xf32>
    %broadcast_in_dim3A_49 = vector.shape_cast %reduce_sum3A_48 : vector<1000xf32> to vector<1000x1xf32>
    %div3A_50 = arith.constant 3.200000e+01 : f32
    %div3A_51 = vector.broadcast %div3A_50 : f32 to vector<1000x1xf32>
    %div3A_52 = arith.divf %broadcast_in_dim3A_49, %div3A_51 : vector<1000x1xf32>
    %sub3A = vector.broadcast %div3A_52 : vector<1000x1xf32> to vector<1000x32xf32>
    %sub3A_53 = arith.subf %max3A_43, %sub3A : vector<1000x32xf32>
    %square3A = arith.mulf %sub3A_53, %sub3A_53 : vector<1000x32xf32>
    %convert_element_type3A = arith.sitofp %jit3A : i32 to f32
    %sub3A_54 = arith.constant 3.200000e+01 : f32
    %sub3A_55 = arith.subf %sub3A_54, %convert_element_type3A : f32
    %reduce_sum3A_56 = arith.constant dense<0.000000e+00> : vector<1000xf32>
    %reduce_sum3A_57 = vector.multi_reduction <add>, %square3A, %reduce_sum3A_56 [1] : vector<1000x32xf32> to vector<1000xf32>
    %broadcast_in_dim3A_58 = vector.shape_cast %reduce_sum3A_57 : vector<1000xf32> to vector<1000x1xf32>
    %div3A_59 = vector.broadcast %sub3A_55 : f32 to vector<1000x1xf32>
    %div3A_60 = arith.divf %broadcast_in_dim3A_58, %div3A_59 : vector<1000x1xf32>
    %gt3A = arith.constant 0.000000e+00 : f32
    %gt3A_61 = arith.cmpf ogt, %sub3A_55, %gt3A : f32
    %jit3A_62 = arith.constant 0x7FC00000 : f32
    %broadcast_in_dim3A_63 = vector.broadcast %jit3A_62 : f32 to vector<1000x1xf32>
    %select_n3A = arith.select %gt3A_61, %div3A_60, %broadcast_in_dim3A_63 : vector<1000x1xf32>
    %sub3A_64 = vector.broadcast %div3A_46 : vector<1000x1xf32> to vector<1000x32xf32>
    %sub3A_65 = arith.subf %max3A_43, %sub3A_64 : vector<1000x32xf32>
    %add3A_66 = arith.constant 9.99999974E-6 : f32
    %add3A_67 = vector.broadcast %add3A_66 : f32 to vector<1000x1xf32>
    %add3A_68 = arith.addf %select_n3A, %add3A_67 : vector<1000x1xf32>
    %sqrt3A = math.sqrt %add3A_68 : vector<1000x1xf32>
    %div3A_69 = vector.broadcast %sqrt3A : vector<1000x1xf32> to vector<1000x32xf32>
    %div3A_70 = arith.divf %sub3A_65, %div3A_69 : vector<1000x32xf32>
    %get3A_71 = arith.constant 0 : index
    %get3A_72 = arith.constant 0 : index
    %get3A_73 = arith.constant 0 : index
    %get3A_74 = vector.load %arg4[%get3A_71, %get3A_72, %get3A_73] : memref<4x1000x4xi32, #tpu.memory_space<vmem>>, vector<1x1000x4xi32>
    %get3A_75 = vector.shape_cast %get3A_74 : vector<1x1000x4xi32> to vector<1000x4xi32>
    %convert_element_type3A_76 = arith.sitofp %get3A_75 : vector<1000x4xi32> to vector<1000x4xf32>
    %iota3A = tpu.iota {dimensions = array<i32: 0>} : vector<4x32xi32>
    %iota3A_77 = tpu.iota {dimensions = array<i32: 1>} : vector<4x32xi32>
    %eq3A = arith.cmpi eq, %iota3A, %iota3A_77 : vector<4x32xi32>
    %convert_element_type3A_78 = arith.extui %eq3A : vector<4x32xi1> to vector<4x32xi32>
    %convert_element_type3A_79 = arith.sitofp %convert_element_type3A_78 : vector<4x32xi32> to vector<4x32xf32>
    %iota3A_80 = tpu.iota {dimensions = array<i32: 1>} : vector<1000x32xi32>
    %ge3A = arith.constant 4 : i32
    %ge3A_81 = vector.broadcast %ge3A : i32 to vector<1000x32xi32>
    %ge3A_82 = arith.cmpi sge, %iota3A_80, %ge3A_81 : vector<1000x32xi32>
    %dot_general3A_83 = arith.constant dense<0.000000e+00> : vector<1000x32xf32>
    %dot_general3A_84 = tpu.matmul %convert_element_type3A_76, %convert_element_type3A_79, %dot_general3A_83 {dimension_numbers = #tpu.dot_dimension_numbers<[1], [0], [0], [1], [0, 0, 1, 1], [], []>, transpose_lhs_hint = false} : vector<1000x4xf32>, vector<4x32xf32>, vector<1000x32xf32> -> vector<1000x32xf32>
    %gt3A_85 = arith.constant 5.000000e-01 : f32
    %gt3A_86 = vector.broadcast %gt3A_85 : f32 to vector<1000x32xf32>
    %gt3A_87 = arith.cmpf ogt, %dot_general3A_84, %gt3A_86 : vector<1000x32xf32>
    %or3A = arith.ori %ge3A_82, %gt3A_87 : vector<1000x32xi1>
    %get3A_88 = arith.constant 0 : index
    %get3A_89 = arith.constant 0 : index
    %get3A_90 = vector.load %arg9[%get3A_88, %get3A_89] : memref<1000x32xf32, #tpu.memory_space<vmem>>, vector<1000x32xf32>
    %get3A_91 = arith.constant 0 : index
    %get3A_92 = arith.constant 0 : index
    %get3A_93 = vector.load %arg10[%get3A_91, %get3A_92] : memref<1000x32xf32, #tpu.memory_space<vmem>>, vector<1000x32xf32>
    %select_n3A_94 = arith.select %or3A, %get3A_90, %get3A_93 : vector<1000x32xi1>, vector<1000x32xf32>
    %add3A_95 = arith.addf %div3A_70, %select_n3A_94 : vector<1000x32xf32>
    %swap3A = arith.constant 0 : index
    %swap3A_96 = arith.constant 0 : index
    %swap3A_97 = arith.constant 0 : index
    %swap3A_98 = vector.load %arg12[%swap3A, %swap3A_96, %swap3A_97] : memref<4x1000x32xf32, #tpu.memory_space<vmem>>, vector<1x1000x32xf32>
    %swap3A_99 = vector.shape_cast %swap3A_98 : vector<1x1000x32xf32> to vector<1000x32xf32>
    %swap3A_100 = vector.shape_cast %add3A_95 : vector<1000x32xf32> to vector<1x1000x32xf32>
    tpu.vector_store %arg12[%swap3A, %swap3A_96, %swap3A_97], %swap3A_100 {strides = array<i32>} : memref<4x1000x32xf32, #tpu.memory_space<vmem>>, vector<1x1000x32xf32>,
    %get3A_101 = arith.constant 0 : index
    %get3A_102 = arith.constant 0 : index
    %get3A_103 = vector.load %arg11[%get3A_101, %get3A_102] : memref<32x32xf32, #tpu.memory_space<vmem>>, vector<32x32xf32>
    %dot_general3A_104 = arith.constant dense<0.000000e+00> : vector<1000x32xf32>
    %dot_general3A_105 = tpu.matmul %add3A_95, %get3A_103, %dot_general3A_104 {dimension_numbers = #tpu.dot_dimension_numbers<[1], [0], [0], [1], [0, 0, 1, 1], [], []>, transpose_lhs_hint = false} : vector<1000x32xf32>, vector<32x32xf32>, vector<1000x32xf32> -> vector<1000x32xf32>
    %max3A_106 = arith.constant 0.000000e+00 : f32
    %max3A_107 = vector.broadcast %max3A_106 : f32 to vector<1000x32xf32>
    %max3A_108 = arith.maximumf %dot_general3A_105, %max3A_107 : vector<1000x32xf32>
    %swap3A_109 = arith.constant 0 : index
    %swap3A_110 = arith.constant 0 : index
    %swap3A_111 = arith.constant 0 : index
    %swap3A_112 = vector.load %arg13[%swap3A_109, %swap3A_110, %swap3A_111] : memref<1000x4x32xf32, #tpu.memory_space<vmem>>, vector<1000x1x32xf32>
    %swap3A_113 = vector.shape_cast %swap3A_112 : vector<1000x1x32xf32> to vector<1000x32xf32>
    %swap3A_114 = vector.shape_cast %max3A_108 : vector<1000x32xf32> to vector<1000x1x32xf32>
    tpu.vector_store %arg13[%swap3A_109, %swap3A_110, %swap3A_111], %swap3A_114 {strides = array<i32>} : memref<1000x4x32xf32, #tpu.memory_space<vmem>>, vector<1000x1x32xf32>,
    %get3A_115 = arith.constant 0 : index
    %get3A_116 = arith.constant 0 : index
    %get3A_117 = arith.constant 1 : index
    %get3A_118 = arith.constant 0 : index
    %get3A_119 = vector.load %arg2[%get3A_115, %get3A_116, %get3A_117, %get3A_118] : memref<2x1000x4x32xf32, #tpu.memory_space<vmem>>, vector<1x1000x1x32xf32>
    %get3A_120 = vector.shape_cast %get3A_119 : vector<1x1000x1x32xf32> to vector<1000x32xf32>
    %get3A_121 = arith.constant 1 : index
    %get3A_122 = arith.constant 0 : index
    %get3A_123 = arith.constant 1 : index
    %get3A_124 = arith.constant 0 : index
    %get3A_125 = vector.load %arg2[%get3A_121, %get3A_122, %get3A_123, %get3A_124] : memref<2x1000x4x32xf32, #tpu.memory_space<vmem>>, vector<1x1000x1x32xf32>
    %get3A_126 = vector.shape_cast %get3A_125 : vector<1x1000x1x32xf32> to vector<1000x32xf32>
    %add3A_127 = arith.addf %get3A_120, %get3A_126 : vector<1000x32xf32>
    %get3A_128 = arith.constant 1 : index
    %get3A_129 = arith.constant 0 : index
    %get3A_130 = arith.constant 0 : index
    %get3A_131 = vector.load %arg3[%get3A_128, %get3A_129, %get3A_130] : memref<4x1000x4xf32, #tpu.memory_space<vmem>>, vector<1x1000x4xf32>
    %get3A_132 = vector.shape_cast %get3A_131 : vector<1x1000x4xf32> to vector<1000x4xf32>
    %get3A_133 = arith.constant 0 : index
    %get3A_134 = arith.constant 0 : index
    %get3A_135 = vector.load %arg5[%get3A_133, %get3A_134] : memref<4x32xf32, #tpu.memory_space<vmem>>, vector<4x32xf32>
    %dot_general3A_136 = arith.constant dense<0.000000e+00> : vector<1000x32xf32>
    %dot_general3A_137 = tpu.matmul %get3A_132, %get3A_135, %dot_general3A_136 {dimension_numbers = #tpu.dot_dimension_numbers<[1], [0], [0], [1], [0, 0, 1, 1], [], []>, transpose_lhs_hint = false} : vector<1000x4xf32>, vector<4x32xf32>, vector<1000x32xf32> -> vector<1000x32xf32>
    %get3A_138 = arith.constant 0 : index
    %get3A_139 = arith.constant 0 : index
    %get3A_140 = vector.load %arg6[%get3A_138, %get3A_139] : memref<1x32xf32, #tpu.memory_space<vmem>>, vector<1x32xf32>
    %add3A_141 = vector.broadcast %get3A_140 : vector<1x32xf32> to vector<1000x32xf32>
    %add3A_142 = arith.addf %dot_general3A_137, %add3A_141 : vector<1000x32xf32>
    %get3A_143 = arith.constant 1 : index
    %get3A_144 = arith.constant 0 : index
    %get3A_145 = arith.constant 0 : index
    %get3A_146 = vector.load %arg1[%get3A_143, %get3A_144, %get3A_145] : memref<4x1000x32xf32, #tpu.memory_space<vmem>>, vector<1x1000x32xf32>
    %get3A_147 = vector.shape_cast %get3A_146 : vector<1x1000x32xf32> to vector<1000x32xf32>
    %get3A_148 = arith.constant 0 : index
    %get3A_149 = arith.constant 0 : index
    %get3A_150 = vector.load %arg7[%get3A_148, %get3A_149] : memref<32x32xf32, #tpu.memory_space<vmem>>, vector<32x32xf32>
    %dot_general3A_151 = arith.constant dense<0.000000e+00> : vector<1000x32xf32>
    %dot_general3A_152 = tpu.matmul %get3A_147, %get3A_150, %dot_general3A_151 {dimension_numbers = #tpu.dot_dimension_numbers<[1], [0], [0], [1], [0, 0, 1, 1], [], []>, transpose_lhs_hint = false} : vector<1000x32xf32>, vector<32x32xf32>, vector<1000x32xf32> -> vector<1000x32xf32>
    %get3A_153 = arith.constant 0 : index
    %get3A_154 = arith.constant 0 : index
    %get3A_155 = vector.load %arg8[%get3A_153, %get3A_154] : memref<1x32xf32, #tpu.memory_space<vmem>>, vector<1x32xf32>
    %add3A_156 = vector.broadcast %get3A_155 : vector<1x32xf32> to vector<1000x32xf32>
    %add3A_157 = arith.addf %dot_general3A_152, %add3A_156 : vector<1000x32xf32>
    %add3A_158 = arith.addf %add3A_157, %add3A_127 : vector<1000x32xf32>
    %add3A_159 = arith.addf %add3A_158, %add3A_142 : vector<1000x32xf32>
    %max3A_160 = arith.constant 0.000000e+00 : f32
    %max3A_161 = vector.broadcast %max3A_160 : f32 to vector<1000x32xf32>
    %max3A_162 = arith.maximumf %add3A_159, %max3A_161 : vector<1000x32xf32>
    %reduce_sum3A_163 = arith.constant dense<0.000000e+00> : vector<1000xf32>
    %reduce_sum3A_164 = vector.multi_reduction <add>, %max3A_162, %reduce_sum3A_163 [1] : vector<1000x32xf32> to vector<1000xf32>
    %broadcast_in_dim3A_165 = vector.shape_cast %reduce_sum3A_164 : vector<1000xf32> to vector<1000x1xf32>
    %div3A_166 = arith.constant 3.200000e+01 : f32
    %div3A_167 = vector.broadcast %div3A_166 : f32 to vector<1000x1xf32>
    %div3A_168 = arith.divf %broadcast_in_dim3A_165, %div3A_167 : vector<1000x1xf32>
    %jit3A_169 = arith.constant 0 : i32
    %reduce_sum3A_170 = arith.constant dense<0.000000e+00> : vector<1000xf32>
    %reduce_sum3A_171 = vector.multi_reduction <add>, %max3A_162, %reduce_sum3A_170 [1] : vector<1000x32xf32> to vector<1000xf32>
    %broadcast_in_dim3A_172 = vector.shape_cast %reduce_sum3A_171 : vector<1000xf32> to vector<1000x1xf32>
    %div3A_173 = arith.constant 3.200000e+01 : f32
    %div3A_174 = vector.broadcast %div3A_173 : f32 to vector<1000x1xf32>
    %div3A_175 = arith.divf %broadcast_in_dim3A_172, %div3A_174 : vector<1000x1xf32>
    %sub3A_176 = vector.broadcast %div3A_175 : vector<1000x1xf32> to vector<1000x32xf32>
    %sub3A_177 = arith.subf %max3A_162, %sub3A_176 : vector<1000x32xf32>
    %square3A_178 = arith.mulf %sub3A_177, %sub3A_177 : vector<1000x32xf32>
    %convert_element_type3A_179 = arith.sitofp %jit3A_169 : i32 to f32
    %sub3A_180 = arith.constant 3.200000e+01 : f32
    %sub3A_181 = arith.subf %sub3A_180, %convert_element_type3A_179 : f32
    %reduce_sum3A_182 = arith.constant dense<0.000000e+00> : vector<1000xf32>
    %reduce_sum3A_183 = vector.multi_reduction <add>, %square3A_178, %reduce_sum3A_182 [1] : vector<1000x32xf32> to vector<1000xf32>
    %broadcast_in_dim3A_184 = vector.shape_cast %reduce_sum3A_183 : vector<1000xf32> to vector<1000x1xf32>
    %div3A_185 = vector.broadcast %sub3A_181 : f32 to vector<1000x1xf32>
    %div3A_186 = arith.divf %broadcast_in_dim3A_184, %div3A_185 : vector<1000x1xf32>
    %gt3A_187 = arith.constant 0.000000e+00 : f32
    %gt3A_188 = arith.cmpf ogt, %sub3A_181, %gt3A_187 : f32
    %jit3A_189 = arith.constant 0x7FC00000 : f32
    %broadcast_in_dim3A_190 = vector.broadcast %jit3A_189 : f32 to vector<1000x1xf32>
    %select_n3A_191 = arith.select %gt3A_188, %div3A_186, %broadcast_in_dim3A_190 : vector<1000x1xf32>
    %sub3A_192 = vector.broadcast %div3A_168 : vector<1000x1xf32> to vector<1000x32xf32>
    %sub3A_193 = arith.subf %max3A_162, %sub3A_192 : vector<1000x32xf32>
    %add3A_194 = arith.constant 9.99999974E-6 : f32
    %add3A_195 = vector.broadcast %add3A_194 : f32 to vector<1000x1xf32>
    %add3A_196 = arith.addf %select_n3A_191, %add3A_195 : vector<1000x1xf32>
    %sqrt3A_197 = math.sqrt %add3A_196 : vector<1000x1xf32>
    %div3A_198 = vector.broadcast %sqrt3A_197 : vector<1000x1xf32> to vector<1000x32xf32>
    %div3A_199 = arith.divf %sub3A_193, %div3A_198 : vector<1000x32xf32>
    %get3A_200 = arith.constant 1 : index
    %get3A_201 = arith.constant 0 : index
    %get3A_202 = arith.constant 0 : index
    %get3A_203 = vector.load %arg4[%get3A_200, %get3A_201, %get3A_202] : memref<4x1000x4xi32, #tpu.memory_space<vmem>>, vector<1x1000x4xi32>
    %get3A_204 = vector.shape_cast %get3A_203 : vector<1x1000x4xi32> to vector<1000x4xi32>
    %convert_element_type3A_205 = arith.sitofp %get3A_204 : vector<1000x4xi32> to vector<1000x4xf32>
    %iota3A_206 = tpu.iota {dimensions = array<i32: 0>} : vector<4x32xi32>
    %iota3A_207 = tpu.iota {dimensions = array<i32: 1>} : vector<4x32xi32>
    %eq3A_208 = arith.cmpi eq, %iota3A_206, %iota3A_207 : vector<4x32xi32>
    %convert_element_type3A_209 = arith.extui %eq3A_208 : vector<4x32xi1> to vector<4x32xi32>
    %convert_element_type3A_210 = arith.sitofp %convert_element_type3A_209 : vector<4x32xi32> to vector<4x32xf32>
    %iota3A_211 = tpu.iota {dimensions = array<i32: 1>} : vector<1000x32xi32>
    %ge3A_212 = arith.constant 4 : i32
    %ge3A_213 = vector.broadcast %ge3A_212 : i32 to vector<1000x32xi32>
    %ge3A_214 = arith.cmpi sge, %iota3A_211, %ge3A_213 : vector<1000x32xi32>
    %dot_general3A_215 = arith.constant dense<0.000000e+00> : vector<1000x32xf32>
    %dot_general3A_216 = tpu.matmul %convert_element_type3A_205, %convert_element_type3A_210, %dot_general3A_215 {dimension_numbers = #tpu.dot_dimension_numbers<[1], [0], [0], [1], [0, 0, 1, 1], [], []>, transpose_lhs_hint = false} : vector<1000x4xf32>, vector<4x32xf32>, vector<1000x32xf32> -> vector<1000x32xf32>
    %gt3A_217 = arith.constant 5.000000e-01 : f32
    %gt3A_218 = vector.broadcast %gt3A_217 : f32 to vector<1000x32xf32>
    %gt3A_219 = arith.cmpf ogt, %dot_general3A_216, %gt3A_218 : vector<1000x32xf32>
    %or3A_220 = arith.ori %ge3A_214, %gt3A_219 : vector<1000x32xi1>
    %get3A_221 = arith.constant 0 : index
    %get3A_222 = arith.constant 0 : index
    %get3A_223 = vector.load %arg9[%get3A_221, %get3A_222] : memref<1000x32xf32, #tpu.memory_space<vmem>>, vector<1000x32xf32>
    %get3A_224 = arith.constant 0 : index
    %get3A_225 = arith.constant 0 : index
    %get3A_226 = vector.load %arg10[%get3A_224, %get3A_225] : memref<1000x32xf32, #tpu.memory_space<vmem>>, vector<1000x32xf32>
    %select_n3A_227 = arith.select %or3A_220, %get3A_223, %get3A_226 : vector<1000x32xi1>, vector<1000x32xf32>
    %add3A_228 = arith.addf %div3A_199, %select_n3A_227 : vector<1000x32xf32>
    %swap3A_229 = arith.constant 1 : index
    %swap3A_230 = arith.constant 0 : index
    %swap3A_231 = arith.constant 0 : index
    %swap3A_232 = vector.load %arg12[%swap3A_229, %swap3A_230, %swap3A_231] : memref<4x1000x32xf32, #tpu.memory_space<vmem>>, vector<1x1000x32xf32>
    %swap3A_233 = vector.shape_cast %swap3A_232 : vector<1x1000x32xf32> to vector<1000x32xf32>
    %swap3A_234 = vector.shape_cast %add3A_228 : vector<1000x32xf32> to vector<1x1000x32xf32>
    tpu.vector_store %arg12[%swap3A_229, %swap3A_230, %swap3A_231], %swap3A_234 {strides = array<i32>} : memref<4x1000x32xf32, #tpu.memory_space<vmem>>, vector<1x1000x32xf32>,
    %get3A_235 = arith.constant 0 : index
    %get3A_236 = arith.constant 0 : index
    %get3A_237 = vector.load %arg11[%get3A_235, %get3A_236] : memref<32x32xf32, #tpu.memory_space<vmem>>, vector<32x32xf32>
    %dot_general3A_238 = arith.constant dense<0.000000e+00> : vector<1000x32xf32>
    %dot_general3A_239 = tpu.matmul %add3A_228, %get3A_237, %dot_general3A_238 {dimension_numbers = #tpu.dot_dimension_numbers<[1], [0], [0], [1], [0, 0, 1, 1], [], []>, transpose_lhs_hint = false} : vector<1000x32xf32>, vector<32x32xf32>, vector<1000x32xf32> -> vector<1000x32xf32>
    %max3A_240 = arith.constant 0.000000e+00 : f32
    %max3A_241 = vector.broadcast %max3A_240 : f32 to vector<1000x32xf32>
    %max3A_242 = arith.maximumf %dot_general3A_239, %max3A_241 : vector<1000x32xf32>
    %swap3A_243 = arith.constant 0 : index
    %swap3A_244 = arith.constant 1 : index
    %swap3A_245 = arith.constant 0 : index
    %swap3A_246 = vector.load %arg13[%swap3A_243, %swap3A_244, %swap3A_245] : memref<1000x4x32xf32, #tpu.memory_space<vmem>>, vector<1000x1x32xf32>
    %swap3A_247 = vector.shape_cast %swap3A_246 : vector<1000x1x32xf32> to vector<1000x32xf32>
    %swap3A_248 = vector.shape_cast %max3A_242 : vector<1000x32xf32> to vector<1000x1x32xf32>
    tpu.vector_store %arg13[%swap3A_243, %swap3A_244, %swap3A_245], %swap3A_248 {strides = array<i32>} : memref<1000x4x32xf32, #tpu.memory_space<vmem>>, vector<1000x1x32xf32>,
    %get3A_249 = arith.constant 0 : index
    %get3A_250 = arith.constant 0 : index
    %get3A_251 = arith.constant 2 : index
    %get3A_252 = arith.constant 0 : index
    %get3A_253 = vector.load %arg2[%get3A_249, %get3A_250, %get3A_251, %get3A_252] : memref<2x1000x4x32xf32, #tpu.memory_space<vmem>>, vector<1x1000x1x32xf32>
    %get3A_254 = vector.shape_cast %get3A_253 : vector<1x1000x1x32xf32> to vector<1000x32xf32>
    %get3A_255 = arith.constant 1 : index
    %get3A_256 = arith.constant 0 : index
    %get3A_257 = arith.constant 2 : index
    %get3A_258 = arith.constant 0 : index
    %get3A_259 = vector.load %arg2[%get3A_255, %get3A_256, %get3A_257, %get3A_258] : memref<2x1000x4x32xf32, #tpu.memory_space<vmem>>, vector<1x1000x1x32xf32>
    %get3A_260 = vector.shape_cast %get3A_259 : vector<1x1000x1x32xf32> to vector<1000x32xf32>
    %add3A_261 = arith.addf %get3A_254, %get3A_260 : vector<1000x32xf32>
    %get3A_262 = arith.constant 2 : index
    %get3A_263 = arith.constant 0 : index
    %get3A_264 = arith.constant 0 : index
    %get3A_265 = vector.load %arg3[%get3A_262, %get3A_263, %get3A_264] : memref<4x1000x4xf32, #tpu.memory_space<vmem>>, vector<1x1000x4xf32>
    %get3A_266 = vector.shape_cast %get3A_265 : vector<1x1000x4xf32> to vector<1000x4xf32>
    %get3A_267 = arith.constant 0 : index
    %get3A_268 = arith.constant 0 : index
    %get3A_269 = vector.load %arg5[%get3A_267, %get3A_268] : memref<4x32xf32, #tpu.memory_space<vmem>>, vector<4x32xf32>
    %dot_general3A_270 = arith.constant dense<0.000000e+00> : vector<1000x32xf32>
    %dot_general3A_271 = tpu.matmul %get3A_266, %get3A_269, %dot_general3A_270 {dimension_numbers = #tpu.dot_dimension_numbers<[1], [0], [0], [1], [0, 0, 1, 1], [], []>, transpose_lhs_hint = false} : vector<1000x4xf32>, vector<4x32xf32>, vector<1000x32xf32> -> vector<1000x32xf32>
    %get3A_272 = arith.constant 0 : index
    %get3A_273 = arith.constant 0 : index
    %get3A_274 = vector.load %arg6[%get3A_272, %get3A_273] : memref<1x32xf32, #tpu.memory_space<vmem>>, vector<1x32xf32>
    %add3A_275 = vector.broadcast %get3A_274 : vector<1x32xf32> to vector<1000x32xf32>
    %add3A_276 = arith.addf %dot_general3A_271, %add3A_275 : vector<1000x32xf32>
    %get3A_277 = arith.constant 2 : index
    %get3A_278 = arith.constant 0 : index
    %get3A_279 = arith.constant 0 : index
    %get3A_280 = vector.load %arg1[%get3A_277, %get3A_278, %get3A_279] : memref<4x1000x32xf32, #tpu.memory_space<vmem>>, vector<1x1000x32xf32>
    %get3A_281 = vector.shape_cast %get3A_280 : vector<1x1000x32xf32> to vector<1000x32xf32>
    %get3A_282 = arith.constant 0 : index
    %get3A_283 = arith.constant 0 : index
    %get3A_284 = vector.load %arg7[%get3A_282, %get3A_283] : memref<32x32xf32, #tpu.memory_space<vmem>>, vector<32x32xf32>
    %dot_general3A_285 = arith.constant dense<0.000000e+00> : vector<1000x32xf32>
    %dot_general3A_286 = tpu.matmul %get3A_281, %get3A_284, %dot_general3A_285 {dimension_numbers = #tpu.dot_dimension_numbers<[1], [0], [0], [1], [0, 0, 1, 1], [], []>, transpose_lhs_hint = false} : vector<1000x32xf32>, vector<32x32xf32>, vector<1000x32xf32> -> vector<1000x32xf32>
    %get3A_287 = arith.constant 0 : index
    %get3A_288 = arith.constant 0 : index
    %get3A_289 = vector.load %arg8[%get3A_287, %get3A_288] : memref<1x32xf32, #tpu.memory_space<vmem>>, vector<1x32xf32>
    %add3A_290 = vector.broadcast %get3A_289 : vector<1x32xf32> to vector<1000x32xf32>
    %add3A_291 = arith.addf %dot_general3A_286, %add3A_290 : vector<1000x32xf32>
    %add3A_292 = arith.addf %add3A_291, %add3A_261 : vector<1000x32xf32>
    %add3A_293 = arith.addf %add3A_292, %add3A_276 : vector<1000x32xf32>
    %max3A_294 = arith.constant 0.000000e+00 : f32
    %max3A_295 = vector.broadcast %max3A_294 : f32 to vector<1000x32xf32>
    %max3A_296 = arith.maximumf %add3A_293, %max3A_295 : vector<1000x32xf32>
    %reduce_sum3A_297 = arith.constant dense<0.000000e+00> : vector<1000xf32>
    %reduce_sum3A_298 = vector.multi_reduction <add>, %max3A_296, %reduce_sum3A_297 [1] : vector<1000x32xf32> to vector<1000xf32>
    %broadcast_in_dim3A_299 = vector.shape_cast %reduce_sum3A_298 : vector<1000xf32> to vector<1000x1xf32>
    %div3A_300 = arith.constant 3.200000e+01 : f32
    %div3A_301 = vector.broadcast %div3A_300 : f32 to vector<1000x1xf32>
    %div3A_302 = arith.divf %broadcast_in_dim3A_299, %div3A_301 : vector<1000x1xf32>
    %jit3A_303 = arith.constant 0 : i32
    %reduce_sum3A_304 = arith.constant dense<0.000000e+00> : vector<1000xf32>
    %reduce_sum3A_305 = vector.multi_reduction <add>, %max3A_296, %reduce_sum3A_304 [1] : vector<1000x32xf32> to vector<1000xf32>
    %broadcast_in_dim3A_306 = vector.shape_cast %reduce_sum3A_305 : vector<1000xf32> to vector<1000x1xf32>
    %div3A_307 = arith.constant 3.200000e+01 : f32
    %div3A_308 = vector.broadcast %div3A_307 : f32 to vector<1000x1xf32>
    %div3A_309 = arith.divf %broadcast_in_dim3A_306, %div3A_308 : vector<1000x1xf32>
    %sub3A_310 = vector.broadcast %div3A_309 : vector<1000x1xf32> to vector<1000x32xf32>
    %sub3A_311 = arith.subf %max3A_296, %sub3A_310 : vector<1000x32xf32>
    %square3A_312 = arith.mulf %sub3A_311, %sub3A_311 : vector<1000x32xf32>
    %convert_element_type3A_313 = arith.sitofp %jit3A_303 : i32 to f32
    %sub3A_314 = arith.constant 3.200000e+01 : f32
    %sub3A_315 = arith.subf %sub3A_314, %convert_element_type3A_313 : f32
    %reduce_sum3A_316 = arith.constant dense<0.000000e+00> : vector<1000xf32>
    %reduce_sum3A_317 = vector.multi_reduction <add>, %square3A_312, %reduce_sum3A_316 [1] : vector<1000x32xf32> to vector<1000xf32>
    %broadcast_in_dim3A_318 = vector.shape_cast %reduce_sum3A_317 : vector<1000xf32> to vector<1000x1xf32>
    %div3A_319 = vector.broadcast %sub3A_315 : f32 to vector<1000x1xf32>
    %div3A_320 = arith.divf %broadcast_in_dim3A_318, %div3A_319 : vector<1000x1xf32>
    %gt3A_321 = arith.constant 0.000000e+00 : f32
    %gt3A_322 = arith.cmpf ogt, %sub3A_315, %gt3A_321 : f32
    %jit3A_323 = arith.constant 0x7FC00000 : f32
    %broadcast_in_dim3A_324 = vector.broadcast %jit3A_323 : f32 to vector<1000x1xf32>
    %select_n3A_325 = arith.select %gt3A_322, %div3A_320, %broadcast_in_dim3A_324 : vector<1000x1xf32>
    %sub3A_326 = vector.broadcast %div3A_302 : vector<1000x1xf32> to vector<1000x32xf32>
    %sub3A_327 = arith.subf %max3A_296, %sub3A_326 : vector<1000x32xf32>
    %add3A_328 = arith.constant 9.99999974E-6 : f32
    %add3A_329 = vector.broadcast %add3A_328 : f32 to vector<1000x1xf32>
    %add3A_330 = arith.addf %select_n3A_325, %add3A_329 : vector<1000x1xf32>
    %sqrt3A_331 = math.sqrt %add3A_330 : vector<1000x1xf32>
    %div3A_332 = vector.broadcast %sqrt3A_331 : vector<1000x1xf32> to vector<1000x32xf32>
    %div3A_333 = arith.divf %sub3A_327, %div3A_332 : vector<1000x32xf32>
    %get3A_334 = arith.constant 2 : index
    %get3A_335 = arith.constant 0 : index
    %get3A_336 = arith.constant 0 : index
    %get3A_337 = vector.load %arg4[%get3A_334, %get3A_335, %get3A_336] : memref<4x1000x4xi32, #tpu.memory_space<vmem>>, vector<1x1000x4xi32>
    %get3A_338 = vector.shape_cast %get3A_337 : vector<1x1000x4xi32> to vector<1000x4xi32>
    %convert_element_type3A_339 = arith.sitofp %get3A_338 : vector<1000x4xi32> to vector<1000x4xf32>
    %iota3A_340 = tpu.iota {dimensions = array<i32: 0>} : vector<4x32xi32>
    %iota3A_341 = tpu.iota {dimensions = array<i32: 1>} : vector<4x32xi32>
    %eq3A_342 = arith.cmpi eq, %iota3A_340, %iota3A_341 : vector<4x32xi32>
    %convert_element_type3A_343 = arith.extui %eq3A_342 : vector<4x32xi1> to vector<4x32xi32>
    %convert_element_type3A_344 = arith.sitofp %convert_element_type3A_343 : vector<4x32xi32> to vector<4x32xf32>
    %iota3A_345 = tpu.iota {dimensions = array<i32: 1>} : vector<1000x32xi32>
    %ge3A_346 = arith.constant 4 : i32
    %ge3A_347 = vector.broadcast %ge3A_346 : i32 to vector<1000x32xi32>
    %ge3A_348 = arith.cmpi sge, %iota3A_345, %ge3A_347 : vector<1000x32xi32>
    %dot_general3A_349 = arith.constant dense<0.000000e+00> : vector<1000x32xf32>
    %dot_general3A_350 = tpu.matmul %convert_element_type3A_339, %convert_element_type3A_344, %dot_general3A_349 {dimension_numbers = #tpu.dot_dimension_numbers<[1], [0], [0], [1], [0, 0, 1, 1], [], []>, transpose_lhs_hint = false} : vector<1000x4xf32>, vector<4x32xf32>, vector<1000x32xf32> -> vector<1000x32xf32>
    %gt3A_351 = arith.constant 5.000000e-01 : f32
    %gt3A_352 = vector.broadcast %gt3A_351 : f32 to vector<1000x32xf32>
    %gt3A_353 = arith.cmpf ogt, %dot_general3A_350, %gt3A_352 : vector<1000x32xf32>
    %or3A_354 = arith.ori %ge3A_348, %gt3A_353 : vector<1000x32xi1>
    %get3A_355 = arith.constant 0 : index
    %get3A_356 = arith.constant 0 : index
    %get3A_357 = vector.load %arg9[%get3A_355, %get3A_356] : memref<1000x32xf32, #tpu.memory_space<vmem>>, vector<1000x32xf32>
    %get3A_358 = arith.constant 0 : index
    %get3A_359 = arith.constant 0 : index
    %get3A_360 = vector.load %arg10[%get3A_358, %get3A_359] : memref<1000x32xf32, #tpu.memory_space<vmem>>, vector<1000x32xf32>
    %select_n3A_361 = arith.select %or3A_354, %get3A_357, %get3A_360 : vector<1000x32xi1>, vector<1000x32xf32>
    %add3A_362 = arith.addf %div3A_333, %select_n3A_361 : vector<1000x32xf32>
    %swap3A_363 = arith.constant 2 : index
    %swap3A_364 = arith.constant 0 : index
    %swap3A_365 = arith.constant 0 : index
    %swap3A_366 = vector.load %arg12[%swap3A_363, %swap3A_364, %swap3A_365] : memref<4x1000x32xf32, #tpu.memory_space<vmem>>, vector<1x1000x32xf32>
    %swap3A_367 = vector.shape_cast %swap3A_366 : vector<1x1000x32xf32> to vector<1000x32xf32>
    %swap3A_368 = vector.shape_cast %add3A_362 : vector<1000x32xf32> to vector<1x1000x32xf32>
    tpu.vector_store %arg12[%swap3A_363, %swap3A_364, %swap3A_365], %swap3A_368 {strides = array<i32>} : memref<4x1000x32xf32, #tpu.memory_space<vmem>>, vector<1x1000x32xf32>,
    %get3A_369 = arith.constant 0 : index
    %get3A_370 = arith.constant 0 : index
    %get3A_371 = vector.load %arg11[%get3A_369, %get3A_370] : memref<32x32xf32, #tpu.memory_space<vmem>>, vector<32x32xf32>
    %dot_general3A_372 = arith.constant dense<0.000000e+00> : vector<1000x32xf32>
    %dot_general3A_373 = tpu.matmul %add3A_362, %get3A_371, %dot_general3A_372 {dimension_numbers = #tpu.dot_dimension_numbers<[1], [0], [0], [1], [0, 0, 1, 1], [], []>, transpose_lhs_hint = false} : vector<1000x32xf32>, vector<32x32xf32>, vector<1000x32xf32> -> vector<1000x32xf32>
    %max3A_374 = arith.constant 0.000000e+00 : f32
    %max3A_375 = vector.broadcast %max3A_374 : f32 to vector<1000x32xf32>
    %max3A_376 = arith.maximumf %dot_general3A_373, %max3A_375 : vector<1000x32xf32>
    %swap3A_377 = arith.constant 0 : index
    %swap3A_378 = arith.constant 2 : index
    %swap3A_379 = arith.constant 0 : index
    %swap3A_380 = vector.load %arg13[%swap3A_377, %swap3A_378, %swap3A_379] : memref<1000x4x32xf32, #tpu.memory_space<vmem>>, vector<1000x1x32xf32>
    %swap3A_381 = vector.shape_cast %swap3A_380 : vector<1000x1x32xf32> to vector<1000x32xf32>
    %swap3A_382 = vector.shape_cast %max3A_376 : vector<1000x32xf32> to vector<1000x1x32xf32>
    tpu.vector_store %arg13[%swap3A_377, %swap3A_378, %swap3A_379], %swap3A_382 {strides = array<i32>} : memref<1000x4x32xf32, #tpu.memory_space<vmem>>, vector<1000x1x32xf32>,
    %get3A_383 = arith.constant 0 : index
    %get3A_384 = arith.constant 0 : index
    %get3A_385 = arith.constant 3 : index
    %get3A_386 = arith.constant 0 : index
    %get3A_387 = vector.load %arg2[%get3A_383, %get3A_384, %get3A_385, %get3A_386] : memref<2x1000x4x32xf32, #tpu.memory_space<vmem>>, vector<1x1000x1x32xf32>
    %get3A_388 = vector.shape_cast %get3A_387 : vector<1x1000x1x32xf32> to vector<1000x32xf32>
    %get3A_389 = arith.constant 1 : index
    %get3A_390 = arith.constant 0 : index
    %get3A_391 = arith.constant 3 : index
    %get3A_392 = arith.constant 0 : index
    %get3A_393 = vector.load %arg2[%get3A_389, %get3A_390, %get3A_391, %get3A_392] : memref<2x1000x4x32xf32, #tpu.memory_space<vmem>>, vector<1x1000x1x32xf32>
    %get3A_394 = vector.shape_cast %get3A_393 : vector<1x1000x1x32xf32> to vector<1000x32xf32>
    %add3A_395 = arith.addf %get3A_388, %get3A_394 : vector<1000x32xf32>
    %get3A_396 = arith.constant 3 : index
    %get3A_397 = arith.constant 0 : index
    %get3A_398 = arith.constant 0 : index
    %get3A_399 = vector.load %arg3[%get3A_396, %get3A_397, %get3A_398] : memref<4x1000x4xf32, #tpu.memory_space<vmem>>, vector<1x1000x4xf32>
    %get3A_400 = vector.shape_cast %get3A_399 : vector<1x1000x4xf32> to vector<1000x4xf32>
    %get3A_401 = arith.constant 0 : index
    %get3A_402 = arith.constant 0 : index
    %get3A_403 = vector.load %arg5[%get3A_401, %get3A_402] : memref<4x32xf32, #tpu.memory_space<vmem>>, vector<4x32xf32>
    %dot_general3A_404 = arith.constant dense<0.000000e+00> : vector<1000x32xf32>
    %dot_general3A_405 = tpu.matmul %get3A_400, %get3A_403, %dot_general3A_404 {dimension_numbers = #tpu.dot_dimension_numbers<[1], [0], [0], [1], [0, 0, 1, 1], [], []>, transpose_lhs_hint = false} : vector<1000x4xf32>, vector<4x32xf32>, vector<1000x32xf32> -> vector<1000x32xf32>
    %get3A_406 = arith.constant 0 : index
    %get3A_407 = arith.constant 0 : index
    %get3A_408 = vector.load %arg6[%get3A_406, %get3A_407] : memref<1x32xf32, #tpu.memory_space<vmem>>, vector<1x32xf32>
    %add3A_409 = vector.broadcast %get3A_408 : vector<1x32xf32> to vector<1000x32xf32>
    %add3A_410 = arith.addf %dot_general3A_405, %add3A_409 : vector<1000x32xf32>
    %get3A_411 = arith.constant 3 : index
    %get3A_412 = arith.constant 0 : index
    %get3A_413 = arith.constant 0 : index
    %get3A_414 = vector.load %arg1[%get3A_411, %get3A_412, %get3A_413] : memref<4x1000x32xf32, #tpu.memory_space<vmem>>, vector<1x1000x32xf32>
    %get3A_415 = vector.shape_cast %get3A_414 : vector<1x1000x32xf32> to vector<1000x32xf32>
    %get3A_416 = arith.constant 0 : index
    %get3A_417 = arith.constant 0 : index
    %get3A_418 = vector.load %arg7[%get3A_416, %get3A_417] : memref<32x32xf32, #tpu.memory_space<vmem>>, vector<32x32xf32>
    %dot_general3A_419 = arith.constant dense<0.000000e+00> : vector<1000x32xf32>
    %dot_general3A_420 = tpu.matmul %get3A_415, %get3A_418, %dot_general3A_419 {dimension_numbers = #tpu.dot_dimension_numbers<[1], [0], [0], [1], [0, 0, 1, 1], [], []>, transpose_lhs_hint = false} : vector<1000x32xf32>, vector<32x32xf32>, vector<1000x32xf32> -> vector<1000x32xf32>
    %get3A_421 = arith.constant 0 : index
    %get3A_422 = arith.constant 0 : index
    %get3A_423 = vector.load %arg8[%get3A_421, %get3A_422] : memref<1x32xf32, #tpu.memory_space<vmem>>, vector<1x32xf32>
    %add3A_424 = vector.broadcast %get3A_423 : vector<1x32xf32> to vector<1000x32xf32>
    %add3A_425 = arith.addf %dot_general3A_420, %add3A_424 : vector<1000x32xf32>
    %add3A_426 = arith.addf %add3A_425, %add3A_395 : vector<1000x32xf32>
    %add3A_427 = arith.addf %add3A_426, %add3A_410 : vector<1000x32xf32>
    %max3A_428 = arith.constant 0.000000e+00 : f32
    %max3A_429 = vector.broadcast %max3A_428 : f32 to vector<1000x32xf32>
    %max3A_430 = arith.maximumf %add3A_427, %max3A_429 : vector<1000x32xf32>
    %reduce_sum3A_431 = arith.constant dense<0.000000e+00> : vector<1000xf32>
    %reduce_sum3A_432 = vector.multi_reduction <add>, %max3A_430, %reduce_sum3A_431 [1] : vector<1000x32xf32> to vector<1000xf32>
    %broadcast_in_dim3A_433 = vector.shape_cast %reduce_sum3A_432 : vector<1000xf32> to vector<1000x1xf32>
    %div3A_434 = arith.constant 3.200000e+01 : f32
    %div3A_435 = vector.broadcast %div3A_434 : f32 to vector<1000x1xf32>
    %div3A_436 = arith.divf %broadcast_in_dim3A_433, %div3A_435 : vector<1000x1xf32>
    %jit3A_437 = arith.constant 0 : i32
    %reduce_sum3A_438 = arith.constant dense<0.000000e+00> : vector<1000xf32>
    %reduce_sum3A_439 = vector.multi_reduction <add>, %max3A_430, %reduce_sum3A_438 [1] : vector<1000x32xf32> to vector<1000xf32>
    %broadcast_in_dim3A_440 = vector.shape_cast %reduce_sum3A_439 : vector<1000xf32> to vector<1000x1xf32>
    %div3A_441 = arith.constant 3.200000e+01 : f32
    %div3A_442 = vector.broadcast %div3A_441 : f32 to vector<1000x1xf32>
    %div3A_443 = arith.divf %broadcast_in_dim3A_440, %div3A_442 : vector<1000x1xf32>
    %sub3A_444 = vector.broadcast %div3A_443 : vector<1000x1xf32> to vector<1000x32xf32>
    %sub3A_445 = arith.subf %max3A_430, %sub3A_444 : vector<1000x32xf32>
    %square3A_446 = arith.mulf %sub3A_445, %sub3A_445 : vector<1000x32xf32>
    %convert_element_type3A_447 = arith.sitofp %jit3A_437 : i32 to f32
    %sub3A_448 = arith.constant 3.200000e+01 : f32
    %sub3A_449 = arith.subf %sub3A_448, %convert_element_type3A_447 : f32
    %reduce_sum3A_450 = arith.constant dense<0.000000e+00> : vector<1000xf32>
    %reduce_sum3A_451 = vector.multi_reduction <add>, %square3A_446, %reduce_sum3A_450 [1] : vector<1000x32xf32> to vector<1000xf32>
    %broadcast_in_dim3A_452 = vector.shape_cast %reduce_sum3A_451 : vector<1000xf32> to vector<1000x1xf32>
    %div3A_453 = vector.broadcast %sub3A_449 : f32 to vector<1000x1xf32>
    %div3A_454 = arith.divf %broadcast_in_dim3A_452, %div3A_453 : vector<1000x1xf32>
    %gt3A_455 = arith.constant 0.000000e+00 : f32
    %gt3A_456 = arith.cmpf ogt, %sub3A_449, %gt3A_455 : f32
    %jit3A_457 = arith.constant 0x7FC00000 : f32
    %broadcast_in_dim3A_458 = vector.broadcast %jit3A_457 : f32 to vector<1000x1xf32>
    %select_n3A_459 = arith.select %gt3A_456, %div3A_454, %broadcast_in_dim3A_458 : vector<1000x1xf32>
    %sub3A_460 = vector.broadcast %div3A_436 : vector<1000x1xf32> to vector<1000x32xf32>
    %sub3A_461 = arith.subf %max3A_430, %sub3A_460 : vector<1000x32xf32>
    %add3A_462 = arith.constant 9.99999974E-6 : f32
    %add3A_463 = vector.broadcast %add3A_462 : f32 to vector<1000x1xf32>
    %add3A_464 = arith.addf %select_n3A_459, %add3A_463 : vector<1000x1xf32>
    %sqrt3A_465 = math.sqrt %add3A_464 : vector<1000x1xf32>
    %div3A_466 = vector.broadcast %sqrt3A_465 : vector<1000x1xf32> to vector<1000x32xf32>
    %div3A_467 = arith.divf %sub3A_461, %div3A_466 : vector<1000x32xf32>
    %get3A_468 = arith.constant 3 : index
    %get3A_469 = arith.constant 0 : index
    %get3A_470 = arith.constant 0 : index
    %get3A_471 = vector.load %arg4[%get3A_468, %get3A_469, %get3A_470] : memref<4x1000x4xi32, #tpu.memory_space<vmem>>, vector<1x1000x4xi32>
    %get3A_472 = vector.shape_cast %get3A_471 : vector<1x1000x4xi32> to vector<1000x4xi32>
    %convert_element_type3A_473 = arith.sitofp %get3A_472 : vector<1000x4xi32> to vector<1000x4xf32>
    %iota3A_474 = tpu.iota {dimensions = array<i32: 0>} : vector<4x32xi32>
    %iota3A_475 = tpu.iota {dimensions = array<i32: 1>} : vector<4x32xi32>
    %eq3A_476 = arith.cmpi eq, %iota3A_474, %iota3A_475 : vector<4x32xi32>
    %convert_element_type3A_477 = arith.extui %eq3A_476 : vector<4x32xi1> to vector<4x32xi32>
    %convert_element_type3A_478 = arith.sitofp %convert_element_type3A_477 : vector<4x32xi32> to vector<4x32xf32>
    %iota3A_479 = tpu.iota {dimensions = array<i32: 1>} : vector<1000x32xi32>
    %ge3A_480 = arith.constant 4 : i32
    %ge3A_481 = vector.broadcast %ge3A_480 : i32 to vector<1000x32xi32>
    %ge3A_482 = arith.cmpi sge, %iota3A_479, %ge3A_481 : vector<1000x32xi32>
    %dot_general3A_483 = arith.constant dense<0.000000e+00> : vector<1000x32xf32>
    %dot_general3A_484 = tpu.matmul %convert_element_type3A_473, %convert_element_type3A_478, %dot_general3A_483 {dimension_numbers = #tpu.dot_dimension_numbers<[1], [0], [0], [1], [0, 0, 1, 1], [], []>, transpose_lhs_hint = false} : vector<1000x4xf32>, vector<4x32xf32>, vector<1000x32xf32> -> vector<1000x32xf32>
    %gt3A_485 = arith.constant 5.000000e-01 : f32
    %gt3A_486 = vector.broadcast %gt3A_485 : f32 to vector<1000x32xf32>
    %gt3A_487 = arith.cmpf ogt, %dot_general3A_484, %gt3A_486 : vector<1000x32xf32>
    %or3A_488 = arith.ori %ge3A_482, %gt3A_487 : vector<1000x32xi1>
    %get3A_489 = arith.constant 0 : index
    %get3A_490 = arith.constant 0 : index
    %get3A_491 = vector.load %arg9[%get3A_489, %get3A_490] : memref<1000x32xf32, #tpu.memory_space<vmem>>, vector<1000x32xf32>
    %get3A_492 = arith.constant 0 : index
    %get3A_493 = arith.constant 0 : index
    %get3A_494 = vector.load %arg10[%get3A_492, %get3A_493] : memref<1000x32xf32, #tpu.memory_space<vmem>>, vector<1000x32xf32>
    %select_n3A_495 = arith.select %or3A_488, %get3A_491, %get3A_494 : vector<1000x32xi1>, vector<1000x32xf32>
    %add3A_496 = arith.addf %div3A_467, %select_n3A_495 : vector<1000x32xf32>
    %swap3A_497 = arith.constant 3 : index
    %swap3A_498 = arith.constant 0 : index
    %swap3A_499 = arith.constant 0 : index
    %swap3A_500 = vector.load %arg12[%swap3A_497, %swap3A_498, %swap3A_499] : memref<4x1000x32xf32, #tpu.memory_space<vmem>>, vector<1x1000x32xf32>
    %swap3A_501 = vector.shape_cast %swap3A_500 : vector<1x1000x32xf32> to vector<1000x32xf32>
    %swap3A_502 = vector.shape_cast %add3A_496 : vector<1000x32xf32> to vector<1x1000x32xf32>
    tpu.vector_store %arg12[%swap3A_497, %swap3A_498, %swap3A_499], %swap3A_502 {strides = array<i32>} : memref<4x1000x32xf32, #tpu.memory_space<vmem>>, vector<1x1000x32xf32>,
    %get3A_503 = arith.constant 0 : index
    %get3A_504 = arith.constant 0 : index
    %get3A_505 = vector.load %arg11[%get3A_503, %get3A_504] : memref<32x32xf32, #tpu.memory_space<vmem>>, vector<32x32xf32>
    %dot_general3A_506 = arith.constant dense<0.000000e+00> : vector<1000x32xf32>
    %dot_general3A_507 = tpu.matmul %add3A_496, %get3A_505, %dot_general3A_506 {dimension_numbers = #tpu.dot_dimension_numbers<[1], [0], [0], [1], [0, 0, 1, 1], [], []>, transpose_lhs_hint = false} : vector<1000x32xf32>, vector<32x32xf32>, vector<1000x32xf32> -> vector<1000x32xf32>
    %max3A_508 = arith.constant 0.000000e+00 : f32
    %max3A_509 = vector.broadcast %max3A_508 : f32 to vector<1000x32xf32>
    %max3A_510 = arith.maximumf %dot_general3A_507, %max3A_509 : vector<1000x32xf32>
    %swap3A_511 = arith.constant 0 : index
    %swap3A_512 = arith.constant 3 : index
    %swap3A_513 = arith.constant 0 : index
    %swap3A_514 = vector.load %arg13[%swap3A_511, %swap3A_512, %swap3A_513] : memref<1000x4x32xf32, #tpu.memory_space<vmem>>, vector<1000x1x32xf32>
    %swap3A_515 = vector.shape_cast %swap3A_514 : vector<1000x1x32xf32> to vector<1000x32xf32>
    %swap3A_516 = vector.shape_cast %max3A_510 : vector<1000x32xf32> to vector<1000x1x32xf32>
    tpu.vector_store %arg13[%swap3A_511, %swap3A_512, %swap3A_513], %swap3A_516 {strides = array<i32>} : memref<1000x4x32xf32, #tpu.memory_space<vmem>>, vector<1000x1x32xf32>,
    return
  }
  func.func @transform_0(%arg0: i32) -> (i32, i32, i32) {
    %c0_i32 = arith.constant 0 : i32
    %c0_i32_0 = arith.constant 0 : i32
    %c0_i32_1 = arith.constant 0 : i32
    return %c0_i32, %arg0, %c0_i32_0 : i32, i32, i32
  }
  func.func @transform_1(%arg0: i32) -> (i32, i32, i32, i32) {
    %c0_i32 = arith.constant 0 : i32
    %c0_i32_0 = arith.constant 0 : i32
    %c0_i32_1 = arith.constant 0 : i32
    %c0_i32_2 = arith.constant 0 : i32
    return %c0_i32, %arg0, %c0_i32_0, %c0_i32_1 : i32, i32, i32, i32
  }
  func.func @transform_2(%arg0: i32) -> (i32, i32, i32) {
    %c0_i32 = arith.constant 0 : i32
    %c0_i32_0 = arith.constant 0 : i32
    %c0_i32_1 = arith.constant 0 : i32
    return %c0_i32, %arg0, %c0_i32_0 : i32, i32, i32
  }
  func.func @transform_3(%arg0: i32) -> (i32, i32, i32) {
    %c0_i32 = arith.constant 0 : i32
    %c0_i32_0 = arith.constant 0 : i32
    %c0_i32_1 = arith.constant 0 : i32
    return %c0_i32, %arg0, %c0_i32_0 : i32, i32, i32
  }
  func.func @transform_4(%arg0: i32) -> (i32, i32) {
    %c0_i32 = arith.constant 0 : i32
    %c0_i32_0 = arith.constant 0 : i32
    %c0_i32_1 = arith.constant 0 : i32
    return %c0_i32, %c0_i32_0 : i32, i32
  }
  func.func @transform_5(%arg0: i32) -> (i32, i32) {
    %c0_i32 = arith.constant 0 : i32
    %c0_i32_0 = arith.constant 0 : i32
    %c0_i32_1 = arith.constant 0 : i32
    return %c0_i32, %c0_i32_0 : i32, i32
  }
  func.func @transform_6(%arg0: i32) -> (i32, i32) {
    %c0_i32 = arith.constant 0 : i32
    %c0_i32_0 = arith.constant 0 : i32
    %c0_i32_1 = arith.constant 0 : i32
    return %c0_i32, %c0_i32_0 : i32, i32
  }
  func.func @transform_7(%arg0: i32) -> (i32, i32) {
    %c0_i32 = arith.constant 0 : i32
    %c0_i32_0 = arith.constant 0 : i32
    %c0_i32_1 = arith.constant 0 : i32
    return %c0_i32, %c0_i32_0 : i32, i32
  }
  func.func @transform_8(%arg0: i32) -> (i32, i32) {
    %c0_i32 = arith.constant 0 : i32
    %c0_i32_0 = arith.constant 0 : i32
    return %arg0, %c0_i32 : i32, i32
  }
  func.func @transform_9(%arg0: i32) -> (i32, i32) {
    %c0_i32 = arith.constant 0 : i32
    %c0_i32_0 = arith.constant 0 : i32
    return %arg0, %c0_i32 : i32, i32
  }
  func.func @transform_10(%arg0: i32) -> (i32, i32) {
    %c0_i32 = arith.constant 0 : i32
    %c0_i32_0 = arith.constant 0 : i32
    %c0_i32_1 = arith.constant 0 : i32
    return %c0_i32, %c0_i32_0 : i32, i32
  }
  func.func @transform_11(%arg0: i32) -> (i32, i32, i32) {
    %c0_i32 = arith.constant 0 : i32
    %c0_i32_0 = arith.constant 0 : i32
    %c0_i32_1 = arith.constant 0 : i32
    return %c0_i32, %arg0, %c0_i32_0 : i32, i32, i32
  }
  func.func @transform_12(%arg0: i32) -> (i32, i32, i32) {
    %c0_i32 = arith.constant 0 : i32
    %c0_i32_0 = arith.constant 0 : i32
    %c0_i32_1 = arith.constant 0 : i32
    return %arg0, %c0_i32, %c0_i32_0 : i32, i32, i32
  }
}

module attributes {stable_mosaic.version = 14 : i64} {
  func.func @_k3_body(%arg0: i32, %arg1: memref<4x1000x32xf32, #tpu.memory_space<vmem>>, %arg2: memref<2x1000x4x32xf32, #tpu.memory_space<vmem>>, %arg3: memref<4x1000x4xf32, #tpu.memory_space<vmem>>, %arg4: memref<4x32xf32, #tpu.memory_space<vmem>>, %arg5: memref<1x32xf32, #tpu.memory_space<vmem>>, %arg6: memref<32x32xf32, #tpu.memory_space<vmem>>, %arg7: memref<1x32xf32, #tpu.memory_space<vmem>>, %arg8: memref<1000x16xf32, #tpu.memory_space<vmem>>, %arg9: memref<32x16xf32, #tpu.memory_space<vmem>>, %arg10: memref<1x16xf32, #tpu.memory_space<vmem>>, %arg11: memref<16x4xf32, #tpu.memory_space<vmem>>, %arg12: memref<1x4xf32, #tpu.memory_space<vmem>>, %arg13: memref<4x1000x4xf32, #tpu.memory_space<vmem>>) attributes {dimension_semantics = [#tpu.dimension_semantics<arbitrary>], iteration_bounds = array<i64: 10>, scalar_prefetch = 0 : i64, scratch_operands = 0 : i64, tpu.core_type = #tpu.core_type<tc>, window_params = [{transform_indices = @transform_0, window_bounds = array<i64: 4, 1000, 32>}, {transform_indices = @transform_1, window_bounds = array<i64: 2, 1000, 4, 32>}, {transform_indices = @transform_2, window_bounds = array<i64: 4, 1000, 4>}, {pipeline_mode = #tpu.pipeline_mode<synchronous>, transform_indices = @transform_3, window_bounds = array<i64: 4, 32>}, {pipeline_mode = #tpu.pipeline_mode<synchronous>, transform_indices = @transform_4, window_bounds = array<i64: 1, 32>}, {pipeline_mode = #tpu.pipeline_mode<synchronous>, transform_indices = @transform_5, window_bounds = array<i64: 32, 32>}, {pipeline_mode = #tpu.pipeline_mode<synchronous>, transform_indices = @transform_6, window_bounds = array<i64: 1, 32>}, {transform_indices = @transform_7, window_bounds = array<i64: 1000, 16>}, {pipeline_mode = #tpu.pipeline_mode<synchronous>, transform_indices = @transform_8, window_bounds = array<i64: 32, 16>}, {pipeline_mode = #tpu.pipeline_mode<synchronous>, transform_indices = @transform_9, window_bounds = array<i64: 1, 16>}, {pipeline_mode = #tpu.pipeline_mode<synchronous>, transform_indices = @transform_10, window_bounds = array<i64: 16, 4>}, {pipeline_mode = #tpu.pipeline_mode<synchronous>, transform_indices = @transform_11, window_bounds = array<i64: 1, 4>}, {transform_indices = @transform_12, window_bounds = array<i64: 4, 1000, 4>}]} {
    %get3A = arith.constant 0 : index
    %get3A_0 = arith.constant 0 : index
    %get3A_1 = vector.load %arg8[%get3A, %get3A_0] : memref<1000x16xf32, #tpu.memory_space<vmem>>, vector<1000x16xf32>
    %get3A_2 = arith.constant 0 : index
    %get3A_3 = arith.constant 0 : index
    %get3A_4 = arith.constant 0 : index
    %get3A_5 = arith.constant 0 : index
    %get3A_6 = vector.load %arg2[%get3A_2, %get3A_3, %get3A_4, %get3A_5] : memref<2x1000x4x32xf32, #tpu.memory_space<vmem>>, vector<1x1000x1x32xf32>
    %get3A_7 = vector.shape_cast %get3A_6 : vector<1x1000x1x32xf32> to vector<1000x32xf32>
    %get3A_8 = arith.constant 1 : index
    %get3A_9 = arith.constant 0 : index
    %get3A_10 = arith.constant 0 : index
    %get3A_11 = arith.constant 0 : index
    %get3A_12 = vector.load %arg2[%get3A_8, %get3A_9, %get3A_10, %get3A_11] : memref<2x1000x4x32xf32, #tpu.memory_space<vmem>>, vector<1x1000x1x32xf32>
    %get3A_13 = vector.shape_cast %get3A_12 : vector<1x1000x1x32xf32> to vector<1000x32xf32>
    %add3A = arith.addf %get3A_7, %get3A_13 : vector<1000x32xf32>
    %get3A_14 = arith.constant 0 : index
    %get3A_15 = arith.constant 0 : index
    %get3A_16 = arith.constant 0 : index
    %get3A_17 = vector.load %arg3[%get3A_14, %get3A_15, %get3A_16] : memref<4x1000x4xf32, #tpu.memory_space<vmem>>, vector<1x1000x4xf32>
    %get3A_18 = vector.shape_cast %get3A_17 : vector<1x1000x4xf32> to vector<1000x4xf32>
    %get3A_19 = arith.constant 0 : index
    %get3A_20 = arith.constant 0 : index
    %get3A_21 = vector.load %arg4[%get3A_19, %get3A_20] : memref<4x32xf32, #tpu.memory_space<vmem>>, vector<4x32xf32>
    %dot_general3A = arith.constant dense<0.000000e+00> : vector<1000x32xf32>
    %dot_general3A_22 = tpu.matmul %get3A_18, %get3A_21, %dot_general3A {dimension_numbers = #tpu.dot_dimension_numbers<[1], [0], [0], [1], [0, 0, 1, 1], [], []>, transpose_lhs_hint = false} : vector<1000x4xf32>, vector<4x32xf32>, vector<1000x32xf32> -> vector<1000x32xf32>
    %get3A_23 = arith.constant 0 : index
    %get3A_24 = arith.constant 0 : index
    %get3A_25 = vector.load %arg5[%get3A_23, %get3A_24] : memref<1x32xf32, #tpu.memory_space<vmem>>, vector<1x32xf32>
    %add3A_26 = vector.broadcast %get3A_25 : vector<1x32xf32> to vector<1000x32xf32>
    %add3A_27 = arith.addf %dot_general3A_22, %add3A_26 : vector<1000x32xf32>
    %get3A_28 = arith.constant 0 : index
    %get3A_29 = arith.constant 0 : index
    %get3A_30 = arith.constant 0 : index
    %get3A_31 = vector.load %arg1[%get3A_28, %get3A_29, %get3A_30] : memref<4x1000x32xf32, #tpu.memory_space<vmem>>, vector<1x1000x32xf32>
    %get3A_32 = vector.shape_cast %get3A_31 : vector<1x1000x32xf32> to vector<1000x32xf32>
    %get3A_33 = arith.constant 0 : index
    %get3A_34 = arith.constant 0 : index
    %get3A_35 = vector.load %arg6[%get3A_33, %get3A_34] : memref<32x32xf32, #tpu.memory_space<vmem>>, vector<32x32xf32>
    %dot_general3A_36 = arith.constant dense<0.000000e+00> : vector<1000x32xf32>
    %dot_general3A_37 = tpu.matmul %get3A_32, %get3A_35, %dot_general3A_36 {dimension_numbers = #tpu.dot_dimension_numbers<[1], [0], [0], [1], [0, 0, 1, 1], [], []>, transpose_lhs_hint = false} : vector<1000x32xf32>, vector<32x32xf32>, vector<1000x32xf32> -> vector<1000x32xf32>
    %get3A_38 = arith.constant 0 : index
    %get3A_39 = arith.constant 0 : index
    %get3A_40 = vector.load %arg7[%get3A_38, %get3A_39] : memref<1x32xf32, #tpu.memory_space<vmem>>, vector<1x32xf32>
    %add3A_41 = vector.broadcast %get3A_40 : vector<1x32xf32> to vector<1000x32xf32>
    %add3A_42 = arith.addf %dot_general3A_37, %add3A_41 : vector<1000x32xf32>
    %add3A_43 = arith.addf %add3A_42, %add3A : vector<1000x32xf32>
    %add3A_44 = arith.addf %add3A_43, %add3A_27 : vector<1000x32xf32>
    %max3A = arith.constant 0.000000e+00 : f32
    %max3A_45 = vector.broadcast %max3A : f32 to vector<1000x32xf32>
    %max3A_46 = arith.maximumf %add3A_44, %max3A_45 : vector<1000x32xf32>
    %reduce_sum3A = arith.constant dense<0.000000e+00> : vector<1000xf32>
    %reduce_sum3A_47 = vector.multi_reduction <add>, %max3A_46, %reduce_sum3A [1] : vector<1000x32xf32> to vector<1000xf32>
    %broadcast_in_dim3A = vector.shape_cast %reduce_sum3A_47 : vector<1000xf32> to vector<1000x1xf32>
    %div3A = arith.constant 3.200000e+01 : f32
    %div3A_48 = vector.broadcast %div3A : f32 to vector<1000x1xf32>
    %div3A_49 = arith.divf %broadcast_in_dim3A, %div3A_48 : vector<1000x1xf32>
    %jit3A = arith.constant 0 : i32
    %reduce_sum3A_50 = arith.constant dense<0.000000e+00> : vector<1000xf32>
    %reduce_sum3A_51 = vector.multi_reduction <add>, %max3A_46, %reduce_sum3A_50 [1] : vector<1000x32xf32> to vector<1000xf32>
    %broadcast_in_dim3A_52 = vector.shape_cast %reduce_sum3A_51 : vector<1000xf32> to vector<1000x1xf32>
    %div3A_53 = arith.constant 3.200000e+01 : f32
    %div3A_54 = vector.broadcast %div3A_53 : f32 to vector<1000x1xf32>
    %div3A_55 = arith.divf %broadcast_in_dim3A_52, %div3A_54 : vector<1000x1xf32>
    %sub3A = vector.broadcast %div3A_55 : vector<1000x1xf32> to vector<1000x32xf32>
    %sub3A_56 = arith.subf %max3A_46, %sub3A : vector<1000x32xf32>
    %square3A = arith.mulf %sub3A_56, %sub3A_56 : vector<1000x32xf32>
    %convert_element_type3A = arith.sitofp %jit3A : i32 to f32
    %sub3A_57 = arith.constant 3.200000e+01 : f32
    %sub3A_58 = arith.subf %sub3A_57, %convert_element_type3A : f32
    %reduce_sum3A_59 = arith.constant dense<0.000000e+00> : vector<1000xf32>
    %reduce_sum3A_60 = vector.multi_reduction <add>, %square3A, %reduce_sum3A_59 [1] : vector<1000x32xf32> to vector<1000xf32>
    %broadcast_in_dim3A_61 = vector.shape_cast %reduce_sum3A_60 : vector<1000xf32> to vector<1000x1xf32>
    %div3A_62 = vector.broadcast %sub3A_58 : f32 to vector<1000x1xf32>
    %div3A_63 = arith.divf %broadcast_in_dim3A_61, %div3A_62 : vector<1000x1xf32>
    %gt3A = arith.constant 0.000000e+00 : f32
    %gt3A_64 = arith.cmpf ogt, %sub3A_58, %gt3A : f32
    %jit3A_65 = arith.constant 0x7FC00000 : f32
    %broadcast_in_dim3A_66 = vector.broadcast %jit3A_65 : f32 to vector<1000x1xf32>
    %select_n3A = arith.select %gt3A_64, %div3A_63, %broadcast_in_dim3A_66 : vector<1000x1xf32>
    %sub3A_67 = vector.broadcast %div3A_49 : vector<1000x1xf32> to vector<1000x32xf32>
    %sub3A_68 = arith.subf %max3A_46, %sub3A_67 : vector<1000x32xf32>
    %add3A_69 = arith.constant 9.99999974E-6 : f32
    %add3A_70 = vector.broadcast %add3A_69 : f32 to vector<1000x1xf32>
    %add3A_71 = arith.addf %select_n3A, %add3A_70 : vector<1000x1xf32>
    %sqrt3A = math.sqrt %add3A_71 : vector<1000x1xf32>
    %div3A_72 = vector.broadcast %sqrt3A : vector<1000x1xf32> to vector<1000x32xf32>
    %div3A_73 = arith.divf %sub3A_68, %div3A_72 : vector<1000x32xf32>
    %get3A_74 = arith.constant 0 : index
    %get3A_75 = arith.constant 0 : index
    %get3A_76 = vector.load %arg9[%get3A_74, %get3A_75] : memref<32x16xf32, #tpu.memory_space<vmem>>, vector<32x16xf32>
    %dot_general3A_77 = arith.constant dense<0.000000e+00> : vector<1000x16xf32>
    %dot_general3A_78 = tpu.matmul %div3A_73, %get3A_76, %dot_general3A_77 {dimension_numbers = #tpu.dot_dimension_numbers<[1], [0], [0], [1], [0, 0, 1, 1], [], []>, transpose_lhs_hint = false} : vector<1000x32xf32>, vector<32x16xf32>, vector<1000x16xf32> -> vector<1000x16xf32>
    %get3A_79 = arith.constant 0 : index
    %get3A_80 = arith.constant 0 : index
    %get3A_81 = vector.load %arg10[%get3A_79, %get3A_80] : memref<1x16xf32, #tpu.memory_space<vmem>>, vector<1x16xf32>
    %add3A_82 = vector.broadcast %get3A_81 : vector<1x16xf32> to vector<1000x16xf32>
    %add3A_83 = arith.addf %dot_general3A_78, %add3A_82 : vector<1000x16xf32>
    %add3A_84 = arith.addf %add3A_83, %get3A_1 : vector<1000x16xf32>
    %max3A_85 = arith.constant 0.000000e+00 : f32
    %max3A_86 = vector.broadcast %max3A_85 : f32 to vector<1000x16xf32>
    %max3A_87 = arith.maximumf %add3A_84, %max3A_86 : vector<1000x16xf32>
    %get3A_88 = arith.constant 0 : index
    %get3A_89 = arith.constant 0 : index
    %get3A_90 = vector.load %arg11[%get3A_88, %get3A_89] : memref<16x4xf32, #tpu.memory_space<vmem>>, vector<16x4xf32>
    %dot_general3A_91 = arith.constant dense<0.000000e+00> : vector<1000x4xf32>
    %dot_general3A_92 = tpu.matmul %max3A_87, %get3A_90, %dot_general3A_91 {dimension_numbers = #tpu.dot_dimension_numbers<[1], [0], [0], [1], [0, 0, 1, 1], [], []>, transpose_lhs_hint = false} : vector<1000x16xf32>, vector<16x4xf32>, vector<1000x4xf32> -> vector<1000x4xf32>
    %get3A_93 = arith.constant 0 : index
    %get3A_94 = arith.constant 0 : index
    %get3A_95 = vector.load %arg12[%get3A_93, %get3A_94] : memref<1x4xf32, #tpu.memory_space<vmem>>, vector<1x4xf32>
    %add3A_96 = vector.broadcast %get3A_95 : vector<1x4xf32> to vector<1000x4xf32>
    %add3A_97 = arith.addf %dot_general3A_92, %add3A_96 : vector<1000x4xf32>
    %swap3A = arith.constant 0 : index
    %swap3A_98 = arith.constant 0 : index
    %swap3A_99 = arith.constant 0 : index
    %swap3A_100 = vector.load %arg13[%swap3A, %swap3A_98, %swap3A_99] : memref<4x1000x4xf32, #tpu.memory_space<vmem>>, vector<1x1000x4xf32>
    %swap3A_101 = vector.shape_cast %swap3A_100 : vector<1x1000x4xf32> to vector<1000x4xf32>
    %swap3A_102 = vector.shape_cast %add3A_97 : vector<1000x4xf32> to vector<1x1000x4xf32>
    tpu.vector_store %arg13[%swap3A, %swap3A_98, %swap3A_99], %swap3A_102 {strides = array<i32>} : memref<4x1000x4xf32, #tpu.memory_space<vmem>>, vector<1x1000x4xf32>,
    %get3A_103 = arith.constant 0 : index
    %get3A_104 = arith.constant 0 : index
    %get3A_105 = arith.constant 1 : index
    %get3A_106 = arith.constant 0 : index
    %get3A_107 = vector.load %arg2[%get3A_103, %get3A_104, %get3A_105, %get3A_106] : memref<2x1000x4x32xf32, #tpu.memory_space<vmem>>, vector<1x1000x1x32xf32>
    %get3A_108 = vector.shape_cast %get3A_107 : vector<1x1000x1x32xf32> to vector<1000x32xf32>
    %get3A_109 = arith.constant 1 : index
    %get3A_110 = arith.constant 0 : index
    %get3A_111 = arith.constant 1 : index
    %get3A_112 = arith.constant 0 : index
    %get3A_113 = vector.load %arg2[%get3A_109, %get3A_110, %get3A_111, %get3A_112] : memref<2x1000x4x32xf32, #tpu.memory_space<vmem>>, vector<1x1000x1x32xf32>
    %get3A_114 = vector.shape_cast %get3A_113 : vector<1x1000x1x32xf32> to vector<1000x32xf32>
    %add3A_115 = arith.addf %get3A_108, %get3A_114 : vector<1000x32xf32>
    %get3A_116 = arith.constant 1 : index
    %get3A_117 = arith.constant 0 : index
    %get3A_118 = arith.constant 0 : index
    %get3A_119 = vector.load %arg3[%get3A_116, %get3A_117, %get3A_118] : memref<4x1000x4xf32, #tpu.memory_space<vmem>>, vector<1x1000x4xf32>
    %get3A_120 = vector.shape_cast %get3A_119 : vector<1x1000x4xf32> to vector<1000x4xf32>
    %get3A_121 = arith.constant 0 : index
    %get3A_122 = arith.constant 0 : index
    %get3A_123 = vector.load %arg4[%get3A_121, %get3A_122] : memref<4x32xf32, #tpu.memory_space<vmem>>, vector<4x32xf32>
    %dot_general3A_124 = arith.constant dense<0.000000e+00> : vector<1000x32xf32>
    %dot_general3A_125 = tpu.matmul %get3A_120, %get3A_123, %dot_general3A_124 {dimension_numbers = #tpu.dot_dimension_numbers<[1], [0], [0], [1], [0, 0, 1, 1], [], []>, transpose_lhs_hint = false} : vector<1000x4xf32>, vector<4x32xf32>, vector<1000x32xf32> -> vector<1000x32xf32>
    %get3A_126 = arith.constant 0 : index
    %get3A_127 = arith.constant 0 : index
    %get3A_128 = vector.load %arg5[%get3A_126, %get3A_127] : memref<1x32xf32, #tpu.memory_space<vmem>>, vector<1x32xf32>
    %add3A_129 = vector.broadcast %get3A_128 : vector<1x32xf32> to vector<1000x32xf32>
    %add3A_130 = arith.addf %dot_general3A_125, %add3A_129 : vector<1000x32xf32>
    %get3A_131 = arith.constant 1 : index
    %get3A_132 = arith.constant 0 : index
    %get3A_133 = arith.constant 0 : index
    %get3A_134 = vector.load %arg1[%get3A_131, %get3A_132, %get3A_133] : memref<4x1000x32xf32, #tpu.memory_space<vmem>>, vector<1x1000x32xf32>
    %get3A_135 = vector.shape_cast %get3A_134 : vector<1x1000x32xf32> to vector<1000x32xf32>
    %get3A_136 = arith.constant 0 : index
    %get3A_137 = arith.constant 0 : index
    %get3A_138 = vector.load %arg6[%get3A_136, %get3A_137] : memref<32x32xf32, #tpu.memory_space<vmem>>, vector<32x32xf32>
    %dot_general3A_139 = arith.constant dense<0.000000e+00> : vector<1000x32xf32>
    %dot_general3A_140 = tpu.matmul %get3A_135, %get3A_138, %dot_general3A_139 {dimension_numbers = #tpu.dot_dimension_numbers<[1], [0], [0], [1], [0, 0, 1, 1], [], []>, transpose_lhs_hint = false} : vector<1000x32xf32>, vector<32x32xf32>, vector<1000x32xf32> -> vector<1000x32xf32>
    %get3A_141 = arith.constant 0 : index
    %get3A_142 = arith.constant 0 : index
    %get3A_143 = vector.load %arg7[%get3A_141, %get3A_142] : memref<1x32xf32, #tpu.memory_space<vmem>>, vector<1x32xf32>
    %add3A_144 = vector.broadcast %get3A_143 : vector<1x32xf32> to vector<1000x32xf32>
    %add3A_145 = arith.addf %dot_general3A_140, %add3A_144 : vector<1000x32xf32>
    %add3A_146 = arith.addf %add3A_145, %add3A_115 : vector<1000x32xf32>
    %add3A_147 = arith.addf %add3A_146, %add3A_130 : vector<1000x32xf32>
    %max3A_148 = arith.constant 0.000000e+00 : f32
    %max3A_149 = vector.broadcast %max3A_148 : f32 to vector<1000x32xf32>
    %max3A_150 = arith.maximumf %add3A_147, %max3A_149 : vector<1000x32xf32>
    %reduce_sum3A_151 = arith.constant dense<0.000000e+00> : vector<1000xf32>
    %reduce_sum3A_152 = vector.multi_reduction <add>, %max3A_150, %reduce_sum3A_151 [1] : vector<1000x32xf32> to vector<1000xf32>
    %broadcast_in_dim3A_153 = vector.shape_cast %reduce_sum3A_152 : vector<1000xf32> to vector<1000x1xf32>
    %div3A_154 = arith.constant 3.200000e+01 : f32
    %div3A_155 = vector.broadcast %div3A_154 : f32 to vector<1000x1xf32>
    %div3A_156 = arith.divf %broadcast_in_dim3A_153, %div3A_155 : vector<1000x1xf32>
    %jit3A_157 = arith.constant 0 : i32
    %reduce_sum3A_158 = arith.constant dense<0.000000e+00> : vector<1000xf32>
    %reduce_sum3A_159 = vector.multi_reduction <add>, %max3A_150, %reduce_sum3A_158 [1] : vector<1000x32xf32> to vector<1000xf32>
    %broadcast_in_dim3A_160 = vector.shape_cast %reduce_sum3A_159 : vector<1000xf32> to vector<1000x1xf32>
    %div3A_161 = arith.constant 3.200000e+01 : f32
    %div3A_162 = vector.broadcast %div3A_161 : f32 to vector<1000x1xf32>
    %div3A_163 = arith.divf %broadcast_in_dim3A_160, %div3A_162 : vector<1000x1xf32>
    %sub3A_164 = vector.broadcast %div3A_163 : vector<1000x1xf32> to vector<1000x32xf32>
    %sub3A_165 = arith.subf %max3A_150, %sub3A_164 : vector<1000x32xf32>
    %square3A_166 = arith.mulf %sub3A_165, %sub3A_165 : vector<1000x32xf32>
    %convert_element_type3A_167 = arith.sitofp %jit3A_157 : i32 to f32
    %sub3A_168 = arith.constant 3.200000e+01 : f32
    %sub3A_169 = arith.subf %sub3A_168, %convert_element_type3A_167 : f32
    %reduce_sum3A_170 = arith.constant dense<0.000000e+00> : vector<1000xf32>
    %reduce_sum3A_171 = vector.multi_reduction <add>, %square3A_166, %reduce_sum3A_170 [1] : vector<1000x32xf32> to vector<1000xf32>
    %broadcast_in_dim3A_172 = vector.shape_cast %reduce_sum3A_171 : vector<1000xf32> to vector<1000x1xf32>
    %div3A_173 = vector.broadcast %sub3A_169 : f32 to vector<1000x1xf32>
    %div3A_174 = arith.divf %broadcast_in_dim3A_172, %div3A_173 : vector<1000x1xf32>
    %gt3A_175 = arith.constant 0.000000e+00 : f32
    %gt3A_176 = arith.cmpf ogt, %sub3A_169, %gt3A_175 : f32
    %jit3A_177 = arith.constant 0x7FC00000 : f32
    %broadcast_in_dim3A_178 = vector.broadcast %jit3A_177 : f32 to vector<1000x1xf32>
    %select_n3A_179 = arith.select %gt3A_176, %div3A_174, %broadcast_in_dim3A_178 : vector<1000x1xf32>
    %sub3A_180 = vector.broadcast %div3A_156 : vector<1000x1xf32> to vector<1000x32xf32>
    %sub3A_181 = arith.subf %max3A_150, %sub3A_180 : vector<1000x32xf32>
    %add3A_182 = arith.constant 9.99999974E-6 : f32
    %add3A_183 = vector.broadcast %add3A_182 : f32 to vector<1000x1xf32>
    %add3A_184 = arith.addf %select_n3A_179, %add3A_183 : vector<1000x1xf32>
    %sqrt3A_185 = math.sqrt %add3A_184 : vector<1000x1xf32>
    %div3A_186 = vector.broadcast %sqrt3A_185 : vector<1000x1xf32> to vector<1000x32xf32>
    %div3A_187 = arith.divf %sub3A_181, %div3A_186 : vector<1000x32xf32>
    %get3A_188 = arith.constant 0 : index
    %get3A_189 = arith.constant 0 : index
    %get3A_190 = vector.load %arg9[%get3A_188, %get3A_189] : memref<32x16xf32, #tpu.memory_space<vmem>>, vector<32x16xf32>
    %dot_general3A_191 = arith.constant dense<0.000000e+00> : vector<1000x16xf32>
    %dot_general3A_192 = tpu.matmul %div3A_187, %get3A_190, %dot_general3A_191 {dimension_numbers = #tpu.dot_dimension_numbers<[1], [0], [0], [1], [0, 0, 1, 1], [], []>, transpose_lhs_hint = false} : vector<1000x32xf32>, vector<32x16xf32>, vector<1000x16xf32> -> vector<1000x16xf32>
    %get3A_193 = arith.constant 0 : index
    %get3A_194 = arith.constant 0 : index
    %get3A_195 = vector.load %arg10[%get3A_193, %get3A_194] : memref<1x16xf32, #tpu.memory_space<vmem>>, vector<1x16xf32>
    %add3A_196 = vector.broadcast %get3A_195 : vector<1x16xf32> to vector<1000x16xf32>
    %add3A_197 = arith.addf %dot_general3A_192, %add3A_196 : vector<1000x16xf32>
    %add3A_198 = arith.addf %add3A_197, %get3A_1 : vector<1000x16xf32>
    %max3A_199 = arith.constant 0.000000e+00 : f32
    %max3A_200 = vector.broadcast %max3A_199 : f32 to vector<1000x16xf32>
    %max3A_201 = arith.maximumf %add3A_198, %max3A_200 : vector<1000x16xf32>
    %get3A_202 = arith.constant 0 : index
    %get3A_203 = arith.constant 0 : index
    %get3A_204 = vector.load %arg11[%get3A_202, %get3A_203] : memref<16x4xf32, #tpu.memory_space<vmem>>, vector<16x4xf32>
    %dot_general3A_205 = arith.constant dense<0.000000e+00> : vector<1000x4xf32>
    %dot_general3A_206 = tpu.matmul %max3A_201, %get3A_204, %dot_general3A_205 {dimension_numbers = #tpu.dot_dimension_numbers<[1], [0], [0], [1], [0, 0, 1, 1], [], []>, transpose_lhs_hint = false} : vector<1000x16xf32>, vector<16x4xf32>, vector<1000x4xf32> -> vector<1000x4xf32>
    %get3A_207 = arith.constant 0 : index
    %get3A_208 = arith.constant 0 : index
    %get3A_209 = vector.load %arg12[%get3A_207, %get3A_208] : memref<1x4xf32, #tpu.memory_space<vmem>>, vector<1x4xf32>
    %add3A_210 = vector.broadcast %get3A_209 : vector<1x4xf32> to vector<1000x4xf32>
    %add3A_211 = arith.addf %dot_general3A_206, %add3A_210 : vector<1000x4xf32>
    %swap3A_212 = arith.constant 1 : index
    %swap3A_213 = arith.constant 0 : index
    %swap3A_214 = arith.constant 0 : index
    %swap3A_215 = vector.load %arg13[%swap3A_212, %swap3A_213, %swap3A_214] : memref<4x1000x4xf32, #tpu.memory_space<vmem>>, vector<1x1000x4xf32>
    %swap3A_216 = vector.shape_cast %swap3A_215 : vector<1x1000x4xf32> to vector<1000x4xf32>
    %swap3A_217 = vector.shape_cast %add3A_211 : vector<1000x4xf32> to vector<1x1000x4xf32>
    tpu.vector_store %arg13[%swap3A_212, %swap3A_213, %swap3A_214], %swap3A_217 {strides = array<i32>} : memref<4x1000x4xf32, #tpu.memory_space<vmem>>, vector<1x1000x4xf32>,
    %get3A_218 = arith.constant 0 : index
    %get3A_219 = arith.constant 0 : index
    %get3A_220 = arith.constant 2 : index
    %get3A_221 = arith.constant 0 : index
    %get3A_222 = vector.load %arg2[%get3A_218, %get3A_219, %get3A_220, %get3A_221] : memref<2x1000x4x32xf32, #tpu.memory_space<vmem>>, vector<1x1000x1x32xf32>
    %get3A_223 = vector.shape_cast %get3A_222 : vector<1x1000x1x32xf32> to vector<1000x32xf32>
    %get3A_224 = arith.constant 1 : index
    %get3A_225 = arith.constant 0 : index
    %get3A_226 = arith.constant 2 : index
    %get3A_227 = arith.constant 0 : index
    %get3A_228 = vector.load %arg2[%get3A_224, %get3A_225, %get3A_226, %get3A_227] : memref<2x1000x4x32xf32, #tpu.memory_space<vmem>>, vector<1x1000x1x32xf32>
    %get3A_229 = vector.shape_cast %get3A_228 : vector<1x1000x1x32xf32> to vector<1000x32xf32>
    %add3A_230 = arith.addf %get3A_223, %get3A_229 : vector<1000x32xf32>
    %get3A_231 = arith.constant 2 : index
    %get3A_232 = arith.constant 0 : index
    %get3A_233 = arith.constant 0 : index
    %get3A_234 = vector.load %arg3[%get3A_231, %get3A_232, %get3A_233] : memref<4x1000x4xf32, #tpu.memory_space<vmem>>, vector<1x1000x4xf32>
    %get3A_235 = vector.shape_cast %get3A_234 : vector<1x1000x4xf32> to vector<1000x4xf32>
    %get3A_236 = arith.constant 0 : index
    %get3A_237 = arith.constant 0 : index
    %get3A_238 = vector.load %arg4[%get3A_236, %get3A_237] : memref<4x32xf32, #tpu.memory_space<vmem>>, vector<4x32xf32>
    %dot_general3A_239 = arith.constant dense<0.000000e+00> : vector<1000x32xf32>
    %dot_general3A_240 = tpu.matmul %get3A_235, %get3A_238, %dot_general3A_239 {dimension_numbers = #tpu.dot_dimension_numbers<[1], [0], [0], [1], [0, 0, 1, 1], [], []>, transpose_lhs_hint = false} : vector<1000x4xf32>, vector<4x32xf32>, vector<1000x32xf32> -> vector<1000x32xf32>
    %get3A_241 = arith.constant 0 : index
    %get3A_242 = arith.constant 0 : index
    %get3A_243 = vector.load %arg5[%get3A_241, %get3A_242] : memref<1x32xf32, #tpu.memory_space<vmem>>, vector<1x32xf32>
    %add3A_244 = vector.broadcast %get3A_243 : vector<1x32xf32> to vector<1000x32xf32>
    %add3A_245 = arith.addf %dot_general3A_240, %add3A_244 : vector<1000x32xf32>
    %get3A_246 = arith.constant 2 : index
    %get3A_247 = arith.constant 0 : index
    %get3A_248 = arith.constant 0 : index
    %get3A_249 = vector.load %arg1[%get3A_246, %get3A_247, %get3A_248] : memref<4x1000x32xf32, #tpu.memory_space<vmem>>, vector<1x1000x32xf32>
    %get3A_250 = vector.shape_cast %get3A_249 : vector<1x1000x32xf32> to vector<1000x32xf32>
    %get3A_251 = arith.constant 0 : index
    %get3A_252 = arith.constant 0 : index
    %get3A_253 = vector.load %arg6[%get3A_251, %get3A_252] : memref<32x32xf32, #tpu.memory_space<vmem>>, vector<32x32xf32>
    %dot_general3A_254 = arith.constant dense<0.000000e+00> : vector<1000x32xf32>
    %dot_general3A_255 = tpu.matmul %get3A_250, %get3A_253, %dot_general3A_254 {dimension_numbers = #tpu.dot_dimension_numbers<[1], [0], [0], [1], [0, 0, 1, 1], [], []>, transpose_lhs_hint = false} : vector<1000x32xf32>, vector<32x32xf32>, vector<1000x32xf32> -> vector<1000x32xf32>
    %get3A_256 = arith.constant 0 : index
    %get3A_257 = arith.constant 0 : index
    %get3A_258 = vector.load %arg7[%get3A_256, %get3A_257] : memref<1x32xf32, #tpu.memory_space<vmem>>, vector<1x32xf32>
    %add3A_259 = vector.broadcast %get3A_258 : vector<1x32xf32> to vector<1000x32xf32>
    %add3A_260 = arith.addf %dot_general3A_255, %add3A_259 : vector<1000x32xf32>
    %add3A_261 = arith.addf %add3A_260, %add3A_230 : vector<1000x32xf32>
    %add3A_262 = arith.addf %add3A_261, %add3A_245 : vector<1000x32xf32>
    %max3A_263 = arith.constant 0.000000e+00 : f32
    %max3A_264 = vector.broadcast %max3A_263 : f32 to vector<1000x32xf32>
    %max3A_265 = arith.maximumf %add3A_262, %max3A_264 : vector<1000x32xf32>
    %reduce_sum3A_266 = arith.constant dense<0.000000e+00> : vector<1000xf32>
    %reduce_sum3A_267 = vector.multi_reduction <add>, %max3A_265, %reduce_sum3A_266 [1] : vector<1000x32xf32> to vector<1000xf32>
    %broadcast_in_dim3A_268 = vector.shape_cast %reduce_sum3A_267 : vector<1000xf32> to vector<1000x1xf32>
    %div3A_269 = arith.constant 3.200000e+01 : f32
    %div3A_270 = vector.broadcast %div3A_269 : f32 to vector<1000x1xf32>
    %div3A_271 = arith.divf %broadcast_in_dim3A_268, %div3A_270 : vector<1000x1xf32>
    %jit3A_272 = arith.constant 0 : i32
    %reduce_sum3A_273 = arith.constant dense<0.000000e+00> : vector<1000xf32>
    %reduce_sum3A_274 = vector.multi_reduction <add>, %max3A_265, %reduce_sum3A_273 [1] : vector<1000x32xf32> to vector<1000xf32>
    %broadcast_in_dim3A_275 = vector.shape_cast %reduce_sum3A_274 : vector<1000xf32> to vector<1000x1xf32>
    %div3A_276 = arith.constant 3.200000e+01 : f32
    %div3A_277 = vector.broadcast %div3A_276 : f32 to vector<1000x1xf32>
    %div3A_278 = arith.divf %broadcast_in_dim3A_275, %div3A_277 : vector<1000x1xf32>
    %sub3A_279 = vector.broadcast %div3A_278 : vector<1000x1xf32> to vector<1000x32xf32>
    %sub3A_280 = arith.subf %max3A_265, %sub3A_279 : vector<1000x32xf32>
    %square3A_281 = arith.mulf %sub3A_280, %sub3A_280 : vector<1000x32xf32>
    %convert_element_type3A_282 = arith.sitofp %jit3A_272 : i32 to f32
    %sub3A_283 = arith.constant 3.200000e+01 : f32
    %sub3A_284 = arith.subf %sub3A_283, %convert_element_type3A_282 : f32
    %reduce_sum3A_285 = arith.constant dense<0.000000e+00> : vector<1000xf32>
    %reduce_sum3A_286 = vector.multi_reduction <add>, %square3A_281, %reduce_sum3A_285 [1] : vector<1000x32xf32> to vector<1000xf32>
    %broadcast_in_dim3A_287 = vector.shape_cast %reduce_sum3A_286 : vector<1000xf32> to vector<1000x1xf32>
    %div3A_288 = vector.broadcast %sub3A_284 : f32 to vector<1000x1xf32>
    %div3A_289 = arith.divf %broadcast_in_dim3A_287, %div3A_288 : vector<1000x1xf32>
    %gt3A_290 = arith.constant 0.000000e+00 : f32
    %gt3A_291 = arith.cmpf ogt, %sub3A_284, %gt3A_290 : f32
    %jit3A_292 = arith.constant 0x7FC00000 : f32
    %broadcast_in_dim3A_293 = vector.broadcast %jit3A_292 : f32 to vector<1000x1xf32>
    %select_n3A_294 = arith.select %gt3A_291, %div3A_289, %broadcast_in_dim3A_293 : vector<1000x1xf32>
    %sub3A_295 = vector.broadcast %div3A_271 : vector<1000x1xf32> to vector<1000x32xf32>
    %sub3A_296 = arith.subf %max3A_265, %sub3A_295 : vector<1000x32xf32>
    %add3A_297 = arith.constant 9.99999974E-6 : f32
    %add3A_298 = vector.broadcast %add3A_297 : f32 to vector<1000x1xf32>
    %add3A_299 = arith.addf %select_n3A_294, %add3A_298 : vector<1000x1xf32>
    %sqrt3A_300 = math.sqrt %add3A_299 : vector<1000x1xf32>
    %div3A_301 = vector.broadcast %sqrt3A_300 : vector<1000x1xf32> to vector<1000x32xf32>
    %div3A_302 = arith.divf %sub3A_296, %div3A_301 : vector<1000x32xf32>
    %get3A_303 = arith.constant 0 : index
    %get3A_304 = arith.constant 0 : index
    %get3A_305 = vector.load %arg9[%get3A_303, %get3A_304] : memref<32x16xf32, #tpu.memory_space<vmem>>, vector<32x16xf32>
    %dot_general3A_306 = arith.constant dense<0.000000e+00> : vector<1000x16xf32>
    %dot_general3A_307 = tpu.matmul %div3A_302, %get3A_305, %dot_general3A_306 {dimension_numbers = #tpu.dot_dimension_numbers<[1], [0], [0], [1], [0, 0, 1, 1], [], []>, transpose_lhs_hint = false} : vector<1000x32xf32>, vector<32x16xf32>, vector<1000x16xf32> -> vector<1000x16xf32>
    %get3A_308 = arith.constant 0 : index
    %get3A_309 = arith.constant 0 : index
    %get3A_310 = vector.load %arg10[%get3A_308, %get3A_309] : memref<1x16xf32, #tpu.memory_space<vmem>>, vector<1x16xf32>
    %add3A_311 = vector.broadcast %get3A_310 : vector<1x16xf32> to vector<1000x16xf32>
    %add3A_312 = arith.addf %dot_general3A_307, %add3A_311 : vector<1000x16xf32>
    %add3A_313 = arith.addf %add3A_312, %get3A_1 : vector<1000x16xf32>
    %max3A_314 = arith.constant 0.000000e+00 : f32
    %max3A_315 = vector.broadcast %max3A_314 : f32 to vector<1000x16xf32>
    %max3A_316 = arith.maximumf %add3A_313, %max3A_315 : vector<1000x16xf32>
    %get3A_317 = arith.constant 0 : index
    %get3A_318 = arith.constant 0 : index
    %get3A_319 = vector.load %arg11[%get3A_317, %get3A_318] : memref<16x4xf32, #tpu.memory_space<vmem>>, vector<16x4xf32>
    %dot_general3A_320 = arith.constant dense<0.000000e+00> : vector<1000x4xf32>
    %dot_general3A_321 = tpu.matmul %max3A_316, %get3A_319, %dot_general3A_320 {dimension_numbers = #tpu.dot_dimension_numbers<[1], [0], [0], [1], [0, 0, 1, 1], [], []>, transpose_lhs_hint = false} : vector<1000x16xf32>, vector<16x4xf32>, vector<1000x4xf32> -> vector<1000x4xf32>
    %get3A_322 = arith.constant 0 : index
    %get3A_323 = arith.constant 0 : index
    %get3A_324 = vector.load %arg12[%get3A_322, %get3A_323] : memref<1x4xf32, #tpu.memory_space<vmem>>, vector<1x4xf32>
    %add3A_325 = vector.broadcast %get3A_324 : vector<1x4xf32> to vector<1000x4xf32>
    %add3A_326 = arith.addf %dot_general3A_321, %add3A_325 : vector<1000x4xf32>
    %swap3A_327 = arith.constant 2 : index
    %swap3A_328 = arith.constant 0 : index
    %swap3A_329 = arith.constant 0 : index
    %swap3A_330 = vector.load %arg13[%swap3A_327, %swap3A_328, %swap3A_329] : memref<4x1000x4xf32, #tpu.memory_space<vmem>>, vector<1x1000x4xf32>
    %swap3A_331 = vector.shape_cast %swap3A_330 : vector<1x1000x4xf32> to vector<1000x4xf32>
    %swap3A_332 = vector.shape_cast %add3A_326 : vector<1000x4xf32> to vector<1x1000x4xf32>
    tpu.vector_store %arg13[%swap3A_327, %swap3A_328, %swap3A_329], %swap3A_332 {strides = array<i32>} : memref<4x1000x4xf32, #tpu.memory_space<vmem>>, vector<1x1000x4xf32>,
    %get3A_333 = arith.constant 0 : index
    %get3A_334 = arith.constant 0 : index
    %get3A_335 = arith.constant 3 : index
    %get3A_336 = arith.constant 0 : index
    %get3A_337 = vector.load %arg2[%get3A_333, %get3A_334, %get3A_335, %get3A_336] : memref<2x1000x4x32xf32, #tpu.memory_space<vmem>>, vector<1x1000x1x32xf32>
    %get3A_338 = vector.shape_cast %get3A_337 : vector<1x1000x1x32xf32> to vector<1000x32xf32>
    %get3A_339 = arith.constant 1 : index
    %get3A_340 = arith.constant 0 : index
    %get3A_341 = arith.constant 3 : index
    %get3A_342 = arith.constant 0 : index
    %get3A_343 = vector.load %arg2[%get3A_339, %get3A_340, %get3A_341, %get3A_342] : memref<2x1000x4x32xf32, #tpu.memory_space<vmem>>, vector<1x1000x1x32xf32>
    %get3A_344 = vector.shape_cast %get3A_343 : vector<1x1000x1x32xf32> to vector<1000x32xf32>
    %add3A_345 = arith.addf %get3A_338, %get3A_344 : vector<1000x32xf32>
    %get3A_346 = arith.constant 3 : index
    %get3A_347 = arith.constant 0 : index
    %get3A_348 = arith.constant 0 : index
    %get3A_349 = vector.load %arg3[%get3A_346, %get3A_347, %get3A_348] : memref<4x1000x4xf32, #tpu.memory_space<vmem>>, vector<1x1000x4xf32>
    %get3A_350 = vector.shape_cast %get3A_349 : vector<1x1000x4xf32> to vector<1000x4xf32>
    %get3A_351 = arith.constant 0 : index
    %get3A_352 = arith.constant 0 : index
    %get3A_353 = vector.load %arg4[%get3A_351, %get3A_352] : memref<4x32xf32, #tpu.memory_space<vmem>>, vector<4x32xf32>
    %dot_general3A_354 = arith.constant dense<0.000000e+00> : vector<1000x32xf32>
    %dot_general3A_355 = tpu.matmul %get3A_350, %get3A_353, %dot_general3A_354 {dimension_numbers = #tpu.dot_dimension_numbers<[1], [0], [0], [1], [0, 0, 1, 1], [], []>, transpose_lhs_hint = false} : vector<1000x4xf32>, vector<4x32xf32>, vector<1000x32xf32> -> vector<1000x32xf32>
    %get3A_356 = arith.constant 0 : index
    %get3A_357 = arith.constant 0 : index
    %get3A_358 = vector.load %arg5[%get3A_356, %get3A_357] : memref<1x32xf32, #tpu.memory_space<vmem>>, vector<1x32xf32>
    %add3A_359 = vector.broadcast %get3A_358 : vector<1x32xf32> to vector<1000x32xf32>
    %add3A_360 = arith.addf %dot_general3A_355, %add3A_359 : vector<1000x32xf32>
    %get3A_361 = arith.constant 3 : index
    %get3A_362 = arith.constant 0 : index
    %get3A_363 = arith.constant 0 : index
    %get3A_364 = vector.load %arg1[%get3A_361, %get3A_362, %get3A_363] : memref<4x1000x32xf32, #tpu.memory_space<vmem>>, vector<1x1000x32xf32>
    %get3A_365 = vector.shape_cast %get3A_364 : vector<1x1000x32xf32> to vector<1000x32xf32>
    %get3A_366 = arith.constant 0 : index
    %get3A_367 = arith.constant 0 : index
    %get3A_368 = vector.load %arg6[%get3A_366, %get3A_367] : memref<32x32xf32, #tpu.memory_space<vmem>>, vector<32x32xf32>
    %dot_general3A_369 = arith.constant dense<0.000000e+00> : vector<1000x32xf32>
    %dot_general3A_370 = tpu.matmul %get3A_365, %get3A_368, %dot_general3A_369 {dimension_numbers = #tpu.dot_dimension_numbers<[1], [0], [0], [1], [0, 0, 1, 1], [], []>, transpose_lhs_hint = false} : vector<1000x32xf32>, vector<32x32xf32>, vector<1000x32xf32> -> vector<1000x32xf32>
    %get3A_371 = arith.constant 0 : index
    %get3A_372 = arith.constant 0 : index
    %get3A_373 = vector.load %arg7[%get3A_371, %get3A_372] : memref<1x32xf32, #tpu.memory_space<vmem>>, vector<1x32xf32>
    %add3A_374 = vector.broadcast %get3A_373 : vector<1x32xf32> to vector<1000x32xf32>
    %add3A_375 = arith.addf %dot_general3A_370, %add3A_374 : vector<1000x32xf32>
    %add3A_376 = arith.addf %add3A_375, %add3A_345 : vector<1000x32xf32>
    %add3A_377 = arith.addf %add3A_376, %add3A_360 : vector<1000x32xf32>
    %max3A_378 = arith.constant 0.000000e+00 : f32
    %max3A_379 = vector.broadcast %max3A_378 : f32 to vector<1000x32xf32>
    %max3A_380 = arith.maximumf %add3A_377, %max3A_379 : vector<1000x32xf32>
    %reduce_sum3A_381 = arith.constant dense<0.000000e+00> : vector<1000xf32>
    %reduce_sum3A_382 = vector.multi_reduction <add>, %max3A_380, %reduce_sum3A_381 [1] : vector<1000x32xf32> to vector<1000xf32>
    %broadcast_in_dim3A_383 = vector.shape_cast %reduce_sum3A_382 : vector<1000xf32> to vector<1000x1xf32>
    %div3A_384 = arith.constant 3.200000e+01 : f32
    %div3A_385 = vector.broadcast %div3A_384 : f32 to vector<1000x1xf32>
    %div3A_386 = arith.divf %broadcast_in_dim3A_383, %div3A_385 : vector<1000x1xf32>
    %jit3A_387 = arith.constant 0 : i32
    %reduce_sum3A_388 = arith.constant dense<0.000000e+00> : vector<1000xf32>
    %reduce_sum3A_389 = vector.multi_reduction <add>, %max3A_380, %reduce_sum3A_388 [1] : vector<1000x32xf32> to vector<1000xf32>
    %broadcast_in_dim3A_390 = vector.shape_cast %reduce_sum3A_389 : vector<1000xf32> to vector<1000x1xf32>
    %div3A_391 = arith.constant 3.200000e+01 : f32
    %div3A_392 = vector.broadcast %div3A_391 : f32 to vector<1000x1xf32>
    %div3A_393 = arith.divf %broadcast_in_dim3A_390, %div3A_392 : vector<1000x1xf32>
    %sub3A_394 = vector.broadcast %div3A_393 : vector<1000x1xf32> to vector<1000x32xf32>
    %sub3A_395 = arith.subf %max3A_380, %sub3A_394 : vector<1000x32xf32>
    %square3A_396 = arith.mulf %sub3A_395, %sub3A_395 : vector<1000x32xf32>
    %convert_element_type3A_397 = arith.sitofp %jit3A_387 : i32 to f32
    %sub3A_398 = arith.constant 3.200000e+01 : f32
    %sub3A_399 = arith.subf %sub3A_398, %convert_element_type3A_397 : f32
    %reduce_sum3A_400 = arith.constant dense<0.000000e+00> : vector<1000xf32>
    %reduce_sum3A_401 = vector.multi_reduction <add>, %square3A_396, %reduce_sum3A_400 [1] : vector<1000x32xf32> to vector<1000xf32>
    %broadcast_in_dim3A_402 = vector.shape_cast %reduce_sum3A_401 : vector<1000xf32> to vector<1000x1xf32>
    %div3A_403 = vector.broadcast %sub3A_399 : f32 to vector<1000x1xf32>
    %div3A_404 = arith.divf %broadcast_in_dim3A_402, %div3A_403 : vector<1000x1xf32>
    %gt3A_405 = arith.constant 0.000000e+00 : f32
    %gt3A_406 = arith.cmpf ogt, %sub3A_399, %gt3A_405 : f32
    %jit3A_407 = arith.constant 0x7FC00000 : f32
    %broadcast_in_dim3A_408 = vector.broadcast %jit3A_407 : f32 to vector<1000x1xf32>
    %select_n3A_409 = arith.select %gt3A_406, %div3A_404, %broadcast_in_dim3A_408 : vector<1000x1xf32>
    %sub3A_410 = vector.broadcast %div3A_386 : vector<1000x1xf32> to vector<1000x32xf32>
    %sub3A_411 = arith.subf %max3A_380, %sub3A_410 : vector<1000x32xf32>
    %add3A_412 = arith.constant 9.99999974E-6 : f32
    %add3A_413 = vector.broadcast %add3A_412 : f32 to vector<1000x1xf32>
    %add3A_414 = arith.addf %select_n3A_409, %add3A_413 : vector<1000x1xf32>
    %sqrt3A_415 = math.sqrt %add3A_414 : vector<1000x1xf32>
    %div3A_416 = vector.broadcast %sqrt3A_415 : vector<1000x1xf32> to vector<1000x32xf32>
    %div3A_417 = arith.divf %sub3A_411, %div3A_416 : vector<1000x32xf32>
    %get3A_418 = arith.constant 0 : index
    %get3A_419 = arith.constant 0 : index
    %get3A_420 = vector.load %arg9[%get3A_418, %get3A_419] : memref<32x16xf32, #tpu.memory_space<vmem>>, vector<32x16xf32>
    %dot_general3A_421 = arith.constant dense<0.000000e+00> : vector<1000x16xf32>
    %dot_general3A_422 = tpu.matmul %div3A_417, %get3A_420, %dot_general3A_421 {dimension_numbers = #tpu.dot_dimension_numbers<[1], [0], [0], [1], [0, 0, 1, 1], [], []>, transpose_lhs_hint = false} : vector<1000x32xf32>, vector<32x16xf32>, vector<1000x16xf32> -> vector<1000x16xf32>
    %get3A_423 = arith.constant 0 : index
    %get3A_424 = arith.constant 0 : index
    %get3A_425 = vector.load %arg10[%get3A_423, %get3A_424] : memref<1x16xf32, #tpu.memory_space<vmem>>, vector<1x16xf32>
    %add3A_426 = vector.broadcast %get3A_425 : vector<1x16xf32> to vector<1000x16xf32>
    %add3A_427 = arith.addf %dot_general3A_422, %add3A_426 : vector<1000x16xf32>
    %add3A_428 = arith.addf %add3A_427, %get3A_1 : vector<1000x16xf32>
    %max3A_429 = arith.constant 0.000000e+00 : f32
    %max3A_430 = vector.broadcast %max3A_429 : f32 to vector<1000x16xf32>
    %max3A_431 = arith.maximumf %add3A_428, %max3A_430 : vector<1000x16xf32>
    %get3A_432 = arith.constant 0 : index
    %get3A_433 = arith.constant 0 : index
    %get3A_434 = vector.load %arg11[%get3A_432, %get3A_433] : memref<16x4xf32, #tpu.memory_space<vmem>>, vector<16x4xf32>
    %dot_general3A_435 = arith.constant dense<0.000000e+00> : vector<1000x4xf32>
    %dot_general3A_436 = tpu.matmul %max3A_431, %get3A_434, %dot_general3A_435 {dimension_numbers = #tpu.dot_dimension_numbers<[1], [0], [0], [1], [0, 0, 1, 1], [], []>, transpose_lhs_hint = false} : vector<1000x16xf32>, vector<16x4xf32>, vector<1000x4xf32> -> vector<1000x4xf32>
    %get3A_437 = arith.constant 0 : index
    %get3A_438 = arith.constant 0 : index
    %get3A_439 = vector.load %arg12[%get3A_437, %get3A_438] : memref<1x4xf32, #tpu.memory_space<vmem>>, vector<1x4xf32>
    %add3A_440 = vector.broadcast %get3A_439 : vector<1x4xf32> to vector<1000x4xf32>
    %add3A_441 = arith.addf %dot_general3A_436, %add3A_440 : vector<1000x4xf32>
    %swap3A_442 = arith.constant 3 : index
    %swap3A_443 = arith.constant 0 : index
    %swap3A_444 = arith.constant 0 : index
    %swap3A_445 = vector.load %arg13[%swap3A_442, %swap3A_443, %swap3A_444] : memref<4x1000x4xf32, #tpu.memory_space<vmem>>, vector<1x1000x4xf32>
    %swap3A_446 = vector.shape_cast %swap3A_445 : vector<1x1000x4xf32> to vector<1000x4xf32>
    %swap3A_447 = vector.shape_cast %add3A_441 : vector<1000x4xf32> to vector<1x1000x4xf32>
    tpu.vector_store %arg13[%swap3A_442, %swap3A_443, %swap3A_444], %swap3A_447 {strides = array<i32>} : memref<4x1000x4xf32, #tpu.memory_space<vmem>>, vector<1x1000x4xf32>,
    return
  }
  func.func @transform_0(%arg0: i32) -> (i32, i32, i32) {
    %c0_i32 = arith.constant 0 : i32
    %c0_i32_0 = arith.constant 0 : i32
    %c0_i32_1 = arith.constant 0 : i32
    return %c0_i32, %arg0, %c0_i32_0 : i32, i32, i32
  }
  func.func @transform_1(%arg0: i32) -> (i32, i32, i32, i32) {
    %c0_i32 = arith.constant 0 : i32
    %c0_i32_0 = arith.constant 0 : i32
    %c0_i32_1 = arith.constant 0 : i32
    %c0_i32_2 = arith.constant 0 : i32
    return %c0_i32, %arg0, %c0_i32_0, %c0_i32_1 : i32, i32, i32, i32
  }
  func.func @transform_2(%arg0: i32) -> (i32, i32, i32) {
    %c0_i32 = arith.constant 0 : i32
    %c0_i32_0 = arith.constant 0 : i32
    %c0_i32_1 = arith.constant 0 : i32
    return %c0_i32, %arg0, %c0_i32_0 : i32, i32, i32
  }
  func.func @transform_3(%arg0: i32) -> (i32, i32) {
    %c0_i32 = arith.constant 0 : i32
    %c0_i32_0 = arith.constant 0 : i32
    %c0_i32_1 = arith.constant 0 : i32
    return %c0_i32, %c0_i32_0 : i32, i32
  }
  func.func @transform_4(%arg0: i32) -> (i32, i32) {
    %c0_i32 = arith.constant 0 : i32
    %c0_i32_0 = arith.constant 0 : i32
    %c0_i32_1 = arith.constant 0 : i32
    return %c0_i32, %c0_i32_0 : i32, i32
  }
  func.func @transform_5(%arg0: i32) -> (i32, i32) {
    %c0_i32 = arith.constant 0 : i32
    %c0_i32_0 = arith.constant 0 : i32
    %c0_i32_1 = arith.constant 0 : i32
    return %c0_i32, %c0_i32_0 : i32, i32
  }
  func.func @transform_6(%arg0: i32) -> (i32, i32) {
    %c0_i32 = arith.constant 0 : i32
    %c0_i32_0 = arith.constant 0 : i32
    %c0_i32_1 = arith.constant 0 : i32
    return %c0_i32, %c0_i32_0 : i32, i32
  }
  func.func @transform_7(%arg0: i32) -> (i32, i32) {
    %c0_i32 = arith.constant 0 : i32
    %c0_i32_0 = arith.constant 0 : i32
    return %arg0, %c0_i32 : i32, i32
  }
  func.func @transform_8(%arg0: i32) -> (i32, i32) {
    %c0_i32 = arith.constant 0 : i32
    %c0_i32_0 = arith.constant 0 : i32
    %c0_i32_1 = arith.constant 0 : i32
    return %c0_i32, %c0_i32_0 : i32, i32
  }
  func.func @transform_9(%arg0: i32) -> (i32, i32) {
    %c0_i32 = arith.constant 0 : i32
    %c0_i32_0 = arith.constant 0 : i32
    %c0_i32_1 = arith.constant 0 : i32
    return %c0_i32, %c0_i32_0 : i32, i32
  }
  func.func @transform_10(%arg0: i32) -> (i32, i32) {
    %c0_i32 = arith.constant 0 : i32
    %c0_i32_0 = arith.constant 0 : i32
    %c0_i32_1 = arith.constant 0 : i32
    return %c0_i32, %c0_i32_0 : i32, i32
  }
  func.func @transform_11(%arg0: i32) -> (i32, i32) {
    %c0_i32 = arith.constant 0 : i32
    %c0_i32_0 = arith.constant 0 : i32
    %c0_i32_1 = arith.constant 0 : i32
    return %c0_i32, %c0_i32_0 : i32, i32
  }
  func.func @transform_12(%arg0: i32) -> (i32, i32, i32) {
    %c0_i32 = arith.constant 0 : i32
    %c0_i32_0 = arith.constant 0 : i32
    %c0_i32_1 = arith.constant 0 : i32
    return %c0_i32, %arg0, %c0_i32_0 : i32, i32, i32
  }
}

</mosaic_0001>

<sc_bundles>
// kernel: kernel.12.cloned.1.call-start
scs
__scs_entry_jumppad:
0x0: {  	(pc) =	sbr.rel $0x88, $3  }
0x1: {  	(tag) =	ssettag $0x0;
	lr =	simm.s32 $0x1  }
0x2: {  	[smem:$0x3F85] =	sst lr;
	_ =	strace $0xD0000000  }
0x3: {  	_ = 	snop  }
0x4: {  	_ = 	snop  }
0x5: {  	_ = 	snop  }
0x6: {  	_ = 	snop  }
0x7: {  	_ = 	snop  }
__scs_overlays_trampoline_lowered:
0x8: {  	[smem:$0x3F94] =	sst s0  }
0x9: {  	[smem:$0x3F95] =	sst s1  }
0xa: {  	[smem:$0x3F96] =	sst s2  }
0xb: {  	[smem:$0x3F97] =	sst s3  }
0xc: {  	[smem:$0x3F98] =	sst s4  }
0xd: {  	[smem:$0x3F99] =	sst s5  }
0xe: {  	[smem:$0x3F9A] =	sst s6  }
0xf: {  	[smem:$0x3F9B] =	sst s7  }
0x10: {  	[smem:$0x3F9C] =	sst s8  }
0x11: {  	[smem:$0x3F9D] =	sst s9;
	s0 =	simm.s32 @!p0 $0x0  }
0x12: {  	s1 =	sld [smem:$0x3F83];
	s0 =	simm.s32 @p0 $0x1  }
0x13: {  	[smem:$0x3F9E] =	sst s0;
	s0 =	simm.s32 @!p1 $0x0  }
0x14: {  	s2 =	sld [smem:$0x3F82];
	s0 =	simm.s32 @p1 $0x1  }
0x15: {  	[smem:$0x3F9F] =	sst s0;
	s0 =	simm.s32 @!p2 $0x0  }
0x16: {  	s3 =	sld [smem:$0x3FDB];
	s0 =	simm.s32 @p2 $0x1  }
0x17: {  	s4 =	simm.s32 $0x1BF5;
	[smem:$0x3FA1] =	sst s0  }
0x18: {  	s0 =	sld [smem:$0x3F84];
	_ =	swait.ge [sflag:s4], $0x0  }
0x19: {  	s7 =	sld [smem:$0x3F85]  }
0x1a: {  	s8 =	sadd.s32 $0xFFFFE003, lr  }
0x1b: {  	s9 =	sadd.s32 $0xFFFFFEF7, lr;
	s5 =	simm.s32 $0xFFFFFFFF;
	p2 =	slt.u32 s8, $0xFFFFF086  }
0x1c: {  	p1 =	slt.u32 s9, $0xF7A;
	s5 =	simm.s32 @!p2 $0x0  }
0x1d: {  	s5 =	simm.s32 @p1 $0x1;
	p0 =	seq.s32 s7, s2  }
0x1e: {  	s7 =	smul.u32 @!p0 $0xF7A, s2;
	p2 =	seq.s32 @!p0 s5, $0x0  }
0x1f: {  	s9 =	smul.u32 $0xF7A, s1;
	s8 =	simm.s32 @!p0 $0x1BF5;
	p2 =	por !p2, p0  }
0x20: {  	[sflag:s8] =	ssyncset.s32 @!p0 $0xFFFFF086;
	s6 =	sadd.s32 @!p0 s3, s7;
	s7 =	simm.s32 @!p0 $0x108  }
0x21: {  	s3 =	sadd.s32 s3, s9;
	s6 =	sadd.s32 @!p0 $0x88, s6;
	s7 =	simm.s32 @p2 $0x1082  }
0x22: {  	[simem:s7], [sflag:s8] =	dma.local @!p0 [hbm:s6], $0xF7A  }
0x23: {  	s9 =	sor.u32 $0xD0000000, s2;
	s6 =	simm.s32 $0x108;
	_ =	swait.ge @!p0 [sflag:s8], $0x0  }
0x24: {  	s3 =	sadd.s32 $0x88, s3;
	s6 =	simm.s32 @!p1 $0x1082;
	[sflag:s4] =	ssyncset.s32 $0xFFFFF086  }
0x25: {  	[simem:s6], [sflag:s4] =	dma.local [hbm:s3], $0xF7A  }
0x26: {  	[smem:$0x3F85] =	sst s1;
	(tag) =	ssettag s2;
	_ =	strace s9  }
0x27: {  	s1 =	sld [smem:$0x3F95]  }
0x28: {  	s2 =	sld [smem:$0x3F96]  }
0x29: {  	s4 =	sld [smem:$0x3F98]  }
0x2a: {  	p0 =	seq.s32 s5, $0x0;
	s5 =	sld [smem:$0x3F99]  }
0x2b: {  	s6 =	sld [smem:$0x3F9A]  }
0x2c: {  	s7 =	sld [smem:$0x3F9B]  }
0x2d: {  	s3 =	simm.s32 $0x108;
	s8 =	sld [smem:$0x3F9C]  }
0x2e: {  	s3 =	simm.s32 @!p0 $0x1082;
	s9 =	sld [smem:$0x3F9D]  }
0x2f: {  	lr =	sadd.s32 s0, s3;
	s0 =	sld [smem:$0x3F94]  }
0x30: {  	s3 =	sld [smem:$0x3F97]  }
0x31: {  	[smem:$0x3FA0] =	sst s10  }
0x32: {  	s10 =	sld [smem:$0x3F9E];
	_ =	sdelay $0x3  }
0x33: {  	p0 =	seq.s32 s10, $0x1;
	s10 =	sld [smem:$0x3FA0];
	_ =	sdelay $0x3  }
0x34: {  	[smem:$0x3FA0] =	sst s10  }
0x35: {  	s10 =	sld [smem:$0x3F9F];
	_ =	sdelay $0x3  }
0x36: {  	p1 =	seq.s32 s10, $0x1;
	s10 =	sld [smem:$0x3FA0];
	_ =	sdelay $0x3  }
0x37: {  	[smem:$0x3FA0] =	sst s10  }
0x38: {  	s10 =	sld [smem:$0x3FA1]  }
0x39: {  	_ = 	snop;
	(pc) =	sbr.ind lr, $3  }
0x3a: {  	_ = 	snop  }
0x3b: {  	_ = 	snop  }
0x3c: {  	p2 =	seq.s32 s10, $0x1;
	s10 =	sld [smem:$0x3FA0]  }
0x3d: {  	_ =	shalt  }
0x3e: {  	_ =	shalt  }
0x3f: {  	_ =	shalt  }
0x40: {  	_ =	shalt  }
0x41: {  	_ =	shalt  }
0x42: {  	_ =	shalt  }
0x43: {  	_ =	shalt  }
0x44: {  	_ =	shalt  }
0x45: {  	_ =	shalt  }
0x46: {  	_ =	shalt  }
0x47: {  	_ =	shalt  }
0x48: {  	_ =	shalt  }
0x49: {  	_ =	shalt  }
0x4a: {  	_ =	shalt  }
0x4b: {  	_ =	shalt  }
0x4c: {  	_ =	shalt  }
0x4d: {  	_ =	shalt  }
0x4e: {  	_ =	shalt  }
0x4f: {  	_ =	shalt  }
0x50: {  	_ =	shalt  }
0x51: {  	_ =	shalt  }
0x52: {  	_ =	shalt  }
0x53: {  	_ =	shalt  }
0x54: {  	_ =	shalt  }
0x55: {  	_ =	shalt  }
0x56: {  	_ =	shalt  }
0x57: {  	_ =	shalt  }
0x58: {  	_ =	shalt  }
0x59: {  	_ =	shalt  }
0x5a: {  	_ =	shalt  }
0x5b: {  	_ =	shalt  }
0x5c: {  	_ =	shalt  }
0x5d: {  	_ =	shalt  }
0x5e: {  	_ =	shalt  }
0x5f: {  	_ =	shalt  }
0x60: {  	_ =	shalt  }
0x61: {  	_ =	shalt  }
0x62: {  	_ =	shalt  }
0x63: {  	_ =	shalt  }
0x64: {  	_ =	shalt  }
0x65: {  	_ =	shalt  }
0x66: {  	_ =	shalt  }
0x67: {  	_ =	shalt  }
0x68: {  	_ =	shalt  }
0x69: {  	_ =	shalt  }
0x6a: {  	_ =	shalt  }
0x6b: {  	_ =	shalt  }
0x6c: {  	_ =	shalt  }
0x6d: {  	_ =	shalt  }
0x6e: {  	_ =	shalt  }
0x6f: {  	_ =	shalt  }
0x70: {  	_ =	shalt  }
0x71: {  	_ =	shalt  }
0x72: {  	_ =	shalt  }
0x73: {  	_ =	shalt  }
0x74: {  	_ =	shalt  }
0x75: {  	_ =	shalt  }
0x76: {  	_ =	shalt  }
0x77: {  	_ =	shalt  }
0x78: {  	_ =	shalt  }
0x79: {  	_ =	shalt  }
0x7a: {  	_ =	shalt  }
0x7b: {  	_ =	shalt  }
0x7c: {  	_ =	shalt  }
0x7d: {  	_ =	shalt  }
0x7e: {  	_ =	shalt  }
0x7f: {  	_ =	shalt  }
0x80: {  	_ =	shalt  }
0x81: {  	_ =	shalt  }
0x82: {  	_ =	shalt  }
0x83: {  	_ =	shalt  }
0x84: {  	_ =	shalt  }
0x85: {  	_ =	shalt  }
0x86: {  	_ =	shalt  }
0x87: {  	_ =	shalt  }
.Lfunc_end0:
.L_simem_size_0:
called_computation.1_lowered:
.L_overlay_start_0:
0x88: {  	s2 =	sld [smem:$0x3FD9]  }
0x89: {  	s3 =	sld [smem:$0x3FFE];
	_ =	sdelay $0x1  }
0x8a: {  	s1 =	srdreg.scid  }
0x8b: {  	s0 =	sand.u32 $0x1, s1  }
0x8c: {  	s16 =	sshll.u32 s0, $0xA;
	s2 =	sadd.s32 s3, s2  }
0x8d: {  	s2 =	sadd.s32 s2, s16  }
0x8e: {  	[smem:$0x3FAC] =	sst s2  }
0x8f: {  	_ = 	snop  }
0x90: {  	(tm) =	ssettm $0x1  }
0x91: {  	s17 =	sld [smem:$0x3FFB];
	_ =	sdelay $0x3  }
0x92: {  	_ =	strace s17  }
0x93: {  	s2 =	sld [smem:$0x3FFC];
	_ =	sdelay $0x3  }
0x94: {  	_ =	strace s2  }
0x95: {  	s2 =	sld [smem:$0x3FFD];
	_ =	sdelay $0x3  }
0x96: {  	_ =	strace s2  }
0x97: {  	_ =	strace $0x8FFFFFFF  }
0x98: {  	s18 =	sld [smem:$0x3FDB];
	_ =	sdelay $0x1  }
0x99: {  	s19 =	simm.s32 $_scs_section_size  }
0x9a: {  	s4 =	simm.s32 $_size__tile_overlayer_lowered;
	s5 =	simm.s32 $_tile_overlayer_lowered  }
0x9b: {  	s22 =	simm.s32 $0x1BFF;
	s21 =	sshll.u32 s5, $0x1;
	s2 =	sadd.s32 s19, s18  }
0x9c: {  	s6 =	simm.s32 $0x0;
	s20 =	sshll.u32 s4, $0x1;
	s4 =	sadd.s32 s21, s2  }
0x9d: {  	[timem:s6], [sflag:s22] =	dma.local [hbm:s4], s20  }
0x9e: {  	_ =	swait.ge [sflag:s22], s20  }
0x9f: {  	s3 =	ssub.s32 $0x0, s20;
	[sflag:s22] =	ssyncset.done $0x0  }
0xa0: {  	[sflag:s22] =	ssyncadd.s32 s3;
	_ =	sdelay $0x1  }
0xa1: {  	s23 =	simm.s32 $0x1B8B  }
0xa2: {  	_ =	swait.ge [sflag:s23], $0x1  }
0xa3: {  	[sflag:s23] =	ssyncset.done $0x0  }
0xa4: {  	s25 =	simm.s32 $0x1B8E;
	s24 =	sld [smem:$0x3FFE];
	[sflag:s23] =	ssyncadd.s32 $0xFFFFFFFF  }
0xa5: {  	s26 =	simm.s32 $execute0_lowered;
	[smem:$0x3FD2] =	sst s25  }
0xa6: {  	s4 =	sshll.u32 s26, $0x1;
	_ =	strace $0x80000049;
	[dreg:$0x1] =	wrdreg $0xFFFFFFFF  }
0xa7: {  	s28 =	simm.s32 $_size_execute0_lowered;
	s2 =	sadd.s32 s2, s4;
	[dreg:$0x0] =	wrdreg $0x0  }
0xa8: {  	s4 =	sshll.u32 s28, $0x1;
	[dreg:$0x2] =	wrdreg s2  }
0xa9: {  	[dreg:$0x3] =	wrdreg s4  }
0xaa: {  	[dreg:$0x4] =	wrdreg $0xC0  }
0xab: {  	_ =	task [dreg:s6], $0x5FFFF  }
0xac: {  	[dreg:$0x1] =	wrdreg $0xFFFFFFFF  }
0xad: {  	[dreg:$0x0] =	wrdreg $0x60  }
0xae: {  	[dreg:$0x2] =	wrdreg s24  }
0xaf: {  	[dreg:$0x3] =	wrdreg $0xA8000  }
0xb0: {  	[dreg:$0x4] =	wrdreg $0x9  }
0xb1: {  	_ =	task.clear_ibuf [dreg:s6], $0x5FFFF;
	_ =	strace $0x90000049  }
0xb2: {  	s29 =	simm.s32 $0x9;
	_ =	strace $0x8000004B  }
0xb3: {  	_ =	swait.ge [sflag:s29], $0x1  }
0xb4: {  	[sflag:s29] =	ssyncadd.s32 $0xFFFFFFFF  }
0xb5: {  	_ =	strace $0x9000004B  }
0xb6: {  	_ =	sfence  }
0xb7: {  	s30 =	sld [smem:$0x0];
	_ =	sdelay $0x2  }
0xb8: {  	s31 =	sshll.u32 s1, $0xD;
	s1 =	sshrl.u32 s1, $0x2  }
0xb9: {  	s3 =	sand.u32 $0x4000, s31;
	s1 =	sadd.s32 s1, s30  }
0xba: {  	s0 =	sor.u32 s3, s0;
	s1 =	sshll.u32 s1, $0x11  }
0xbb: {  	s0 =	sor.u32 s1, s0  }
0xbc: {  	s0 =	sadd.s32 $0x8F2B, s0  }
0xbd: {  	[sflag:s0] =	ssyncadd.remote.s32 $0x1  }
0xbe: {  	_ =	sfence.sel $0xFFFF  }
0xbf: {  	[dreg:$0x0] =	wrdreg $0xFFFFFFFF;
	(pc) =	sbr.abs _section_cstart, $3  }
0xc0: {  	[dreg:$0x1] =	wrdreg $0xFFFFFFFF  }
0xc1: {  	_ =	task.clear_ibuf [dreg:s6], $0x2FFFF;
	_ =	strace $0x9FFFFFFF  }
0xc2: {  	(tm) =	ssettm $0x7FFFFFFF  }
0xc3: {  	_ =	shalt  }
tec
execute0_lowered:
.L_overlay_start_1:
0x0: {  	(tag) =	ssettag $0x1  }
0x1: {  	s5 =	rddreg [dreg:$0x0]  }
0x2: {  	s0 =	srdreg.scid;
	s2 =	rddreg [dreg:$0x1];
	s3 =	simm.s32 $0x0  }
0x3: {  	s15 =	simm.s32 $0x6800;
	s16 =	simm.s32 $0x2;
	s10 =	sand.u32 $0x1, s0  }
0x4: {  	s17 =	simm.s32 $0x80;
	s0 =	stileid.u32;
	s7 =	smul.u32 $0x13C000, s10  }
0x5: {  	s18 =	simm.s32 $0x1;
	[smem:$0x7FF] =	sst s3;
	s8 =	smul.u32 $0x13C00, s0  }
0x6: {  	s1 =	sshll.u32 s10, $0x4;
	s9 =	smul.u32 $0x4F000, s0;
	s30 =	ssub.s32 $0x2, s10  }
0x7: {  	p0 =	seq.s32 s10, $0x0;
	s10 =	simm.s32 $0x68;
	s19 =	sshll.u32 s0, $0x6  }
0x8: {  	s4 =	sor.u32 s0, s1;
	s1 =	rddreg [dreg:$0x2];
	_ =	strace $0x8000004A  }
0x9: {  	s31 =	sshrl.u32 s30, $0x1;
	s10 =	simm.s32 @!p0 $0x36;
	s6 =	smul.u32 $0x680, s4  }
0xa: {  	s19 =	sor.u32 $0x1C02, s19;
	s4 =	sadd.s32 $0x165800, s5;
	s29 =	sadd.s32 s8, s7  }
0xb: {  	s14 =	ssub.s32 s30, s31;
	s12 =	sadd.s32 s6, s5;
	s6 =	sshrl.u32 s29, $0x3  }
0xc: {  	s9 =	sshrl.u32 s9, $0x2;
	s14 =	smax.u32 s14, $0x1;
	s13 =	sadd.s32 s6, s5  }
0xd: {  	s5 =	sadd.s32 s9, s2;
	s11 =	sadd.s32 $0x18D000, s12;
	s12 =	sadd.s32 $0x19A000, s12  }
0xe: {  	s6 =	sadd.s32 $0x4000, s5;
	s7 =	sadd.s32 $0x8000, s5;
	s8 =	sadd.s32 $0xC000, s5  }
0xf: {  	v0 =	vimm.f32 $0.0e+00;
	s9 =	sadd.s32 $0x10000, s5;
	s13 =	sadd.s32 $0x1A7000, s13;
	s20 =	sshrl.u32 s5, $0x3  }
.LBB2_1:
0x10: {  	s21 =	simm.s32 $0x0;
	s22 =	simm.s32 $0x200  }
.LBB2_2:
0x11: {  	p0 =	sne.s32 s22, $0xFE00;
	[tilespmem:s21+$0x6870] =	vst v0  }
0x12: {  	[tilespmem:s21+$0x6800] =	vst v0  }
0x13: {  	[tilespmem:s21+$0x6810] =	vst v0  }
.Ltmp0:
0x14: {  	[tilespmem:s21+$0x6820] =	vst v0;
	(pc) =	sbr.rel @p0 .LBB2_2-.Ltmp0, $4  }
0x15: {  	[tilespmem:s21+$0x6830] =	vst v0  }
0x16: {  	[tilespmem:s21+$0x6840] =	vst v0  }
0x17: {  	[tilespmem:s21+$0x6850] =	vst v0  }
0x18: {  	[tilespmem:s21+$0x6860] =	vst v0;
	s21 =	sshra.s32 s22, $0x2;
	s22 =	sadd.s32 $0x200, s22  }
0x19: {  	[tilespmem:s21+$0x6870] =	vst v0  }
0x1a: {  	[tilespmem:s21+$0x6800] =	vst v0  }
0x1b: {  	[tilespmem:s21+$0x6810] =	vst v0  }
0x1c: {  	[tilespmem:s21+$0x6820] =	vst v0  }
0x1d: {  	[tilespmem:s21+$0x6830] =	vst v0  }
0x1e: {  	[tilespmem:s21+$0x6840] =	vst v0  }
0x1f: {  	[tilespmem:s21+$0x6850] =	vst v0  }
0x20: {  	[tilespmem:s21+$0x6860] =	vst v0  }
0x21: {  	[spmem:s5] =	stream.linear.scatter [tilespmem:s15], [sflag:$0x2], $0x4000, $0x38;
	[tilespmem:$0x1E400] =	vst v63  }
0x22: {  	_ =	swait.ge [sflag:s16], $0x4000  }
0x23: {  	[sflag:s16] =	ssyncset.done $0x0  }
0x24: {  	[sflag:s16] =	ssyncadd.s32 $0xFFFFC000  }
0x25: {  	[spmem:s6] =	stream.linear.scatter [tilespmem:s15], [sflag:$0x2], $0x4000, $0x38;
	[tilespmem:$0x1E400] =	vst v63  }
0x26: {  	_ =	swait.ge [sflag:s16], $0x4000  }
0x27: {  	[sflag:s16] =	ssyncset.done $0x0  }
0x28: {  	[sflag:s16] =	ssyncadd.s32 $0xFFFFC000  }
0x29: {  	[spmem:s7] =	stream.linear.scatter [tilespmem:s15], [sflag:$0x2], $0x4000, $0x38;
	[tilespmem:$0x1E400] =	vst v63  }
0x2a: {  	_ =	swait.ge [sflag:s16], $0x4000  }
0x2b: {  	[sflag:s16] =	ssyncset.done $0x0  }
0x2c: {  	[sflag:s16] =	ssyncadd.s32 $0xFFFFC000  }
0x2d: {  	[spmem:s8] =	stream.linear.scatter [tilespmem:s15], [sflag:$0x2], $0x4000, $0x38;
	[tilespmem:$0x1E400] =	vst v63  }
0x2e: {  	_ =	swait.ge [sflag:s16], $0x4000  }
0x2f: {  	[sflag:s16] =	ssyncset.done $0x0  }
0x30: {  	[sflag:s16] =	ssyncadd.s32 $0xFFFFC000  }
0x31: {  	[spmem:s9] =	stream.linear.scatter [tilespmem:s15], [sflag:$0x2], $0x3C00, $0x38;
	[tilespmem:$0x1E400] =	vst v63  }
0x32: {  	_ =	swait.ge [sflag:s16], $0x3C00  }
0x33: {  	[sflag:s16] =	ssyncset.done $0x0  }
0x34: {  	s21 =	simm.s32 $0x0;
	[sflag:s16] =	ssyncadd.s32 $0xFFFFC400  }
0x35: {  	[tilespmem:s21], [sflag:$0x2] =	stream.linear.gather [hbm4b:s11+s21], $0x3400, $0x38;
	[tilespmem:$0x1E400] =	vst v63  }
0x36: {  	_ =	swait.ge [sflag:s16], $0x3400  }
0x37: {  	[sflag:s16] =	ssyncset.done $0x0  }
0x38: {  	s22 =	simm.s32 $0x3400;
	[sflag:s16] =	ssyncadd.s32 $0xFFFFCC00  }
0x39: {  	[tilespmem:s22], [sflag:$0x2] =	stream.linear.gather [hbm4b:s12+s21], $0x3400, $0x38;
	[tilespmem:$0x1E400] =	vst v63  }
0x3a: {  	_ =	swait.ge [sflag:s16], $0x3400  }
0x3b: {  	[sflag:s16] =	ssyncset.done $0x0  }
0x3c: {  	[sflag:s16] =	ssyncadd.s32 $0xFFFFCC00  }
0x3d: {  	[bflag:$0x0] =	sbarrier.arrive $0xFFFF  }
0x3e: {  	[tilespmem:s15], [sflag:$0x1] =	stream.indirect.gather [hbm4b:s4+s17], $0x80, s21, s17, $0xb8;
	[tilespmem:$0x1E400] =	vst v63  }
0x3f: {  	p0 =	sne.s32 s10, $0x1;
	_ =	swait.ge [sflag:s18], $0x4000  }
.Ltmp1:
0x40: {  	[sflag:s18] =	ssyncset.done $0x0;
	(pc) =	sbr.rel @!p0 .LBB2_5-.Ltmp1, $4  }
0x41: {  	[sflag:s18] =	ssyncadd.s32 $0xFFFFC000  }
0x42: {  	[spmem:s2] =	stream.indirect.scatter.add.f32 [tilespmem:s15], [sflag:$0x2], $0x80, s22, s17, $0xb8;
	[tilespmem:$0x1E400] =	vst v63  }
0x43: {  	_ =	swait.ge [sflag:s16], $0x4000  }
0x44: {  	s23 =	sadd.s32 $0xFFFFFFFF, s10;
	[sflag:s16] =	ssyncset.done $0x0  }
.LBB2_4:
0x45: {  	[sflag:s16] =	ssyncadd.s32 $0xFFFFC000;
	s21 =	sadd.s32 $0x80, s21;
	s22 =	sadd.s32 $0x80, s22  }
0x46: {  	[tilespmem:s15], [sflag:$0x1] =	stream.indirect.gather [hbm4b:s4+s17], $0x80, s21, s17, $0xb8;
	[tilespmem:$0x1E400] =	vst v63  }
0x47: {  	p0 =	sne.s32 s23, $0x1;
	s23 =	sadd.s32 $0xFFFFFFFF, s23;
	_ =	swait.ge [sflag:s18], $0x4000  }
.Ltmp2:
0x48: {  	[sflag:s18] =	ssyncset.done $0x0;
	(pc) =	sbr.rel @p0 .LBB2_4-.Ltmp2, $4  }
0x49: {  	[sflag:s18] =	ssyncadd.s32 $0xFFFFC000  }
0x4a: {  	[spmem:s2] =	stream.indirect.scatter.add.f32 [tilespmem:s15], [sflag:$0x2], $0x80, s22, s17, $0xb8;
	[tilespmem:$0x1E400] =	vst v63  }
0x4b: {  	_ =	swait.ge [sflag:s16], $0x4000  }
0x4c: {  	[sflag:s16] =	ssyncset.done $0x0  }
.LBB2_5:
0x4d: {  	s3 =	sadd.s32 $0x1, s3  }
0x4e: {  	[sflag:s16] =	ssyncadd.s32 $0xFFFFC000;
	p0 =	sne.s32 s3, s14  }
.Ltmp3:
0x4f: {  	[bflag:$0x0] =	sbarrier.arrive $0xFFFF;
	(pc) =	sbr.rel @p0 .LBB2_1-.Ltmp3, $4  }
0x50: {  	[hbm:s13], [sflag:s19] =	dma.local [spmem:s20], $0x2780  }
0x51: {  	_ =	swait.ge [sflag:s16], $0x2780  }
0x52: {  	[sflag:s16] =	ssyncset.done $0x0  }
0x53: {  	[sflag:s16] =	ssyncadd.s32 $0xFFFFD880  }
0x54: {  	_ =	sfence.sel $0x180000  }
0x55: {  	[bflag:$0x0] =	sbarrier.arrive $0xFFFF  }
0x56: {  	p0 =	sne.s32 s0, $0x0;
	_ =	strace $0x9000004A  }
0x57: {  	s0 =	sadd.s32 @!p0 $0x100000, s1;
	[bflag:$0x2] =	sbarrier.arrive $0xFFFF  }
0x58: {  	[sflag:s0] =	ssyncadd.tile.s32 @!p0 $0x1;
	_ =	shalt  }
.Lfunc_end2:
_tile_overlayer_lowered:
.L_overlay_start_2:
0x59: {  	(tag) =	ssettag $0x2  }
0x5a: {  	s0 =	rddreg [dreg:$0x0];
	s2 =	stileid.u32  }
0x5b: {  	s1 =	rddreg [dreg:$0x1];
	p0 =	sne.s32 s2, $0x0  }
0x5c: {  	s3 =	rddreg [dreg:$0x2];
	[bflag:$0x3] =	sbarrier.arrive $0xFFFF;
	s2 =	simm.s32 @!p0 $0x1C02  }
0x5d: {  	[timem:s3], [sflag:s2] =	dma.local @!p0 [hbm:s0], s1  }
0x5e: {  	s0 =	simm.s32 @!p0 $0x2  }
0x5f: {  	_ =	swait.ge @!p0 [sflag:s0], s1  }
0x60: {  	s1 =	ssub.s32 @!p0 $0x0, s1;
	[sflag:s0] =	ssyncset.done @!p0 $0x0  }
0x61: {  	[sflag:s0] =	ssyncadd.s32 @!p0 s1  }
0x62: {  	[bflag:$0x3] =	sbarrier.arrive $0xFFFF  }
0x63: {  	_ =	shalt  }

// kernel: kernel.15.cloned.1.call-start
scs
__scs_entry_jumppad:
0x0: {  	(pc) =	sbr.rel $0x88, $3  }
0x1: {  	(tag) =	ssettag $0x0;
	lr =	simm.s32 $0x1  }
0x2: {  	[smem:$0x3F85] =	sst lr;
	_ =	strace $0xD0000000  }
0x3: {  	_ = 	snop  }
0x4: {  	_ = 	snop  }
0x5: {  	_ = 	snop  }
0x6: {  	_ = 	snop  }
0x7: {  	_ = 	snop  }
__scs_overlays_trampoline_lowered:
0x8: {  	[smem:$0x3F94] =	sst s0  }
0x9: {  	[smem:$0x3F95] =	sst s1  }
0xa: {  	[smem:$0x3F96] =	sst s2  }
0xb: {  	[smem:$0x3F97] =	sst s3  }
0xc: {  	[smem:$0x3F98] =	sst s4  }
0xd: {  	[smem:$0x3F99] =	sst s5  }
0xe: {  	[smem:$0x3F9A] =	sst s6  }
0xf: {  	[smem:$0x3F9B] =	sst s7  }
0x10: {  	[smem:$0x3F9C] =	sst s8  }
0x11: {  	[smem:$0x3F9D] =	sst s9;
	s0 =	simm.s32 @!p0 $0x0  }
0x12: {  	s1 =	sld [smem:$0x3F83];
	s0 =	simm.s32 @p0 $0x1  }
0x13: {  	[smem:$0x3F9E] =	sst s0;
	s0 =	simm.s32 @!p1 $0x0  }
0x14: {  	s2 =	sld [smem:$0x3F82];
	s0 =	simm.s32 @p1 $0x1  }
0x15: {  	[smem:$0x3F9F] =	sst s0;
	s0 =	simm.s32 @!p2 $0x0  }
0x16: {  	s3 =	sld [smem:$0x3FDB];
	s0 =	simm.s32 @p2 $0x1  }
0x17: {  	s4 =	simm.s32 $0x1BF5;
	[smem:$0x3FA1] =	sst s0  }
0x18: {  	s0 =	sld [smem:$0x3F84];
	_ =	swait.ge [sflag:s4], $0x0  }
0x19: {  	s7 =	sld [smem:$0x3F85]  }
0x1a: {  	s8 =	sadd.s32 $0xFFFFE003, lr  }
0x1b: {  	s9 =	sadd.s32 $0xFFFFFEF7, lr;
	s5 =	simm.s32 $0xFFFFFFFF;
	p2 =	slt.u32 s8, $0xFFFFF086  }
0x1c: {  	p1 =	slt.u32 s9, $0xF7A;
	s5 =	simm.s32 @!p2 $0x0  }
0x1d: {  	s5 =	simm.s32 @p1 $0x1;
	p0 =	seq.s32 s7, s2  }
0x1e: {  	s7 =	smul.u32 @!p0 $0xF7A, s2;
	p2 =	seq.s32 @!p0 s5, $0x0  }
0x1f: {  	s9 =	smul.u32 $0xF7A, s1;
	s8 =	simm.s32 @!p0 $0x1BF5;
	p2 =	por !p2, p0  }
0x20: {  	[sflag:s8] =	ssyncset.s32 @!p0 $0xFFFFF086;
	s6 =	sadd.s32 @!p0 s3, s7;
	s7 =	simm.s32 @!p0 $0x108  }
0x21: {  	s3 =	sadd.s32 s3, s9;
	s6 =	sadd.s32 @!p0 $0x88, s6;
	s7 =	simm.s32 @p2 $0x1082  }
0x22: {  	[simem:s7], [sflag:s8] =	dma.local @!p0 [hbm:s6], $0xF7A  }
0x23: {  	s9 =	sor.u32 $0xD0000000, s2;
	s6 =	simm.s32 $0x108;
	_ =	swait.ge @!p0 [sflag:s8], $0x0  }
0x24: {  	s3 =	sadd.s32 $0x88, s3;
	s6 =	simm.s32 @!p1 $0x1082;
	[sflag:s4] =	ssyncset.s32 $0xFFFFF086  }
0x25: {  	[simem:s6], [sflag:s4] =	dma.local [hbm:s3], $0xF7A  }
0x26: {  	[smem:$0x3F85] =	sst s1;
	(tag) =	ssettag s2;
	_ =	strace s9  }
0x27: {  	s1 =	sld [smem:$0x3F95]  }
0x28: {  	s2 =	sld [smem:$0x3F96]  }
0x29: {  	s4 =	sld [smem:$0x3F98]  }
0x2a: {  	p0 =	seq.s32 s5, $0x0;
	s5 =	sld [smem:$0x3F99]  }
0x2b: {  	s6 =	sld [smem:$0x3F9A]  }
0x2c: {  	s7 =	sld [smem:$0x3F9B]  }
0x2d: {  	s3 =	simm.s32 $0x108;
	s8 =	sld [smem:$0x3F9C]  }
0x2e: {  	s3 =	simm.s32 @!p0 $0x1082;
	s9 =	sld [smem:$0x3F9D]  }
0x2f: {  	lr =	sadd.s32 s0, s3;
	s0 =	sld [smem:$0x3F94]  }
0x30: {  	s3 =	sld [smem:$0x3F97]  }
0x31: {  	[smem:$0x3FA0] =	sst s10  }
0x32: {  	s10 =	sld [smem:$0x3F9E];
	_ =	sdelay $0x3  }
0x33: {  	p0 =	seq.s32 s10, $0x1;
	s10 =	sld [smem:$0x3FA0];
	_ =	sdelay $0x3  }
0x34: {  	[smem:$0x3FA0] =	sst s10  }
0x35: {  	s10 =	sld [smem:$0x3F9F];
	_ =	sdelay $0x3  }
0x36: {  	p1 =	seq.s32 s10, $0x1;
	s10 =	sld [smem:$0x3FA0];
	_ =	sdelay $0x3  }
0x37: {  	[smem:$0x3FA0] =	sst s10  }
0x38: {  	s10 =	sld [smem:$0x3FA1]  }
0x39: {  	_ = 	snop;
	(pc) =	sbr.ind lr, $3  }
0x3a: {  	_ = 	snop  }
0x3b: {  	_ = 	snop  }
0x3c: {  	p2 =	seq.s32 s10, $0x1;
	s10 =	sld [smem:$0x3FA0]  }
0x3d: {  	_ =	shalt  }
0x3e: {  	_ =	shalt  }
0x3f: {  	_ =	shalt  }
0x40: {  	_ =	shalt  }
0x41: {  	_ =	shalt  }
0x42: {  	_ =	shalt  }
0x43: {  	_ =	shalt  }
0x44: {  	_ =	shalt  }
0x45: {  	_ =	shalt  }
0x46: {  	_ =	shalt  }
0x47: {  	_ =	shalt  }
0x48: {  	_ =	shalt  }
0x49: {  	_ =	shalt  }
0x4a: {  	_ =	shalt  }
0x4b: {  	_ =	shalt  }
0x4c: {  	_ =	shalt  }
0x4d: {  	_ =	shalt  }
0x4e: {  	_ =	shalt  }
0x4f: {  	_ =	shalt  }
0x50: {  	_ =	shalt  }
0x51: {  	_ =	shalt  }
0x52: {  	_ =	shalt  }
0x53: {  	_ =	shalt  }
0x54: {  	_ =	shalt  }
0x55: {  	_ =	shalt  }
0x56: {  	_ =	shalt  }
0x57: {  	_ =	shalt  }
0x58: {  	_ =	shalt  }
0x59: {  	_ =	shalt  }
0x5a: {  	_ =	shalt  }
0x5b: {  	_ =	shalt  }
0x5c: {  	_ =	shalt  }
0x5d: {  	_ =	shalt  }
0x5e: {  	_ =	shalt  }
0x5f: {  	_ =	shalt  }
0x60: {  	_ =	shalt  }
0x61: {  	_ =	shalt  }
0x62: {  	_ =	shalt  }
0x63: {  	_ =	shalt  }
0x64: {  	_ =	shalt  }
0x65: {  	_ =	shalt  }
0x66: {  	_ =	shalt  }
0x67: {  	_ =	shalt  }
0x68: {  	_ =	shalt  }
0x69: {  	_ =	shalt  }
0x6a: {  	_ =	shalt  }
0x6b: {  	_ =	shalt  }
0x6c: {  	_ =	shalt  }
0x6d: {  	_ =	shalt  }
0x6e: {  	_ =	shalt  }
0x6f: {  	_ =	shalt  }
0x70: {  	_ =	shalt  }
0x71: {  	_ =	shalt  }
0x72: {  	_ =	shalt  }
0x73: {  	_ =	shalt  }
0x74: {  	_ =	shalt  }
0x75: {  	_ =	shalt  }
0x76: {  	_ =	shalt  }
0x77: {  	_ =	shalt  }
0x78: {  	_ =	shalt  }
0x79: {  	_ =	shalt  }
0x7a: {  	_ =	shalt  }
0x7b: {  	_ =	shalt  }
0x7c: {  	_ =	shalt  }
0x7d: {  	_ =	shalt  }
0x7e: {  	_ =	shalt  }
0x7f: {  	_ =	shalt  }
0x80: {  	_ =	shalt  }
0x81: {  	_ =	shalt  }
0x82: {  	_ =	shalt  }
0x83: {  	_ =	shalt  }
0x84: {  	_ =	shalt  }
0x85: {  	_ =	shalt  }
0x86: {  	_ =	shalt  }
0x87: {  	_ =	shalt  }
.Lfunc_end0:
.L_simem_size_0:
called_computation.2_lowered:
.L_overlay_start_0:
0x88: {  	s2 =	sld [smem:$0x3FD9]  }
0x89: {  	s3 =	sld [smem:$0x3FFE];
	_ =	sdelay $0x1  }
0x8a: {  	s1 =	srdreg.scid  }
0x8b: {  	s0 =	sand.u32 $0x1, s1  }
0x8c: {  	s16 =	sshll.u32 s0, $0xA;
	s2 =	sadd.s32 s3, s2  }
0x8d: {  	s2 =	sadd.s32 s2, s16  }
0x8e: {  	[smem:$0x3FAC] =	sst s2  }
0x8f: {  	_ = 	snop  }
0x90: {  	(tm) =	ssettm $0x1  }
0x91: {  	s17 =	sld [smem:$0x3FFB];
	_ =	sdelay $0x3  }
0x92: {  	_ =	strace s17  }
0x93: {  	s2 =	sld [smem:$0x3FFC];
	_ =	sdelay $0x3  }
0x94: {  	_ =	strace s2  }
0x95: {  	s2 =	sld [smem:$0x3FFD];
	_ =	sdelay $0x3  }
0x96: {  	_ =	strace s2  }
0x97: {  	_ =	strace $0x8FFFFFFF  }
0x98: {  	s18 =	sld [smem:$0x3FDB];
	_ =	sdelay $0x1  }
0x99: {  	s19 =	simm.s32 $_scs_section_size  }
0x9a: {  	s4 =	simm.s32 $_size__tile_overlayer_lowered;
	s5 =	simm.s32 $_tile_overlayer_lowered  }
0x9b: {  	s22 =	simm.s32 $0x1BFF;
	s21 =	sshll.u32 s5, $0x1;
	s2 =	sadd.s32 s19, s18  }
0x9c: {  	s6 =	simm.s32 $0x0;
	s20 =	sshll.u32 s4, $0x1;
	s4 =	sadd.s32 s21, s2  }
0x9d: {  	[timem:s6], [sflag:s22] =	dma.local [hbm:s4], s20  }
0x9e: {  	_ =	swait.ge [sflag:s22], s20  }
0x9f: {  	s3 =	ssub.s32 $0x0, s20;
	[sflag:s22] =	ssyncset.done $0x0  }
0xa0: {  	[sflag:s22] =	ssyncadd.s32 s3;
	_ =	sdelay $0x1  }
0xa1: {  	s23 =	simm.s32 $0x1B8B  }
0xa2: {  	_ =	swait.ge [sflag:s23], $0x1  }
0xa3: {  	[sflag:s23] =	ssyncset.done $0x0  }
0xa4: {  	s25 =	simm.s32 $0x1B8E;
	s24 =	sld [smem:$0x3FFE];
	[sflag:s23] =	ssyncadd.s32 $0xFFFFFFFF  }
0xa5: {  	s26 =	simm.s32 $execute0_lowered;
	[smem:$0x3FD2] =	sst s25  }
0xa6: {  	s4 =	sshll.u32 s26, $0x1;
	_ =	strace $0x8000004C;
	[dreg:$0x1] =	wrdreg $0xFFFFFFFF  }
0xa7: {  	s28 =	simm.s32 $_size_execute0_lowered;
	s2 =	sadd.s32 s2, s4;
	[dreg:$0x0] =	wrdreg $0x0  }
0xa8: {  	s4 =	sshll.u32 s28, $0x1;
	[dreg:$0x2] =	wrdreg s2  }
0xa9: {  	[dreg:$0x3] =	wrdreg s4  }
0xaa: {  	[dreg:$0x4] =	wrdreg $0xC0  }
0xab: {  	_ =	task [dreg:s6], $0x5FFFF  }
0xac: {  	[dreg:$0x1] =	wrdreg $0xFFFFFFFF  }
0xad: {  	[dreg:$0x0] =	wrdreg $0x60  }
0xae: {  	[dreg:$0x2] =	wrdreg s24  }
0xaf: {  	[dreg:$0x3] =	wrdreg $0xA8000  }
0xb0: {  	[dreg:$0x4] =	wrdreg $0x9  }
0xb1: {  	_ =	task.clear_ibuf [dreg:s6], $0x5FFFF;
	_ =	strace $0x9000004C  }
0xb2: {  	s29 =	simm.s32 $0x9;
	_ =	strace $0x8000004E  }
0xb3: {  	_ =	swait.ge [sflag:s29], $0x1  }
0xb4: {  	[sflag:s29] =	ssyncadd.s32 $0xFFFFFFFF  }
0xb5: {  	_ =	strace $0x9000004E  }
0xb6: {  	_ =	sfence  }
0xb7: {  	s30 =	sld [smem:$0x0];
	_ =	sdelay $0x2  }
0xb8: {  	s31 =	sshll.u32 s1, $0xD;
	s1 =	sshrl.u32 s1, $0x2  }
0xb9: {  	s3 =	sand.u32 $0x4000, s31;
	s1 =	sadd.s32 s1, s30  }
0xba: {  	s0 =	sor.u32 s3, s0;
	s1 =	sshll.u32 s1, $0x11  }
0xbb: {  	s0 =	sor.u32 s1, s0  }
0xbc: {  	s0 =	sadd.s32 $0x8F2B, s0  }
0xbd: {  	[sflag:s0] =	ssyncadd.remote.s32 $0x1  }
0xbe: {  	_ =	sfence.sel $0xFFFF  }
0xbf: {  	[dreg:$0x0] =	wrdreg $0xFFFFFFFF;
	(pc) =	sbr.abs _section_cstart, $3  }
0xc0: {  	[dreg:$0x1] =	wrdreg $0xFFFFFFFF  }
0xc1: {  	_ =	task.clear_ibuf [dreg:s6], $0x2FFFF;
	_ =	strace $0x9FFFFFFF  }
0xc2: {  	(tm) =	ssettm $0x7FFFFFFF  }
0xc3: {  	_ =	shalt  }
tec
execute0_lowered:
.L_overlay_start_1:
0x0: {  	(tag) =	ssettag $0x1  }
0x1: {  	s5 =	rddreg [dreg:$0x0]  }
0x2: {  	s0 =	srdreg.scid;
	s2 =	rddreg [dreg:$0x1];
	s3 =	simm.s32 $0x0  }
0x3: {  	s15 =	simm.s32 $0x6800;
	s16 =	simm.s32 $0x2;
	s10 =	sand.u32 $0x1, s0  }
0x4: {  	s17 =	simm.s32 $0x80;
	s0 =	stileid.u32;
	s7 =	smul.u32 $0x13C000, s10  }
0x5: {  	s18 =	simm.s32 $0x1;
	[smem:$0x7FF] =	sst s3;
	s8 =	smul.u32 $0x13C00, s0  }
0x6: {  	s1 =	sshll.u32 s10, $0x4;
	s9 =	smul.u32 $0x4F000, s0;
	s30 =	ssub.s32 $0x2, s10  }
0x7: {  	p0 =	seq.s32 s10, $0x0;
	s10 =	simm.s32 $0x68;
	s19 =	sshll.u32 s0, $0x6  }
0x8: {  	s4 =	sor.u32 s0, s1;
	s1 =	rddreg [dreg:$0x2];
	_ =	strace $0x8000004D  }
0x9: {  	s31 =	sshrl.u32 s30, $0x1;
	s10 =	simm.s32 @!p0 $0x36;
	s6 =	smul.u32 $0x680, s4  }
0xa: {  	s19 =	sor.u32 $0x1C02, s19;
	s4 =	sadd.s32 $0x165800, s5;
	s29 =	sadd.s32 s8, s7  }
0xb: {  	s14 =	ssub.s32 s30, s31;
	s12 =	sadd.s32 s6, s5;
	s6 =	sshrl.u32 s29, $0x3  }
0xc: {  	s9 =	sshrl.u32 s9, $0x2;
	s14 =	smax.u32 s14, $0x1;
	s13 =	sadd.s32 s6, s5  }
0xd: {  	s5 =	sadd.s32 s9, s2;
	s11 =	sadd.s32 $0x18D000, s12;
	s12 =	sadd.s32 $0x19A000, s12  }
0xe: {  	s6 =	sadd.s32 $0x4000, s5;
	s7 =	sadd.s32 $0x8000, s5;
	s8 =	sadd.s32 $0xC000, s5  }
0xf: {  	v0 =	vimm.f32 $0.0e+00;
	s9 =	sadd.s32 $0x10000, s5;
	s13 =	sadd.s32 $0x1A7000, s13;
	s20 =	sshrl.u32 s5, $0x3  }
.LBB2_1:
0x10: {  	s21 =	simm.s32 $0x0;
	s22 =	simm.s32 $0x200  }
.LBB2_2:
0x11: {  	p0 =	sne.s32 s22, $0xFE00;
	[tilespmem:s21+$0x6870] =	vst v0  }
0x12: {  	[tilespmem:s21+$0x6800] =	vst v0  }
0x13: {  	[tilespmem:s21+$0x6810] =	vst v0  }
.Ltmp0:
0x14: {  	[tilespmem:s21+$0x6820] =	vst v0;
	(pc) =	sbr.rel @p0 .LBB2_2-.Ltmp0, $4  }
0x15: {  	[tilespmem:s21+$0x6830] =	vst v0  }
0x16: {  	[tilespmem:s21+$0x6840] =	vst v0  }
0x17: {  	[tilespmem:s21+$0x6850] =	vst v0  }
0x18: {  	[tilespmem:s21+$0x6860] =	vst v0;
	s21 =	sshra.s32 s22, $0x2;
	s22 =	sadd.s32 $0x200, s22  }
0x19: {  	[tilespmem:s21+$0x6870] =	vst v0  }
0x1a: {  	[tilespmem:s21+$0x6800] =	vst v0  }
0x1b: {  	[tilespmem:s21+$0x6810] =	vst v0  }
0x1c: {  	[tilespmem:s21+$0x6820] =	vst v0  }
0x1d: {  	[tilespmem:s21+$0x6830] =	vst v0  }
0x1e: {  	[tilespmem:s21+$0x6840] =	vst v0  }
0x1f: {  	[tilespmem:s21+$0x6850] =	vst v0  }
0x20: {  	[tilespmem:s21+$0x6860] =	vst v0  }
0x21: {  	[spmem:s5] =	stream.linear.scatter [tilespmem:s15], [sflag:$0x2], $0x4000, $0x38;
	[tilespmem:$0x1E400] =	vst v63  }
0x22: {  	_ =	swait.ge [sflag:s16], $0x4000  }
0x23: {  	[sflag:s16] =	ssyncset.done $0x0  }
0x24: {  	[sflag:s16] =	ssyncadd.s32 $0xFFFFC000  }
0x25: {  	[spmem:s6] =	stream.linear.scatter [tilespmem:s15], [sflag:$0x2], $0x4000, $0x38;
	[tilespmem:$0x1E400] =	vst v63  }
0x26: {  	_ =	swait.ge [sflag:s16], $0x4000  }
0x27: {  	[sflag:s16] =	ssyncset.done $0x0  }
0x28: {  	[sflag:s16] =	ssyncadd.s32 $0xFFFFC000  }
0x29: {  	[spmem:s7] =	stream.linear.scatter [tilespmem:s15], [sflag:$0x2], $0x4000, $0x38;
	[tilespmem:$0x1E400] =	vst v63  }
0x2a: {  	_ =	swait.ge [sflag:s16], $0x4000  }
0x2b: {  	[sflag:s16] =	ssyncset.done $0x0  }
0x2c: {  	[sflag:s16] =	ssyncadd.s32 $0xFFFFC000  }
0x2d: {  	[spmem:s8] =	stream.linear.scatter [tilespmem:s15], [sflag:$0x2], $0x4000, $0x38;
	[tilespmem:$0x1E400] =	vst v63  }
0x2e: {  	_ =	swait.ge [sflag:s16], $0x4000  }
0x2f: {  	[sflag:s16] =	ssyncset.done $0x0  }
0x30: {  	[sflag:s16] =	ssyncadd.s32 $0xFFFFC000  }
0x31: {  	[spmem:s9] =	stream.linear.scatter [tilespmem:s15], [sflag:$0x2], $0x3C00, $0x38;
	[tilespmem:$0x1E400] =	vst v63  }
0x32: {  	_ =	swait.ge [sflag:s16], $0x3C00  }
0x33: {  	[sflag:s16] =	ssyncset.done $0x0  }
0x34: {  	s21 =	simm.s32 $0x0;
	[sflag:s16] =	ssyncadd.s32 $0xFFFFC400  }
0x35: {  	[tilespmem:s21], [sflag:$0x2] =	stream.linear.gather [hbm4b:s11+s21], $0x3400, $0x38;
	[tilespmem:$0x1E400] =	vst v63  }
0x36: {  	_ =	swait.ge [sflag:s16], $0x3400  }
0x37: {  	[sflag:s16] =	ssyncset.done $0x0  }
0x38: {  	s22 =	simm.s32 $0x3400;
	[sflag:s16] =	ssyncadd.s32 $0xFFFFCC00  }
0x39: {  	[tilespmem:s22], [sflag:$0x2] =	stream.linear.gather [hbm4b:s12+s21], $0x3400, $0x38;
	[tilespmem:$0x1E400] =	vst v63  }
0x3a: {  	_ =	swait.ge [sflag:s16], $0x3400  }
0x3b: {  	[sflag:s16] =	ssyncset.done $0x0  }
0x3c: {  	[sflag:s16] =	ssyncadd.s32 $0xFFFFCC00  }
0x3d: {  	[bflag:$0x0] =	sbarrier.arrive $0xFFFF  }
0x3e: {  	[tilespmem:s15], [sflag:$0x1] =	stream.indirect.gather [hbm4b:s4+s17], $0x80, s21, s17, $0xb8;
	[tilespmem:$0x1E400] =	vst v63  }
0x3f: {  	p0 =	sne.s32 s10, $0x1;
	_ =	swait.ge [sflag:s18], $0x4000  }
.Ltmp1:
0x40: {  	[sflag:s18] =	ssyncset.done $0x0;
	(pc) =	sbr.rel @!p0 .LBB2_5-.Ltmp1, $4  }
0x41: {  	[sflag:s18] =	ssyncadd.s32 $0xFFFFC000  }
0x42: {  	[spmem:s2] =	stream.indirect.scatter.add.f32 [tilespmem:s15], [sflag:$0x2], $0x80, s22, s17, $0xb8;
	[tilespmem:$0x1E400] =	vst v63  }
0x43: {  	_ =	swait.ge [sflag:s16], $0x4000  }
0x44: {  	s23 =	sadd.s32 $0xFFFFFFFF, s10;
	[sflag:s16] =	ssyncset.done $0x0  }
.LBB2_4:
0x45: {  	[sflag:s16] =	ssyncadd.s32 $0xFFFFC000;
	s21 =	sadd.s32 $0x80, s21;
	s22 =	sadd.s32 $0x80, s22  }
0x46: {  	[tilespmem:s15], [sflag:$0x1] =	stream.indirect.gather [hbm4b:s4+s17], $0x80, s21, s17, $0xb8;
	[tilespmem:$0x1E400] =	vst v63  }
0x47: {  	p0 =	sne.s32 s23, $0x1;
	s23 =	sadd.s32 $0xFFFFFFFF, s23;
	_ =	swait.ge [sflag:s18], $0x4000  }
.Ltmp2:
0x48: {  	[sflag:s18] =	ssyncset.done $0x0;
	(pc) =	sbr.rel @p0 .LBB2_4-.Ltmp2, $4  }
0x49: {  	[sflag:s18] =	ssyncadd.s32 $0xFFFFC000  }
0x4a: {  	[spmem:s2] =	stream.indirect.scatter.add.f32 [tilespmem:s15], [sflag:$0x2], $0x80, s22, s17, $0xb8;
	[tilespmem:$0x1E400] =	vst v63  }
0x4b: {  	_ =	swait.ge [sflag:s16], $0x4000  }
0x4c: {  	[sflag:s16] =	ssyncset.done $0x0  }
.LBB2_5:
0x4d: {  	s3 =	sadd.s32 $0x1, s3  }
0x4e: {  	[sflag:s16] =	ssyncadd.s32 $0xFFFFC000;
	p0 =	sne.s32 s3, s14  }
.Ltmp3:
0x4f: {  	[bflag:$0x0] =	sbarrier.arrive $0xFFFF;
	(pc) =	sbr.rel @p0 .LBB2_1-.Ltmp3, $4  }
0x50: {  	[hbm:s13], [sflag:s19] =	dma.local [spmem:s20], $0x2780  }
0x51: {  	_ =	swait.ge [sflag:s16], $0x2780  }
0x52: {  	[sflag:s16] =	ssyncset.done $0x0  }
0x53: {  	[sflag:s16] =	ssyncadd.s32 $0xFFFFD880  }
0x54: {  	_ =	sfence.sel $0x180000  }
0x55: {  	[bflag:$0x0] =	sbarrier.arrive $0xFFFF  }
0x56: {  	p0 =	sne.s32 s0, $0x0;
	_ =	strace $0x9000004D  }
0x57: {  	s0 =	sadd.s32 @!p0 $0x100000, s1;
	[bflag:$0x2] =	sbarrier.arrive $0xFFFF  }
0x58: {  	[sflag:s0] =	ssyncadd.tile.s32 @!p0 $0x1;
	_ =	shalt  }
.Lfunc_end2:
_tile_overlayer_lowered:
.L_overlay_start_2:
0x59: {  	(tag) =	ssettag $0x2  }
0x5a: {  	s0 =	rddreg [dreg:$0x0];
	s2 =	stileid.u32  }
0x5b: {  	s1 =	rddreg [dreg:$0x1];
	p0 =	sne.s32 s2, $0x0  }
0x5c: {  	s3 =	rddreg [dreg:$0x2];
	[bflag:$0x3] =	sbarrier.arrive $0xFFFF;
	s2 =	simm.s32 @!p0 $0x1C02  }
0x5d: {  	[timem:s3], [sflag:s2] =	dma.local @!p0 [hbm:s0], s1  }
0x5e: {  	s0 =	simm.s32 @!p0 $0x2  }
0x5f: {  	_ =	swait.ge @!p0 [sflag:s0], s1  }
0x60: {  	s1 =	ssub.s32 @!p0 $0x0, s1;
	[sflag:s0] =	ssyncset.done @!p0 $0x0  }
0x61: {  	[sflag:s0] =	ssyncadd.s32 @!p0 s1  }
0x62: {  	[bflag:$0x3] =	sbarrier.arrive $0xFFFF  }
0x63: {  	_ =	shalt  }

// kernel: kernel.9.cloned.1.call-start
scs
__scs_entry_jumppad:
0x0: {  	(pc) =	sbr.rel $0x88, $3  }
0x1: {  	(tag) =	ssettag $0x0;
	lr =	simm.s32 $0x1  }
0x2: {  	[smem:$0x3F85] =	sst lr;
	_ =	strace $0xD0000000  }
0x3: {  	_ = 	snop  }
0x4: {  	_ = 	snop  }
0x5: {  	_ = 	snop  }
0x6: {  	_ = 	snop  }
0x7: {  	_ = 	snop  }
__scs_overlays_trampoline_lowered:
0x8: {  	[smem:$0x3F94] =	sst s0  }
0x9: {  	[smem:$0x3F95] =	sst s1  }
0xa: {  	[smem:$0x3F96] =	sst s2  }
0xb: {  	[smem:$0x3F97] =	sst s3  }
0xc: {  	[smem:$0x3F98] =	sst s4  }
0xd: {  	[smem:$0x3F99] =	sst s5  }
0xe: {  	[smem:$0x3F9A] =	sst s6  }
0xf: {  	[smem:$0x3F9B] =	sst s7  }
0x10: {  	[smem:$0x3F9C] =	sst s8  }
0x11: {  	[smem:$0x3F9D] =	sst s9;
	s0 =	simm.s32 @!p0 $0x0  }
0x12: {  	s1 =	sld [smem:$0x3F83];
	s0 =	simm.s32 @p0 $0x1  }
0x13: {  	[smem:$0x3F9E] =	sst s0;
	s0 =	simm.s32 @!p1 $0x0  }
0x14: {  	s2 =	sld [smem:$0x3F82];
	s0 =	simm.s32 @p1 $0x1  }
0x15: {  	[smem:$0x3F9F] =	sst s0;
	s0 =	simm.s32 @!p2 $0x0  }
0x16: {  	s3 =	sld [smem:$0x3FDB];
	s0 =	simm.s32 @p2 $0x1  }
0x17: {  	s4 =	simm.s32 $0x1BF5;
	[smem:$0x3FA1] =	sst s0  }
0x18: {  	s0 =	sld [smem:$0x3F84];
	_ =	swait.ge [sflag:s4], $0x0  }
0x19: {  	s7 =	sld [smem:$0x3F85]  }
0x1a: {  	s8 =	sadd.s32 $0xFFFFE003, lr  }
0x1b: {  	s9 =	sadd.s32 $0xFFFFFEF7, lr;
	s5 =	simm.s32 $0xFFFFFFFF;
	p2 =	slt.u32 s8, $0xFFFFF086  }
0x1c: {  	p1 =	slt.u32 s9, $0xF7A;
	s5 =	simm.s32 @!p2 $0x0  }
0x1d: {  	s5 =	simm.s32 @p1 $0x1;
	p0 =	seq.s32 s7, s2  }
0x1e: {  	s7 =	smul.u32 @!p0 $0xF7A, s2;
	p2 =	seq.s32 @!p0 s5, $0x0  }
0x1f: {  	s9 =	smul.u32 $0xF7A, s1;
	s8 =	simm.s32 @!p0 $0x1BF5;
	p2 =	por !p2, p0  }
0x20: {  	[sflag:s8] =	ssyncset.s32 @!p0 $0xFFFFF086;
	s6 =	sadd.s32 @!p0 s3, s7;
	s7 =	simm.s32 @!p0 $0x108  }
0x21: {  	s3 =	sadd.s32 s3, s9;
	s6 =	sadd.s32 @!p0 $0x88, s6;
	s7 =	simm.s32 @p2 $0x1082  }
0x22: {  	[simem:s7], [sflag:s8] =	dma.local @!p0 [hbm:s6], $0xF7A  }
0x23: {  	s9 =	sor.u32 $0xD0000000, s2;
	s6 =	simm.s32 $0x108;
	_ =	swait.ge @!p0 [sflag:s8], $0x0  }
0x24: {  	s3 =	sadd.s32 $0x88, s3;
	s6 =	simm.s32 @!p1 $0x1082;
	[sflag:s4] =	ssyncset.s32 $0xFFFFF086  }
0x25: {  	[simem:s6], [sflag:s4] =	dma.local [hbm:s3], $0xF7A  }
0x26: {  	[smem:$0x3F85] =	sst s1;
	(tag) =	ssettag s2;
	_ =	strace s9  }
0x27: {  	s1 =	sld [smem:$0x3F95]  }
0x28: {  	s2 =	sld [smem:$0x3F96]  }
0x29: {  	s4 =	sld [smem:$0x3F98]  }
0x2a: {  	p0 =	seq.s32 s5, $0x0;
	s5 =	sld [smem:$0x3F99]  }
0x2b: {  	s6 =	sld [smem:$0x3F9A]  }
0x2c: {  	s7 =	sld [smem:$0x3F9B]  }
0x2d: {  	s3 =	simm.s32 $0x108;
	s8 =	sld [smem:$0x3F9C]  }
0x2e: {  	s3 =	simm.s32 @!p0 $0x1082;
	s9 =	sld [smem:$0x3F9D]  }
0x2f: {  	lr =	sadd.s32 s0, s3;
	s0 =	sld [smem:$0x3F94]  }
0x30: {  	s3 =	sld [smem:$0x3F97]  }
0x31: {  	[smem:$0x3FA0] =	sst s10  }
0x32: {  	s10 =	sld [smem:$0x3F9E];
	_ =	sdelay $0x3  }
0x33: {  	p0 =	seq.s32 s10, $0x1;
	s10 =	sld [smem:$0x3FA0];
	_ =	sdelay $0x3  }
0x34: {  	[smem:$0x3FA0] =	sst s10  }
0x35: {  	s10 =	sld [smem:$0x3F9F];
	_ =	sdelay $0x3  }
0x36: {  	p1 =	seq.s32 s10, $0x1;
	s10 =	sld [smem:$0x3FA0];
	_ =	sdelay $0x3  }
0x37: {  	[smem:$0x3FA0] =	sst s10  }
0x38: {  	s10 =	sld [smem:$0x3FA1]  }
0x39: {  	_ = 	snop;
	(pc) =	sbr.ind lr, $3  }
0x3a: {  	_ = 	snop  }
0x3b: {  	_ = 	snop  }
0x3c: {  	p2 =	seq.s32 s10, $0x1;
	s10 =	sld [smem:$0x3FA0]  }
0x3d: {  	_ =	shalt  }
0x3e: {  	_ =	shalt  }
0x3f: {  	_ =	shalt  }
0x40: {  	_ =	shalt  }
0x41: {  	_ =	shalt  }
0x42: {  	_ =	shalt  }
0x43: {  	_ =	shalt  }
0x44: {  	_ =	shalt  }
0x45: {  	_ =	shalt  }
0x46: {  	_ =	shalt  }
0x47: {  	_ =	shalt  }
0x48: {  	_ =	shalt  }
0x49: {  	_ =	shalt  }
0x4a: {  	_ =	shalt  }
0x4b: {  	_ =	shalt  }
0x4c: {  	_ =	shalt  }
0x4d: {  	_ =	shalt  }
0x4e: {  	_ =	shalt  }
0x4f: {  	_ =	shalt  }
0x50: {  	_ =	shalt  }
0x51: {  	_ =	shalt  }
0x52: {  	_ =	shalt  }
0x53: {  	_ =	shalt  }
0x54: {  	_ =	shalt  }
0x55: {  	_ =	shalt  }
0x56: {  	_ =	shalt  }
0x57: {  	_ =	shalt  }
0x58: {  	_ =	shalt  }
0x59: {  	_ =	shalt  }
0x5a: {  	_ =	shalt  }
0x5b: {  	_ =	shalt  }
0x5c: {  	_ =	shalt  }
0x5d: {  	_ =	shalt  }
0x5e: {  	_ =	shalt  }
0x5f: {  	_ =	shalt  }
0x60: {  	_ =	shalt  }
0x61: {  	_ =	shalt  }
0x62: {  	_ =	shalt  }
0x63: {  	_ =	shalt  }
0x64: {  	_ =	shalt  }
0x65: {  	_ =	shalt  }
0x66: {  	_ =	shalt  }
0x67: {  	_ =	shalt  }
0x68: {  	_ =	shalt  }
0x69: {  	_ =	shalt  }
0x6a: {  	_ =	shalt  }
0x6b: {  	_ =	shalt  }
0x6c: {  	_ =	shalt  }
0x6d: {  	_ =	shalt  }
0x6e: {  	_ =	shalt  }
0x6f: {  	_ =	shalt  }
0x70: {  	_ =	shalt  }
0x71: {  	_ =	shalt  }
0x72: {  	_ =	shalt  }
0x73: {  	_ =	shalt  }
0x74: {  	_ =	shalt  }
0x75: {  	_ =	shalt  }
0x76: {  	_ =	shalt  }
0x77: {  	_ =	shalt  }
0x78: {  	_ =	shalt  }
0x79: {  	_ =	shalt  }
0x7a: {  	_ =	shalt  }
0x7b: {  	_ =	shalt  }
0x7c: {  	_ =	shalt  }
0x7d: {  	_ =	shalt  }
0x7e: {  	_ =	shalt  }
0x7f: {  	_ =	shalt  }
0x80: {  	_ =	shalt  }
0x81: {  	_ =	shalt  }
0x82: {  	_ =	shalt  }
0x83: {  	_ =	shalt  }
0x84: {  	_ =	shalt  }
0x85: {  	_ =	shalt  }
0x86: {  	_ =	shalt  }
0x87: {  	_ =	shalt  }
.Lfunc_end0:
.L_simem_size_0:
called_computation_lowered:
.L_overlay_start_0:
0x88: {  	s2 =	sld [smem:$0x3FD9]  }
0x89: {  	s3 =	sld [smem:$0x3FFE];
	_ =	sdelay $0x1  }
0x8a: {  	s1 =	srdreg.scid  }
0x8b: {  	s0 =	sand.u32 $0x1, s1  }
0x8c: {  	s16 =	sshll.u32 s0, $0xA;
	s2 =	sadd.s32 s3, s2  }
0x8d: {  	s2 =	sadd.s32 s2, s16  }
0x8e: {  	[smem:$0x3FAC] =	sst s2  }
0x8f: {  	_ = 	snop  }
0x90: {  	(tm) =	ssettm $0x1  }
0x91: {  	s17 =	sld [smem:$0x3FFB];
	_ =	sdelay $0x3  }
0x92: {  	_ =	strace s17  }
0x93: {  	s2 =	sld [smem:$0x3FFC];
	_ =	sdelay $0x3  }
0x94: {  	_ =	strace s2  }
0x95: {  	s2 =	sld [smem:$0x3FFD];
	_ =	sdelay $0x3  }
0x96: {  	_ =	strace s2  }
0x97: {  	_ =	strace $0x8FFFFFFF  }
0x98: {  	s18 =	sld [smem:$0x3FDB];
	_ =	sdelay $0x1  }
0x99: {  	s19 =	simm.s32 $_scs_section_size  }
0x9a: {  	s4 =	simm.s32 $_size__tile_overlayer_lowered;
	s5 =	simm.s32 $_tile_overlayer_lowered  }
0x9b: {  	s22 =	simm.s32 $0x1BFF;
	s21 =	sshll.u32 s5, $0x1;
	s2 =	sadd.s32 s19, s18  }
0x9c: {  	s6 =	simm.s32 $0x0;
	s20 =	sshll.u32 s4, $0x1;
	s4 =	sadd.s32 s21, s2  }
0x9d: {  	[timem:s6], [sflag:s22] =	dma.local [hbm:s4], s20  }
0x9e: {  	_ =	swait.ge [sflag:s22], s20  }
0x9f: {  	s3 =	ssub.s32 $0x0, s20;
	[sflag:s22] =	ssyncset.done $0x0  }
0xa0: {  	[sflag:s22] =	ssyncadd.s32 s3;
	_ =	sdelay $0x1  }
0xa1: {  	s23 =	simm.s32 $0x1B8B  }
0xa2: {  	_ =	swait.ge [sflag:s23], $0x1  }
0xa3: {  	[sflag:s23] =	ssyncset.done $0x0  }
0xa4: {  	s25 =	simm.s32 $0x1B8E;
	s24 =	sld [smem:$0x3FFE];
	[sflag:s23] =	ssyncadd.s32 $0xFFFFFFFF  }
0xa5: {  	s26 =	simm.s32 $execute0_lowered;
	[smem:$0x3FD2] =	sst s25  }
0xa6: {  	s4 =	sshll.u32 s26, $0x1;
	_ =	strace $0x80000046;
	[dreg:$0x1] =	wrdreg $0xFFFFFFFF  }
0xa7: {  	s28 =	simm.s32 $_size_execute0_lowered;
	s2 =	sadd.s32 s2, s4;
	[dreg:$0x0] =	wrdreg $0x0  }
0xa8: {  	s4 =	sshll.u32 s28, $0x1;
	[dreg:$0x2] =	wrdreg s2  }
0xa9: {  	[dreg:$0x3] =	wrdreg s4  }
0xaa: {  	[dreg:$0x4] =	wrdreg $0xC0  }
0xab: {  	_ =	task [dreg:s6], $0x5FFFF  }
0xac: {  	[dreg:$0x1] =	wrdreg $0xFFFFFFFF  }
0xad: {  	[dreg:$0x0] =	wrdreg $0x60  }
0xae: {  	[dreg:$0x2] =	wrdreg s24  }
0xaf: {  	[dreg:$0x3] =	wrdreg $0xA8000  }
0xb0: {  	[dreg:$0x4] =	wrdreg $0x9  }
0xb1: {  	_ =	task.clear_ibuf [dreg:s6], $0x5FFFF;
	_ =	strace $0x90000046  }
0xb2: {  	s29 =	simm.s32 $0x9;
	_ =	strace $0x80000048  }
0xb3: {  	_ =	swait.ge [sflag:s29], $0x1  }
0xb4: {  	[sflag:s29] =	ssyncadd.s32 $0xFFFFFFFF  }
0xb5: {  	_ =	strace $0x90000048  }
0xb6: {  	_ =	sfence  }
0xb7: {  	s30 =	sld [smem:$0x0];
	_ =	sdelay $0x2  }
0xb8: {  	s31 =	sshll.u32 s1, $0xD;
	s1 =	sshrl.u32 s1, $0x2  }
0xb9: {  	s3 =	sand.u32 $0x4000, s31;
	s1 =	sadd.s32 s1, s30  }
0xba: {  	s0 =	sor.u32 s3, s0;
	s1 =	sshll.u32 s1, $0x11  }
0xbb: {  	s0 =	sor.u32 s1, s0  }
0xbc: {  	s0 =	sadd.s32 $0x8F2B, s0  }
0xbd: {  	[sflag:s0] =	ssyncadd.remote.s32 $0x1  }
0xbe: {  	_ =	sfence.sel $0xFFFF  }
0xbf: {  	[dreg:$0x0] =	wrdreg $0xFFFFFFFF;
	(pc) =	sbr.abs _section_cstart, $3  }
0xc0: {  	[dreg:$0x1] =	wrdreg $0xFFFFFFFF  }
0xc1: {  	_ =	task.clear_ibuf [dreg:s6], $0x2FFFF;
	_ =	strace $0x9FFFFFFF  }
0xc2: {  	(tm) =	ssettm $0x7FFFFFFF  }
0xc3: {  	_ =	shalt  }
tec
execute0_lowered:
.L_overlay_start_1:
0x0: {  	(tag) =	ssettag $0x1  }
0x1: {  	s5 =	rddreg [dreg:$0x0]  }
0x2: {  	s0 =	srdreg.scid;
	s2 =	rddreg [dreg:$0x1];
	s3 =	simm.s32 $0x0  }
0x3: {  	s15 =	simm.s32 $0x6800;
	s16 =	simm.s32 $0x2;
	s10 =	sand.u32 $0x1, s0  }
0x4: {  	s17 =	simm.s32 $0x80;
	s0 =	stileid.u32;
	s7 =	smul.u32 $0x13C000, s10  }
0x5: {  	s18 =	simm.s32 $0x1;
	[smem:$0x7FF] =	sst s3;
	s8 =	smul.u32 $0x13C00, s0  }
0x6: {  	s1 =	sshll.u32 s10, $0x4;
	s9 =	smul.u32 $0x4F000, s0;
	s30 =	ssub.s32 $0x2, s10  }
0x7: {  	p0 =	seq.s32 s10, $0x0;
	s10 =	simm.s32 $0x68;
	s19 =	sshll.u32 s0, $0x6  }
0x8: {  	s4 =	sor.u32 s0, s1;
	s1 =	rddreg [dreg:$0x2];
	_ =	strace $0x80000047  }
0x9: {  	s31 =	sshrl.u32 s30, $0x1;
	s10 =	simm.s32 @!p0 $0x36;
	s6 =	smul.u32 $0x680, s4  }
0xa: {  	s19 =	sor.u32 $0x1C02, s19;
	s4 =	sadd.s32 $0x165800, s5;
	s29 =	sadd.s32 s8, s7  }
0xb: {  	s14 =	ssub.s32 s30, s31;
	s12 =	sadd.s32 s6, s5;
	s6 =	sshrl.u32 s29, $0x3  }
0xc: {  	s9 =	sshrl.u32 s9, $0x2;
	s14 =	smax.u32 s14, $0x1;
	s13 =	sadd.s32 s6, s5  }
0xd: {  	s5 =	sadd.s32 s9, s2;
	s11 =	sadd.s32 $0x18D000, s12;
	s12 =	sadd.s32 $0x19A000, s12  }
0xe: {  	s6 =	sadd.s32 $0x4000, s5;
	s7 =	sadd.s32 $0x8000, s5;
	s8 =	sadd.s32 $0xC000, s5  }
0xf: {  	v0 =	vimm.f32 $0.0e+00;
	s9 =	sadd.s32 $0x10000, s5;
	s13 =	sadd.s32 $0x1A7000, s13;
	s20 =	sshrl.u32 s5, $0x3  }
.LBB2_1:
0x10: {  	s21 =	simm.s32 $0x0;
	s22 =	simm.s32 $0x200  }
.LBB2_2:
0x11: {  	p0 =	sne.s32 s22, $0xFE00;
	[tilespmem:s21+$0x6870] =	vst v0  }
0x12: {  	[tilespmem:s21+$0x6800] =	vst v0  }
0x13: {  	[tilespmem:s21+$0x6810] =	vst v0  }
.Ltmp0:
0x14: {  	[tilespmem:s21+$0x6820] =	vst v0;
	(pc) =	sbr.rel @p0 .LBB2_2-.Ltmp0, $4  }
0x15: {  	[tilespmem:s21+$0x6830] =	vst v0  }
0x16: {  	[tilespmem:s21+$0x6840] =	vst v0  }
0x17: {  	[tilespmem:s21+$0x6850] =	vst v0  }
0x18: {  	[tilespmem:s21+$0x6860] =	vst v0;
	s21 =	sshra.s32 s22, $0x2;
	s22 =	sadd.s32 $0x200, s22  }
0x19: {  	[tilespmem:s21+$0x6870] =	vst v0  }
0x1a: {  	[tilespmem:s21+$0x6800] =	vst v0  }
0x1b: {  	[tilespmem:s21+$0x6810] =	vst v0  }
0x1c: {  	[tilespmem:s21+$0x6820] =	vst v0  }
0x1d: {  	[tilespmem:s21+$0x6830] =	vst v0  }
0x1e: {  	[tilespmem:s21+$0x6840] =	vst v0  }
0x1f: {  	[tilespmem:s21+$0x6850] =	vst v0  }
0x20: {  	[tilespmem:s21+$0x6860] =	vst v0  }
0x21: {  	[spmem:s5] =	stream.linear.scatter [tilespmem:s15], [sflag:$0x2], $0x4000, $0x38;
	[tilespmem:$0x1E400] =	vst v63  }
0x22: {  	_ =	swait.ge [sflag:s16], $0x4000  }
0x23: {  	[sflag:s16] =	ssyncset.done $0x0  }
0x24: {  	[sflag:s16] =	ssyncadd.s32 $0xFFFFC000  }
0x25: {  	[spmem:s6] =	stream.linear.scatter [tilespmem:s15], [sflag:$0x2], $0x4000, $0x38;
	[tilespmem:$0x1E400] =	vst v63  }
0x26: {  	_ =	swait.ge [sflag:s16], $0x4000  }
0x27: {  	[sflag:s16] =	ssyncset.done $0x0  }
0x28: {  	[sflag:s16] =	ssyncadd.s32 $0xFFFFC000  }
0x29: {  	[spmem:s7] =	stream.linear.scatter [tilespmem:s15], [sflag:$0x2], $0x4000, $0x38;
	[tilespmem:$0x1E400] =	vst v63  }
0x2a: {  	_ =	swait.ge [sflag:s16], $0x4000  }
0x2b: {  	[sflag:s16] =	ssyncset.done $0x0  }
0x2c: {  	[sflag:s16] =	ssyncadd.s32 $0xFFFFC000  }
0x2d: {  	[spmem:s8] =	stream.linear.scatter [tilespmem:s15], [sflag:$0x2], $0x4000, $0x38;
	[tilespmem:$0x1E400] =	vst v63  }
0x2e: {  	_ =	swait.ge [sflag:s16], $0x4000  }
0x2f: {  	[sflag:s16] =	ssyncset.done $0x0  }
0x30: {  	[sflag:s16] =	ssyncadd.s32 $0xFFFFC000  }
0x31: {  	[spmem:s9] =	stream.linear.scatter [tilespmem:s15], [sflag:$0x2], $0x3C00, $0x38;
	[tilespmem:$0x1E400] =	vst v63  }
0x32: {  	_ =	swait.ge [sflag:s16], $0x3C00  }
0x33: {  	[sflag:s16] =	ssyncset.done $0x0  }
0x34: {  	s21 =	simm.s32 $0x0;
	[sflag:s16] =	ssyncadd.s32 $0xFFFFC400  }
0x35: {  	[tilespmem:s21], [sflag:$0x2] =	stream.linear.gather [hbm4b:s11+s21], $0x3400, $0x38;
	[tilespmem:$0x1E400] =	vst v63  }
0x36: {  	_ =	swait.ge [sflag:s16], $0x3400  }
0x37: {  	[sflag:s16] =	ssyncset.done $0x0  }
0x38: {  	s22 =	simm.s32 $0x3400;
	[sflag:s16] =	ssyncadd.s32 $0xFFFFCC00  }
0x39: {  	[tilespmem:s22], [sflag:$0x2] =	stream.linear.gather [hbm4b:s12+s21], $0x3400, $0x38;
	[tilespmem:$0x1E400] =	vst v63  }
0x3a: {  	_ =	swait.ge [sflag:s16], $0x3400  }
0x3b: {  	[sflag:s16] =	ssyncset.done $0x0  }
0x3c: {  	[sflag:s16] =	ssyncadd.s32 $0xFFFFCC00  }
0x3d: {  	[bflag:$0x0] =	sbarrier.arrive $0xFFFF  }
0x3e: {  	[tilespmem:s15], [sflag:$0x1] =	stream.indirect.gather [hbm4b:s4+s17], $0x80, s21, s17, $0xb8;
	[tilespmem:$0x1E400] =	vst v63  }
0x3f: {  	p0 =	sne.s32 s10, $0x1;
	_ =	swait.ge [sflag:s18], $0x4000  }
.Ltmp1:
0x40: {  	[sflag:s18] =	ssyncset.done $0x0;
	(pc) =	sbr.rel @!p0 .LBB2_5-.Ltmp1, $4  }
0x41: {  	[sflag:s18] =	ssyncadd.s32 $0xFFFFC000  }
0x42: {  	[spmem:s2] =	stream.indirect.scatter.add.f32 [tilespmem:s15], [sflag:$0x2], $0x80, s22, s17, $0xb8;
	[tilespmem:$0x1E400] =	vst v63  }
0x43: {  	_ =	swait.ge [sflag:s16], $0x4000  }
0x44: {  	s23 =	sadd.s32 $0xFFFFFFFF, s10;
	[sflag:s16] =	ssyncset.done $0x0  }
.LBB2_4:
0x45: {  	[sflag:s16] =	ssyncadd.s32 $0xFFFFC000;
	s21 =	sadd.s32 $0x80, s21;
	s22 =	sadd.s32 $0x80, s22  }
0x46: {  	[tilespmem:s15], [sflag:$0x1] =	stream.indirect.gather [hbm4b:s4+s17], $0x80, s21, s17, $0xb8;
	[tilespmem:$0x1E400] =	vst v63  }
0x47: {  	p0 =	sne.s32 s23, $0x1;
	s23 =	sadd.s32 $0xFFFFFFFF, s23;
	_ =	swait.ge [sflag:s18], $0x4000  }
.Ltmp2:
0x48: {  	[sflag:s18] =	ssyncset.done $0x0;
	(pc) =	sbr.rel @p0 .LBB2_4-.Ltmp2, $4  }
0x49: {  	[sflag:s18] =	ssyncadd.s32 $0xFFFFC000  }
0x4a: {  	[spmem:s2] =	stream.indirect.scatter.add.f32 [tilespmem:s15], [sflag:$0x2], $0x80, s22, s17, $0xb8;
	[tilespmem:$0x1E400] =	vst v63  }
0x4b: {  	_ =	swait.ge [sflag:s16], $0x4000  }
0x4c: {  	[sflag:s16] =	ssyncset.done $0x0  }
.LBB2_5:
0x4d: {  	s3 =	sadd.s32 $0x1, s3  }
0x4e: {  	[sflag:s16] =	ssyncadd.s32 $0xFFFFC000;
	p0 =	sne.s32 s3, s14  }
.Ltmp3:
0x4f: {  	[bflag:$0x0] =	sbarrier.arrive $0xFFFF;
	(pc) =	sbr.rel @p0 .LBB2_1-.Ltmp3, $4  }
0x50: {  	[hbm:s13], [sflag:s19] =	dma.local [spmem:s20], $0x2780  }
0x51: {  	_ =	swait.ge [sflag:s16], $0x2780  }
0x52: {  	[sflag:s16] =	ssyncset.done $0x0  }
0x53: {  	[sflag:s16] =	ssyncadd.s32 $0xFFFFD880  }
0x54: {  	_ =	sfence.sel $0x180000  }
0x55: {  	[bflag:$0x0] =	sbarrier.arrive $0xFFFF  }
0x56: {  	p0 =	sne.s32 s0, $0x0;
	_ =	strace $0x90000047  }
0x57: {  	s0 =	sadd.s32 @!p0 $0x100000, s1;
	[bflag:$0x2] =	sbarrier.arrive $0xFFFF  }
0x58: {  	[sflag:s0] =	ssyncadd.tile.s32 @!p0 $0x1;
	_ =	shalt  }
.Lfunc_end2:
_tile_overlayer_lowered:
.L_overlay_start_2:
0x59: {  	(tag) =	ssettag $0x2  }
0x5a: {  	s0 =	rddreg [dreg:$0x0];
	s2 =	stileid.u32  }
0x5b: {  	s1 =	rddreg [dreg:$0x1];
	p0 =	sne.s32 s2, $0x0  }
0x5c: {  	s3 =	rddreg [dreg:$0x2];
	[bflag:$0x3] =	sbarrier.arrive $0xFFFF;
	s2 =	simm.s32 @!p0 $0x1C02  }
0x5d: {  	[timem:s3], [sflag:s2] =	dma.local @!p0 [hbm:s0], s1  }
0x5e: {  	s0 =	simm.s32 @!p0 $0x2  }
0x5f: {  	_ =	swait.ge @!p0 [sflag:s0], s1  }
0x60: {  	s1 =	ssub.s32 @!p0 $0x0, s1;
	[sflag:s0] =	ssyncset.done @!p0 $0x0  }
0x61: {  	[sflag:s0] =	ssyncadd.s32 @!p0 s1  }
0x62: {  	[bflag:$0x3] =	sbarrier.arrive $0xFFFF  }
0x63: {  	_ =	shalt  }

</sc_bundles>
